<compile_context>
chip_gen: v7x
topology: tpu7x:2x2x1
jax: 0.10.2.dev20260603
libtpu: 0.0.44.dev20260713+nightly
codegen_flags: <defaults>
</compile_context>

<pallas_src>
import functools

import jax
import jax.numpy as jnp
from jax import lax
from jax.experimental import pallas as pl
from jax.experimental.pallas import tpu as pltpu
from jax.experimental.pallas import tpu_sc as plsc

A = 8
E = 128
S = 2048
NZ = 256
NX = 128
P = NZ * NX
C0 = 1540.0
FS = 2.0e7
K_SCALE = FS / C0
L = 16
EB = 4
NEB = E // EB
AL = 4


def _das(dtx, drx, apod, rf, t0b):
    info = plsc.get_sparse_core_info()
    nc, ns = info.num_cores, info.num_subcores
    al = A // nc
    pt = P // ns
    nchunk = pt // L

    mesh = plsc.VectorSubcoreMesh(core_axis_name="c", subcore_axis_name="s")

    @functools.partial(
        pl.kernel,
        mesh=mesh,
        compiler_params=pltpu.CompilerParams(
            needs_layout_passes=False, use_tc_tiling_on_sc=False),
        out_type=jax.ShapeDtypeStruct((A, P), jnp.float32),
        scratch_types=[
            pltpu.VMEM((AL, pt), jnp.float32),
            pltpu.VMEM((AL, pt), jnp.float32),
            pltpu.VMEM((EB, pt), jnp.float32),
            pltpu.VMEM((EB, pt), jnp.float32),
            pltpu.VMEM((EB, pt), jnp.float32),
            pltpu.VMEM((EB, pt), jnp.float32),
            pltpu.VMEM((AL * EB * S,), jnp.float32),
            pltpu.VMEM((AL * EB * S,), jnp.float32),
            pltpu.VMEM((A, L), jnp.float32),
            pltpu.SemaphoreType.DMA,
            pltpu.SemaphoreType.DMA,
            pltpu.SemaphoreType.DMA,
            pltpu.SemaphoreType.DMA,
            pltpu.SemaphoreType.DMA,
            pltpu.SemaphoreType.DMA,
        ],
    )
    def k(dtx_hbm, drx_hbm, apod_hbm, rf_hbm, t0_hbm, out_hbm,
          dtx_v, acc_v, drx0, drx1, ap0, ap1, rf0, rf1, t0_v,
          sd0, sd1, sa0, sa1, sr0, sr1):
        cid = lax.axis_index("c")
        sid = lax.axis_index("s")
        a0 = cid * al
        base = sid * pt
        pxsl = pl.ds(base, pt)
        drx_b = (drx0, drx1)
        ap_b = (ap0, ap1)
        rf_b = (rf0, rf1)
        sems_d = (sd0, sd1)
        sems_a = (sa0, sa1)
        sems_r = (sr0, sr1)

        def copies(k_dyn, b):
            e0 = k_dyn * EB
            return (
                pltpu.make_async_copy(
                    drx_hbm.at[pl.ds(e0, EB), pxsl], drx_b[b], sems_d[b]),
                pltpu.make_async_copy(
                    apod_hbm.at[pl.ds(e0, EB), pxsl], ap_b[b], sems_a[b]),
                pltpu.make_async_copy(
                    rf_hbm.at[a0, pl.ds(e0 * S, EB * S)], rf_b[b].at[:EB * S],
                    sems_r[b]),
                pltpu.make_async_copy(
                    rf_hbm.at[a0 + 1, pl.ds(e0 * S, EB * S)],
                    rf_b[b].at[EB * S:2 * EB * S], sems_r[b]),
                pltpu.make_async_copy(
                    rf_hbm.at[a0 + 2, pl.ds(e0 * S, EB * S)],
                    rf_b[b].at[2 * EB * S:3 * EB * S], sems_r[b]),
                pltpu.make_async_copy(
                    rf_hbm.at[a0 + 3, pl.ds(e0 * S, EB * S)],
                    rf_b[b].at[3 * EB * S:4 * EB * S], sems_r[b]),
            )

        def start_block(k_dyn, b):
            for c in copies(k_dyn, b):
                c.start()

        def wait_block(b):
            for c in copies(0, b):
                c.wait()

        pltpu.sync_copy(t0_hbm, t0_v)
        pltpu.sync_copy(dtx_hbm.at[pl.ds(a0, AL), pxsl], dtx_v)
        start_block(0, 0)

        for a in range(AL):
            t0a = t0_v[a0 + a]

            def prep_c(c, c1_, a=a, t0a=t0a):
                sl = pl.ds(c * L, L)
                dtx_v[a, sl] = dtx_v[a, sl] * K_SCALE + t0a
                acc_v[a, sl] = jnp.zeros((L,), jnp.float32)
                return c1_

            lax.fori_loop(0, nchunk, prep_c, 0)

        def compute_block(b):
            rfb = rf_b[b]
            rows = [rfb.at[pl.ds((a * EB + e) * S, S)]
                    for a in range(AL) for e in range(EB)]

            def c_loop(c, c2_):
                sl = pl.ds(c * L, L)
                accs = [acc_v[a, sl] for a in range(AL)]
                dtxs = [dtx_v[a, sl] for a in range(AL)]
                for e in range(EB):
                    r = drx_b[b][e, sl] * K_SCALE
                    ap = ap_b[b][e, sl]
                    for a in range(AL):
                        s = dtxs[a] + r
                        lo = s.astype(jnp.int32)
                        fr = s - lo.astype(jnp.float32)
                        row = rows[a * EB + e]
                        vlo = plsc.load_gather(row, [lo])
                        vhi = plsc.load_gather(row, [lo + 1])
                        accs[a] = accs[a] + ap * (vlo + fr * (vhi - vlo))
                for a in range(AL):
                    acc_v[a, sl] = accs[a]
                return c2_

            lax.fori_loop(0, nchunk, c_loop, 0)

        def kk_loop(kk, c0_):
            wait_block(0)
            start_block(kk + 1, 1)
            compute_block(0)
            wait_block(1)
            start_block(kk + 2, 0)
            compute_block(1)
            return c0_

        lax.fori_loop(0, NEB // 2 - 1, lambda i, c: kk_loop(2 * i, c), 0)
        wait_block(0)
        start_block(NEB - 1, 1)
        compute_block(0)
        wait_block(1)
        compute_block(1)

        for a in range(AL):
            pltpu.sync_copy(acc_v.at[a], out_hbm.at[a0 + a, pxsl])

    return k(dtx, drx, apod, rf, t0b)


@jax.jit
def kernel(d_tx, d_rx, apod, rf, t0):
    dtx = d_tx.reshape(A, P)
    drx = d_rx.reshape(E, P)
    ap = apod.reshape(E, P)
    t0b = jnp.broadcast_to((t0 * FS)[:, None], (A, L))
    out = _das(dtx, drx, ap, rf.reshape(A, E * S), t0b)
    return out.reshape(A, NZ, NX)

# --- scband reference (transcript-rebuilt; emitter-appended) ---
"""Pipeline reference for scband-rfinter-das-53223234732544 (READ-ONLY COPY).

The authoritative reference and input builder live on the scoring server;
editing this copy changes nothing except your own understanding.
"""

import jax, jax.numpy as jnp
import numpy as np

N_ANGLES = 8
N_ELEMENTS = 128
N_SAMPLES = 2048
NZ = 256
NX = 128
C0 = 1540.0
FS = 2.0e7


def setup_inputs(seed: int = 0) -> dict:
    key = jax.random.key(seed)
    k1, k2, k3, k4, k5 = jax.random.split(key, 5)
    # geometric one-way path lengths in meters (~0-5cm) so delays land in-range
    d_tx = jax.random.uniform(k1, (N_ANGLES, NZ, NX), dtype=jnp.float32) * 0.05
    d_rx = jax.random.uniform(k2, (N_ELEMENTS, NZ, NX), dtype=jnp.float32) * 0.05
    apod = jax.random.uniform(k3, (N_ELEMENTS, NZ, NX), dtype=jnp.float32)
    # learned/buffer state from pw object: RF channel data and per-angle start times
    rf = jax.random.normal(k4, (N_ANGLES, N_ELEMENTS, N_SAMPLES), dtype=jnp.float32)
    t0 = jax.random.uniform(k5, (N_ANGLES,), dtype=jnp.float32) * 1e-6
    return {"d_tx": d_tx, "d_rx": d_rx, "apod": apod, "rf": rf, "t0": t0}


def reference(d_tx, d_rx, apod, rf, t0):
    # tau: [A, E, NZ, NX]
    tau = t0[:, None, None, None] + (d_tx[:, None, :, :] + d_rx[None, :, :, :]) / C0
    s_idx = tau * FS
    s_idx = jnp.clip(s_idx, 0.0, float(N_SAMPLES - 1.001))
    idx_low = s_idx.astype(jnp.int32)
    idx_high = idx_low + 1
    idx_frac = s_idx - idx_low.astype(jnp.float32)
    flat_low = idx_low.reshape(N_ANGLES, N_ELEMENTS, -1)
    flat_high = idx_high.reshape(N_ANGLES, N_ELEMENTS, -1)
    s_low = jnp.take_along_axis(rf, flat_low, axis=2).reshape(N_ANGLES, N_ELEMENTS, NZ, NX)
    s_high = jnp.take_along_axis(rf, flat_high, axis=2).reshape(N_ANGLES, N_ELEMENTS, NZ, NX)
    sampled = s_low + idx_frac * (s_high - s_low)
    weighted = sampled * apod[None, :, :, :]
    das_all = jnp.sum(weighted, axis=1)
    return das_all

if __name__ == "__main__":
    import jax
    _d = setup_inputs()
    print(jax.jit(kernel)(*tuple(_d.values())))

</pallas_src>

<mosaic_0001>
#map = affine_map<(d0, d1) -> (0, 0)>
module attributes {stable_mosaic.version = 14 : i64} {
  func.func @k(%arg0: i32, %arg1: i32, %arg2: memref<8x32768xf32, #tpu.memory_space<hbm>>, %arg3: memref<128x32768xf32, #tpu.memory_space<hbm>>, %arg4: memref<128x32768xf32, #tpu.memory_space<hbm>>, %arg5: memref<8x262144xf32, #tpu.memory_space<hbm>>, %arg6: memref<8x16xf32, #tpu.memory_space<hbm>>, %arg7: memref<8x32768xf32, #tpu.memory_space<hbm>>, %arg8: memref<4x2048xf32, #tpu.memory_space<vmem>>, %arg9: memref<4x2048xf32, #tpu.memory_space<vmem>>, %arg10: memref<4x2048xf32, #tpu.memory_space<vmem>>, %arg11: memref<4x2048xf32, #tpu.memory_space<vmem>>, %arg12: memref<4x2048xf32, #tpu.memory_space<vmem>>, %arg13: memref<4x2048xf32, #tpu.memory_space<vmem>>, %arg14: memref<32768xf32, #tpu.memory_space<vmem>>, %arg15: memref<32768xf32, #tpu.memory_space<vmem>>, %arg16: memref<8x16xf32, #tpu.memory_space<vmem>>, %arg17: memref<!tpu.dma_semaphore, #tpu.memory_space<semaphore_mem>>, %arg18: memref<!tpu.dma_semaphore, #tpu.memory_space<semaphore_mem>>, %arg19: memref<!tpu.dma_semaphore, #tpu.memory_space<semaphore_mem>>, %arg20: memref<!tpu.dma_semaphore, #tpu.memory_space<semaphore_mem>>, %arg21: memref<!tpu.dma_semaphore, #tpu.memory_space<semaphore_mem>>, %arg22: memref<!tpu.dma_semaphore, #tpu.memory_space<semaphore_mem>>) attributes {dimension_semantics = [#tpu.dimension_semantics<core_parallel>, #tpu.dimension_semantics<subcore_parallel>], iteration_bounds = array<i64: 2, 16>, scalar_prefetch = 0 : i64, scratch_operands = 15 : i64, tpu.core_type = #tpu.core_type<sc_vector_subcore>, window_params = [{transform_indices = #map}, {transform_indices = #map}, {transform_indices = #map}, {transform_indices = #map}, {transform_indices = #map}, {transform_indices = #map}]} {
    %mul3A = arith.constant 4 : i32
    %mul3A_0 = arith.muli %arg0, %mul3A : i32
    %mul3A_1 = arith.constant 2048 : i32
    %mul3A_2 = arith.muli %arg1, %mul3A_1 : i32
    "tpu.region"() ({
      %run_scoped3A_287 = tpu.sem_alloc : memref<!tpu.dma_semaphore, #tpu.memory_space<semaphore_mem>>
      tpu.enqueue_dma source(%arg6 : memref<8x16xf32, #tpu.memory_space<hbm>>) target(%arg16 : memref<8x16xf32, #tpu.memory_space<vmem>>) target_semaphore(%run_scoped3A_287 : memref<!tpu.dma_semaphore, #tpu.memory_space<semaphore_mem>>)
      tpu.wait_dma2 semaphore(%run_scoped3A_287 : memref<!tpu.dma_semaphore, #tpu.memory_space<semaphore_mem>>) src(%arg6 : memref<8x16xf32, #tpu.memory_space<hbm>>) dst(%arg16 : memref<8x16xf32, #tpu.memory_space<vmem>>)
      tpu.yield
    }) : () -> ()
    "tpu.region"() ({
      %run_scoped3A_287 = tpu.sem_alloc : memref<!tpu.dma_semaphore, #tpu.memory_space<semaphore_mem>>
      %dma_start3A_288 = tpu.memref_slice %arg2[%mul3A_0, %mul3A_2] : memref<8x32768xf32, #tpu.memory_space<hbm>> -> memref<4x2048xf32, #tpu.memory_space<hbm>>
      %dma_start3A_289 = tpu.memref_slice %arg2[%mul3A_0, %mul3A_2] : memref<8x32768xf32, #tpu.memory_space<hbm>> -> memref<4x2048xf32, #tpu.memory_space<hbm>>
      tpu.enqueue_dma source(%dma_start3A_289 : memref<4x2048xf32, #tpu.memory_space<hbm>>) target(%arg8 : memref<4x2048xf32, #tpu.memory_space<vmem>>) target_semaphore(%run_scoped3A_287 : memref<!tpu.dma_semaphore, #tpu.memory_space<semaphore_mem>>)
      %dma_wait3A_290 = tpu.memref_slice %arg2[%mul3A_0, %mul3A_2] : memref<8x32768xf32, #tpu.memory_space<hbm>> -> memref<4x2048xf32, #tpu.memory_space<hbm>>
      %dma_wait3A_291 = tpu.memref_slice %arg2[%mul3A_0, %mul3A_2] : memref<8x32768xf32, #tpu.memory_space<hbm>> -> memref<4x2048xf32, #tpu.memory_space<hbm>>
      tpu.wait_dma2 semaphore(%run_scoped3A_287 : memref<!tpu.dma_semaphore, #tpu.memory_space<semaphore_mem>>) src(%dma_wait3A_291 : memref<4x2048xf32, #tpu.memory_space<hbm>>) dst(%arg8 : memref<4x2048xf32, #tpu.memory_space<vmem>>)
      tpu.yield
    }) : () -> ()
    %add3A = arith.constant 1 : i32
    %add3A_3 = arith.addi %mul3A_0, %add3A : i32
    %add3A_4 = arith.constant 2 : i32
    %add3A_5 = arith.addi %mul3A_0, %add3A_4 : i32
    %add3A_6 = arith.constant 3 : i32
    %add3A_7 = arith.addi %mul3A_0, %add3A_6 : i32
    %dma_start3A = arith.constant 0 : i32
    %dma_start3A_8 = tpu.memref_slice %arg3[%dma_start3A, %mul3A_2] : memref<128x32768xf32, #tpu.memory_space<hbm>> -> memref<4x2048xf32, #tpu.memory_space<hbm>>
    %dma_start3A_9 = arith.constant 0 : i32
    %dma_start3A_10 = tpu.memref_slice %arg3[%dma_start3A_9, %mul3A_2] : memref<128x32768xf32, #tpu.memory_space<hbm>> -> memref<4x2048xf32, #tpu.memory_space<hbm>>
    tpu.enqueue_dma source(%dma_start3A_10 : memref<4x2048xf32, #tpu.memory_space<hbm>>) target(%arg10 : memref<4x2048xf32, #tpu.memory_space<vmem>>) target_semaphore(%arg17 : memref<!tpu.dma_semaphore, #tpu.memory_space<semaphore_mem>>)
    %dma_start3A_11 = arith.constant 0 : i32
    %dma_start3A_12 = tpu.memref_slice %arg4[%dma_start3A_11, %mul3A_2] : memref<128x32768xf32, #tpu.memory_space<hbm>> -> memref<4x2048xf32, #tpu.memory_space<hbm>>
    %dma_start3A_13 = arith.constant 0 : i32
    %dma_start3A_14 = tpu.memref_slice %arg4[%dma_start3A_13, %mul3A_2] : memref<128x32768xf32, #tpu.memory_space<hbm>> -> memref<4x2048xf32, #tpu.memory_space<hbm>>
    tpu.enqueue_dma source(%dma_start3A_14 : memref<4x2048xf32, #tpu.memory_space<hbm>>) target(%arg12 : memref<4x2048xf32, #tpu.memory_space<vmem>>) target_semaphore(%arg19 : memref<!tpu.dma_semaphore, #tpu.memory_space<semaphore_mem>>)
    %dma_start3A_15 = arith.constant 0 : i32
    %dma_start3A_16 = tpu.memref_slice %arg14[%dma_start3A_15] : memref<32768xf32, #tpu.memory_space<vmem>> -> memref<8192xf32, #tpu.memory_space<vmem>>
    %dma_start3A_17 = arith.constant 0 : i32
    %dma_start3A_18 = tpu.memref_slice %arg5[%mul3A_0, %dma_start3A_17] : memref<8x262144xf32, #tpu.memory_space<hbm>> -> memref<1x8192xf32, #tpu.memory_space<hbm>>
    %dma_start3A_19 = tpu.memref_squeeze %dma_start3A_18 : memref<1x8192xf32, #tpu.memory_space<hbm>> -> memref<8192xf32, #tpu.memory_space<hbm>>
    %dma_start3A_20 = arith.constant 0 : i32
    %dma_start3A_21 = tpu.memref_slice %arg14[%dma_start3A_20] : memref<32768xf32, #tpu.memory_space<vmem>> -> memref<8192xf32, #tpu.memory_space<vmem>>
    %dma_start3A_22 = arith.constant 0 : i32
    %dma_start3A_23 = tpu.memref_slice %arg5[%mul3A_0, %dma_start3A_22] : memref<8x262144xf32, #tpu.memory_space<hbm>> -> memref<1x8192xf32, #tpu.memory_space<hbm>>
    %dma_start3A_24 = tpu.memref_squeeze %dma_start3A_23 : memref<1x8192xf32, #tpu.memory_space<hbm>> -> memref<8192xf32, #tpu.memory_space<hbm>>
    tpu.enqueue_dma source(%dma_start3A_24 : memref<8192xf32, #tpu.memory_space<hbm>>) target(%dma_start3A_21 : memref<8192xf32, #tpu.memory_space<vmem>>) target_semaphore(%arg21 : memref<!tpu.dma_semaphore, #tpu.memory_space<semaphore_mem>>)
    %dma_start3A_25 = arith.constant 8192 : i32
    %dma_start3A_26 = tpu.memref_slice %arg14[%dma_start3A_25] : memref<32768xf32, #tpu.memory_space<vmem>> -> memref<8192xf32, #tpu.memory_space<vmem>>
    %dma_start3A_27 = arith.constant 0 : i32
    %dma_start3A_28 = tpu.memref_slice %arg5[%add3A_3, %dma_start3A_27] : memref<8x262144xf32, #tpu.memory_space<hbm>> -> memref<1x8192xf32, #tpu.memory_space<hbm>>
    %dma_start3A_29 = tpu.memref_squeeze %dma_start3A_28 : memref<1x8192xf32, #tpu.memory_space<hbm>> -> memref<8192xf32, #tpu.memory_space<hbm>>
    %dma_start3A_30 = arith.constant 8192 : i32
    %dma_start3A_31 = tpu.memref_slice %arg14[%dma_start3A_30] : memref<32768xf32, #tpu.memory_space<vmem>> -> memref<8192xf32, #tpu.memory_space<vmem>>
    %dma_start3A_32 = arith.constant 0 : i32
    %dma_start3A_33 = tpu.memref_slice %arg5[%add3A_3, %dma_start3A_32] : memref<8x262144xf32, #tpu.memory_space<hbm>> -> memref<1x8192xf32, #tpu.memory_space<hbm>>
    %dma_start3A_34 = tpu.memref_squeeze %dma_start3A_33 : memref<1x8192xf32, #tpu.memory_space<hbm>> -> memref<8192xf32, #tpu.memory_space<hbm>>
    tpu.enqueue_dma source(%dma_start3A_34 : memref<8192xf32, #tpu.memory_space<hbm>>) target(%dma_start3A_31 : memref<8192xf32, #tpu.memory_space<vmem>>) target_semaphore(%arg21 : memref<!tpu.dma_semaphore, #tpu.memory_space<semaphore_mem>>)
    %dma_start3A_35 = arith.constant 16384 : i32
    %dma_start3A_36 = tpu.memref_slice %arg14[%dma_start3A_35] : memref<32768xf32, #tpu.memory_space<vmem>> -> memref<8192xf32, #tpu.memory_space<vmem>>
    %dma_start3A_37 = arith.constant 0 : i32
    %dma_start3A_38 = tpu.memref_slice %arg5[%add3A_5, %dma_start3A_37] : memref<8x262144xf32, #tpu.memory_space<hbm>> -> memref<1x8192xf32, #tpu.memory_space<hbm>>
    %dma_start3A_39 = tpu.memref_squeeze %dma_start3A_38 : memref<1x8192xf32, #tpu.memory_space<hbm>> -> memref<8192xf32, #tpu.memory_space<hbm>>
    %dma_start3A_40 = arith.constant 16384 : i32
    %dma_start3A_41 = tpu.memref_slice %arg14[%dma_start3A_40] : memref<32768xf32, #tpu.memory_space<vmem>> -> memref<8192xf32, #tpu.memory_space<vmem>>
    %dma_start3A_42 = arith.constant 0 : i32
    %dma_start3A_43 = tpu.memref_slice %arg5[%add3A_5, %dma_start3A_42] : memref<8x262144xf32, #tpu.memory_space<hbm>> -> memref<1x8192xf32, #tpu.memory_space<hbm>>
    %dma_start3A_44 = tpu.memref_squeeze %dma_start3A_43 : memref<1x8192xf32, #tpu.memory_space<hbm>> -> memref<8192xf32, #tpu.memory_space<hbm>>
    tpu.enqueue_dma source(%dma_start3A_44 : memref<8192xf32, #tpu.memory_space<hbm>>) target(%dma_start3A_41 : memref<8192xf32, #tpu.memory_space<vmem>>) target_semaphore(%arg21 : memref<!tpu.dma_semaphore, #tpu.memory_space<semaphore_mem>>)
    %dma_start3A_45 = arith.constant 24576 : i32
    %dma_start3A_46 = tpu.memref_slice %arg14[%dma_start3A_45] : memref<32768xf32, #tpu.memory_space<vmem>> -> memref<8192xf32, #tpu.memory_space<vmem>>
    %dma_start3A_47 = arith.constant 0 : i32
    %dma_start3A_48 = tpu.memref_slice %arg5[%add3A_7, %dma_start3A_47] : memref<8x262144xf32, #tpu.memory_space<hbm>> -> memref<1x8192xf32, #tpu.memory_space<hbm>>
    %dma_start3A_49 = tpu.memref_squeeze %dma_start3A_48 : memref<1x8192xf32, #tpu.memory_space<hbm>> -> memref<8192xf32, #tpu.memory_space<hbm>>
    %dma_start3A_50 = arith.constant 24576 : i32
    %dma_start3A_51 = tpu.memref_slice %arg14[%dma_start3A_50] : memref<32768xf32, #tpu.memory_space<vmem>> -> memref<8192xf32, #tpu.memory_space<vmem>>
    %dma_start3A_52 = arith.constant 0 : i32
    %dma_start3A_53 = tpu.memref_slice %arg5[%add3A_7, %dma_start3A_52] : memref<8x262144xf32, #tpu.memory_space<hbm>> -> memref<1x8192xf32, #tpu.memory_space<hbm>>
    %dma_start3A_54 = tpu.memref_squeeze %dma_start3A_53 : memref<1x8192xf32, #tpu.memory_space<hbm>> -> memref<8192xf32, #tpu.memory_space<hbm>>
    tpu.enqueue_dma source(%dma_start3A_54 : memref<8192xf32, #tpu.memory_space<hbm>>) target(%dma_start3A_51 : memref<8192xf32, #tpu.memory_space<vmem>>) target_semaphore(%arg21 : memref<!tpu.dma_semaphore, #tpu.memory_space<semaphore_mem>>)
    %add3A_55 = arith.constant 0 : i32
    %add3A_56 = arith.addi %mul3A_0, %add3A_55 : i32
    %get3A = arith.index_cast %add3A_56 : i32 to index
    %get3A_57 = arith.constant 0 : index
    %get3A_58 = tpu.vector_load %arg16[%get3A, %get3A_57] {strides = array<i32>} : memref<8x16xf32, #tpu.memory_space<vmem>>, vector<16xf32>,
    %scan3A = arith.constant 0 : i32
    %scan3A_59 = arith.constant 0 : i32
    %scan3A_60 = arith.constant 128 : i32
    %scan3A_61 = arith.addi %scan3A_59, %scan3A_60 : i32
    %scan3A_62 = arith.constant 1 : i32
    scf.for %scan3A_287 = %scan3A_59 to %scan3A_61 step %scan3A_62  : i32 {
      %mul3A_288 = arith.constant 16 : i32
      %mul3A_289 = arith.muli %scan3A_287, %mul3A_288 : i32
      %get3A_290 = arith.constant 0 : i32
      %get3A_291 = arith.index_cast %get3A_290 : i32 to index
      %get3A_292 = arith.index_cast %mul3A_289 : i32 to index
      %get3A_293 = tpu.vector_load %arg8[%get3A_291, %get3A_292] {strides = array<i32>} : memref<4x2048xf32, #tpu.memory_space<vmem>>, vector<16xf32>,
      %mul3A_294 = arith.constant 12987.0127 : f32
      %mul3A_295 = vector.broadcast %mul3A_294 : f32 to vector<16xf32>
      %mul3A_296 = arith.mulf %get3A_293, %mul3A_295 : vector<16xf32>
      %add3A_297 = arith.addf %mul3A_296, %get3A_58 : vector<16xf32>
      %swap3A = arith.constant 0 : i32
      %swap3A_298 = arith.index_cast %swap3A : i32 to index
      %swap3A_299 = arith.index_cast %mul3A_289 : i32 to index
      %swap3A_300 = tpu.vector_load %arg8[%swap3A_298, %swap3A_299] {strides = array<i32>} : memref<4x2048xf32, #tpu.memory_space<vmem>>, vector<16xf32>,
      tpu.vector_store %arg8[%swap3A_298, %swap3A_299], %add3A_297 {strides = array<i32>} : memref<4x2048xf32, #tpu.memory_space<vmem>>, vector<16xf32>,
      %broadcast_in_dim3A = arith.constant 0.000000e+00 : f32
      %broadcast_in_dim3A_301 = vector.broadcast %broadcast_in_dim3A : f32 to vector<16xf32>
      %swap3A_302 = arith.constant 0 : i32
      %swap3A_303 = arith.index_cast %swap3A_302 : i32 to index
      %swap3A_304 = arith.index_cast %mul3A_289 : i32 to index
      %swap3A_305 = tpu.vector_load %arg9[%swap3A_303, %swap3A_304] {strides = array<i32>} : memref<4x2048xf32, #tpu.memory_space<vmem>>, vector<16xf32>,
      tpu.vector_store %arg9[%swap3A_303, %swap3A_304], %broadcast_in_dim3A_301 {strides = array<i32>} : memref<4x2048xf32, #tpu.memory_space<vmem>>, vector<16xf32>,
    }
    %scan3A_63 = arith.constant 128 : i32
    %add3A_64 = arith.constant 1 : i32
    %add3A_65 = arith.addi %mul3A_0, %add3A_64 : i32
    %get3A_66 = arith.index_cast %add3A_65 : i32 to index
    %get3A_67 = arith.constant 0 : index
    %get3A_68 = tpu.vector_load %arg16[%get3A_66, %get3A_67] {strides = array<i32>} : memref<8x16xf32, #tpu.memory_space<vmem>>, vector<16xf32>,
    %scan3A_69 = arith.constant 0 : i32
    %scan3A_70 = arith.constant 0 : i32
    %scan3A_71 = arith.constant 128 : i32
    %scan3A_72 = arith.addi %scan3A_70, %scan3A_71 : i32
    %scan3A_73 = arith.constant 1 : i32
    scf.for %scan3A_287 = %scan3A_70 to %scan3A_72 step %scan3A_73  : i32 {
      %mul3A_288 = arith.constant 16 : i32
      %mul3A_289 = arith.muli %scan3A_287, %mul3A_288 : i32
      %get3A_290 = arith.constant 1 : i32
      %get3A_291 = arith.index_cast %get3A_290 : i32 to index
      %get3A_292 = arith.index_cast %mul3A_289 : i32 to index
      %get3A_293 = tpu.vector_load %arg8[%get3A_291, %get3A_292] {strides = array<i32>} : memref<4x2048xf32, #tpu.memory_space<vmem>>, vector<16xf32>,
      %mul3A_294 = arith.constant 12987.0127 : f32
      %mul3A_295 = vector.broadcast %mul3A_294 : f32 to vector<16xf32>
      %mul3A_296 = arith.mulf %get3A_293, %mul3A_295 : vector<16xf32>
      %add3A_297 = arith.addf %mul3A_296, %get3A_68 : vector<16xf32>
      %swap3A = arith.constant 1 : i32
      %swap3A_298 = arith.index_cast %swap3A : i32 to index
      %swap3A_299 = arith.index_cast %mul3A_289 : i32 to index
      %swap3A_300 = tpu.vector_load %arg8[%swap3A_298, %swap3A_299] {strides = array<i32>} : memref<4x2048xf32, #tpu.memory_space<vmem>>, vector<16xf32>,
      tpu.vector_store %arg8[%swap3A_298, %swap3A_299], %add3A_297 {strides = array<i32>} : memref<4x2048xf32, #tpu.memory_space<vmem>>, vector<16xf32>,
      %broadcast_in_dim3A = arith.constant 0.000000e+00 : f32
      %broadcast_in_dim3A_301 = vector.broadcast %broadcast_in_dim3A : f32 to vector<16xf32>
      %swap3A_302 = arith.constant 1 : i32
      %swap3A_303 = arith.index_cast %swap3A_302 : i32 to index
      %swap3A_304 = arith.index_cast %mul3A_289 : i32 to index
      %swap3A_305 = tpu.vector_load %arg9[%swap3A_303, %swap3A_304] {strides = array<i32>} : memref<4x2048xf32, #tpu.memory_space<vmem>>, vector<16xf32>,
      tpu.vector_store %arg9[%swap3A_303, %swap3A_304], %broadcast_in_dim3A_301 {strides = array<i32>} : memref<4x2048xf32, #tpu.memory_space<vmem>>, vector<16xf32>,
    }
    %scan3A_74 = arith.constant 128 : i32
    %add3A_75 = arith.constant 2 : i32
    %add3A_76 = arith.addi %mul3A_0, %add3A_75 : i32
    %get3A_77 = arith.index_cast %add3A_76 : i32 to index
    %get3A_78 = arith.constant 0 : index
    %get3A_79 = tpu.vector_load %arg16[%get3A_77, %get3A_78] {strides = array<i32>} : memref<8x16xf32, #tpu.memory_space<vmem>>, vector<16xf32>,
    %scan3A_80 = arith.constant 0 : i32
    %scan3A_81 = arith.constant 0 : i32
    %scan3A_82 = arith.constant 128 : i32
    %scan3A_83 = arith.addi %scan3A_81, %scan3A_82 : i32
    %scan3A_84 = arith.constant 1 : i32
    scf.for %scan3A_287 = %scan3A_81 to %scan3A_83 step %scan3A_84  : i32 {
      %mul3A_288 = arith.constant 16 : i32
      %mul3A_289 = arith.muli %scan3A_287, %mul3A_288 : i32
      %get3A_290 = arith.constant 2 : i32
      %get3A_291 = arith.index_cast %get3A_290 : i32 to index
      %get3A_292 = arith.index_cast %mul3A_289 : i32 to index
      %get3A_293 = tpu.vector_load %arg8[%get3A_291, %get3A_292] {strides = array<i32>} : memref<4x2048xf32, #tpu.memory_space<vmem>>, vector<16xf32>,
      %mul3A_294 = arith.constant 12987.0127 : f32
      %mul3A_295 = vector.broadcast %mul3A_294 : f32 to vector<16xf32>
      %mul3A_296 = arith.mulf %get3A_293, %mul3A_295 : vector<16xf32>
      %add3A_297 = arith.addf %mul3A_296, %get3A_79 : vector<16xf32>
      %swap3A = arith.constant 2 : i32
      %swap3A_298 = arith.index_cast %swap3A : i32 to index
      %swap3A_299 = arith.index_cast %mul3A_289 : i32 to index
      %swap3A_300 = tpu.vector_load %arg8[%swap3A_298, %swap3A_299] {strides = array<i32>} : memref<4x2048xf32, #tpu.memory_space<vmem>>, vector<16xf32>,
      tpu.vector_store %arg8[%swap3A_298, %swap3A_299], %add3A_297 {strides = array<i32>} : memref<4x2048xf32, #tpu.memory_space<vmem>>, vector<16xf32>,
      %broadcast_in_dim3A = arith.constant 0.000000e+00 : f32
      %broadcast_in_dim3A_301 = vector.broadcast %broadcast_in_dim3A : f32 to vector<16xf32>
      %swap3A_302 = arith.constant 2 : i32
      %swap3A_303 = arith.index_cast %swap3A_302 : i32 to index
      %swap3A_304 = arith.index_cast %mul3A_289 : i32 to index
      %swap3A_305 = tpu.vector_load %arg9[%swap3A_303, %swap3A_304] {strides = array<i32>} : memref<4x2048xf32, #tpu.memory_space<vmem>>, vector<16xf32>,
      tpu.vector_store %arg9[%swap3A_303, %swap3A_304], %broadcast_in_dim3A_301 {strides = array<i32>} : memref<4x2048xf32, #tpu.memory_space<vmem>>, vector<16xf32>,
    }
    %scan3A_85 = arith.constant 128 : i32
    %add3A_86 = arith.constant 3 : i32
    %add3A_87 = arith.addi %mul3A_0, %add3A_86 : i32
    %get3A_88 = arith.index_cast %add3A_87 : i32 to index
    %get3A_89 = arith.constant 0 : index
    %get3A_90 = tpu.vector_load %arg16[%get3A_88, %get3A_89] {strides = array<i32>} : memref<8x16xf32, #tpu.memory_space<vmem>>, vector<16xf32>,
    %scan3A_91 = arith.constant 0 : i32
    %scan3A_92 = arith.constant 0 : i32
    %scan3A_93 = arith.constant 128 : i32
    %scan3A_94 = arith.addi %scan3A_92, %scan3A_93 : i32
    %scan3A_95 = arith.constant 1 : i32
    scf.for %scan3A_287 = %scan3A_92 to %scan3A_94 step %scan3A_95  : i32 {
      %mul3A_288 = arith.constant 16 : i32
      %mul3A_289 = arith.muli %scan3A_287, %mul3A_288 : i32
      %get3A_290 = arith.constant 3 : i32
      %get3A_291 = arith.index_cast %get3A_290 : i32 to index
      %get3A_292 = arith.index_cast %mul3A_289 : i32 to index
      %get3A_293 = tpu.vector_load %arg8[%get3A_291, %get3A_292] {strides = array<i32>} : memref<4x2048xf32, #tpu.memory_space<vmem>>, vector<16xf32>,
      %mul3A_294 = arith.constant 12987.0127 : f32
      %mul3A_295 = vector.broadcast %mul3A_294 : f32 to vector<16xf32>
      %mul3A_296 = arith.mulf %get3A_293, %mul3A_295 : vector<16xf32>
      %add3A_297 = arith.addf %mul3A_296, %get3A_90 : vector<16xf32>
      %swap3A = arith.constant 3 : i32
      %swap3A_298 = arith.index_cast %swap3A : i32 to index
      %swap3A_299 = arith.index_cast %mul3A_289 : i32 to index
      %swap3A_300 = tpu.vector_load %arg8[%swap3A_298, %swap3A_299] {strides = array<i32>} : memref<4x2048xf32, #tpu.memory_space<vmem>>, vector<16xf32>,
      tpu.vector_store %arg8[%swap3A_298, %swap3A_299], %add3A_297 {strides = array<i32>} : memref<4x2048xf32, #tpu.memory_space<vmem>>, vector<16xf32>,
      %broadcast_in_dim3A = arith.constant 0.000000e+00 : f32
      %broadcast_in_dim3A_301 = vector.broadcast %broadcast_in_dim3A : f32 to vector<16xf32>
      %swap3A_302 = arith.constant 3 : i32
      %swap3A_303 = arith.index_cast %swap3A_302 : i32 to index
      %swap3A_304 = arith.index_cast %mul3A_289 : i32 to index
      %swap3A_305 = tpu.vector_load %arg9[%swap3A_303, %swap3A_304] {strides = array<i32>} : memref<4x2048xf32, #tpu.memory_space<vmem>>, vector<16xf32>,
      tpu.vector_store %arg9[%swap3A_303, %swap3A_304], %broadcast_in_dim3A_301 {strides = array<i32>} : memref<4x2048xf32, #tpu.memory_space<vmem>>, vector<16xf32>,
    }
    %scan3A_96 = arith.constant 128 : i32
    %scan3A_97 = arith.constant 0 : i32
    %scan3A_98 = arith.constant 0 : i32
    %scan3A_99 = arith.constant 15 : i32
    %scan3A_100 = arith.addi %scan3A_98, %scan3A_99 : i32
    %scan3A_101 = arith.constant 1 : i32
    scf.for %scan3A_287 = %scan3A_98 to %scan3A_100 step %scan3A_101  : i32 {
      %mul3A_288 = arith.constant 2 : i32
      %mul3A_289 = arith.muli %mul3A_288, %scan3A_287 : i32
      %add3A_290 = arith.constant 1 : i32
      %add3A_291 = arith.addi %mul3A_0, %add3A_290 : i32
      %add3A_292 = arith.constant 2 : i32
      %add3A_293 = arith.addi %mul3A_0, %add3A_292 : i32
      %add3A_294 = arith.constant 3 : i32
      %add3A_295 = arith.addi %mul3A_0, %add3A_294 : i32
      %dma_wait3A_296 = arith.constant 0 : i32
      %dma_wait3A_297 = tpu.memref_slice %arg3[%dma_wait3A_296, %mul3A_2] : memref<128x32768xf32, #tpu.memory_space<hbm>> -> memref<4x2048xf32, #tpu.memory_space<hbm>>
      %dma_wait3A_298 = arith.constant 0 : i32
      %dma_wait3A_299 = tpu.memref_slice %arg3[%dma_wait3A_298, %mul3A_2] : memref<128x32768xf32, #tpu.memory_space<hbm>> -> memref<4x2048xf32, #tpu.memory_space<hbm>>
      tpu.wait_dma2 semaphore(%arg17 : memref<!tpu.dma_semaphore, #tpu.memory_space<semaphore_mem>>) src(%dma_wait3A_299 : memref<4x2048xf32, #tpu.memory_space<hbm>>) dst(%arg10 : memref<4x2048xf32, #tpu.memory_space<vmem>>)
      %dma_wait3A_300 = arith.constant 0 : i32
      %dma_wait3A_301 = tpu.memref_slice %arg4[%dma_wait3A_300, %mul3A_2] : memref<128x32768xf32, #tpu.memory_space<hbm>> -> memref<4x2048xf32, #tpu.memory_space<hbm>>
      %dma_wait3A_302 = arith.constant 0 : i32
      %dma_wait3A_303 = tpu.memref_slice %arg4[%dma_wait3A_302, %mul3A_2] : memref<128x32768xf32, #tpu.memory_space<hbm>> -> memref<4x2048xf32, #tpu.memory_space<hbm>>
      tpu.wait_dma2 semaphore(%arg19 : memref<!tpu.dma_semaphore, #tpu.memory_space<semaphore_mem>>) src(%dma_wait3A_303 : memref<4x2048xf32, #tpu.memory_space<hbm>>) dst(%arg12 : memref<4x2048xf32, #tpu.memory_space<vmem>>)
      %dma_wait3A_304 = arith.constant 0 : i32
      %dma_wait3A_305 = tpu.memref_slice %arg14[%dma_wait3A_304] : memref<32768xf32, #tpu.memory_space<vmem>> -> memref<8192xf32, #tpu.memory_space<vmem>>
      %dma_wait3A_306 = arith.constant 0 : i32
      %dma_wait3A_307 = tpu.memref_slice %arg5[%mul3A_0, %dma_wait3A_306] : memref<8x262144xf32, #tpu.memory_space<hbm>> -> memref<1x8192xf32, #tpu.memory_space<hbm>>
      %dma_wait3A_308 = tpu.memref_squeeze %dma_wait3A_307 : memref<1x8192xf32, #tpu.memory_space<hbm>> -> memref<8192xf32, #tpu.memory_space<hbm>>
      %dma_wait3A_309 = arith.constant 0 : i32
      %dma_wait3A_310 = tpu.memref_slice %arg14[%dma_wait3A_309] : memref<32768xf32, #tpu.memory_space<vmem>> -> memref<8192xf32, #tpu.memory_space<vmem>>
      %dma_wait3A_311 = arith.constant 0 : i32
      %dma_wait3A_312 = tpu.memref_slice %arg5[%mul3A_0, %dma_wait3A_311] : memref<8x262144xf32, #tpu.memory_space<hbm>> -> memref<1x8192xf32, #tpu.memory_space<hbm>>
      %dma_wait3A_313 = tpu.memref_squeeze %dma_wait3A_312 : memref<1x8192xf32, #tpu.memory_space<hbm>> -> memref<8192xf32, #tpu.memory_space<hbm>>
      tpu.wait_dma2 semaphore(%arg21 : memref<!tpu.dma_semaphore, #tpu.memory_space<semaphore_mem>>) src(%dma_wait3A_313 : memref<8192xf32, #tpu.memory_space<hbm>>) dst(%dma_wait3A_310 : memref<8192xf32, #tpu.memory_space<vmem>>)
      %dma_wait3A_314 = arith.constant 8192 : i32
      %dma_wait3A_315 = tpu.memref_slice %arg14[%dma_wait3A_314] : memref<32768xf32, #tpu.memory_space<vmem>> -> memref<8192xf32, #tpu.memory_space<vmem>>
      %dma_wait3A_316 = arith.constant 0 : i32
      %dma_wait3A_317 = tpu.memref_slice %arg5[%add3A_291, %dma_wait3A_316] : memref<8x262144xf32, #tpu.memory_space<hbm>> -> memref<1x8192xf32, #tpu.memory_space<hbm>>
      %dma_wait3A_318 = tpu.memref_squeeze %dma_wait3A_317 : memref<1x8192xf32, #tpu.memory_space<hbm>> -> memref<8192xf32, #tpu.memory_space<hbm>>
      %dma_wait3A_319 = arith.constant 8192 : i32
      %dma_wait3A_320 = tpu.memref_slice %arg14[%dma_wait3A_319] : memref<32768xf32, #tpu.memory_space<vmem>> -> memref<8192xf32, #tpu.memory_space<vmem>>
      %dma_wait3A_321 = arith.constant 0 : i32
      %dma_wait3A_322 = tpu.memref_slice %arg5[%add3A_291, %dma_wait3A_321] : memref<8x262144xf32, #tpu.memory_space<hbm>> -> memref<1x8192xf32, #tpu.memory_space<hbm>>
      %dma_wait3A_323 = tpu.memref_squeeze %dma_wait3A_322 : memref<1x8192xf32, #tpu.memory_space<hbm>> -> memref<8192xf32, #tpu.memory_space<hbm>>
      tpu.wait_dma2 semaphore(%arg21 : memref<!tpu.dma_semaphore, #tpu.memory_space<semaphore_mem>>) src(%dma_wait3A_323 : memref<8192xf32, #tpu.memory_space<hbm>>) dst(%dma_wait3A_320 : memref<8192xf32, #tpu.memory_space<vmem>>)
      %dma_wait3A_324 = arith.constant 16384 : i32
      %dma_wait3A_325 = tpu.memref_slice %arg14[%dma_wait3A_324] : memref<32768xf32, #tpu.memory_space<vmem>> -> memref<8192xf32, #tpu.memory_space<vmem>>
      %dma_wait3A_326 = arith.constant 0 : i32
      %dma_wait3A_327 = tpu.memref_slice %arg5[%add3A_293, %dma_wait3A_326] : memref<8x262144xf32, #tpu.memory_space<hbm>> -> memref<1x8192xf32, #tpu.memory_space<hbm>>
      %dma_wait3A_328 = tpu.memref_squeeze %dma_wait3A_327 : memref<1x8192xf32, #tpu.memory_space<hbm>> -> memref<8192xf32, #tpu.memory_space<hbm>>
      %dma_wait3A_329 = arith.constant 16384 : i32
      %dma_wait3A_330 = tpu.memref_slice %arg14[%dma_wait3A_329] : memref<32768xf32, #tpu.memory_space<vmem>> -> memref<8192xf32, #tpu.memory_space<vmem>>
      %dma_wait3A_331 = arith.constant 0 : i32
      %dma_wait3A_332 = tpu.memref_slice %arg5[%add3A_293, %dma_wait3A_331] : memref<8x262144xf32, #tpu.memory_space<hbm>> -> memref<1x8192xf32, #tpu.memory_space<hbm>>
      %dma_wait3A_333 = tpu.memref_squeeze %dma_wait3A_332 : memref<1x8192xf32, #tpu.memory_space<hbm>> -> memref<8192xf32, #tpu.memory_space<hbm>>
      tpu.wait_dma2 semaphore(%arg21 : memref<!tpu.dma_semaphore, #tpu.memory_space<semaphore_mem>>) src(%dma_wait3A_333 : memref<8192xf32, #tpu.memory_space<hbm>>) dst(%dma_wait3A_330 : memref<8192xf32, #tpu.memory_space<vmem>>)
      %dma_wait3A_334 = arith.constant 24576 : i32
      %dma_wait3A_335 = tpu.memref_slice %arg14[%dma_wait3A_334] : memref<32768xf32, #tpu.memory_space<vmem>> -> memref<8192xf32, #tpu.memory_space<vmem>>
      %dma_wait3A_336 = arith.constant 0 : i32
      %dma_wait3A_337 = tpu.memref_slice %arg5[%add3A_295, %dma_wait3A_336] : memref<8x262144xf32, #tpu.memory_space<hbm>> -> memref<1x8192xf32, #tpu.memory_space<hbm>>
      %dma_wait3A_338 = tpu.memref_squeeze %dma_wait3A_337 : memref<1x8192xf32, #tpu.memory_space<hbm>> -> memref<8192xf32, #tpu.memory_space<hbm>>
      %dma_wait3A_339 = arith.constant 24576 : i32
      %dma_wait3A_340 = tpu.memref_slice %arg14[%dma_wait3A_339] : memref<32768xf32, #tpu.memory_space<vmem>> -> memref<8192xf32, #tpu.memory_space<vmem>>
      %dma_wait3A_341 = arith.constant 0 : i32
      %dma_wait3A_342 = tpu.memref_slice %arg5[%add3A_295, %dma_wait3A_341] : memref<8x262144xf32, #tpu.memory_space<hbm>> -> memref<1x8192xf32, #tpu.memory_space<hbm>>
      %dma_wait3A_343 = tpu.memref_squeeze %dma_wait3A_342 : memref<1x8192xf32, #tpu.memory_space<hbm>> -> memref<8192xf32, #tpu.memory_space<hbm>>
      tpu.wait_dma2 semaphore(%arg21 : memref<!tpu.dma_semaphore, #tpu.memory_space<semaphore_mem>>) src(%dma_wait3A_343 : memref<8192xf32, #tpu.memory_space<hbm>>) dst(%dma_wait3A_340 : memref<8192xf32, #tpu.memory_space<vmem>>)
      %add3A_344 = arith.constant 1 : i32
      %add3A_345 = arith.addi %mul3A_289, %add3A_344 : i32
      %mul3A_346 = arith.constant 4 : i32
      %mul3A_347 = arith.muli %add3A_345, %mul3A_346 : i32
      %mul3A_348 = arith.constant 2048 : i32
      %mul3A_349 = arith.muli %mul3A_347, %mul3A_348 : i32
      %add3A_350 = arith.constant 1 : i32
      %add3A_351 = arith.addi %mul3A_0, %add3A_350 : i32
      %mul3A_352 = arith.constant 2048 : i32
      %mul3A_353 = arith.muli %mul3A_347, %mul3A_352 : i32
      %add3A_354 = arith.constant 2 : i32
      %add3A_355 = arith.addi %mul3A_0, %add3A_354 : i32
      %mul3A_356 = arith.constant 2048 : i32
      %mul3A_357 = arith.muli %mul3A_347, %mul3A_356 : i32
      %add3A_358 = arith.constant 3 : i32
      %add3A_359 = arith.addi %mul3A_0, %add3A_358 : i32
      %mul3A_360 = arith.constant 2048 : i32
      %mul3A_361 = arith.muli %mul3A_347, %mul3A_360 : i32
      %dma_start3A_362 = tpu.memref_slice %arg3[%mul3A_347, %mul3A_2] : memref<128x32768xf32, #tpu.memory_space<hbm>> -> memref<4x2048xf32, #tpu.memory_space<hbm>>
      %dma_start3A_363 = tpu.memref_slice %arg3[%mul3A_347, %mul3A_2] : memref<128x32768xf32, #tpu.memory_space<hbm>> -> memref<4x2048xf32, #tpu.memory_space<hbm>>
      tpu.enqueue_dma source(%dma_start3A_363 : memref<4x2048xf32, #tpu.memory_space<hbm>>) target(%arg11 : memref<4x2048xf32, #tpu.memory_space<vmem>>) target_semaphore(%arg18 : memref<!tpu.dma_semaphore, #tpu.memory_space<semaphore_mem>>)
      %dma_start3A_364 = tpu.memref_slice %arg4[%mul3A_347, %mul3A_2] : memref<128x32768xf32, #tpu.memory_space<hbm>> -> memref<4x2048xf32, #tpu.memory_space<hbm>>
      %dma_start3A_365 = tpu.memref_slice %arg4[%mul3A_347, %mul3A_2] : memref<128x32768xf32, #tpu.memory_space<hbm>> -> memref<4x2048xf32, #tpu.memory_space<hbm>>
      tpu.enqueue_dma source(%dma_start3A_365 : memref<4x2048xf32, #tpu.memory_space<hbm>>) target(%arg13 : memref<4x2048xf32, #tpu.memory_space<vmem>>) target_semaphore(%arg20 : memref<!tpu.dma_semaphore, #tpu.memory_space<semaphore_mem>>)
      %dma_start3A_366 = arith.constant 0 : i32
      %dma_start3A_367 = tpu.memref_slice %arg15[%dma_start3A_366] : memref<32768xf32, #tpu.memory_space<vmem>> -> memref<8192xf32, #tpu.memory_space<vmem>>
      %dma_start3A_368 = tpu.memref_slice %arg5[%mul3A_0, %mul3A_349] : memref<8x262144xf32, #tpu.memory_space<hbm>> -> memref<1x8192xf32, #tpu.memory_space<hbm>>
      %dma_start3A_369 = tpu.memref_squeeze %dma_start3A_368 : memref<1x8192xf32, #tpu.memory_space<hbm>> -> memref<8192xf32, #tpu.memory_space<hbm>>
      %dma_start3A_370 = arith.constant 0 : i32
      %dma_start3A_371 = tpu.memref_slice %arg15[%dma_start3A_370] : memref<32768xf32, #tpu.memory_space<vmem>> -> memref<8192xf32, #tpu.memory_space<vmem>>
      %dma_start3A_372 = tpu.memref_slice %arg5[%mul3A_0, %mul3A_349] : memref<8x262144xf32, #tpu.memory_space<hbm>> -> memref<1x8192xf32, #tpu.memory_space<hbm>>
      %dma_start3A_373 = tpu.memref_squeeze %dma_start3A_372 : memref<1x8192xf32, #tpu.memory_space<hbm>> -> memref<8192xf32, #tpu.memory_space<hbm>>
      tpu.enqueue_dma source(%dma_start3A_373 : memref<8192xf32, #tpu.memory_space<hbm>>) target(%dma_start3A_371 : memref<8192xf32, #tpu.memory_space<vmem>>) target_semaphore(%arg22 : memref<!tpu.dma_semaphore, #tpu.memory_space<semaphore_mem>>)
      %dma_start3A_374 = arith.constant 8192 : i32
      %dma_start3A_375 = tpu.memref_slice %arg15[%dma_start3A_374] : memref<32768xf32, #tpu.memory_space<vmem>> -> memref<8192xf32, #tpu.memory_space<vmem>>
      %dma_start3A_376 = tpu.memref_slice %arg5[%add3A_351, %mul3A_353] : memref<8x262144xf32, #tpu.memory_space<hbm>> -> memref<1x8192xf32, #tpu.memory_space<hbm>>
      %dma_start3A_377 = tpu.memref_squeeze %dma_start3A_376 : memref<1x8192xf32, #tpu.memory_space<hbm>> -> memref<8192xf32, #tpu.memory_space<hbm>>
      %dma_start3A_378 = arith.constant 8192 : i32
      %dma_start3A_379 = tpu.memref_slice %arg15[%dma_start3A_378] : memref<32768xf32, #tpu.memory_space<vmem>> -> memref<8192xf32, #tpu.memory_space<vmem>>
      %dma_start3A_380 = tpu.memref_slice %arg5[%add3A_351, %mul3A_353] : memref<8x262144xf32, #tpu.memory_space<hbm>> -> memref<1x8192xf32, #tpu.memory_space<hbm>>
      %dma_start3A_381 = tpu.memref_squeeze %dma_start3A_380 : memref<1x8192xf32, #tpu.memory_space<hbm>> -> memref<8192xf32, #tpu.memory_space<hbm>>
      tpu.enqueue_dma source(%dma_start3A_381 : memref<8192xf32, #tpu.memory_space<hbm>>) target(%dma_start3A_379 : memref<8192xf32, #tpu.memory_space<vmem>>) target_semaphore(%arg22 : memref<!tpu.dma_semaphore, #tpu.memory_space<semaphore_mem>>)
      %dma_start3A_382 = arith.constant 16384 : i32
      %dma_start3A_383 = tpu.memref_slice %arg15[%dma_start3A_382] : memref<32768xf32, #tpu.memory_space<vmem>> -> memref<8192xf32, #tpu.memory_space<vmem>>
      %dma_start3A_384 = tpu.memref_slice %arg5[%add3A_355, %mul3A_357] : memref<8x262144xf32, #tpu.memory_space<hbm>> -> memref<1x8192xf32, #tpu.memory_space<hbm>>
      %dma_start3A_385 = tpu.memref_squeeze %dma_start3A_384 : memref<1x8192xf32, #tpu.memory_space<hbm>> -> memref<8192xf32, #tpu.memory_space<hbm>>
      %dma_start3A_386 = arith.constant 16384 : i32
      %dma_start3A_387 = tpu.memref_slice %arg15[%dma_start3A_386] : memref<32768xf32, #tpu.memory_space<vmem>> -> memref<8192xf32, #tpu.memory_space<vmem>>
      %dma_start3A_388 = tpu.memref_slice %arg5[%add3A_355, %mul3A_357] : memref<8x262144xf32, #tpu.memory_space<hbm>> -> memref<1x8192xf32, #tpu.memory_space<hbm>>
      %dma_start3A_389 = tpu.memref_squeeze %dma_start3A_388 : memref<1x8192xf32, #tpu.memory_space<hbm>> -> memref<8192xf32, #tpu.memory_space<hbm>>
      tpu.enqueue_dma source(%dma_start3A_389 : memref<8192xf32, #tpu.memory_space<hbm>>) target(%dma_start3A_387 : memref<8192xf32, #tpu.memory_space<vmem>>) target_semaphore(%arg22 : memref<!tpu.dma_semaphore, #tpu.memory_space<semaphore_mem>>)
      %dma_start3A_390 = arith.constant 24576 : i32
      %dma_start3A_391 = tpu.memref_slice %arg15[%dma_start3A_390] : memref<32768xf32, #tpu.memory_space<vmem>> -> memref<8192xf32, #tpu.memory_space<vmem>>
      %dma_start3A_392 = tpu.memref_slice %arg5[%add3A_359, %mul3A_361] : memref<8x262144xf32, #tpu.memory_space<hbm>> -> memref<1x8192xf32, #tpu.memory_space<hbm>>
      %dma_start3A_393 = tpu.memref_squeeze %dma_start3A_392 : memref<1x8192xf32, #tpu.memory_space<hbm>> -> memref<8192xf32, #tpu.memory_space<hbm>>
      %dma_start3A_394 = arith.constant 24576 : i32
      %dma_start3A_395 = tpu.memref_slice %arg15[%dma_start3A_394] : memref<32768xf32, #tpu.memory_space<vmem>> -> memref<8192xf32, #tpu.memory_space<vmem>>
      %dma_start3A_396 = tpu.memref_slice %arg5[%add3A_359, %mul3A_361] : memref<8x262144xf32, #tpu.memory_space<hbm>> -> memref<1x8192xf32, #tpu.memory_space<hbm>>
      %dma_start3A_397 = tpu.memref_squeeze %dma_start3A_396 : memref<1x8192xf32, #tpu.memory_space<hbm>> -> memref<8192xf32, #tpu.memory_space<hbm>>
      tpu.enqueue_dma source(%dma_start3A_397 : memref<8192xf32, #tpu.memory_space<hbm>>) target(%dma_start3A_395 : memref<8192xf32, #tpu.memory_space<vmem>>) target_semaphore(%arg22 : memref<!tpu.dma_semaphore, #tpu.memory_space<semaphore_mem>>)
      %scan3A_398 = arith.constant 0 : i32
      %scan3A_399 = arith.constant 0 : i32
      %scan3A_400 = arith.constant 128 : i32
      %scan3A_401 = arith.addi %scan3A_399, %scan3A_400 : i32
      %scan3A_402 = arith.constant 1 : i32
      scf.for %scan3A_518 = %scan3A_399 to %scan3A_401 step %scan3A_402  : i32 {
        %mul3A_519 = arith.constant 16 : i32
        %mul3A_520 = arith.muli %scan3A_518, %mul3A_519 : i32
        %get3A_521 = arith.constant 0 : i32
        %get3A_522 = arith.index_cast %get3A_521 : i32 to index
        %get3A_523 = arith.index_cast %mul3A_520 : i32 to index
        %get3A_524 = tpu.vector_load %arg9[%get3A_522, %get3A_523] {strides = array<i32>} : memref<4x2048xf32, #tpu.memory_space<vmem>>, vector<16xf32>,
        %get3A_525 = arith.constant 1 : i32
        %get3A_526 = arith.index_cast %get3A_525 : i32 to index
        %get3A_527 = arith.index_cast %mul3A_520 : i32 to index
        %get3A_528 = tpu.vector_load %arg9[%get3A_526, %get3A_527] {strides = array<i32>} : memref<4x2048xf32, #tpu.memory_space<vmem>>, vector<16xf32>,
        %get3A_529 = arith.constant 2 : i32
        %get3A_530 = arith.index_cast %get3A_529 : i32 to index
        %get3A_531 = arith.index_cast %mul3A_520 : i32 to index
        %get3A_532 = tpu.vector_load %arg9[%get3A_530, %get3A_531] {strides = array<i32>} : memref<4x2048xf32, #tpu.memory_space<vmem>>, vector<16xf32>,
        %get3A_533 = arith.constant 3 : i32
        %get3A_534 = arith.index_cast %get3A_533 : i32 to index
        %get3A_535 = arith.index_cast %mul3A_520 : i32 to index
        %get3A_536 = tpu.vector_load %arg9[%get3A_534, %get3A_535] {strides = array<i32>} : memref<4x2048xf32, #tpu.memory_space<vmem>>, vector<16xf32>,
        %get3A_537 = arith.constant 0 : i32
        %get3A_538 = arith.index_cast %get3A_537 : i32 to index
        %get3A_539 = arith.index_cast %mul3A_520 : i32 to index
        %get3A_540 = tpu.vector_load %arg8[%get3A_538, %get3A_539] {strides = array<i32>} : memref<4x2048xf32, #tpu.memory_space<vmem>>, vector<16xf32>,
        %get3A_541 = arith.constant 1 : i32
        %get3A_542 = arith.index_cast %get3A_541 : i32 to index
        %get3A_543 = arith.index_cast %mul3A_520 : i32 to index
        %get3A_544 = tpu.vector_load %arg8[%get3A_542, %get3A_543] {strides = array<i32>} : memref<4x2048xf32, #tpu.memory_space<vmem>>, vector<16xf32>,
        %get3A_545 = arith.constant 2 : i32
        %get3A_546 = arith.index_cast %get3A_545 : i32 to index
        %get3A_547 = arith.index_cast %mul3A_520 : i32 to index
        %get3A_548 = tpu.vector_load %arg8[%get3A_546, %get3A_547] {strides = array<i32>} : memref<4x2048xf32, #tpu.memory_space<vmem>>, vector<16xf32>,
        %get3A_549 = arith.constant 3 : i32
        %get3A_550 = arith.index_cast %get3A_549 : i32 to index
        %get3A_551 = arith.index_cast %mul3A_520 : i32 to index
        %get3A_552 = tpu.vector_load %arg8[%get3A_550, %get3A_551] {strides = array<i32>} : memref<4x2048xf32, #tpu.memory_space<vmem>>, vector<16xf32>,
        %get3A_553 = arith.constant 0 : i32
        %get3A_554 = arith.index_cast %get3A_553 : i32 to index
        %get3A_555 = arith.index_cast %mul3A_520 : i32 to index
        %get3A_556 = tpu.vector_load %arg10[%get3A_554, %get3A_555] {strides = array<i32>} : memref<4x2048xf32, #tpu.memory_space<vmem>>, vector<16xf32>,
        %mul3A_557 = arith.constant 12987.0127 : f32
        %mul3A_558 = vector.broadcast %mul3A_557 : f32 to vector<16xf32>
        %mul3A_559 = arith.mulf %get3A_556, %mul3A_558 : vector<16xf32>
        %get3A_560 = arith.constant 0 : i32
        %get3A_561 = arith.index_cast %get3A_560 : i32 to index
        %get3A_562 = arith.index_cast %mul3A_520 : i32 to index
        %get3A_563 = tpu.vector_load %arg12[%get3A_561, %get3A_562] {strides = array<i32>} : memref<4x2048xf32, #tpu.memory_space<vmem>>, vector<16xf32>,
        %add3A_564 = arith.addf %get3A_540, %mul3A_559 : vector<16xf32>
        %convert_element_type3A = arith.fptosi %add3A_564 : vector<16xf32> to vector<16xi32>
        %convert_element_type3A_565 = arith.sitofp %convert_element_type3A : vector<16xi32> to vector<16xf32>
        %sub3A = arith.subf %add3A_564, %convert_element_type3A_565 : vector<16xf32>
        %gather3A = arith.constant 0 : i32
        %gather3A_566 = tpu.memref_slice %arg14[%gather3A] : memref<32768xf32, #tpu.memory_space<vmem>> -> memref<2048xf32, #tpu.memory_space<vmem>>
        %gather3A_567 = tpu.vector_load_idx %gather3A_566[%convert_element_type3A] : memref<2048xf32, #tpu.memory_space<vmem>>[vector<16xi32>], vector<16xf32>,
        %add3A_568 = arith.constant 1 : i32
        %add3A_569 = vector.broadcast %add3A_568 : i32 to vector<16xi32>
        %add3A_570 = arith.addi %convert_element_type3A, %add3A_569 : vector<16xi32>
        %gather3A_571 = arith.constant 0 : i32
        %gather3A_572 = tpu.memref_slice %arg14[%gather3A_571] : memref<32768xf32, #tpu.memory_space<vmem>> -> memref<2048xf32, #tpu.memory_space<vmem>>
        %gather3A_573 = tpu.vector_load_idx %gather3A_572[%add3A_570] : memref<2048xf32, #tpu.memory_space<vmem>>[vector<16xi32>], vector<16xf32>,
        %sub3A_574 = arith.subf %gather3A_573, %gather3A_567 : vector<16xf32>
        %mul3A_575 = arith.mulf %sub3A, %sub3A_574 : vector<16xf32>
        %add3A_576 = arith.addf %gather3A_567, %mul3A_575 : vector<16xf32>
        %mul3A_577 = arith.mulf %get3A_563, %add3A_576 : vector<16xf32>
        %add3A_578 = arith.addf %get3A_524, %mul3A_577 : vector<16xf32>
        %add3A_579 = arith.addf %get3A_544, %mul3A_559 : vector<16xf32>
        %convert_element_type3A_580 = arith.fptosi %add3A_579 : vector<16xf32> to vector<16xi32>
        %convert_element_type3A_581 = arith.sitofp %convert_element_type3A_580 : vector<16xi32> to vector<16xf32>
        %sub3A_582 = arith.subf %add3A_579, %convert_element_type3A_581 : vector<16xf32>
        %gather3A_583 = arith.constant 8192 : i32
        %gather3A_584 = tpu.memref_slice %arg14[%gather3A_583] : memref<32768xf32, #tpu.memory_space<vmem>> -> memref<2048xf32, #tpu.memory_space<vmem>>
        %gather3A_585 = tpu.vector_load_idx %gather3A_584[%convert_element_type3A_580] : memref<2048xf32, #tpu.memory_space<vmem>>[vector<16xi32>], vector<16xf32>,
        %add3A_586 = arith.constant 1 : i32
        %add3A_587 = vector.broadcast %add3A_586 : i32 to vector<16xi32>
        %add3A_588 = arith.addi %convert_element_type3A_580, %add3A_587 : vector<16xi32>
        %gather3A_589 = arith.constant 8192 : i32
        %gather3A_590 = tpu.memref_slice %arg14[%gather3A_589] : memref<32768xf32, #tpu.memory_space<vmem>> -> memref<2048xf32, #tpu.memory_space<vmem>>
        %gather3A_591 = tpu.vector_load_idx %gather3A_590[%add3A_588] : memref<2048xf32, #tpu.memory_space<vmem>>[vector<16xi32>], vector<16xf32>,
        %sub3A_592 = arith.subf %gather3A_591, %gather3A_585 : vector<16xf32>
        %mul3A_593 = arith.mulf %sub3A_582, %sub3A_592 : vector<16xf32>
        %add3A_594 = arith.addf %gather3A_585, %mul3A_593 : vector<16xf32>
        %mul3A_595 = arith.mulf %get3A_563, %add3A_594 : vector<16xf32>
        %add3A_596 = arith.addf %get3A_528, %mul3A_595 : vector<16xf32>
        %add3A_597 = arith.addf %get3A_548, %mul3A_559 : vector<16xf32>
        %convert_element_type3A_598 = arith.fptosi %add3A_597 : vector<16xf32> to vector<16xi32>
        %convert_element_type3A_599 = arith.sitofp %convert_element_type3A_598 : vector<16xi32> to vector<16xf32>
        %sub3A_600 = arith.subf %add3A_597, %convert_element_type3A_599 : vector<16xf32>
        %gather3A_601 = arith.constant 16384 : i32
        %gather3A_602 = tpu.memref_slice %arg14[%gather3A_601] : memref<32768xf32, #tpu.memory_space<vmem>> -> memref<2048xf32, #tpu.memory_space<vmem>>
        %gather3A_603 = tpu.vector_load_idx %gather3A_602[%convert_element_type3A_598] : memref<2048xf32, #tpu.memory_space<vmem>>[vector<16xi32>], vector<16xf32>,
        %add3A_604 = arith.constant 1 : i32
        %add3A_605 = vector.broadcast %add3A_604 : i32 to vector<16xi32>
        %add3A_606 = arith.addi %convert_element_type3A_598, %add3A_605 : vector<16xi32>
        %gather3A_607 = arith.constant 16384 : i32
        %gather3A_608 = tpu.memref_slice %arg14[%gather3A_607] : memref<32768xf32, #tpu.memory_space<vmem>> -> memref<2048xf32, #tpu.memory_space<vmem>>
        %gather3A_609 = tpu.vector_load_idx %gather3A_608[%add3A_606] : memref<2048xf32, #tpu.memory_space<vmem>>[vector<16xi32>], vector<16xf32>,
        %sub3A_610 = arith.subf %gather3A_609, %gather3A_603 : vector<16xf32>
        %mul3A_611 = arith.mulf %sub3A_600, %sub3A_610 : vector<16xf32>
        %add3A_612 = arith.addf %gather3A_603, %mul3A_611 : vector<16xf32>
        %mul3A_613 = arith.mulf %get3A_563, %add3A_612 : vector<16xf32>
        %add3A_614 = arith.addf %get3A_532, %mul3A_613 : vector<16xf32>
        %add3A_615 = arith.addf %get3A_552, %mul3A_559 : vector<16xf32>
        %convert_element_type3A_616 = arith.fptosi %add3A_615 : vector<16xf32> to vector<16xi32>
        %convert_element_type3A_617 = arith.sitofp %convert_element_type3A_616 : vector<16xi32> to vector<16xf32>
        %sub3A_618 = arith.subf %add3A_615, %convert_element_type3A_617 : vector<16xf32>
        %gather3A_619 = arith.constant 24576 : i32
        %gather3A_620 = tpu.memref_slice %arg14[%gather3A_619] : memref<32768xf32, #tpu.memory_space<vmem>> -> memref<2048xf32, #tpu.memory_space<vmem>>
        %gather3A_621 = tpu.vector_load_idx %gather3A_620[%convert_element_type3A_616] : memref<2048xf32, #tpu.memory_space<vmem>>[vector<16xi32>], vector<16xf32>,
        %add3A_622 = arith.constant 1 : i32
        %add3A_623 = vector.broadcast %add3A_622 : i32 to vector<16xi32>
        %add3A_624 = arith.addi %convert_element_type3A_616, %add3A_623 : vector<16xi32>
        %gather3A_625 = arith.constant 24576 : i32
        %gather3A_626 = tpu.memref_slice %arg14[%gather3A_625] : memref<32768xf32, #tpu.memory_space<vmem>> -> memref<2048xf32, #tpu.memory_space<vmem>>
        %gather3A_627 = tpu.vector_load_idx %gather3A_626[%add3A_624] : memref<2048xf32, #tpu.memory_space<vmem>>[vector<16xi32>], vector<16xf32>,
        %sub3A_628 = arith.subf %gather3A_627, %gather3A_621 : vector<16xf32>
        %mul3A_629 = arith.mulf %sub3A_618, %sub3A_628 : vector<16xf32>
        %add3A_630 = arith.addf %gather3A_621, %mul3A_629 : vector<16xf32>
        %mul3A_631 = arith.mulf %get3A_563, %add3A_630 : vector<16xf32>
        %add3A_632 = arith.addf %get3A_536, %mul3A_631 : vector<16xf32>
        %get3A_633 = arith.constant 1 : i32
        %get3A_634 = arith.index_cast %get3A_633 : i32 to index
        %get3A_635 = arith.index_cast %mul3A_520 : i32 to index
        %get3A_636 = tpu.vector_load %arg10[%get3A_634, %get3A_635] {strides = array<i32>} : memref<4x2048xf32, #tpu.memory_space<vmem>>, vector<16xf32>,
        %mul3A_637 = arith.constant 12987.0127 : f32
        %mul3A_638 = vector.broadcast %mul3A_637 : f32 to vector<16xf32>
        %mul3A_639 = arith.mulf %get3A_636, %mul3A_638 : vector<16xf32>
        %get3A_640 = arith.constant 1 : i32
        %get3A_641 = arith.index_cast %get3A_640 : i32 to index
        %get3A_642 = arith.index_cast %mul3A_520 : i32 to index
        %get3A_643 = tpu.vector_load %arg12[%get3A_641, %get3A_642] {strides = array<i32>} : memref<4x2048xf32, #tpu.memory_space<vmem>>, vector<16xf32>,
        %add3A_644 = arith.addf %get3A_540, %mul3A_639 : vector<16xf32>
        %convert_element_type3A_645 = arith.fptosi %add3A_644 : vector<16xf32> to vector<16xi32>
        %convert_element_type3A_646 = arith.sitofp %convert_element_type3A_645 : vector<16xi32> to vector<16xf32>
        %sub3A_647 = arith.subf %add3A_644, %convert_element_type3A_646 : vector<16xf32>
        %gather3A_648 = arith.constant 2048 : i32
        %gather3A_649 = tpu.memref_slice %arg14[%gather3A_648] : memref<32768xf32, #tpu.memory_space<vmem>> -> memref<2048xf32, #tpu.memory_space<vmem>>
        %gather3A_650 = tpu.vector_load_idx %gather3A_649[%convert_element_type3A_645] : memref<2048xf32, #tpu.memory_space<vmem>>[vector<16xi32>], vector<16xf32>,
        %add3A_651 = arith.constant 1 : i32
        %add3A_652 = vector.broadcast %add3A_651 : i32 to vector<16xi32>
        %add3A_653 = arith.addi %convert_element_type3A_645, %add3A_652 : vector<16xi32>
        %gather3A_654 = arith.constant 2048 : i32
        %gather3A_655 = tpu.memref_slice %arg14[%gather3A_654] : memref<32768xf32, #tpu.memory_space<vmem>> -> memref<2048xf32, #tpu.memory_space<vmem>>
        %gather3A_656 = tpu.vector_load_idx %gather3A_655[%add3A_653] : memref<2048xf32, #tpu.memory_space<vmem>>[vector<16xi32>], vector<16xf32>,
        %sub3A_657 = arith.subf %gather3A_656, %gather3A_650 : vector<16xf32>
        %mul3A_658 = arith.mulf %sub3A_647, %sub3A_657 : vector<16xf32>
        %add3A_659 = arith.addf %gather3A_650, %mul3A_658 : vector<16xf32>
        %mul3A_660 = arith.mulf %get3A_643, %add3A_659 : vector<16xf32>
        %add3A_661 = arith.addf %add3A_578, %mul3A_660 : vector<16xf32>
        %add3A_662 = arith.addf %get3A_544, %mul3A_639 : vector<16xf32>
        %convert_element_type3A_663 = arith.fptosi %add3A_662 : vector<16xf32> to vector<16xi32>
        %convert_element_type3A_664 = arith.sitofp %convert_element_type3A_663 : vector<16xi32> to vector<16xf32>
        %sub3A_665 = arith.subf %add3A_662, %convert_element_type3A_664 : vector<16xf32>
        %gather3A_666 = arith.constant 10240 : i32
        %gather3A_667 = tpu.memref_slice %arg14[%gather3A_666] : memref<32768xf32, #tpu.memory_space<vmem>> -> memref<2048xf32, #tpu.memory_space<vmem>>
        %gather3A_668 = tpu.vector_load_idx %gather3A_667[%convert_element_type3A_663] : memref<2048xf32, #tpu.memory_space<vmem>>[vector<16xi32>], vector<16xf32>,
        %add3A_669 = arith.constant 1 : i32
        %add3A_670 = vector.broadcast %add3A_669 : i32 to vector<16xi32>
        %add3A_671 = arith.addi %convert_element_type3A_663, %add3A_670 : vector<16xi32>
        %gather3A_672 = arith.constant 10240 : i32
        %gather3A_673 = tpu.memref_slice %arg14[%gather3A_672] : memref<32768xf32, #tpu.memory_space<vmem>> -> memref<2048xf32, #tpu.memory_space<vmem>>
        %gather3A_674 = tpu.vector_load_idx %gather3A_673[%add3A_671] : memref<2048xf32, #tpu.memory_space<vmem>>[vector<16xi32>], vector<16xf32>,
        %sub3A_675 = arith.subf %gather3A_674, %gather3A_668 : vector<16xf32>
        %mul3A_676 = arith.mulf %sub3A_665, %sub3A_675 : vector<16xf32>
        %add3A_677 = arith.addf %gather3A_668, %mul3A_676 : vector<16xf32>
        %mul3A_678 = arith.mulf %get3A_643, %add3A_677 : vector<16xf32>
        %add3A_679 = arith.addf %add3A_596, %mul3A_678 : vector<16xf32>
        %add3A_680 = arith.addf %get3A_548, %mul3A_639 : vector<16xf32>
        %convert_element_type3A_681 = arith.fptosi %add3A_680 : vector<16xf32> to vector<16xi32>
        %convert_element_type3A_682 = arith.sitofp %convert_element_type3A_681 : vector<16xi32> to vector<16xf32>
        %sub3A_683 = arith.subf %add3A_680, %convert_element_type3A_682 : vector<16xf32>
        %gather3A_684 = arith.constant 18432 : i32
        %gather3A_685 = tpu.memref_slice %arg14[%gather3A_684] : memref<32768xf32, #tpu.memory_space<vmem>> -> memref<2048xf32, #tpu.memory_space<vmem>>
        %gather3A_686 = tpu.vector_load_idx %gather3A_685[%convert_element_type3A_681] : memref<2048xf32, #tpu.memory_space<vmem>>[vector<16xi32>], vector<16xf32>,
        %add3A_687 = arith.constant 1 : i32
        %add3A_688 = vector.broadcast %add3A_687 : i32 to vector<16xi32>
        %add3A_689 = arith.addi %convert_element_type3A_681, %add3A_688 : vector<16xi32>
        %gather3A_690 = arith.constant 18432 : i32
        %gather3A_691 = tpu.memref_slice %arg14[%gather3A_690] : memref<32768xf32, #tpu.memory_space<vmem>> -> memref<2048xf32, #tpu.memory_space<vmem>>
        %gather3A_692 = tpu.vector_load_idx %gather3A_691[%add3A_689] : memref<2048xf32, #tpu.memory_space<vmem>>[vector<16xi32>], vector<16xf32>,
        %sub3A_693 = arith.subf %gather3A_692, %gather3A_686 : vector<16xf32>
        %mul3A_694 = arith.mulf %sub3A_683, %sub3A_693 : vector<16xf32>
        %add3A_695 = arith.addf %gather3A_686, %mul3A_694 : vector<16xf32>
        %mul3A_696 = arith.mulf %get3A_643, %add3A_695 : vector<16xf32>
        %add3A_697 = arith.addf %add3A_614, %mul3A_696 : vector<16xf32>
        %add3A_698 = arith.addf %get3A_552, %mul3A_639 : vector<16xf32>
        %convert_element_type3A_699 = arith.fptosi %add3A_698 : vector<16xf32> to vector<16xi32>
        %convert_element_type3A_700 = arith.sitofp %convert_element_type3A_699 : vector<16xi32> to vector<16xf32>
        %sub3A_701 = arith.subf %add3A_698, %convert_element_type3A_700 : vector<16xf32>
        %gather3A_702 = arith.constant 26624 : i32
        %gather3A_703 = tpu.memref_slice %arg14[%gather3A_702] : memref<32768xf32, #tpu.memory_space<vmem>> -> memref<2048xf32, #tpu.memory_space<vmem>>
        %gather3A_704 = tpu.vector_load_idx %gather3A_703[%convert_element_type3A_699] : memref<2048xf32, #tpu.memory_space<vmem>>[vector<16xi32>], vector<16xf32>,
        %add3A_705 = arith.constant 1 : i32
        %add3A_706 = vector.broadcast %add3A_705 : i32 to vector<16xi32>
        %add3A_707 = arith.addi %convert_element_type3A_699, %add3A_706 : vector<16xi32>
        %gather3A_708 = arith.constant 26624 : i32
        %gather3A_709 = tpu.memref_slice %arg14[%gather3A_708] : memref<32768xf32, #tpu.memory_space<vmem>> -> memref<2048xf32, #tpu.memory_space<vmem>>
        %gather3A_710 = tpu.vector_load_idx %gather3A_709[%add3A_707] : memref<2048xf32, #tpu.memory_space<vmem>>[vector<16xi32>], vector<16xf32>,
        %sub3A_711 = arith.subf %gather3A_710, %gather3A_704 : vector<16xf32>
        %mul3A_712 = arith.mulf %sub3A_701, %sub3A_711 : vector<16xf32>
        %add3A_713 = arith.addf %gather3A_704, %mul3A_712 : vector<16xf32>
        %mul3A_714 = arith.mulf %get3A_643, %add3A_713 : vector<16xf32>
        %add3A_715 = arith.addf %add3A_632, %mul3A_714 : vector<16xf32>
        %get3A_716 = arith.constant 2 : i32
        %get3A_717 = arith.index_cast %get3A_716 : i32 to index
        %get3A_718 = arith.index_cast %mul3A_520 : i32 to index
        %get3A_719 = tpu.vector_load %arg10[%get3A_717, %get3A_718] {strides = array<i32>} : memref<4x2048xf32, #tpu.memory_space<vmem>>, vector<16xf32>,
        %mul3A_720 = arith.constant 12987.0127 : f32
        %mul3A_721 = vector.broadcast %mul3A_720 : f32 to vector<16xf32>
        %mul3A_722 = arith.mulf %get3A_719, %mul3A_721 : vector<16xf32>
        %get3A_723 = arith.constant 2 : i32
        %get3A_724 = arith.index_cast %get3A_723 : i32 to index
        %get3A_725 = arith.index_cast %mul3A_520 : i32 to index
        %get3A_726 = tpu.vector_load %arg12[%get3A_724, %get3A_725] {strides = array<i32>} : memref<4x2048xf32, #tpu.memory_space<vmem>>, vector<16xf32>,
        %add3A_727 = arith.addf %get3A_540, %mul3A_722 : vector<16xf32>
        %convert_element_type3A_728 = arith.fptosi %add3A_727 : vector<16xf32> to vector<16xi32>
        %convert_element_type3A_729 = arith.sitofp %convert_element_type3A_728 : vector<16xi32> to vector<16xf32>
        %sub3A_730 = arith.subf %add3A_727, %convert_element_type3A_729 : vector<16xf32>
        %gather3A_731 = arith.constant 4096 : i32
        %gather3A_732 = tpu.memref_slice %arg14[%gather3A_731] : memref<32768xf32, #tpu.memory_space<vmem>> -> memref<2048xf32, #tpu.memory_space<vmem>>
        %gather3A_733 = tpu.vector_load_idx %gather3A_732[%convert_element_type3A_728] : memref<2048xf32, #tpu.memory_space<vmem>>[vector<16xi32>], vector<16xf32>,
        %add3A_734 = arith.constant 1 : i32
        %add3A_735 = vector.broadcast %add3A_734 : i32 to vector<16xi32>
        %add3A_736 = arith.addi %convert_element_type3A_728, %add3A_735 : vector<16xi32>
        %gather3A_737 = arith.constant 4096 : i32
        %gather3A_738 = tpu.memref_slice %arg14[%gather3A_737] : memref<32768xf32, #tpu.memory_space<vmem>> -> memref<2048xf32, #tpu.memory_space<vmem>>
        %gather3A_739 = tpu.vector_load_idx %gather3A_738[%add3A_736] : memref<2048xf32, #tpu.memory_space<vmem>>[vector<16xi32>], vector<16xf32>,
        %sub3A_740 = arith.subf %gather3A_739, %gather3A_733 : vector<16xf32>
        %mul3A_741 = arith.mulf %sub3A_730, %sub3A_740 : vector<16xf32>
        %add3A_742 = arith.addf %gather3A_733, %mul3A_741 : vector<16xf32>
        %mul3A_743 = arith.mulf %get3A_726, %add3A_742 : vector<16xf32>
        %add3A_744 = arith.addf %add3A_661, %mul3A_743 : vector<16xf32>
        %add3A_745 = arith.addf %get3A_544, %mul3A_722 : vector<16xf32>
        %convert_element_type3A_746 = arith.fptosi %add3A_745 : vector<16xf32> to vector<16xi32>
        %convert_element_type3A_747 = arith.sitofp %convert_element_type3A_746 : vector<16xi32> to vector<16xf32>
        %sub3A_748 = arith.subf %add3A_745, %convert_element_type3A_747 : vector<16xf32>
        %gather3A_749 = arith.constant 12288 : i32
        %gather3A_750 = tpu.memref_slice %arg14[%gather3A_749] : memref<32768xf32, #tpu.memory_space<vmem>> -> memref<2048xf32, #tpu.memory_space<vmem>>
        %gather3A_751 = tpu.vector_load_idx %gather3A_750[%convert_element_type3A_746] : memref<2048xf32, #tpu.memory_space<vmem>>[vector<16xi32>], vector<16xf32>,
        %add3A_752 = arith.constant 1 : i32
        %add3A_753 = vector.broadcast %add3A_752 : i32 to vector<16xi32>
        %add3A_754 = arith.addi %convert_element_type3A_746, %add3A_753 : vector<16xi32>
        %gather3A_755 = arith.constant 12288 : i32
        %gather3A_756 = tpu.memref_slice %arg14[%gather3A_755] : memref<32768xf32, #tpu.memory_space<vmem>> -> memref<2048xf32, #tpu.memory_space<vmem>>
        %gather3A_757 = tpu.vector_load_idx %gather3A_756[%add3A_754] : memref<2048xf32, #tpu.memory_space<vmem>>[vector<16xi32>], vector<16xf32>,
        %sub3A_758 = arith.subf %gather3A_757, %gather3A_751 : vector<16xf32>
        %mul3A_759 = arith.mulf %sub3A_748, %sub3A_758 : vector<16xf32>
        %add3A_760 = arith.addf %gather3A_751, %mul3A_759 : vector<16xf32>
        %mul3A_761 = arith.mulf %get3A_726, %add3A_760 : vector<16xf32>
        %add3A_762 = arith.addf %add3A_679, %mul3A_761 : vector<16xf32>
        %add3A_763 = arith.addf %get3A_548, %mul3A_722 : vector<16xf32>
        %convert_element_type3A_764 = arith.fptosi %add3A_763 : vector<16xf32> to vector<16xi32>
        %convert_element_type3A_765 = arith.sitofp %convert_element_type3A_764 : vector<16xi32> to vector<16xf32>
        %sub3A_766 = arith.subf %add3A_763, %convert_element_type3A_765 : vector<16xf32>
        %gather3A_767 = arith.constant 20480 : i32
        %gather3A_768 = tpu.memref_slice %arg14[%gather3A_767] : memref<32768xf32, #tpu.memory_space<vmem>> -> memref<2048xf32, #tpu.memory_space<vmem>>
        %gather3A_769 = tpu.vector_load_idx %gather3A_768[%convert_element_type3A_764] : memref<2048xf32, #tpu.memory_space<vmem>>[vector<16xi32>], vector<16xf32>,
        %add3A_770 = arith.constant 1 : i32
        %add3A_771 = vector.broadcast %add3A_770 : i32 to vector<16xi32>
        %add3A_772 = arith.addi %convert_element_type3A_764, %add3A_771 : vector<16xi32>
        %gather3A_773 = arith.constant 20480 : i32
        %gather3A_774 = tpu.memref_slice %arg14[%gather3A_773] : memref<32768xf32, #tpu.memory_space<vmem>> -> memref<2048xf32, #tpu.memory_space<vmem>>
        %gather3A_775 = tpu.vector_load_idx %gather3A_774[%add3A_772] : memref<2048xf32, #tpu.memory_space<vmem>>[vector<16xi32>], vector<16xf32>,
        %sub3A_776 = arith.subf %gather3A_775, %gather3A_769 : vector<16xf32>
        %mul3A_777 = arith.mulf %sub3A_766, %sub3A_776 : vector<16xf32>
        %add3A_778 = arith.addf %gather3A_769, %mul3A_777 : vector<16xf32>
        %mul3A_779 = arith.mulf %get3A_726, %add3A_778 : vector<16xf32>
        %add3A_780 = arith.addf %add3A_697, %mul3A_779 : vector<16xf32>
        %add3A_781 = arith.addf %get3A_552, %mul3A_722 : vector<16xf32>
        %convert_element_type3A_782 = arith.fptosi %add3A_781 : vector<16xf32> to vector<16xi32>
        %convert_element_type3A_783 = arith.sitofp %convert_element_type3A_782 : vector<16xi32> to vector<16xf32>
        %sub3A_784 = arith.subf %add3A_781, %convert_element_type3A_783 : vector<16xf32>
        %gather3A_785 = arith.constant 28672 : i32
        %gather3A_786 = tpu.memref_slice %arg14[%gather3A_785] : memref<32768xf32, #tpu.memory_space<vmem>> -> memref<2048xf32, #tpu.memory_space<vmem>>
        %gather3A_787 = tpu.vector_load_idx %gather3A_786[%convert_element_type3A_782] : memref<2048xf32, #tpu.memory_space<vmem>>[vector<16xi32>], vector<16xf32>,
        %add3A_788 = arith.constant 1 : i32
        %add3A_789 = vector.broadcast %add3A_788 : i32 to vector<16xi32>
        %add3A_790 = arith.addi %convert_element_type3A_782, %add3A_789 : vector<16xi32>
        %gather3A_791 = arith.constant 28672 : i32
        %gather3A_792 = tpu.memref_slice %arg14[%gather3A_791] : memref<32768xf32, #tpu.memory_space<vmem>> -> memref<2048xf32, #tpu.memory_space<vmem>>
        %gather3A_793 = tpu.vector_load_idx %gather3A_792[%add3A_790] : memref<2048xf32, #tpu.memory_space<vmem>>[vector<16xi32>], vector<16xf32>,
        %sub3A_794 = arith.subf %gather3A_793, %gather3A_787 : vector<16xf32>
        %mul3A_795 = arith.mulf %sub3A_784, %sub3A_794 : vector<16xf32>
        %add3A_796 = arith.addf %gather3A_787, %mul3A_795 : vector<16xf32>
        %mul3A_797 = arith.mulf %get3A_726, %add3A_796 : vector<16xf32>
        %add3A_798 = arith.addf %add3A_715, %mul3A_797 : vector<16xf32>
        %get3A_799 = arith.constant 3 : i32
        %get3A_800 = arith.index_cast %get3A_799 : i32 to index
        %get3A_801 = arith.index_cast %mul3A_520 : i32 to index
        %get3A_802 = tpu.vector_load %arg10[%get3A_800, %get3A_801] {strides = array<i32>} : memref<4x2048xf32, #tpu.memory_space<vmem>>, vector<16xf32>,
        %mul3A_803 = arith.constant 12987.0127 : f32
        %mul3A_804 = vector.broadcast %mul3A_803 : f32 to vector<16xf32>
        %mul3A_805 = arith.mulf %get3A_802, %mul3A_804 : vector<16xf32>
        %get3A_806 = arith.constant 3 : i32
        %get3A_807 = arith.index_cast %get3A_806 : i32 to index
        %get3A_808 = arith.index_cast %mul3A_520 : i32 to index
        %get3A_809 = tpu.vector_load %arg12[%get3A_807, %get3A_808] {strides = array<i32>} : memref<4x2048xf32, #tpu.memory_space<vmem>>, vector<16xf32>,
        %add3A_810 = arith.addf %get3A_540, %mul3A_805 : vector<16xf32>
        %convert_element_type3A_811 = arith.fptosi %add3A_810 : vector<16xf32> to vector<16xi32>
        %convert_element_type3A_812 = arith.sitofp %convert_element_type3A_811 : vector<16xi32> to vector<16xf32>
        %sub3A_813 = arith.subf %add3A_810, %convert_element_type3A_812 : vector<16xf32>
        %gather3A_814 = arith.constant 6144 : i32
        %gather3A_815 = tpu.memref_slice %arg14[%gather3A_814] : memref<32768xf32, #tpu.memory_space<vmem>> -> memref<2048xf32, #tpu.memory_space<vmem>>
        %gather3A_816 = tpu.vector_load_idx %gather3A_815[%convert_element_type3A_811] : memref<2048xf32, #tpu.memory_space<vmem>>[vector<16xi32>], vector<16xf32>,
        %add3A_817 = arith.constant 1 : i32
        %add3A_818 = vector.broadcast %add3A_817 : i32 to vector<16xi32>
        %add3A_819 = arith.addi %convert_element_type3A_811, %add3A_818 : vector<16xi32>
        %gather3A_820 = arith.constant 6144 : i32
        %gather3A_821 = tpu.memref_slice %arg14[%gather3A_820] : memref<32768xf32, #tpu.memory_space<vmem>> -> memref<2048xf32, #tpu.memory_space<vmem>>
        %gather3A_822 = tpu.vector_load_idx %gather3A_821[%add3A_819] : memref<2048xf32, #tpu.memory_space<vmem>>[vector<16xi32>], vector<16xf32>,
        %sub3A_823 = arith.subf %gather3A_822, %gather3A_816 : vector<16xf32>
        %mul3A_824 = arith.mulf %sub3A_813, %sub3A_823 : vector<16xf32>
        %add3A_825 = arith.addf %gather3A_816, %mul3A_824 : vector<16xf32>
        %mul3A_826 = arith.mulf %get3A_809, %add3A_825 : vector<16xf32>
        %add3A_827 = arith.addf %add3A_744, %mul3A_826 : vector<16xf32>
        %add3A_828 = arith.addf %get3A_544, %mul3A_805 : vector<16xf32>
        %convert_element_type3A_829 = arith.fptosi %add3A_828 : vector<16xf32> to vector<16xi32>
        %convert_element_type3A_830 = arith.sitofp %convert_element_type3A_829 : vector<16xi32> to vector<16xf32>
        %sub3A_831 = arith.subf %add3A_828, %convert_element_type3A_830 : vector<16xf32>
        %gather3A_832 = arith.constant 14336 : i32
        %gather3A_833 = tpu.memref_slice %arg14[%gather3A_832] : memref<32768xf32, #tpu.memory_space<vmem>> -> memref<2048xf32, #tpu.memory_space<vmem>>
        %gather3A_834 = tpu.vector_load_idx %gather3A_833[%convert_element_type3A_829] : memref<2048xf32, #tpu.memory_space<vmem>>[vector<16xi32>], vector<16xf32>,
        %add3A_835 = arith.constant 1 : i32
        %add3A_836 = vector.broadcast %add3A_835 : i32 to vector<16xi32>
        %add3A_837 = arith.addi %convert_element_type3A_829, %add3A_836 : vector<16xi32>
        %gather3A_838 = arith.constant 14336 : i32
        %gather3A_839 = tpu.memref_slice %arg14[%gather3A_838] : memref<32768xf32, #tpu.memory_space<vmem>> -> memref<2048xf32, #tpu.memory_space<vmem>>
        %gather3A_840 = tpu.vector_load_idx %gather3A_839[%add3A_837] : memref<2048xf32, #tpu.memory_space<vmem>>[vector<16xi32>], vector<16xf32>,
        %sub3A_841 = arith.subf %gather3A_840, %gather3A_834 : vector<16xf32>
        %mul3A_842 = arith.mulf %sub3A_831, %sub3A_841 : vector<16xf32>
        %add3A_843 = arith.addf %gather3A_834, %mul3A_842 : vector<16xf32>
        %mul3A_844 = arith.mulf %get3A_809, %add3A_843 : vector<16xf32>
        %add3A_845 = arith.addf %add3A_762, %mul3A_844 : vector<16xf32>
        %add3A_846 = arith.addf %get3A_548, %mul3A_805 : vector<16xf32>
        %convert_element_type3A_847 = arith.fptosi %add3A_846 : vector<16xf32> to vector<16xi32>
        %convert_element_type3A_848 = arith.sitofp %convert_element_type3A_847 : vector<16xi32> to vector<16xf32>
        %sub3A_849 = arith.subf %add3A_846, %convert_element_type3A_848 : vector<16xf32>
        %gather3A_850 = arith.constant 22528 : i32
        %gather3A_851 = tpu.memref_slice %arg14[%gather3A_850] : memref<32768xf32, #tpu.memory_space<vmem>> -> memref<2048xf32, #tpu.memory_space<vmem>>
        %gather3A_852 = tpu.vector_load_idx %gather3A_851[%convert_element_type3A_847] : memref<2048xf32, #tpu.memory_space<vmem>>[vector<16xi32>], vector<16xf32>,
        %add3A_853 = arith.constant 1 : i32
        %add3A_854 = vector.broadcast %add3A_853 : i32 to vector<16xi32>
        %add3A_855 = arith.addi %convert_element_type3A_847, %add3A_854 : vector<16xi32>
        %gather3A_856 = arith.constant 22528 : i32
        %gather3A_857 = tpu.memref_slice %arg14[%gather3A_856] : memref<32768xf32, #tpu.memory_space<vmem>> -> memref<2048xf32, #tpu.memory_space<vmem>>
        %gather3A_858 = tpu.vector_load_idx %gather3A_857[%add3A_855] : memref<2048xf32, #tpu.memory_space<vmem>>[vector<16xi32>], vector<16xf32>,
        %sub3A_859 = arith.subf %gather3A_858, %gather3A_852 : vector<16xf32>
        %mul3A_860 = arith.mulf %sub3A_849, %sub3A_859 : vector<16xf32>
        %add3A_861 = arith.addf %gather3A_852, %mul3A_860 : vector<16xf32>
        %mul3A_862 = arith.mulf %get3A_809, %add3A_861 : vector<16xf32>
        %add3A_863 = arith.addf %add3A_780, %mul3A_862 : vector<16xf32>
        %add3A_864 = arith.addf %get3A_552, %mul3A_805 : vector<16xf32>
        %convert_element_type3A_865 = arith.fptosi %add3A_864 : vector<16xf32> to vector<16xi32>
        %convert_element_type3A_866 = arith.sitofp %convert_element_type3A_865 : vector<16xi32> to vector<16xf32>
        %sub3A_867 = arith.subf %add3A_864, %convert_element_type3A_866 : vector<16xf32>
        %gather3A_868 = arith.constant 30720 : i32
        %gather3A_869 = tpu.memref_slice %arg14[%gather3A_868] : memref<32768xf32, #tpu.memory_space<vmem>> -> memref<2048xf32, #tpu.memory_space<vmem>>
        %gather3A_870 = tpu.vector_load_idx %gather3A_869[%convert_element_type3A_865] : memref<2048xf32, #tpu.memory_space<vmem>>[vector<16xi32>], vector<16xf32>,
        %add3A_871 = arith.constant 1 : i32
        %add3A_872 = vector.broadcast %add3A_871 : i32 to vector<16xi32>
        %add3A_873 = arith.addi %convert_element_type3A_865, %add3A_872 : vector<16xi32>
        %gather3A_874 = arith.constant 30720 : i32
        %gather3A_875 = tpu.memref_slice %arg14[%gather3A_874] : memref<32768xf32, #tpu.memory_space<vmem>> -> memref<2048xf32, #tpu.memory_space<vmem>>
        %gather3A_876 = tpu.vector_load_idx %gather3A_875[%add3A_873] : memref<2048xf32, #tpu.memory_space<vmem>>[vector<16xi32>], vector<16xf32>,
        %sub3A_877 = arith.subf %gather3A_876, %gather3A_870 : vector<16xf32>
        %mul3A_878 = arith.mulf %sub3A_867, %sub3A_877 : vector<16xf32>
        %add3A_879 = arith.addf %gather3A_870, %mul3A_878 : vector<16xf32>
        %mul3A_880 = arith.mulf %get3A_809, %add3A_879 : vector<16xf32>
        %add3A_881 = arith.addf %add3A_798, %mul3A_880 : vector<16xf32>
        %swap3A = arith.constant 0 : i32
        %swap3A_882 = arith.index_cast %swap3A : i32 to index
        %swap3A_883 = arith.index_cast %mul3A_520 : i32 to index
        %swap3A_884 = tpu.vector_load %arg9[%swap3A_882, %swap3A_883] {strides = array<i32>} : memref<4x2048xf32, #tpu.memory_space<vmem>>, vector<16xf32>,
        tpu.vector_store %arg9[%swap3A_882, %swap3A_883], %add3A_827 {strides = array<i32>} : memref<4x2048xf32, #tpu.memory_space<vmem>>, vector<16xf32>,
        %swap3A_885 = arith.constant 1 : i32
        %swap3A_886 = arith.index_cast %swap3A_885 : i32 to index
        %swap3A_887 = arith.index_cast %mul3A_520 : i32 to index
        %swap3A_888 = tpu.vector_load %arg9[%swap3A_886, %swap3A_887] {strides = array<i32>} : memref<4x2048xf32, #tpu.memory_space<vmem>>, vector<16xf32>,
        tpu.vector_store %arg9[%swap3A_886, %swap3A_887], %add3A_845 {strides = array<i32>} : memref<4x2048xf32, #tpu.memory_space<vmem>>, vector<16xf32>,
        %swap3A_889 = arith.constant 2 : i32
        %swap3A_890 = arith.index_cast %swap3A_889 : i32 to index
        %swap3A_891 = arith.index_cast %mul3A_520 : i32 to index
        %swap3A_892 = tpu.vector_load %arg9[%swap3A_890, %swap3A_891] {strides = array<i32>} : memref<4x2048xf32, #tpu.memory_space<vmem>>, vector<16xf32>,
        tpu.vector_store %arg9[%swap3A_890, %swap3A_891], %add3A_863 {strides = array<i32>} : memref<4x2048xf32, #tpu.memory_space<vmem>>, vector<16xf32>,
        %swap3A_893 = arith.constant 3 : i32
        %swap3A_894 = arith.index_cast %swap3A_893 : i32 to index
        %swap3A_895 = arith.index_cast %mul3A_520 : i32 to index
        %swap3A_896 = tpu.vector_load %arg9[%swap3A_894, %swap3A_895] {strides = array<i32>} : memref<4x2048xf32, #tpu.memory_space<vmem>>, vector<16xf32>,
        tpu.vector_store %arg9[%swap3A_894, %swap3A_895], %add3A_881 {strides = array<i32>} : memref<4x2048xf32, #tpu.memory_space<vmem>>, vector<16xf32>,
      }
      %scan3A_403 = arith.constant 128 : i32
      %add3A_404 = arith.constant 1 : i32
      %add3A_405 = arith.addi %mul3A_0, %add3A_404 : i32
      %add3A_406 = arith.constant 2 : i32
      %add3A_407 = arith.addi %mul3A_0, %add3A_406 : i32
      %add3A_408 = arith.constant 3 : i32
      %add3A_409 = arith.addi %mul3A_0, %add3A_408 : i32
      %dma_wait3A_410 = arith.constant 0 : i32
      %dma_wait3A_411 = tpu.memref_slice %arg3[%dma_wait3A_410, %mul3A_2] : memref<128x32768xf32, #tpu.memory_space<hbm>> -> memref<4x2048xf32, #tpu.memory_space<hbm>>
      %dma_wait3A_412 = arith.constant 0 : i32
      %dma_wait3A_413 = tpu.memref_slice %arg3[%dma_wait3A_412, %mul3A_2] : memref<128x32768xf32, #tpu.memory_space<hbm>> -> memref<4x2048xf32, #tpu.memory_space<hbm>>
      tpu.wait_dma2 semaphore(%arg18 : memref<!tpu.dma_semaphore, #tpu.memory_space<semaphore_mem>>) src(%dma_wait3A_413 : memref<4x2048xf32, #tpu.memory_space<hbm>>) dst(%arg11 : memref<4x2048xf32, #tpu.memory_space<vmem>>)
      %dma_wait3A_414 = arith.constant 0 : i32
      %dma_wait3A_415 = tpu.memref_slice %arg4[%dma_wait3A_414, %mul3A_2] : memref<128x32768xf32, #tpu.memory_space<hbm>> -> memref<4x2048xf32, #tpu.memory_space<hbm>>
      %dma_wait3A_416 = arith.constant 0 : i32
      %dma_wait3A_417 = tpu.memref_slice %arg4[%dma_wait3A_416, %mul3A_2] : memref<128x32768xf32, #tpu.memory_space<hbm>> -> memref<4x2048xf32, #tpu.memory_space<hbm>>
      tpu.wait_dma2 semaphore(%arg20 : memref<!tpu.dma_semaphore, #tpu.memory_space<semaphore_mem>>) src(%dma_wait3A_417 : memref<4x2048xf32, #tpu.memory_space<hbm>>) dst(%arg13 : memref<4x2048xf32, #tpu.memory_space<vmem>>)
      %dma_wait3A_418 = arith.constant 0 : i32
      %dma_wait3A_419 = tpu.memref_slice %arg15[%dma_wait3A_418] : memref<32768xf32, #tpu.memory_space<vmem>> -> memref<8192xf32, #tpu.memory_space<vmem>>
      %dma_wait3A_420 = arith.constant 0 : i32
      %dma_wait3A_421 = tpu.memref_slice %arg5[%mul3A_0, %dma_wait3A_420] : memref<8x262144xf32, #tpu.memory_space<hbm>> -> memref<1x8192xf32, #tpu.memory_space<hbm>>
      %dma_wait3A_422 = tpu.memref_squeeze %dma_wait3A_421 : memref<1x8192xf32, #tpu.memory_space<hbm>> -> memref<8192xf32, #tpu.memory_space<hbm>>
      %dma_wait3A_423 = arith.constant 0 : i32
      %dma_wait3A_424 = tpu.memref_slice %arg15[%dma_wait3A_423] : memref<32768xf32, #tpu.memory_space<vmem>> -> memref<8192xf32, #tpu.memory_space<vmem>>
      %dma_wait3A_425 = arith.constant 0 : i32
      %dma_wait3A_426 = tpu.memref_slice %arg5[%mul3A_0, %dma_wait3A_425] : memref<8x262144xf32, #tpu.memory_space<hbm>> -> memref<1x8192xf32, #tpu.memory_space<hbm>>
      %dma_wait3A_427 = tpu.memref_squeeze %dma_wait3A_426 : memref<1x8192xf32, #tpu.memory_space<hbm>> -> memref<8192xf32, #tpu.memory_space<hbm>>
      tpu.wait_dma2 semaphore(%arg22 : memref<!tpu.dma_semaphore, #tpu.memory_space<semaphore_mem>>) src(%dma_wait3A_427 : memref<8192xf32, #tpu.memory_space<hbm>>) dst(%dma_wait3A_424 : memref<8192xf32, #tpu.memory_space<vmem>>)
      %dma_wait3A_428 = arith.constant 8192 : i32
      %dma_wait3A_429 = tpu.memref_slice %arg15[%dma_wait3A_428] : memref<32768xf32, #tpu.memory_space<vmem>> -> memref<8192xf32, #tpu.memory_space<vmem>>
      %dma_wait3A_430 = arith.constant 0 : i32
      %dma_wait3A_431 = tpu.memref_slice %arg5[%add3A_405, %dma_wait3A_430] : memref<8x262144xf32, #tpu.memory_space<hbm>> -> memref<1x8192xf32, #tpu.memory_space<hbm>>
      %dma_wait3A_432 = tpu.memref_squeeze %dma_wait3A_431 : memref<1x8192xf32, #tpu.memory_space<hbm>> -> memref<8192xf32, #tpu.memory_space<hbm>>
      %dma_wait3A_433 = arith.constant 8192 : i32
      %dma_wait3A_434 = tpu.memref_slice %arg15[%dma_wait3A_433] : memref<32768xf32, #tpu.memory_space<vmem>> -> memref<8192xf32, #tpu.memory_space<vmem>>
      %dma_wait3A_435 = arith.constant 0 : i32
      %dma_wait3A_436 = tpu.memref_slice %arg5[%add3A_405, %dma_wait3A_435] : memref<8x262144xf32, #tpu.memory_space<hbm>> -> memref<1x8192xf32, #tpu.memory_space<hbm>>
      %dma_wait3A_437 = tpu.memref_squeeze %dma_wait3A_436 : memref<1x8192xf32, #tpu.memory_space<hbm>> -> memref<8192xf32, #tpu.memory_space<hbm>>
      tpu.wait_dma2 semaphore(%arg22 : memref<!tpu.dma_semaphore, #tpu.memory_space<semaphore_mem>>) src(%dma_wait3A_437 : memref<8192xf32, #tpu.memory_space<hbm>>) dst(%dma_wait3A_434 : memref<8192xf32, #tpu.memory_space<vmem>>)
      %dma_wait3A_438 = arith.constant 16384 : i32
      %dma_wait3A_439 = tpu.memref_slice %arg15[%dma_wait3A_438] : memref<32768xf32, #tpu.memory_space<vmem>> -> memref<8192xf32, #tpu.memory_space<vmem>>
      %dma_wait3A_440 = arith.constant 0 : i32
      %dma_wait3A_441 = tpu.memref_slice %arg5[%add3A_407, %dma_wait3A_440] : memref<8x262144xf32, #tpu.memory_space<hbm>> -> memref<1x8192xf32, #tpu.memory_space<hbm>>
      %dma_wait3A_442 = tpu.memref_squeeze %dma_wait3A_441 : memref<1x8192xf32, #tpu.memory_space<hbm>> -> memref<8192xf32, #tpu.memory_space<hbm>>
      %dma_wait3A_443 = arith.constant 16384 : i32
      %dma_wait3A_444 = tpu.memref_slice %arg15[%dma_wait3A_443] : memref<32768xf32, #tpu.memory_space<vmem>> -> memref<8192xf32, #tpu.memory_space<vmem>>
      %dma_wait3A_445 = arith.constant 0 : i32
      %dma_wait3A_446 = tpu.memref_slice %arg5[%add3A_407, %dma_wait3A_445] : memref<8x262144xf32, #tpu.memory_space<hbm>> -> memref<1x8192xf32, #tpu.memory_space<hbm>>
      %dma_wait3A_447 = tpu.memref_squeeze %dma_wait3A_446 : memref<1x8192xf32, #tpu.memory_space<hbm>> -> memref<8192xf32, #tpu.memory_space<hbm>>
      tpu.wait_dma2 semaphore(%arg22 : memref<!tpu.dma_semaphore, #tpu.memory_space<semaphore_mem>>) src(%dma_wait3A_447 : memref<8192xf32, #tpu.memory_space<hbm>>) dst(%dma_wait3A_444 : memref<8192xf32, #tpu.memory_space<vmem>>)
      %dma_wait3A_448 = arith.constant 24576 : i32
      %dma_wait3A_449 = tpu.memref_slice %arg15[%dma_wait3A_448] : memref<32768xf32, #tpu.memory_space<vmem>> -> memref<8192xf32, #tpu.memory_space<vmem>>
      %dma_wait3A_450 = arith.constant 0 : i32
      %dma_wait3A_451 = tpu.memref_slice %arg5[%add3A_409, %dma_wait3A_450] : memref<8x262144xf32, #tpu.memory_space<hbm>> -> memref<1x8192xf32, #tpu.memory_space<hbm>>
      %dma_wait3A_452 = tpu.memref_squeeze %dma_wait3A_451 : memref<1x8192xf32, #tpu.memory_space<hbm>> -> memref<8192xf32, #tpu.memory_space<hbm>>
      %dma_wait3A_453 = arith.constant 24576 : i32
      %dma_wait3A_454 = tpu.memref_slice %arg15[%dma_wait3A_453] : memref<32768xf32, #tpu.memory_space<vmem>> -> memref<8192xf32, #tpu.memory_space<vmem>>
      %dma_wait3A_455 = arith.constant 0 : i32
      %dma_wait3A_456 = tpu.memref_slice %arg5[%add3A_409, %dma_wait3A_455] : memref<8x262144xf32, #tpu.memory_space<hbm>> -> memref<1x8192xf32, #tpu.memory_space<hbm>>
      %dma_wait3A_457 = tpu.memref_squeeze %dma_wait3A_456 : memref<1x8192xf32, #tpu.memory_space<hbm>> -> memref<8192xf32, #tpu.memory_space<hbm>>
      tpu.wait_dma2 semaphore(%arg22 : memref<!tpu.dma_semaphore, #tpu.memory_space<semaphore_mem>>) src(%dma_wait3A_457 : memref<8192xf32, #tpu.memory_space<hbm>>) dst(%dma_wait3A_454 : memref<8192xf32, #tpu.memory_space<vmem>>)
      %add3A_458 = arith.constant 2 : i32
      %add3A_459 = arith.addi %mul3A_289, %add3A_458 : i32
      %mul3A_460 = arith.constant 4 : i32
      %mul3A_461 = arith.muli %add3A_459, %mul3A_460 : i32
      %mul3A_462 = arith.constant 2048 : i32
      %mul3A_463 = arith.muli %mul3A_461, %mul3A_462 : i32
      %add3A_464 = arith.constant 1 : i32
      %add3A_465 = arith.addi %mul3A_0, %add3A_464 : i32
      %mul3A_466 = arith.constant 2048 : i32
      %mul3A_467 = arith.muli %mul3A_461, %mul3A_466 : i32
      %add3A_468 = arith.constant 2 : i32
      %add3A_469 = arith.addi %mul3A_0, %add3A_468 : i32
      %mul3A_470 = arith.constant 2048 : i32
      %mul3A_471 = arith.muli %mul3A_461, %mul3A_470 : i32
      %add3A_472 = arith.constant 3 : i32
      %add3A_473 = arith.addi %mul3A_0, %add3A_472 : i32
      %mul3A_474 = arith.constant 2048 : i32
      %mul3A_475 = arith.muli %mul3A_461, %mul3A_474 : i32
      %dma_start3A_476 = tpu.memref_slice %arg3[%mul3A_461, %mul3A_2] : memref<128x32768xf32, #tpu.memory_space<hbm>> -> memref<4x2048xf32, #tpu.memory_space<hbm>>
      %dma_start3A_477 = tpu.memref_slice %arg3[%mul3A_461, %mul3A_2] : memref<128x32768xf32, #tpu.memory_space<hbm>> -> memref<4x2048xf32, #tpu.memory_space<hbm>>
      tpu.enqueue_dma source(%dma_start3A_477 : memref<4x2048xf32, #tpu.memory_space<hbm>>) target(%arg10 : memref<4x2048xf32, #tpu.memory_space<vmem>>) target_semaphore(%arg17 : memref<!tpu.dma_semaphore, #tpu.memory_space<semaphore_mem>>)
      %dma_start3A_478 = tpu.memref_slice %arg4[%mul3A_461, %mul3A_2] : memref<128x32768xf32, #tpu.memory_space<hbm>> -> memref<4x2048xf32, #tpu.memory_space<hbm>>
      %dma_start3A_479 = tpu.memref_slice %arg4[%mul3A_461, %mul3A_2] : memref<128x32768xf32, #tpu.memory_space<hbm>> -> memref<4x2048xf32, #tpu.memory_space<hbm>>
      tpu.enqueue_dma source(%dma_start3A_479 : memref<4x2048xf32, #tpu.memory_space<hbm>>) target(%arg12 : memref<4x2048xf32, #tpu.memory_space<vmem>>) target_semaphore(%arg19 : memref<!tpu.dma_semaphore, #tpu.memory_space<semaphore_mem>>)
      %dma_start3A_480 = arith.constant 0 : i32
      %dma_start3A_481 = tpu.memref_slice %arg14[%dma_start3A_480] : memref<32768xf32, #tpu.memory_space<vmem>> -> memref<8192xf32, #tpu.memory_space<vmem>>
      %dma_start3A_482 = tpu.memref_slice %arg5[%mul3A_0, %mul3A_463] : memref<8x262144xf32, #tpu.memory_space<hbm>> -> memref<1x8192xf32, #tpu.memory_space<hbm>>
      %dma_start3A_483 = tpu.memref_squeeze %dma_start3A_482 : memref<1x8192xf32, #tpu.memory_space<hbm>> -> memref<8192xf32, #tpu.memory_space<hbm>>
      %dma_start3A_484 = arith.constant 0 : i32
      %dma_start3A_485 = tpu.memref_slice %arg14[%dma_start3A_484] : memref<32768xf32, #tpu.memory_space<vmem>> -> memref<8192xf32, #tpu.memory_space<vmem>>
      %dma_start3A_486 = tpu.memref_slice %arg5[%mul3A_0, %mul3A_463] : memref<8x262144xf32, #tpu.memory_space<hbm>> -> memref<1x8192xf32, #tpu.memory_space<hbm>>
      %dma_start3A_487 = tpu.memref_squeeze %dma_start3A_486 : memref<1x8192xf32, #tpu.memory_space<hbm>> -> memref<8192xf32, #tpu.memory_space<hbm>>
      tpu.enqueue_dma source(%dma_start3A_487 : memref<8192xf32, #tpu.memory_space<hbm>>) target(%dma_start3A_485 : memref<8192xf32, #tpu.memory_space<vmem>>) target_semaphore(%arg21 : memref<!tpu.dma_semaphore, #tpu.memory_space<semaphore_mem>>)
      %dma_start3A_488 = arith.constant 8192 : i32
      %dma_start3A_489 = tpu.memref_slice %arg14[%dma_start3A_488] : memref<32768xf32, #tpu.memory_space<vmem>> -> memref<8192xf32, #tpu.memory_space<vmem>>
      %dma_start3A_490 = tpu.memref_slice %arg5[%add3A_465, %mul3A_467] : memref<8x262144xf32, #tpu.memory_space<hbm>> -> memref<1x8192xf32, #tpu.memory_space<hbm>>
      %dma_start3A_491 = tpu.memref_squeeze %dma_start3A_490 : memref<1x8192xf32, #tpu.memory_space<hbm>> -> memref<8192xf32, #tpu.memory_space<hbm>>
      %dma_start3A_492 = arith.constant 8192 : i32
      %dma_start3A_493 = tpu.memref_slice %arg14[%dma_start3A_492] : memref<32768xf32, #tpu.memory_space<vmem>> -> memref<8192xf32, #tpu.memory_space<vmem>>
      %dma_start3A_494 = tpu.memref_slice %arg5[%add3A_465, %mul3A_467] : memref<8x262144xf32, #tpu.memory_space<hbm>> -> memref<1x8192xf32, #tpu.memory_space<hbm>>
      %dma_start3A_495 = tpu.memref_squeeze %dma_start3A_494 : memref<1x8192xf32, #tpu.memory_space<hbm>> -> memref<8192xf32, #tpu.memory_space<hbm>>
      tpu.enqueue_dma source(%dma_start3A_495 : memref<8192xf32, #tpu.memory_space<hbm>>) target(%dma_start3A_493 : memref<8192xf32, #tpu.memory_space<vmem>>) target_semaphore(%arg21 : memref<!tpu.dma_semaphore, #tpu.memory_space<semaphore_mem>>)
      %dma_start3A_496 = arith.constant 16384 : i32
      %dma_start3A_497 = tpu.memref_slice %arg14[%dma_start3A_496] : memref<32768xf32, #tpu.memory_space<vmem>> -> memref<8192xf32, #tpu.memory_space<vmem>>
      %dma_start3A_498 = tpu.memref_slice %arg5[%add3A_469, %mul3A_471] : memref<8x262144xf32, #tpu.memory_space<hbm>> -> memref<1x8192xf32, #tpu.memory_space<hbm>>
      %dma_start3A_499 = tpu.memref_squeeze %dma_start3A_498 : memref<1x8192xf32, #tpu.memory_space<hbm>> -> memref<8192xf32, #tpu.memory_space<hbm>>
      %dma_start3A_500 = arith.constant 16384 : i32
      %dma_start3A_501 = tpu.memref_slice %arg14[%dma_start3A_500] : memref<32768xf32, #tpu.memory_space<vmem>> -> memref<8192xf32, #tpu.memory_space<vmem>>
      %dma_start3A_502 = tpu.memref_slice %arg5[%add3A_469, %mul3A_471] : memref<8x262144xf32, #tpu.memory_space<hbm>> -> memref<1x8192xf32, #tpu.memory_space<hbm>>
      %dma_start3A_503 = tpu.memref_squeeze %dma_start3A_502 : memref<1x8192xf32, #tpu.memory_space<hbm>> -> memref<8192xf32, #tpu.memory_space<hbm>>
      tpu.enqueue_dma source(%dma_start3A_503 : memref<8192xf32, #tpu.memory_space<hbm>>) target(%dma_start3A_501 : memref<8192xf32, #tpu.memory_space<vmem>>) target_semaphore(%arg21 : memref<!tpu.dma_semaphore, #tpu.memory_space<semaphore_mem>>)
      %dma_start3A_504 = arith.constant 24576 : i32
      %dma_start3A_505 = tpu.memref_slice %arg14[%dma_start3A_504] : memref<32768xf32, #tpu.memory_space<vmem>> -> memref<8192xf32, #tpu.memory_space<vmem>>
      %dma_start3A_506 = tpu.memref_slice %arg5[%add3A_473, %mul3A_475] : memref<8x262144xf32, #tpu.memory_space<hbm>> -> memref<1x8192xf32, #tpu.memory_space<hbm>>
      %dma_start3A_507 = tpu.memref_squeeze %dma_start3A_506 : memref<1x8192xf32, #tpu.memory_space<hbm>> -> memref<8192xf32, #tpu.memory_space<hbm>>
      %dma_start3A_508 = arith.constant 24576 : i32
      %dma_start3A_509 = tpu.memref_slice %arg14[%dma_start3A_508] : memref<32768xf32, #tpu.memory_space<vmem>> -> memref<8192xf32, #tpu.memory_space<vmem>>
      %dma_start3A_510 = tpu.memref_slice %arg5[%add3A_473, %mul3A_475] : memref<8x262144xf32, #tpu.memory_space<hbm>> -> memref<1x8192xf32, #tpu.memory_space<hbm>>
      %dma_start3A_511 = tpu.memref_squeeze %dma_start3A_510 : memref<1x8192xf32, #tpu.memory_space<hbm>> -> memref<8192xf32, #tpu.memory_space<hbm>>
      tpu.enqueue_dma source(%dma_start3A_511 : memref<8192xf32, #tpu.memory_space<hbm>>) target(%dma_start3A_509 : memref<8192xf32, #tpu.memory_space<vmem>>) target_semaphore(%arg21 : memref<!tpu.dma_semaphore, #tpu.memory_space<semaphore_mem>>)
      %scan3A_512 = arith.constant 0 : i32
      %scan3A_513 = arith.constant 0 : i32
      %scan3A_514 = arith.constant 128 : i32
      %scan3A_515 = arith.addi %scan3A_513, %scan3A_514 : i32
      %scan3A_516 = arith.constant 1 : i32
      scf.for %scan3A_518 = %scan3A_513 to %scan3A_515 step %scan3A_516  : i32 {
        %mul3A_519 = arith.constant 16 : i32
        %mul3A_520 = arith.muli %scan3A_518, %mul3A_519 : i32
        %get3A_521 = arith.constant 0 : i32
        %get3A_522 = arith.index_cast %get3A_521 : i32 to index
        %get3A_523 = arith.index_cast %mul3A_520 : i32 to index
        %get3A_524 = tpu.vector_load %arg9[%get3A_522, %get3A_523] {strides = array<i32>} : memref<4x2048xf32, #tpu.memory_space<vmem>>, vector<16xf32>,
        %get3A_525 = arith.constant 1 : i32
        %get3A_526 = arith.index_cast %get3A_525 : i32 to index
        %get3A_527 = arith.index_cast %mul3A_520 : i32 to index
        %get3A_528 = tpu.vector_load %arg9[%get3A_526, %get3A_527] {strides = array<i32>} : memref<4x2048xf32, #tpu.memory_space<vmem>>, vector<16xf32>,
        %get3A_529 = arith.constant 2 : i32
        %get3A_530 = arith.index_cast %get3A_529 : i32 to index
        %get3A_531 = arith.index_cast %mul3A_520 : i32 to index
        %get3A_532 = tpu.vector_load %arg9[%get3A_530, %get3A_531] {strides = array<i32>} : memref<4x2048xf32, #tpu.memory_space<vmem>>, vector<16xf32>,
        %get3A_533 = arith.constant 3 : i32
        %get3A_534 = arith.index_cast %get3A_533 : i32 to index
        %get3A_535 = arith.index_cast %mul3A_520 : i32 to index
        %get3A_536 = tpu.vector_load %arg9[%get3A_534, %get3A_535] {strides = array<i32>} : memref<4x2048xf32, #tpu.memory_space<vmem>>, vector<16xf32>,
        %get3A_537 = arith.constant 0 : i32
        %get3A_538 = arith.index_cast %get3A_537 : i32 to index
        %get3A_539 = arith.index_cast %mul3A_520 : i32 to index
        %get3A_540 = tpu.vector_load %arg8[%get3A_538, %get3A_539] {strides = array<i32>} : memref<4x2048xf32, #tpu.memory_space<vmem>>, vector<16xf32>,
        %get3A_541 = arith.constant 1 : i32
        %get3A_542 = arith.index_cast %get3A_541 : i32 to index
        %get3A_543 = arith.index_cast %mul3A_520 : i32 to index
        %get3A_544 = tpu.vector_load %arg8[%get3A_542, %get3A_543] {strides = array<i32>} : memref<4x2048xf32, #tpu.memory_space<vmem>>, vector<16xf32>,
        %get3A_545 = arith.constant 2 : i32
        %get3A_546 = arith.index_cast %get3A_545 : i32 to index
        %get3A_547 = arith.index_cast %mul3A_520 : i32 to index
        %get3A_548 = tpu.vector_load %arg8[%get3A_546, %get3A_547] {strides = array<i32>} : memref<4x2048xf32, #tpu.memory_space<vmem>>, vector<16xf32>,
        %get3A_549 = arith.constant 3 : i32
        %get3A_550 = arith.index_cast %get3A_549 : i32 to index
        %get3A_551 = arith.index_cast %mul3A_520 : i32 to index
        %get3A_552 = tpu.vector_load %arg8[%get3A_550, %get3A_551] {strides = array<i32>} : memref<4x2048xf32, #tpu.memory_space<vmem>>, vector<16xf32>,
        %get3A_553 = arith.constant 0 : i32
        %get3A_554 = arith.index_cast %get3A_553 : i32 to index
        %get3A_555 = arith.index_cast %mul3A_520 : i32 to index
        %get3A_556 = tpu.vector_load %arg11[%get3A_554, %get3A_555] {strides = array<i32>} : memref<4x2048xf32, #tpu.memory_space<vmem>>, vector<16xf32>,
        %mul3A_557 = arith.constant 12987.0127 : f32
        %mul3A_558 = vector.broadcast %mul3A_557 : f32 to vector<16xf32>
        %mul3A_559 = arith.mulf %get3A_556, %mul3A_558 : vector<16xf32>
        %get3A_560 = arith.constant 0 : i32
        %get3A_561 = arith.index_cast %get3A_560 : i32 to index
        %get3A_562 = arith.index_cast %mul3A_520 : i32 to index
        %get3A_563 = tpu.vector_load %arg13[%get3A_561, %get3A_562] {strides = array<i32>} : memref<4x2048xf32, #tpu.memory_space<vmem>>, vector<16xf32>,
        %add3A_564 = arith.addf %get3A_540, %mul3A_559 : vector<16xf32>
        %convert_element_type3A = arith.fptosi %add3A_564 : vector<16xf32> to vector<16xi32>
        %convert_element_type3A_565 = arith.sitofp %convert_element_type3A : vector<16xi32> to vector<16xf32>
        %sub3A = arith.subf %add3A_564, %convert_element_type3A_565 : vector<16xf32>
        %gather3A = arith.constant 0 : i32
        %gather3A_566 = tpu.memref_slice %arg15[%gather3A] : memref<32768xf32, #tpu.memory_space<vmem>> -> memref<2048xf32, #tpu.memory_space<vmem>>
        %gather3A_567 = tpu.vector_load_idx %gather3A_566[%convert_element_type3A] : memref<2048xf32, #tpu.memory_space<vmem>>[vector<16xi32>], vector<16xf32>,
        %add3A_568 = arith.constant 1 : i32
        %add3A_569 = vector.broadcast %add3A_568 : i32 to vector<16xi32>
        %add3A_570 = arith.addi %convert_element_type3A, %add3A_569 : vector<16xi32>
        %gather3A_571 = arith.constant 0 : i32
        %gather3A_572 = tpu.memref_slice %arg15[%gather3A_571] : memref<32768xf32, #tpu.memory_space<vmem>> -> memref<2048xf32, #tpu.memory_space<vmem>>
        %gather3A_573 = tpu.vector_load_idx %gather3A_572[%add3A_570] : memref<2048xf32, #tpu.memory_space<vmem>>[vector<16xi32>], vector<16xf32>,
        %sub3A_574 = arith.subf %gather3A_573, %gather3A_567 : vector<16xf32>
        %mul3A_575 = arith.mulf %sub3A, %sub3A_574 : vector<16xf32>
        %add3A_576 = arith.addf %gather3A_567, %mul3A_575 : vector<16xf32>
        %mul3A_577 = arith.mulf %get3A_563, %add3A_576 : vector<16xf32>
        %add3A_578 = arith.addf %get3A_524, %mul3A_577 : vector<16xf32>
        %add3A_579 = arith.addf %get3A_544, %mul3A_559 : vector<16xf32>
        %convert_element_type3A_580 = arith.fptosi %add3A_579 : vector<16xf32> to vector<16xi32>
        %convert_element_type3A_581 = arith.sitofp %convert_element_type3A_580 : vector<16xi32> to vector<16xf32>
        %sub3A_582 = arith.subf %add3A_579, %convert_element_type3A_581 : vector<16xf32>
        %gather3A_583 = arith.constant 8192 : i32
        %gather3A_584 = tpu.memref_slice %arg15[%gather3A_583] : memref<32768xf32, #tpu.memory_space<vmem>> -> memref<2048xf32, #tpu.memory_space<vmem>>
        %gather3A_585 = tpu.vector_load_idx %gather3A_584[%convert_element_type3A_580] : memref<2048xf32, #tpu.memory_space<vmem>>[vector<16xi32>], vector<16xf32>,
        %add3A_586 = arith.constant 1 : i32
        %add3A_587 = vector.broadcast %add3A_586 : i32 to vector<16xi32>
        %add3A_588 = arith.addi %convert_element_type3A_580, %add3A_587 : vector<16xi32>
        %gather3A_589 = arith.constant 8192 : i32
        %gather3A_590 = tpu.memref_slice %arg15[%gather3A_589] : memref<32768xf32, #tpu.memory_space<vmem>> -> memref<2048xf32, #tpu.memory_space<vmem>>
        %gather3A_591 = tpu.vector_load_idx %gather3A_590[%add3A_588] : memref<2048xf32, #tpu.memory_space<vmem>>[vector<16xi32>], vector<16xf32>,
        %sub3A_592 = arith.subf %gather3A_591, %gather3A_585 : vector<16xf32>
        %mul3A_593 = arith.mulf %sub3A_582, %sub3A_592 : vector<16xf32>
        %add3A_594 = arith.addf %gather3A_585, %mul3A_593 : vector<16xf32>
        %mul3A_595 = arith.mulf %get3A_563, %add3A_594 : vector<16xf32>
        %add3A_596 = arith.addf %get3A_528, %mul3A_595 : vector<16xf32>
        %add3A_597 = arith.addf %get3A_548, %mul3A_559 : vector<16xf32>
        %convert_element_type3A_598 = arith.fptosi %add3A_597 : vector<16xf32> to vector<16xi32>
        %convert_element_type3A_599 = arith.sitofp %convert_element_type3A_598 : vector<16xi32> to vector<16xf32>
        %sub3A_600 = arith.subf %add3A_597, %convert_element_type3A_599 : vector<16xf32>
        %gather3A_601 = arith.constant 16384 : i32
        %gather3A_602 = tpu.memref_slice %arg15[%gather3A_601] : memref<32768xf32, #tpu.memory_space<vmem>> -> memref<2048xf32, #tpu.memory_space<vmem>>
        %gather3A_603 = tpu.vector_load_idx %gather3A_602[%convert_element_type3A_598] : memref<2048xf32, #tpu.memory_space<vmem>>[vector<16xi32>], vector<16xf32>,
        %add3A_604 = arith.constant 1 : i32
        %add3A_605 = vector.broadcast %add3A_604 : i32 to vector<16xi32>
        %add3A_606 = arith.addi %convert_element_type3A_598, %add3A_605 : vector<16xi32>
        %gather3A_607 = arith.constant 16384 : i32
        %gather3A_608 = tpu.memref_slice %arg15[%gather3A_607] : memref<32768xf32, #tpu.memory_space<vmem>> -> memref<2048xf32, #tpu.memory_space<vmem>>
        %gather3A_609 = tpu.vector_load_idx %gather3A_608[%add3A_606] : memref<2048xf32, #tpu.memory_space<vmem>>[vector<16xi32>], vector<16xf32>,
        %sub3A_610 = arith.subf %gather3A_609, %gather3A_603 : vector<16xf32>
        %mul3A_611 = arith.mulf %sub3A_600, %sub3A_610 : vector<16xf32>
        %add3A_612 = arith.addf %gather3A_603, %mul3A_611 : vector<16xf32>
        %mul3A_613 = arith.mulf %get3A_563, %add3A_612 : vector<16xf32>
        %add3A_614 = arith.addf %get3A_532, %mul3A_613 : vector<16xf32>
        %add3A_615 = arith.addf %get3A_552, %mul3A_559 : vector<16xf32>
        %convert_element_type3A_616 = arith.fptosi %add3A_615 : vector<16xf32> to vector<16xi32>
        %convert_element_type3A_617 = arith.sitofp %convert_element_type3A_616 : vector<16xi32> to vector<16xf32>
        %sub3A_618 = arith.subf %add3A_615, %convert_element_type3A_617 : vector<16xf32>
        %gather3A_619 = arith.constant 24576 : i32
        %gather3A_620 = tpu.memref_slice %arg15[%gather3A_619] : memref<32768xf32, #tpu.memory_space<vmem>> -> memref<2048xf32, #tpu.memory_space<vmem>>
        %gather3A_621 = tpu.vector_load_idx %gather3A_620[%convert_element_type3A_616] : memref<2048xf32, #tpu.memory_space<vmem>>[vector<16xi32>], vector<16xf32>,
        %add3A_622 = arith.constant 1 : i32
        %add3A_623 = vector.broadcast %add3A_622 : i32 to vector<16xi32>
        %add3A_624 = arith.addi %convert_element_type3A_616, %add3A_623 : vector<16xi32>
        %gather3A_625 = arith.constant 24576 : i32
        %gather3A_626 = tpu.memref_slice %arg15[%gather3A_625] : memref<32768xf32, #tpu.memory_space<vmem>> -> memref<2048xf32, #tpu.memory_space<vmem>>
        %gather3A_627 = tpu.vector_load_idx %gather3A_626[%add3A_624] : memref<2048xf32, #tpu.memory_space<vmem>>[vector<16xi32>], vector<16xf32>,
        %sub3A_628 = arith.subf %gather3A_627, %gather3A_621 : vector<16xf32>
        %mul3A_629 = arith.mulf %sub3A_618, %sub3A_628 : vector<16xf32>
        %add3A_630 = arith.addf %gather3A_621, %mul3A_629 : vector<16xf32>
        %mul3A_631 = arith.mulf %get3A_563, %add3A_630 : vector<16xf32>
        %add3A_632 = arith.addf %get3A_536, %mul3A_631 : vector<16xf32>
        %get3A_633 = arith.constant 1 : i32
        %get3A_634 = arith.index_cast %get3A_633 : i32 to index
        %get3A_635 = arith.index_cast %mul3A_520 : i32 to index
        %get3A_636 = tpu.vector_load %arg11[%get3A_634, %get3A_635] {strides = array<i32>} : memref<4x2048xf32, #tpu.memory_space<vmem>>, vector<16xf32>,
        %mul3A_637 = arith.constant 12987.0127 : f32
        %mul3A_638 = vector.broadcast %mul3A_637 : f32 to vector<16xf32>
        %mul3A_639 = arith.mulf %get3A_636, %mul3A_638 : vector<16xf32>
        %get3A_640 = arith.constant 1 : i32
        %get3A_641 = arith.index_cast %get3A_640 : i32 to index
        %get3A_642 = arith.index_cast %mul3A_520 : i32 to index
        %get3A_643 = tpu.vector_load %arg13[%get3A_641, %get3A_642] {strides = array<i32>} : memref<4x2048xf32, #tpu.memory_space<vmem>>, vector<16xf32>,
        %add3A_644 = arith.addf %get3A_540, %mul3A_639 : vector<16xf32>
        %convert_element_type3A_645 = arith.fptosi %add3A_644 : vector<16xf32> to vector<16xi32>
        %convert_element_type3A_646 = arith.sitofp %convert_element_type3A_645 : vector<16xi32> to vector<16xf32>
        %sub3A_647 = arith.subf %add3A_644, %convert_element_type3A_646 : vector<16xf32>
        %gather3A_648 = arith.constant 2048 : i32
        %gather3A_649 = tpu.memref_slice %arg15[%gather3A_648] : memref<32768xf32, #tpu.memory_space<vmem>> -> memref<2048xf32, #tpu.memory_space<vmem>>
        %gather3A_650 = tpu.vector_load_idx %gather3A_649[%convert_element_type3A_645] : memref<2048xf32, #tpu.memory_space<vmem>>[vector<16xi32>], vector<16xf32>,
        %add3A_651 = arith.constant 1 : i32
        %add3A_652 = vector.broadcast %add3A_651 : i32 to vector<16xi32>
        %add3A_653 = arith.addi %convert_element_type3A_645, %add3A_652 : vector<16xi32>
        %gather3A_654 = arith.constant 2048 : i32
        %gather3A_655 = tpu.memref_slice %arg15[%gather3A_654] : memref<32768xf32, #tpu.memory_space<vmem>> -> memref<2048xf32, #tpu.memory_space<vmem>>
        %gather3A_656 = tpu.vector_load_idx %gather3A_655[%add3A_653] : memref<2048xf32, #tpu.memory_space<vmem>>[vector<16xi32>], vector<16xf32>,
        %sub3A_657 = arith.subf %gather3A_656, %gather3A_650 : vector<16xf32>
        %mul3A_658 = arith.mulf %sub3A_647, %sub3A_657 : vector<16xf32>
        %add3A_659 = arith.addf %gather3A_650, %mul3A_658 : vector<16xf32>
        %mul3A_660 = arith.mulf %get3A_643, %add3A_659 : vector<16xf32>
        %add3A_661 = arith.addf %add3A_578, %mul3A_660 : vector<16xf32>
        %add3A_662 = arith.addf %get3A_544, %mul3A_639 : vector<16xf32>
        %convert_element_type3A_663 = arith.fptosi %add3A_662 : vector<16xf32> to vector<16xi32>
        %convert_element_type3A_664 = arith.sitofp %convert_element_type3A_663 : vector<16xi32> to vector<16xf32>
        %sub3A_665 = arith.subf %add3A_662, %convert_element_type3A_664 : vector<16xf32>
        %gather3A_666 = arith.constant 10240 : i32
        %gather3A_667 = tpu.memref_slice %arg15[%gather3A_666] : memref<32768xf32, #tpu.memory_space<vmem>> -> memref<2048xf32, #tpu.memory_space<vmem>>
        %gather3A_668 = tpu.vector_load_idx %gather3A_667[%convert_element_type3A_663] : memref<2048xf32, #tpu.memory_space<vmem>>[vector<16xi32>], vector<16xf32>,
        %add3A_669 = arith.constant 1 : i32
        %add3A_670 = vector.broadcast %add3A_669 : i32 to vector<16xi32>
        %add3A_671 = arith.addi %convert_element_type3A_663, %add3A_670 : vector<16xi32>
        %gather3A_672 = arith.constant 10240 : i32
        %gather3A_673 = tpu.memref_slice %arg15[%gather3A_672] : memref<32768xf32, #tpu.memory_space<vmem>> -> memref<2048xf32, #tpu.memory_space<vmem>>
        %gather3A_674 = tpu.vector_load_idx %gather3A_673[%add3A_671] : memref<2048xf32, #tpu.memory_space<vmem>>[vector<16xi32>], vector<16xf32>,
        %sub3A_675 = arith.subf %gather3A_674, %gather3A_668 : vector<16xf32>
        %mul3A_676 = arith.mulf %sub3A_665, %sub3A_675 : vector<16xf32>
        %add3A_677 = arith.addf %gather3A_668, %mul3A_676 : vector<16xf32>
        %mul3A_678 = arith.mulf %get3A_643, %add3A_677 : vector<16xf32>
        %add3A_679 = arith.addf %add3A_596, %mul3A_678 : vector<16xf32>
        %add3A_680 = arith.addf %get3A_548, %mul3A_639 : vector<16xf32>
        %convert_element_type3A_681 = arith.fptosi %add3A_680 : vector<16xf32> to vector<16xi32>
        %convert_element_type3A_682 = arith.sitofp %convert_element_type3A_681 : vector<16xi32> to vector<16xf32>
        %sub3A_683 = arith.subf %add3A_680, %convert_element_type3A_682 : vector<16xf32>
        %gather3A_684 = arith.constant 18432 : i32
        %gather3A_685 = tpu.memref_slice %arg15[%gather3A_684] : memref<32768xf32, #tpu.memory_space<vmem>> -> memref<2048xf32, #tpu.memory_space<vmem>>
        %gather3A_686 = tpu.vector_load_idx %gather3A_685[%convert_element_type3A_681] : memref<2048xf32, #tpu.memory_space<vmem>>[vector<16xi32>], vector<16xf32>,
        %add3A_687 = arith.constant 1 : i32
        %add3A_688 = vector.broadcast %add3A_687 : i32 to vector<16xi32>
        %add3A_689 = arith.addi %convert_element_type3A_681, %add3A_688 : vector<16xi32>
        %gather3A_690 = arith.constant 18432 : i32
        %gather3A_691 = tpu.memref_slice %arg15[%gather3A_690] : memref<32768xf32, #tpu.memory_space<vmem>> -> memref<2048xf32, #tpu.memory_space<vmem>>
        %gather3A_692 = tpu.vector_load_idx %gather3A_691[%add3A_689] : memref<2048xf32, #tpu.memory_space<vmem>>[vector<16xi32>], vector<16xf32>,
        %sub3A_693 = arith.subf %gather3A_692, %gather3A_686 : vector<16xf32>
        %mul3A_694 = arith.mulf %sub3A_683, %sub3A_693 : vector<16xf32>
        %add3A_695 = arith.addf %gather3A_686, %mul3A_694 : vector<16xf32>
        %mul3A_696 = arith.mulf %get3A_643, %add3A_695 : vector<16xf32>
        %add3A_697 = arith.addf %add3A_614, %mul3A_696 : vector<16xf32>
        %add3A_698 = arith.addf %get3A_552, %mul3A_639 : vector<16xf32>
        %convert_element_type3A_699 = arith.fptosi %add3A_698 : vector<16xf32> to vector<16xi32>
        %convert_element_type3A_700 = arith.sitofp %convert_element_type3A_699 : vector<16xi32> to vector<16xf32>
        %sub3A_701 = arith.subf %add3A_698, %convert_element_type3A_700 : vector<16xf32>
        %gather3A_702 = arith.constant 26624 : i32
        %gather3A_703 = tpu.memref_slice %arg15[%gather3A_702] : memref<32768xf32, #tpu.memory_space<vmem>> -> memref<2048xf32, #tpu.memory_space<vmem>>
        %gather3A_704 = tpu.vector_load_idx %gather3A_703[%convert_element_type3A_699] : memref<2048xf32, #tpu.memory_space<vmem>>[vector<16xi32>], vector<16xf32>,
        %add3A_705 = arith.constant 1 : i32
        %add3A_706 = vector.broadcast %add3A_705 : i32 to vector<16xi32>
        %add3A_707 = arith.addi %convert_element_type3A_699, %add3A_706 : vector<16xi32>
        %gather3A_708 = arith.constant 26624 : i32
        %gather3A_709 = tpu.memref_slice %arg15[%gather3A_708] : memref<32768xf32, #tpu.memory_space<vmem>> -> memref<2048xf32, #tpu.memory_space<vmem>>
        %gather3A_710 = tpu.vector_load_idx %gather3A_709[%add3A_707] : memref<2048xf32, #tpu.memory_space<vmem>>[vector<16xi32>], vector<16xf32>,
        %sub3A_711 = arith.subf %gather3A_710, %gather3A_704 : vector<16xf32>
        %mul3A_712 = arith.mulf %sub3A_701, %sub3A_711 : vector<16xf32>
        %add3A_713 = arith.addf %gather3A_704, %mul3A_712 : vector<16xf32>
        %mul3A_714 = arith.mulf %get3A_643, %add3A_713 : vector<16xf32>
        %add3A_715 = arith.addf %add3A_632, %mul3A_714 : vector<16xf32>
        %get3A_716 = arith.constant 2 : i32
        %get3A_717 = arith.index_cast %get3A_716 : i32 to index
        %get3A_718 = arith.index_cast %mul3A_520 : i32 to index
        %get3A_719 = tpu.vector_load %arg11[%get3A_717, %get3A_718] {strides = array<i32>} : memref<4x2048xf32, #tpu.memory_space<vmem>>, vector<16xf32>,
        %mul3A_720 = arith.constant 12987.0127 : f32
        %mul3A_721 = vector.broadcast %mul3A_720 : f32 to vector<16xf32>
        %mul3A_722 = arith.mulf %get3A_719, %mul3A_721 : vector<16xf32>
        %get3A_723 = arith.constant 2 : i32
        %get3A_724 = arith.index_cast %get3A_723 : i32 to index
        %get3A_725 = arith.index_cast %mul3A_520 : i32 to index
        %get3A_726 = tpu.vector_load %arg13[%get3A_724, %get3A_725] {strides = array<i32>} : memref<4x2048xf32, #tpu.memory_space<vmem>>, vector<16xf32>,
        %add3A_727 = arith.addf %get3A_540, %mul3A_722 : vector<16xf32>
        %convert_element_type3A_728 = arith.fptosi %add3A_727 : vector<16xf32> to vector<16xi32>
        %convert_element_type3A_729 = arith.sitofp %convert_element_type3A_728 : vector<16xi32> to vector<16xf32>
        %sub3A_730 = arith.subf %add3A_727, %convert_element_type3A_729 : vector<16xf32>
        %gather3A_731 = arith.constant 4096 : i32
        %gather3A_732 = tpu.memref_slice %arg15[%gather3A_731] : memref<32768xf32, #tpu.memory_space<vmem>> -> memref<2048xf32, #tpu.memory_space<vmem>>
        %gather3A_733 = tpu.vector_load_idx %gather3A_732[%convert_element_type3A_728] : memref<2048xf32, #tpu.memory_space<vmem>>[vector<16xi32>], vector<16xf32>,
        %add3A_734 = arith.constant 1 : i32
        %add3A_735 = vector.broadcast %add3A_734 : i32 to vector<16xi32>
        %add3A_736 = arith.addi %convert_element_type3A_728, %add3A_735 : vector<16xi32>
        %gather3A_737 = arith.constant 4096 : i32
        %gather3A_738 = tpu.memref_slice %arg15[%gather3A_737] : memref<32768xf32, #tpu.memory_space<vmem>> -> memref<2048xf32, #tpu.memory_space<vmem>>
        %gather3A_739 = tpu.vector_load_idx %gather3A_738[%add3A_736] : memref<2048xf32, #tpu.memory_space<vmem>>[vector<16xi32>], vector<16xf32>,
        %sub3A_740 = arith.subf %gather3A_739, %gather3A_733 : vector<16xf32>
        %mul3A_741 = arith.mulf %sub3A_730, %sub3A_740 : vector<16xf32>
        %add3A_742 = arith.addf %gather3A_733, %mul3A_741 : vector<16xf32>
        %mul3A_743 = arith.mulf %get3A_726, %add3A_742 : vector<16xf32>
        %add3A_744 = arith.addf %add3A_661, %mul3A_743 : vector<16xf32>
        %add3A_745 = arith.addf %get3A_544, %mul3A_722 : vector<16xf32>
        %convert_element_type3A_746 = arith.fptosi %add3A_745 : vector<16xf32> to vector<16xi32>
        %convert_element_type3A_747 = arith.sitofp %convert_element_type3A_746 : vector<16xi32> to vector<16xf32>
        %sub3A_748 = arith.subf %add3A_745, %convert_element_type3A_747 : vector<16xf32>
        %gather3A_749 = arith.constant 12288 : i32
        %gather3A_750 = tpu.memref_slice %arg15[%gather3A_749] : memref<32768xf32, #tpu.memory_space<vmem>> -> memref<2048xf32, #tpu.memory_space<vmem>>
        %gather3A_751 = tpu.vector_load_idx %gather3A_750[%convert_element_type3A_746] : memref<2048xf32, #tpu.memory_space<vmem>>[vector<16xi32>], vector<16xf32>,
        %add3A_752 = arith.constant 1 : i32
        %add3A_753 = vector.broadcast %add3A_752 : i32 to vector<16xi32>
        %add3A_754 = arith.addi %convert_element_type3A_746, %add3A_753 : vector<16xi32>
        %gather3A_755 = arith.constant 12288 : i32
        %gather3A_756 = tpu.memref_slice %arg15[%gather3A_755] : memref<32768xf32, #tpu.memory_space<vmem>> -> memref<2048xf32, #tpu.memory_space<vmem>>
        %gather3A_757 = tpu.vector_load_idx %gather3A_756[%add3A_754] : memref<2048xf32, #tpu.memory_space<vmem>>[vector<16xi32>], vector<16xf32>,
        %sub3A_758 = arith.subf %gather3A_757, %gather3A_751 : vector<16xf32>
        %mul3A_759 = arith.mulf %sub3A_748, %sub3A_758 : vector<16xf32>
        %add3A_760 = arith.addf %gather3A_751, %mul3A_759 : vector<16xf32>
        %mul3A_761 = arith.mulf %get3A_726, %add3A_760 : vector<16xf32>
        %add3A_762 = arith.addf %add3A_679, %mul3A_761 : vector<16xf32>
        %add3A_763 = arith.addf %get3A_548, %mul3A_722 : vector<16xf32>
        %convert_element_type3A_764 = arith.fptosi %add3A_763 : vector<16xf32> to vector<16xi32>
        %convert_element_type3A_765 = arith.sitofp %convert_element_type3A_764 : vector<16xi32> to vector<16xf32>
        %sub3A_766 = arith.subf %add3A_763, %convert_element_type3A_765 : vector<16xf32>
        %gather3A_767 = arith.constant 20480 : i32
        %gather3A_768 = tpu.memref_slice %arg15[%gather3A_767] : memref<32768xf32, #tpu.memory_space<vmem>> -> memref<2048xf32, #tpu.memory_space<vmem>>
        %gather3A_769 = tpu.vector_load_idx %gather3A_768[%convert_element_type3A_764] : memref<2048xf32, #tpu.memory_space<vmem>>[vector<16xi32>], vector<16xf32>,
        %add3A_770 = arith.constant 1 : i32
        %add3A_771 = vector.broadcast %add3A_770 : i32 to vector<16xi32>
        %add3A_772 = arith.addi %convert_element_type3A_764, %add3A_771 : vector<16xi32>
        %gather3A_773 = arith.constant 20480 : i32
        %gather3A_774 = tpu.memref_slice %arg15[%gather3A_773] : memref<32768xf32, #tpu.memory_space<vmem>> -> memref<2048xf32, #tpu.memory_space<vmem>>
        %gather3A_775 = tpu.vector_load_idx %gather3A_774[%add3A_772] : memref<2048xf32, #tpu.memory_space<vmem>>[vector<16xi32>], vector<16xf32>,
        %sub3A_776 = arith.subf %gather3A_775, %gather3A_769 : vector<16xf32>
        %mul3A_777 = arith.mulf %sub3A_766, %sub3A_776 : vector<16xf32>
        %add3A_778 = arith.addf %gather3A_769, %mul3A_777 : vector<16xf32>
        %mul3A_779 = arith.mulf %get3A_726, %add3A_778 : vector<16xf32>
        %add3A_780 = arith.addf %add3A_697, %mul3A_779 : vector<16xf32>
        %add3A_781 = arith.addf %get3A_552, %mul3A_722 : vector<16xf32>
        %convert_element_type3A_782 = arith.fptosi %add3A_781 : vector<16xf32> to vector<16xi32>
        %convert_element_type3A_783 = arith.sitofp %convert_element_type3A_782 : vector<16xi32> to vector<16xf32>
        %sub3A_784 = arith.subf %add3A_781, %convert_element_type3A_783 : vector<16xf32>
        %gather3A_785 = arith.constant 28672 : i32
        %gather3A_786 = tpu.memref_slice %arg15[%gather3A_785] : memref<32768xf32, #tpu.memory_space<vmem>> -> memref<2048xf32, #tpu.memory_space<vmem>>
        %gather3A_787 = tpu.vector_load_idx %gather3A_786[%convert_element_type3A_782] : memref<2048xf32, #tpu.memory_space<vmem>>[vector<16xi32>], vector<16xf32>,
        %add3A_788 = arith.constant 1 : i32
        %add3A_789 = vector.broadcast %add3A_788 : i32 to vector<16xi32>
        %add3A_790 = arith.addi %convert_element_type3A_782, %add3A_789 : vector<16xi32>
        %gather3A_791 = arith.constant 28672 : i32
        %gather3A_792 = tpu.memref_slice %arg15[%gather3A_791] : memref<32768xf32, #tpu.memory_space<vmem>> -> memref<2048xf32, #tpu.memory_space<vmem>>
        %gather3A_793 = tpu.vector_load_idx %gather3A_792[%add3A_790] : memref<2048xf32, #tpu.memory_space<vmem>>[vector<16xi32>], vector<16xf32>,
        %sub3A_794 = arith.subf %gather3A_793, %gather3A_787 : vector<16xf32>
        %mul3A_795 = arith.mulf %sub3A_784, %sub3A_794 : vector<16xf32>
        %add3A_796 = arith.addf %gather3A_787, %mul3A_795 : vector<16xf32>
        %mul3A_797 = arith.mulf %get3A_726, %add3A_796 : vector<16xf32>
        %add3A_798 = arith.addf %add3A_715, %mul3A_797 : vector<16xf32>
        %get3A_799 = arith.constant 3 : i32
        %get3A_800 = arith.index_cast %get3A_799 : i32 to index
        %get3A_801 = arith.index_cast %mul3A_520 : i32 to index
        %get3A_802 = tpu.vector_load %arg11[%get3A_800, %get3A_801] {strides = array<i32>} : memref<4x2048xf32, #tpu.memory_space<vmem>>, vector<16xf32>,
        %mul3A_803 = arith.constant 12987.0127 : f32
        %mul3A_804 = vector.broadcast %mul3A_803 : f32 to vector<16xf32>
        %mul3A_805 = arith.mulf %get3A_802, %mul3A_804 : vector<16xf32>
        %get3A_806 = arith.constant 3 : i32
        %get3A_807 = arith.index_cast %get3A_806 : i32 to index
        %get3A_808 = arith.index_cast %mul3A_520 : i32 to index
        %get3A_809 = tpu.vector_load %arg13[%get3A_807, %get3A_808] {strides = array<i32>} : memref<4x2048xf32, #tpu.memory_space<vmem>>, vector<16xf32>,
        %add3A_810 = arith.addf %get3A_540, %mul3A_805 : vector<16xf32>
        %convert_element_type3A_811 = arith.fptosi %add3A_810 : vector<16xf32> to vector<16xi32>
        %convert_element_type3A_812 = arith.sitofp %convert_element_type3A_811 : vector<16xi32> to vector<16xf32>
        %sub3A_813 = arith.subf %add3A_810, %convert_element_type3A_812 : vector<16xf32>
        %gather3A_814 = arith.constant 6144 : i32
        %gather3A_815 = tpu.memref_slice %arg15[%gather3A_814] : memref<32768xf32, #tpu.memory_space<vmem>> -> memref<2048xf32, #tpu.memory_space<vmem>>
        %gather3A_816 = tpu.vector_load_idx %gather3A_815[%convert_element_type3A_811] : memref<2048xf32, #tpu.memory_space<vmem>>[vector<16xi32>], vector<16xf32>,
        %add3A_817 = arith.constant 1 : i32
        %add3A_818 = vector.broadcast %add3A_817 : i32 to vector<16xi32>
        %add3A_819 = arith.addi %convert_element_type3A_811, %add3A_818 : vector<16xi32>
        %gather3A_820 = arith.constant 6144 : i32
        %gather3A_821 = tpu.memref_slice %arg15[%gather3A_820] : memref<32768xf32, #tpu.memory_space<vmem>> -> memref<2048xf32, #tpu.memory_space<vmem>>
        %gather3A_822 = tpu.vector_load_idx %gather3A_821[%add3A_819] : memref<2048xf32, #tpu.memory_space<vmem>>[vector<16xi32>], vector<16xf32>,
        %sub3A_823 = arith.subf %gather3A_822, %gather3A_816 : vector<16xf32>
        %mul3A_824 = arith.mulf %sub3A_813, %sub3A_823 : vector<16xf32>
        %add3A_825 = arith.addf %gather3A_816, %mul3A_824 : vector<16xf32>
        %mul3A_826 = arith.mulf %get3A_809, %add3A_825 : vector<16xf32>
        %add3A_827 = arith.addf %add3A_744, %mul3A_826 : vector<16xf32>
        %add3A_828 = arith.addf %get3A_544, %mul3A_805 : vector<16xf32>
        %convert_element_type3A_829 = arith.fptosi %add3A_828 : vector<16xf32> to vector<16xi32>
        %convert_element_type3A_830 = arith.sitofp %convert_element_type3A_829 : vector<16xi32> to vector<16xf32>
        %sub3A_831 = arith.subf %add3A_828, %convert_element_type3A_830 : vector<16xf32>
        %gather3A_832 = arith.constant 14336 : i32
        %gather3A_833 = tpu.memref_slice %arg15[%gather3A_832] : memref<32768xf32, #tpu.memory_space<vmem>> -> memref<2048xf32, #tpu.memory_space<vmem>>
        %gather3A_834 = tpu.vector_load_idx %gather3A_833[%convert_element_type3A_829] : memref<2048xf32, #tpu.memory_space<vmem>>[vector<16xi32>], vector<16xf32>,
        %add3A_835 = arith.constant 1 : i32
        %add3A_836 = vector.broadcast %add3A_835 : i32 to vector<16xi32>
        %add3A_837 = arith.addi %convert_element_type3A_829, %add3A_836 : vector<16xi32>
        %gather3A_838 = arith.constant 14336 : i32
        %gather3A_839 = tpu.memref_slice %arg15[%gather3A_838] : memref<32768xf32, #tpu.memory_space<vmem>> -> memref<2048xf32, #tpu.memory_space<vmem>>
        %gather3A_840 = tpu.vector_load_idx %gather3A_839[%add3A_837] : memref<2048xf32, #tpu.memory_space<vmem>>[vector<16xi32>], vector<16xf32>,
        %sub3A_841 = arith.subf %gather3A_840, %gather3A_834 : vector<16xf32>
        %mul3A_842 = arith.mulf %sub3A_831, %sub3A_841 : vector<16xf32>
        %add3A_843 = arith.addf %gather3A_834, %mul3A_842 : vector<16xf32>
        %mul3A_844 = arith.mulf %get3A_809, %add3A_843 : vector<16xf32>
        %add3A_845 = arith.addf %add3A_762, %mul3A_844 : vector<16xf32>
        %add3A_846 = arith.addf %get3A_548, %mul3A_805 : vector<16xf32>
        %convert_element_type3A_847 = arith.fptosi %add3A_846 : vector<16xf32> to vector<16xi32>
        %convert_element_type3A_848 = arith.sitofp %convert_element_type3A_847 : vector<16xi32> to vector<16xf32>
        %sub3A_849 = arith.subf %add3A_846, %convert_element_type3A_848 : vector<16xf32>
        %gather3A_850 = arith.constant 22528 : i32
        %gather3A_851 = tpu.memref_slice %arg15[%gather3A_850] : memref<32768xf32, #tpu.memory_space<vmem>> -> memref<2048xf32, #tpu.memory_space<vmem>>
        %gather3A_852 = tpu.vector_load_idx %gather3A_851[%convert_element_type3A_847] : memref<2048xf32, #tpu.memory_space<vmem>>[vector<16xi32>], vector<16xf32>,
        %add3A_853 = arith.constant 1 : i32
        %add3A_854 = vector.broadcast %add3A_853 : i32 to vector<16xi32>
        %add3A_855 = arith.addi %convert_element_type3A_847, %add3A_854 : vector<16xi32>
        %gather3A_856 = arith.constant 22528 : i32
        %gather3A_857 = tpu.memref_slice %arg15[%gather3A_856] : memref<32768xf32, #tpu.memory_space<vmem>> -> memref<2048xf32, #tpu.memory_space<vmem>>
        %gather3A_858 = tpu.vector_load_idx %gather3A_857[%add3A_855] : memref<2048xf32, #tpu.memory_space<vmem>>[vector<16xi32>], vector<16xf32>,
        %sub3A_859 = arith.subf %gather3A_858, %gather3A_852 : vector<16xf32>
        %mul3A_860 = arith.mulf %sub3A_849, %sub3A_859 : vector<16xf32>
        %add3A_861 = arith.addf %gather3A_852, %mul3A_860 : vector<16xf32>
        %mul3A_862 = arith.mulf %get3A_809, %add3A_861 : vector<16xf32>
        %add3A_863 = arith.addf %add3A_780, %mul3A_862 : vector<16xf32>
        %add3A_864 = arith.addf %get3A_552, %mul3A_805 : vector<16xf32>
        %convert_element_type3A_865 = arith.fptosi %add3A_864 : vector<16xf32> to vector<16xi32>
        %convert_element_type3A_866 = arith.sitofp %convert_element_type3A_865 : vector<16xi32> to vector<16xf32>
        %sub3A_867 = arith.subf %add3A_864, %convert_element_type3A_866 : vector<16xf32>
        %gather3A_868 = arith.constant 30720 : i32
        %gather3A_869 = tpu.memref_slice %arg15[%gather3A_868] : memref<32768xf32, #tpu.memory_space<vmem>> -> memref<2048xf32, #tpu.memory_space<vmem>>
        %gather3A_870 = tpu.vector_load_idx %gather3A_869[%convert_element_type3A_865] : memref<2048xf32, #tpu.memory_space<vmem>>[vector<16xi32>], vector<16xf32>,
        %add3A_871 = arith.constant 1 : i32
        %add3A_872 = vector.broadcast %add3A_871 : i32 to vector<16xi32>
        %add3A_873 = arith.addi %convert_element_type3A_865, %add3A_872 : vector<16xi32>
        %gather3A_874 = arith.constant 30720 : i32
        %gather3A_875 = tpu.memref_slice %arg15[%gather3A_874] : memref<32768xf32, #tpu.memory_space<vmem>> -> memref<2048xf32, #tpu.memory_space<vmem>>
        %gather3A_876 = tpu.vector_load_idx %gather3A_875[%add3A_873] : memref<2048xf32, #tpu.memory_space<vmem>>[vector<16xi32>], vector<16xf32>,
        %sub3A_877 = arith.subf %gather3A_876, %gather3A_870 : vector<16xf32>
        %mul3A_878 = arith.mulf %sub3A_867, %sub3A_877 : vector<16xf32>
        %add3A_879 = arith.addf %gather3A_870, %mul3A_878 : vector<16xf32>
        %mul3A_880 = arith.mulf %get3A_809, %add3A_879 : vector<16xf32>
        %add3A_881 = arith.addf %add3A_798, %mul3A_880 : vector<16xf32>
        %swap3A = arith.constant 0 : i32
        %swap3A_882 = arith.index_cast %swap3A : i32 to index
        %swap3A_883 = arith.index_cast %mul3A_520 : i32 to index
        %swap3A_884 = tpu.vector_load %arg9[%swap3A_882, %swap3A_883] {strides = array<i32>} : memref<4x2048xf32, #tpu.memory_space<vmem>>, vector<16xf32>,
        tpu.vector_store %arg9[%swap3A_882, %swap3A_883], %add3A_827 {strides = array<i32>} : memref<4x2048xf32, #tpu.memory_space<vmem>>, vector<16xf32>,
        %swap3A_885 = arith.constant 1 : i32
        %swap3A_886 = arith.index_cast %swap3A_885 : i32 to index
        %swap3A_887 = arith.index_cast %mul3A_520 : i32 to index
        %swap3A_888 = tpu.vector_load %arg9[%swap3A_886, %swap3A_887] {strides = array<i32>} : memref<4x2048xf32, #tpu.memory_space<vmem>>, vector<16xf32>,
        tpu.vector_store %arg9[%swap3A_886, %swap3A_887], %add3A_845 {strides = array<i32>} : memref<4x2048xf32, #tpu.memory_space<vmem>>, vector<16xf32>,
        %swap3A_889 = arith.constant 2 : i32
        %swap3A_890 = arith.index_cast %swap3A_889 : i32 to index
        %swap3A_891 = arith.index_cast %mul3A_520 : i32 to index
        %swap3A_892 = tpu.vector_load %arg9[%swap3A_890, %swap3A_891] {strides = array<i32>} : memref<4x2048xf32, #tpu.memory_space<vmem>>, vector<16xf32>,
        tpu.vector_store %arg9[%swap3A_890, %swap3A_891], %add3A_863 {strides = array<i32>} : memref<4x2048xf32, #tpu.memory_space<vmem>>, vector<16xf32>,
        %swap3A_893 = arith.constant 3 : i32
        %swap3A_894 = arith.index_cast %swap3A_893 : i32 to index
        %swap3A_895 = arith.index_cast %mul3A_520 : i32 to index
        %swap3A_896 = tpu.vector_load %arg9[%swap3A_894, %swap3A_895] {strides = array<i32>} : memref<4x2048xf32, #tpu.memory_space<vmem>>, vector<16xf32>,
        tpu.vector_store %arg9[%swap3A_894, %swap3A_895], %add3A_881 {strides = array<i32>} : memref<4x2048xf32, #tpu.memory_space<vmem>>, vector<16xf32>,
      }
      %scan3A_517 = arith.constant 128 : i32
    }
    %scan3A_102 = arith.constant 15 : i32
    %add3A_103 = arith.constant 1 : i32
    %add3A_104 = arith.addi %mul3A_0, %add3A_103 : i32
    %add3A_105 = arith.constant 2 : i32
    %add3A_106 = arith.addi %mul3A_0, %add3A_105 : i32
    %add3A_107 = arith.constant 3 : i32
    %add3A_108 = arith.addi %mul3A_0, %add3A_107 : i32
    %dma_wait3A = arith.constant 0 : i32
    %dma_wait3A_109 = tpu.memref_slice %arg3[%dma_wait3A, %mul3A_2] : memref<128x32768xf32, #tpu.memory_space<hbm>> -> memref<4x2048xf32, #tpu.memory_space<hbm>>
    %dma_wait3A_110 = arith.constant 0 : i32
    %dma_wait3A_111 = tpu.memref_slice %arg3[%dma_wait3A_110, %mul3A_2] : memref<128x32768xf32, #tpu.memory_space<hbm>> -> memref<4x2048xf32, #tpu.memory_space<hbm>>
    tpu.wait_dma2 semaphore(%arg17 : memref<!tpu.dma_semaphore, #tpu.memory_space<semaphore_mem>>) src(%dma_wait3A_111 : memref<4x2048xf32, #tpu.memory_space<hbm>>) dst(%arg10 : memref<4x2048xf32, #tpu.memory_space<vmem>>)
    %dma_wait3A_112 = arith.constant 0 : i32
    %dma_wait3A_113 = tpu.memref_slice %arg4[%dma_wait3A_112, %mul3A_2] : memref<128x32768xf32, #tpu.memory_space<hbm>> -> memref<4x2048xf32, #tpu.memory_space<hbm>>
    %dma_wait3A_114 = arith.constant 0 : i32
    %dma_wait3A_115 = tpu.memref_slice %arg4[%dma_wait3A_114, %mul3A_2] : memref<128x32768xf32, #tpu.memory_space<hbm>> -> memref<4x2048xf32, #tpu.memory_space<hbm>>
    tpu.wait_dma2 semaphore(%arg19 : memref<!tpu.dma_semaphore, #tpu.memory_space<semaphore_mem>>) src(%dma_wait3A_115 : memref<4x2048xf32, #tpu.memory_space<hbm>>) dst(%arg12 : memref<4x2048xf32, #tpu.memory_space<vmem>>)
    %dma_wait3A_116 = arith.constant 0 : i32
    %dma_wait3A_117 = tpu.memref_slice %arg14[%dma_wait3A_116] : memref<32768xf32, #tpu.memory_space<vmem>> -> memref<8192xf32, #tpu.memory_space<vmem>>
    %dma_wait3A_118 = arith.constant 0 : i32
    %dma_wait3A_119 = tpu.memref_slice %arg5[%mul3A_0, %dma_wait3A_118] : memref<8x262144xf32, #tpu.memory_space<hbm>> -> memref<1x8192xf32, #tpu.memory_space<hbm>>
    %dma_wait3A_120 = tpu.memref_squeeze %dma_wait3A_119 : memref<1x8192xf32, #tpu.memory_space<hbm>> -> memref<8192xf32, #tpu.memory_space<hbm>>
    %dma_wait3A_121 = arith.constant 0 : i32
    %dma_wait3A_122 = tpu.memref_slice %arg14[%dma_wait3A_121] : memref<32768xf32, #tpu.memory_space<vmem>> -> memref<8192xf32, #tpu.memory_space<vmem>>
    %dma_wait3A_123 = arith.constant 0 : i32
    %dma_wait3A_124 = tpu.memref_slice %arg5[%mul3A_0, %dma_wait3A_123] : memref<8x262144xf32, #tpu.memory_space<hbm>> -> memref<1x8192xf32, #tpu.memory_space<hbm>>
    %dma_wait3A_125 = tpu.memref_squeeze %dma_wait3A_124 : memref<1x8192xf32, #tpu.memory_space<hbm>> -> memref<8192xf32, #tpu.memory_space<hbm>>
    tpu.wait_dma2 semaphore(%arg21 : memref<!tpu.dma_semaphore, #tpu.memory_space<semaphore_mem>>) src(%dma_wait3A_125 : memref<8192xf32, #tpu.memory_space<hbm>>) dst(%dma_wait3A_122 : memref<8192xf32, #tpu.memory_space<vmem>>)
    %dma_wait3A_126 = arith.constant 8192 : i32
    %dma_wait3A_127 = tpu.memref_slice %arg14[%dma_wait3A_126] : memref<32768xf32, #tpu.memory_space<vmem>> -> memref<8192xf32, #tpu.memory_space<vmem>>
    %dma_wait3A_128 = arith.constant 0 : i32
    %dma_wait3A_129 = tpu.memref_slice %arg5[%add3A_104, %dma_wait3A_128] : memref<8x262144xf32, #tpu.memory_space<hbm>> -> memref<1x8192xf32, #tpu.memory_space<hbm>>
    %dma_wait3A_130 = tpu.memref_squeeze %dma_wait3A_129 : memref<1x8192xf32, #tpu.memory_space<hbm>> -> memref<8192xf32, #tpu.memory_space<hbm>>
    %dma_wait3A_131 = arith.constant 8192 : i32
    %dma_wait3A_132 = tpu.memref_slice %arg14[%dma_wait3A_131] : memref<32768xf32, #tpu.memory_space<vmem>> -> memref<8192xf32, #tpu.memory_space<vmem>>
    %dma_wait3A_133 = arith.constant 0 : i32
    %dma_wait3A_134 = tpu.memref_slice %arg5[%add3A_104, %dma_wait3A_133] : memref<8x262144xf32, #tpu.memory_space<hbm>> -> memref<1x8192xf32, #tpu.memory_space<hbm>>
    %dma_wait3A_135 = tpu.memref_squeeze %dma_wait3A_134 : memref<1x8192xf32, #tpu.memory_space<hbm>> -> memref<8192xf32, #tpu.memory_space<hbm>>
    tpu.wait_dma2 semaphore(%arg21 : memref<!tpu.dma_semaphore, #tpu.memory_space<semaphore_mem>>) src(%dma_wait3A_135 : memref<8192xf32, #tpu.memory_space<hbm>>) dst(%dma_wait3A_132 : memref<8192xf32, #tpu.memory_space<vmem>>)
    %dma_wait3A_136 = arith.constant 16384 : i32
    %dma_wait3A_137 = tpu.memref_slice %arg14[%dma_wait3A_136] : memref<32768xf32, #tpu.memory_space<vmem>> -> memref<8192xf32, #tpu.memory_space<vmem>>
    %dma_wait3A_138 = arith.constant 0 : i32
    %dma_wait3A_139 = tpu.memref_slice %arg5[%add3A_106, %dma_wait3A_138] : memref<8x262144xf32, #tpu.memory_space<hbm>> -> memref<1x8192xf32, #tpu.memory_space<hbm>>
    %dma_wait3A_140 = tpu.memref_squeeze %dma_wait3A_139 : memref<1x8192xf32, #tpu.memory_space<hbm>> -> memref<8192xf32, #tpu.memory_space<hbm>>
    %dma_wait3A_141 = arith.constant 16384 : i32
    %dma_wait3A_142 = tpu.memref_slice %arg14[%dma_wait3A_141] : memref<32768xf32, #tpu.memory_space<vmem>> -> memref<8192xf32, #tpu.memory_space<vmem>>
    %dma_wait3A_143 = arith.constant 0 : i32
    %dma_wait3A_144 = tpu.memref_slice %arg5[%add3A_106, %dma_wait3A_143] : memref<8x262144xf32, #tpu.memory_space<hbm>> -> memref<1x8192xf32, #tpu.memory_space<hbm>>
    %dma_wait3A_145 = tpu.memref_squeeze %dma_wait3A_144 : memref<1x8192xf32, #tpu.memory_space<hbm>> -> memref<8192xf32, #tpu.memory_space<hbm>>
    tpu.wait_dma2 semaphore(%arg21 : memref<!tpu.dma_semaphore, #tpu.memory_space<semaphore_mem>>) src(%dma_wait3A_145 : memref<8192xf32, #tpu.memory_space<hbm>>) dst(%dma_wait3A_142 : memref<8192xf32, #tpu.memory_space<vmem>>)
    %dma_wait3A_146 = arith.constant 24576 : i32
    %dma_wait3A_147 = tpu.memref_slice %arg14[%dma_wait3A_146] : memref<32768xf32, #tpu.memory_space<vmem>> -> memref<8192xf32, #tpu.memory_space<vmem>>
    %dma_wait3A_148 = arith.constant 0 : i32
    %dma_wait3A_149 = tpu.memref_slice %arg5[%add3A_108, %dma_wait3A_148] : memref<8x262144xf32, #tpu.memory_space<hbm>> -> memref<1x8192xf32, #tpu.memory_space<hbm>>
    %dma_wait3A_150 = tpu.memref_squeeze %dma_wait3A_149 : memref<1x8192xf32, #tpu.memory_space<hbm>> -> memref<8192xf32, #tpu.memory_space<hbm>>
    %dma_wait3A_151 = arith.constant 24576 : i32
    %dma_wait3A_152 = tpu.memref_slice %arg14[%dma_wait3A_151] : memref<32768xf32, #tpu.memory_space<vmem>> -> memref<8192xf32, #tpu.memory_space<vmem>>
    %dma_wait3A_153 = arith.constant 0 : i32
    %dma_wait3A_154 = tpu.memref_slice %arg5[%add3A_108, %dma_wait3A_153] : memref<8x262144xf32, #tpu.memory_space<hbm>> -> memref<1x8192xf32, #tpu.memory_space<hbm>>
    %dma_wait3A_155 = tpu.memref_squeeze %dma_wait3A_154 : memref<1x8192xf32, #tpu.memory_space<hbm>> -> memref<8192xf32, #tpu.memory_space<hbm>>
    tpu.wait_dma2 semaphore(%arg21 : memref<!tpu.dma_semaphore, #tpu.memory_space<semaphore_mem>>) src(%dma_wait3A_155 : memref<8192xf32, #tpu.memory_space<hbm>>) dst(%dma_wait3A_152 : memref<8192xf32, #tpu.memory_space<vmem>>)
    %add3A_156 = arith.constant 1 : i32
    %add3A_157 = arith.addi %mul3A_0, %add3A_156 : i32
    %add3A_158 = arith.constant 2 : i32
    %add3A_159 = arith.addi %mul3A_0, %add3A_158 : i32
    %add3A_160 = arith.constant 3 : i32
    %add3A_161 = arith.addi %mul3A_0, %add3A_160 : i32
    %dma_start3A_162 = arith.constant 124 : i32
    %dma_start3A_163 = tpu.memref_slice %arg3[%dma_start3A_162, %mul3A_2] : memref<128x32768xf32, #tpu.memory_space<hbm>> -> memref<4x2048xf32, #tpu.memory_space<hbm>>
    %dma_start3A_164 = arith.constant 124 : i32
    %dma_start3A_165 = tpu.memref_slice %arg3[%dma_start3A_164, %mul3A_2] : memref<128x32768xf32, #tpu.memory_space<hbm>> -> memref<4x2048xf32, #tpu.memory_space<hbm>>
    tpu.enqueue_dma source(%dma_start3A_165 : memref<4x2048xf32, #tpu.memory_space<hbm>>) target(%arg11 : memref<4x2048xf32, #tpu.memory_space<vmem>>) target_semaphore(%arg18 : memref<!tpu.dma_semaphore, #tpu.memory_space<semaphore_mem>>)
    %dma_start3A_166 = arith.constant 124 : i32
    %dma_start3A_167 = tpu.memref_slice %arg4[%dma_start3A_166, %mul3A_2] : memref<128x32768xf32, #tpu.memory_space<hbm>> -> memref<4x2048xf32, #tpu.memory_space<hbm>>
    %dma_start3A_168 = arith.constant 124 : i32
    %dma_start3A_169 = tpu.memref_slice %arg4[%dma_start3A_168, %mul3A_2] : memref<128x32768xf32, #tpu.memory_space<hbm>> -> memref<4x2048xf32, #tpu.memory_space<hbm>>
    tpu.enqueue_dma source(%dma_start3A_169 : memref<4x2048xf32, #tpu.memory_space<hbm>>) target(%arg13 : memref<4x2048xf32, #tpu.memory_space<vmem>>) target_semaphore(%arg20 : memref<!tpu.dma_semaphore, #tpu.memory_space<semaphore_mem>>)
    %dma_start3A_170 = arith.constant 0 : i32
    %dma_start3A_171 = tpu.memref_slice %arg15[%dma_start3A_170] : memref<32768xf32, #tpu.memory_space<vmem>> -> memref<8192xf32, #tpu.memory_space<vmem>>
    %dma_start3A_172 = arith.constant 253952 : i32
    %dma_start3A_173 = tpu.memref_slice %arg5[%mul3A_0, %dma_start3A_172] : memref<8x262144xf32, #tpu.memory_space<hbm>> -> memref<1x8192xf32, #tpu.memory_space<hbm>>
    %dma_start3A_174 = tpu.memref_squeeze %dma_start3A_173 : memref<1x8192xf32, #tpu.memory_space<hbm>> -> memref<8192xf32, #tpu.memory_space<hbm>>
    %dma_start3A_175 = arith.constant 0 : i32
    %dma_start3A_176 = tpu.memref_slice %arg15[%dma_start3A_175] : memref<32768xf32, #tpu.memory_space<vmem>> -> memref<8192xf32, #tpu.memory_space<vmem>>
    %dma_start3A_177 = arith.constant 253952 : i32
    %dma_start3A_178 = tpu.memref_slice %arg5[%mul3A_0, %dma_start3A_177] : memref<8x262144xf32, #tpu.memory_space<hbm>> -> memref<1x8192xf32, #tpu.memory_space<hbm>>
    %dma_start3A_179 = tpu.memref_squeeze %dma_start3A_178 : memref<1x8192xf32, #tpu.memory_space<hbm>> -> memref<8192xf32, #tpu.memory_space<hbm>>
    tpu.enqueue_dma source(%dma_start3A_179 : memref<8192xf32, #tpu.memory_space<hbm>>) target(%dma_start3A_176 : memref<8192xf32, #tpu.memory_space<vmem>>) target_semaphore(%arg22 : memref<!tpu.dma_semaphore, #tpu.memory_space<semaphore_mem>>)
    %dma_start3A_180 = arith.constant 8192 : i32
    %dma_start3A_181 = tpu.memref_slice %arg15[%dma_start3A_180] : memref<32768xf32, #tpu.memory_space<vmem>> -> memref<8192xf32, #tpu.memory_space<vmem>>
    %dma_start3A_182 = arith.constant 253952 : i32
    %dma_start3A_183 = tpu.memref_slice %arg5[%add3A_157, %dma_start3A_182] : memref<8x262144xf32, #tpu.memory_space<hbm>> -> memref<1x8192xf32, #tpu.memory_space<hbm>>
    %dma_start3A_184 = tpu.memref_squeeze %dma_start3A_183 : memref<1x8192xf32, #tpu.memory_space<hbm>> -> memref<8192xf32, #tpu.memory_space<hbm>>
    %dma_start3A_185 = arith.constant 8192 : i32
    %dma_start3A_186 = tpu.memref_slice %arg15[%dma_start3A_185] : memref<32768xf32, #tpu.memory_space<vmem>> -> memref<8192xf32, #tpu.memory_space<vmem>>
    %dma_start3A_187 = arith.constant 253952 : i32
    %dma_start3A_188 = tpu.memref_slice %arg5[%add3A_157, %dma_start3A_187] : memref<8x262144xf32, #tpu.memory_space<hbm>> -> memref<1x8192xf32, #tpu.memory_space<hbm>>
    %dma_start3A_189 = tpu.memref_squeeze %dma_start3A_188 : memref<1x8192xf32, #tpu.memory_space<hbm>> -> memref<8192xf32, #tpu.memory_space<hbm>>
    tpu.enqueue_dma source(%dma_start3A_189 : memref<8192xf32, #tpu.memory_space<hbm>>) target(%dma_start3A_186 : memref<8192xf32, #tpu.memory_space<vmem>>) target_semaphore(%arg22 : memref<!tpu.dma_semaphore, #tpu.memory_space<semaphore_mem>>)
    %dma_start3A_190 = arith.constant 16384 : i32
    %dma_start3A_191 = tpu.memref_slice %arg15[%dma_start3A_190] : memref<32768xf32, #tpu.memory_space<vmem>> -> memref<8192xf32, #tpu.memory_space<vmem>>
    %dma_start3A_192 = arith.constant 253952 : i32
    %dma_start3A_193 = tpu.memref_slice %arg5[%add3A_159, %dma_start3A_192] : memref<8x262144xf32, #tpu.memory_space<hbm>> -> memref<1x8192xf32, #tpu.memory_space<hbm>>
    %dma_start3A_194 = tpu.memref_squeeze %dma_start3A_193 : memref<1x8192xf32, #tpu.memory_space<hbm>> -> memref<8192xf32, #tpu.memory_space<hbm>>
    %dma_start3A_195 = arith.constant 16384 : i32
    %dma_start3A_196 = tpu.memref_slice %arg15[%dma_start3A_195] : memref<32768xf32, #tpu.memory_space<vmem>> -> memref<8192xf32, #tpu.memory_space<vmem>>
    %dma_start3A_197 = arith.constant 253952 : i32
    %dma_start3A_198 = tpu.memref_slice %arg5[%add3A_159, %dma_start3A_197] : memref<8x262144xf32, #tpu.memory_space<hbm>> -> memref<1x8192xf32, #tpu.memory_space<hbm>>
    %dma_start3A_199 = tpu.memref_squeeze %dma_start3A_198 : memref<1x8192xf32, #tpu.memory_space<hbm>> -> memref<8192xf32, #tpu.memory_space<hbm>>
    tpu.enqueue_dma source(%dma_start3A_199 : memref<8192xf32, #tpu.memory_space<hbm>>) target(%dma_start3A_196 : memref<8192xf32, #tpu.memory_space<vmem>>) target_semaphore(%arg22 : memref<!tpu.dma_semaphore, #tpu.memory_space<semaphore_mem>>)
    %dma_start3A_200 = arith.constant 24576 : i32
    %dma_start3A_201 = tpu.memref_slice %arg15[%dma_start3A_200] : memref<32768xf32, #tpu.memory_space<vmem>> -> memref<8192xf32, #tpu.memory_space<vmem>>
    %dma_start3A_202 = arith.constant 253952 : i32
    %dma_start3A_203 = tpu.memref_slice %arg5[%add3A_161, %dma_start3A_202] : memref<8x262144xf32, #tpu.memory_space<hbm>> -> memref<1x8192xf32, #tpu.memory_space<hbm>>
    %dma_start3A_204 = tpu.memref_squeeze %dma_start3A_203 : memref<1x8192xf32, #tpu.memory_space<hbm>> -> memref<8192xf32, #tpu.memory_space<hbm>>
    %dma_start3A_205 = arith.constant 24576 : i32
    %dma_start3A_206 = tpu.memref_slice %arg15[%dma_start3A_205] : memref<32768xf32, #tpu.memory_space<vmem>> -> memref<8192xf32, #tpu.memory_space<vmem>>
    %dma_start3A_207 = arith.constant 253952 : i32
    %dma_start3A_208 = tpu.memref_slice %arg5[%add3A_161, %dma_start3A_207] : memref<8x262144xf32, #tpu.memory_space<hbm>> -> memref<1x8192xf32, #tpu.memory_space<hbm>>
    %dma_start3A_209 = tpu.memref_squeeze %dma_start3A_208 : memref<1x8192xf32, #tpu.memory_space<hbm>> -> memref<8192xf32, #tpu.memory_space<hbm>>
    tpu.enqueue_dma source(%dma_start3A_209 : memref<8192xf32, #tpu.memory_space<hbm>>) target(%dma_start3A_206 : memref<8192xf32, #tpu.memory_space<vmem>>) target_semaphore(%arg22 : memref<!tpu.dma_semaphore, #tpu.memory_space<semaphore_mem>>)
    %scan3A_210 = arith.constant 0 : i32
    %scan3A_211 = arith.constant 0 : i32
    %scan3A_212 = arith.constant 128 : i32
    %scan3A_213 = arith.addi %scan3A_211, %scan3A_212 : i32
    %scan3A_214 = arith.constant 1 : i32
    scf.for %scan3A_287 = %scan3A_211 to %scan3A_213 step %scan3A_214  : i32 {
      %mul3A_288 = arith.constant 16 : i32
      %mul3A_289 = arith.muli %scan3A_287, %mul3A_288 : i32
      %get3A_290 = arith.constant 0 : i32
      %get3A_291 = arith.index_cast %get3A_290 : i32 to index
      %get3A_292 = arith.index_cast %mul3A_289 : i32 to index
      %get3A_293 = tpu.vector_load %arg9[%get3A_291, %get3A_292] {strides = array<i32>} : memref<4x2048xf32, #tpu.memory_space<vmem>>, vector<16xf32>,
      %get3A_294 = arith.constant 1 : i32
      %get3A_295 = arith.index_cast %get3A_294 : i32 to index
      %get3A_296 = arith.index_cast %mul3A_289 : i32 to index
      %get3A_297 = tpu.vector_load %arg9[%get3A_295, %get3A_296] {strides = array<i32>} : memref<4x2048xf32, #tpu.memory_space<vmem>>, vector<16xf32>,
      %get3A_298 = arith.constant 2 : i32
      %get3A_299 = arith.index_cast %get3A_298 : i32 to index
      %get3A_300 = arith.index_cast %mul3A_289 : i32 to index
      %get3A_301 = tpu.vector_load %arg9[%get3A_299, %get3A_300] {strides = array<i32>} : memref<4x2048xf32, #tpu.memory_space<vmem>>, vector<16xf32>,
      %get3A_302 = arith.constant 3 : i32
      %get3A_303 = arith.index_cast %get3A_302 : i32 to index
      %get3A_304 = arith.index_cast %mul3A_289 : i32 to index
      %get3A_305 = tpu.vector_load %arg9[%get3A_303, %get3A_304] {strides = array<i32>} : memref<4x2048xf32, #tpu.memory_space<vmem>>, vector<16xf32>,
      %get3A_306 = arith.constant 0 : i32
      %get3A_307 = arith.index_cast %get3A_306 : i32 to index
      %get3A_308 = arith.index_cast %mul3A_289 : i32 to index
      %get3A_309 = tpu.vector_load %arg8[%get3A_307, %get3A_308] {strides = array<i32>} : memref<4x2048xf32, #tpu.memory_space<vmem>>, vector<16xf32>,
      %get3A_310 = arith.constant 1 : i32
      %get3A_311 = arith.index_cast %get3A_310 : i32 to index
      %get3A_312 = arith.index_cast %mul3A_289 : i32 to index
      %get3A_313 = tpu.vector_load %arg8[%get3A_311, %get3A_312] {strides = array<i32>} : memref<4x2048xf32, #tpu.memory_space<vmem>>, vector<16xf32>,
      %get3A_314 = arith.constant 2 : i32
      %get3A_315 = arith.index_cast %get3A_314 : i32 to index
      %get3A_316 = arith.index_cast %mul3A_289 : i32 to index
      %get3A_317 = tpu.vector_load %arg8[%get3A_315, %get3A_316] {strides = array<i32>} : memref<4x2048xf32, #tpu.memory_space<vmem>>, vector<16xf32>,
      %get3A_318 = arith.constant 3 : i32
      %get3A_319 = arith.index_cast %get3A_318 : i32 to index
      %get3A_320 = arith.index_cast %mul3A_289 : i32 to index
      %get3A_321 = tpu.vector_load %arg8[%get3A_319, %get3A_320] {strides = array<i32>} : memref<4x2048xf32, #tpu.memory_space<vmem>>, vector<16xf32>,
      %get3A_322 = arith.constant 0 : i32
      %get3A_323 = arith.index_cast %get3A_322 : i32 to index
      %get3A_324 = arith.index_cast %mul3A_289 : i32 to index
      %get3A_325 = tpu.vector_load %arg10[%get3A_323, %get3A_324] {strides = array<i32>} : memref<4x2048xf32, #tpu.memory_space<vmem>>, vector<16xf32>,
      %mul3A_326 = arith.constant 12987.0127 : f32
      %mul3A_327 = vector.broadcast %mul3A_326 : f32 to vector<16xf32>
      %mul3A_328 = arith.mulf %get3A_325, %mul3A_327 : vector<16xf32>
      %get3A_329 = arith.constant 0 : i32
      %get3A_330 = arith.index_cast %get3A_329 : i32 to index
      %get3A_331 = arith.index_cast %mul3A_289 : i32 to index
      %get3A_332 = tpu.vector_load %arg12[%get3A_330, %get3A_331] {strides = array<i32>} : memref<4x2048xf32, #tpu.memory_space<vmem>>, vector<16xf32>,
      %add3A_333 = arith.addf %get3A_309, %mul3A_328 : vector<16xf32>
      %convert_element_type3A = arith.fptosi %add3A_333 : vector<16xf32> to vector<16xi32>
      %convert_element_type3A_334 = arith.sitofp %convert_element_type3A : vector<16xi32> to vector<16xf32>
      %sub3A = arith.subf %add3A_333, %convert_element_type3A_334 : vector<16xf32>
      %gather3A = arith.constant 0 : i32
      %gather3A_335 = tpu.memref_slice %arg14[%gather3A] : memref<32768xf32, #tpu.memory_space<vmem>> -> memref<2048xf32, #tpu.memory_space<vmem>>
      %gather3A_336 = tpu.vector_load_idx %gather3A_335[%convert_element_type3A] : memref<2048xf32, #tpu.memory_space<vmem>>[vector<16xi32>], vector<16xf32>,
      %add3A_337 = arith.constant 1 : i32
      %add3A_338 = vector.broadcast %add3A_337 : i32 to vector<16xi32>
      %add3A_339 = arith.addi %convert_element_type3A, %add3A_338 : vector<16xi32>
      %gather3A_340 = arith.constant 0 : i32
      %gather3A_341 = tpu.memref_slice %arg14[%gather3A_340] : memref<32768xf32, #tpu.memory_space<vmem>> -> memref<2048xf32, #tpu.memory_space<vmem>>
      %gather3A_342 = tpu.vector_load_idx %gather3A_341[%add3A_339] : memref<2048xf32, #tpu.memory_space<vmem>>[vector<16xi32>], vector<16xf32>,
      %sub3A_343 = arith.subf %gather3A_342, %gather3A_336 : vector<16xf32>
      %mul3A_344 = arith.mulf %sub3A, %sub3A_343 : vector<16xf32>
      %add3A_345 = arith.addf %gather3A_336, %mul3A_344 : vector<16xf32>
      %mul3A_346 = arith.mulf %get3A_332, %add3A_345 : vector<16xf32>
      %add3A_347 = arith.addf %get3A_293, %mul3A_346 : vector<16xf32>
      %add3A_348 = arith.addf %get3A_313, %mul3A_328 : vector<16xf32>
      %convert_element_type3A_349 = arith.fptosi %add3A_348 : vector<16xf32> to vector<16xi32>
      %convert_element_type3A_350 = arith.sitofp %convert_element_type3A_349 : vector<16xi32> to vector<16xf32>
      %sub3A_351 = arith.subf %add3A_348, %convert_element_type3A_350 : vector<16xf32>
      %gather3A_352 = arith.constant 8192 : i32
      %gather3A_353 = tpu.memref_slice %arg14[%gather3A_352] : memref<32768xf32, #tpu.memory_space<vmem>> -> memref<2048xf32, #tpu.memory_space<vmem>>
      %gather3A_354 = tpu.vector_load_idx %gather3A_353[%convert_element_type3A_349] : memref<2048xf32, #tpu.memory_space<vmem>>[vector<16xi32>], vector<16xf32>,
      %add3A_355 = arith.constant 1 : i32
      %add3A_356 = vector.broadcast %add3A_355 : i32 to vector<16xi32>
      %add3A_357 = arith.addi %convert_element_type3A_349, %add3A_356 : vector<16xi32>
      %gather3A_358 = arith.constant 8192 : i32
      %gather3A_359 = tpu.memref_slice %arg14[%gather3A_358] : memref<32768xf32, #tpu.memory_space<vmem>> -> memref<2048xf32, #tpu.memory_space<vmem>>
      %gather3A_360 = tpu.vector_load_idx %gather3A_359[%add3A_357] : memref<2048xf32, #tpu.memory_space<vmem>>[vector<16xi32>], vector<16xf32>,
      %sub3A_361 = arith.subf %gather3A_360, %gather3A_354 : vector<16xf32>
      %mul3A_362 = arith.mulf %sub3A_351, %sub3A_361 : vector<16xf32>
      %add3A_363 = arith.addf %gather3A_354, %mul3A_362 : vector<16xf32>
      %mul3A_364 = arith.mulf %get3A_332, %add3A_363 : vector<16xf32>
      %add3A_365 = arith.addf %get3A_297, %mul3A_364 : vector<16xf32>
      %add3A_366 = arith.addf %get3A_317, %mul3A_328 : vector<16xf32>
      %convert_element_type3A_367 = arith.fptosi %add3A_366 : vector<16xf32> to vector<16xi32>
      %convert_element_type3A_368 = arith.sitofp %convert_element_type3A_367 : vector<16xi32> to vector<16xf32>
      %sub3A_369 = arith.subf %add3A_366, %convert_element_type3A_368 : vector<16xf32>
      %gather3A_370 = arith.constant 16384 : i32
      %gather3A_371 = tpu.memref_slice %arg14[%gather3A_370] : memref<32768xf32, #tpu.memory_space<vmem>> -> memref<2048xf32, #tpu.memory_space<vmem>>
      %gather3A_372 = tpu.vector_load_idx %gather3A_371[%convert_element_type3A_367] : memref<2048xf32, #tpu.memory_space<vmem>>[vector<16xi32>], vector<16xf32>,
      %add3A_373 = arith.constant 1 : i32
      %add3A_374 = vector.broadcast %add3A_373 : i32 to vector<16xi32>
      %add3A_375 = arith.addi %convert_element_type3A_367, %add3A_374 : vector<16xi32>
      %gather3A_376 = arith.constant 16384 : i32
      %gather3A_377 = tpu.memref_slice %arg14[%gather3A_376] : memref<32768xf32, #tpu.memory_space<vmem>> -> memref<2048xf32, #tpu.memory_space<vmem>>
      %gather3A_378 = tpu.vector_load_idx %gather3A_377[%add3A_375] : memref<2048xf32, #tpu.memory_space<vmem>>[vector<16xi32>], vector<16xf32>,
      %sub3A_379 = arith.subf %gather3A_378, %gather3A_372 : vector<16xf32>
      %mul3A_380 = arith.mulf %sub3A_369, %sub3A_379 : vector<16xf32>
      %add3A_381 = arith.addf %gather3A_372, %mul3A_380 : vector<16xf32>
      %mul3A_382 = arith.mulf %get3A_332, %add3A_381 : vector<16xf32>
      %add3A_383 = arith.addf %get3A_301, %mul3A_382 : vector<16xf32>
      %add3A_384 = arith.addf %get3A_321, %mul3A_328 : vector<16xf32>
      %convert_element_type3A_385 = arith.fptosi %add3A_384 : vector<16xf32> to vector<16xi32>
      %convert_element_type3A_386 = arith.sitofp %convert_element_type3A_385 : vector<16xi32> to vector<16xf32>
      %sub3A_387 = arith.subf %add3A_384, %convert_element_type3A_386 : vector<16xf32>
      %gather3A_388 = arith.constant 24576 : i32
      %gather3A_389 = tpu.memref_slice %arg14[%gather3A_388] : memref<32768xf32, #tpu.memory_space<vmem>> -> memref<2048xf32, #tpu.memory_space<vmem>>
      %gather3A_390 = tpu.vector_load_idx %gather3A_389[%convert_element_type3A_385] : memref<2048xf32, #tpu.memory_space<vmem>>[vector<16xi32>], vector<16xf32>,
      %add3A_391 = arith.constant 1 : i32
      %add3A_392 = vector.broadcast %add3A_391 : i32 to vector<16xi32>
      %add3A_393 = arith.addi %convert_element_type3A_385, %add3A_392 : vector<16xi32>
      %gather3A_394 = arith.constant 24576 : i32
      %gather3A_395 = tpu.memref_slice %arg14[%gather3A_394] : memref<32768xf32, #tpu.memory_space<vmem>> -> memref<2048xf32, #tpu.memory_space<vmem>>
      %gather3A_396 = tpu.vector_load_idx %gather3A_395[%add3A_393] : memref<2048xf32, #tpu.memory_space<vmem>>[vector<16xi32>], vector<16xf32>,
      %sub3A_397 = arith.subf %gather3A_396, %gather3A_390 : vector<16xf32>
      %mul3A_398 = arith.mulf %sub3A_387, %sub3A_397 : vector<16xf32>
      %add3A_399 = arith.addf %gather3A_390, %mul3A_398 : vector<16xf32>
      %mul3A_400 = arith.mulf %get3A_332, %add3A_399 : vector<16xf32>
      %add3A_401 = arith.addf %get3A_305, %mul3A_400 : vector<16xf32>
      %get3A_402 = arith.constant 1 : i32
      %get3A_403 = arith.index_cast %get3A_402 : i32 to index
      %get3A_404 = arith.index_cast %mul3A_289 : i32 to index
      %get3A_405 = tpu.vector_load %arg10[%get3A_403, %get3A_404] {strides = array<i32>} : memref<4x2048xf32, #tpu.memory_space<vmem>>, vector<16xf32>,
      %mul3A_406 = arith.constant 12987.0127 : f32
      %mul3A_407 = vector.broadcast %mul3A_406 : f32 to vector<16xf32>
      %mul3A_408 = arith.mulf %get3A_405, %mul3A_407 : vector<16xf32>
      %get3A_409 = arith.constant 1 : i32
      %get3A_410 = arith.index_cast %get3A_409 : i32 to index
      %get3A_411 = arith.index_cast %mul3A_289 : i32 to index
      %get3A_412 = tpu.vector_load %arg12[%get3A_410, %get3A_411] {strides = array<i32>} : memref<4x2048xf32, #tpu.memory_space<vmem>>, vector<16xf32>,
      %add3A_413 = arith.addf %get3A_309, %mul3A_408 : vector<16xf32>
      %convert_element_type3A_414 = arith.fptosi %add3A_413 : vector<16xf32> to vector<16xi32>
      %convert_element_type3A_415 = arith.sitofp %convert_element_type3A_414 : vector<16xi32> to vector<16xf32>
      %sub3A_416 = arith.subf %add3A_413, %convert_element_type3A_415 : vector<16xf32>
      %gather3A_417 = arith.constant 2048 : i32
      %gather3A_418 = tpu.memref_slice %arg14[%gather3A_417] : memref<32768xf32, #tpu.memory_space<vmem>> -> memref<2048xf32, #tpu.memory_space<vmem>>
      %gather3A_419 = tpu.vector_load_idx %gather3A_418[%convert_element_type3A_414] : memref<2048xf32, #tpu.memory_space<vmem>>[vector<16xi32>], vector<16xf32>,
      %add3A_420 = arith.constant 1 : i32
      %add3A_421 = vector.broadcast %add3A_420 : i32 to vector<16xi32>
      %add3A_422 = arith.addi %convert_element_type3A_414, %add3A_421 : vector<16xi32>
      %gather3A_423 = arith.constant 2048 : i32
      %gather3A_424 = tpu.memref_slice %arg14[%gather3A_423] : memref<32768xf32, #tpu.memory_space<vmem>> -> memref<2048xf32, #tpu.memory_space<vmem>>
      %gather3A_425 = tpu.vector_load_idx %gather3A_424[%add3A_422] : memref<2048xf32, #tpu.memory_space<vmem>>[vector<16xi32>], vector<16xf32>,
      %sub3A_426 = arith.subf %gather3A_425, %gather3A_419 : vector<16xf32>
      %mul3A_427 = arith.mulf %sub3A_416, %sub3A_426 : vector<16xf32>
      %add3A_428 = arith.addf %gather3A_419, %mul3A_427 : vector<16xf32>
      %mul3A_429 = arith.mulf %get3A_412, %add3A_428 : vector<16xf32>
      %add3A_430 = arith.addf %add3A_347, %mul3A_429 : vector<16xf32>
      %add3A_431 = arith.addf %get3A_313, %mul3A_408 : vector<16xf32>
      %convert_element_type3A_432 = arith.fptosi %add3A_431 : vector<16xf32> to vector<16xi32>
      %convert_element_type3A_433 = arith.sitofp %convert_element_type3A_432 : vector<16xi32> to vector<16xf32>
      %sub3A_434 = arith.subf %add3A_431, %convert_element_type3A_433 : vector<16xf32>
      %gather3A_435 = arith.constant 10240 : i32
      %gather3A_436 = tpu.memref_slice %arg14[%gather3A_435] : memref<32768xf32, #tpu.memory_space<vmem>> -> memref<2048xf32, #tpu.memory_space<vmem>>
      %gather3A_437 = tpu.vector_load_idx %gather3A_436[%convert_element_type3A_432] : memref<2048xf32, #tpu.memory_space<vmem>>[vector<16xi32>], vector<16xf32>,
      %add3A_438 = arith.constant 1 : i32
      %add3A_439 = vector.broadcast %add3A_438 : i32 to vector<16xi32>
      %add3A_440 = arith.addi %convert_element_type3A_432, %add3A_439 : vector<16xi32>
      %gather3A_441 = arith.constant 10240 : i32
      %gather3A_442 = tpu.memref_slice %arg14[%gather3A_441] : memref<32768xf32, #tpu.memory_space<vmem>> -> memref<2048xf32, #tpu.memory_space<vmem>>
      %gather3A_443 = tpu.vector_load_idx %gather3A_442[%add3A_440] : memref<2048xf32, #tpu.memory_space<vmem>>[vector<16xi32>], vector<16xf32>,
      %sub3A_444 = arith.subf %gather3A_443, %gather3A_437 : vector<16xf32>
      %mul3A_445 = arith.mulf %sub3A_434, %sub3A_444 : vector<16xf32>
      %add3A_446 = arith.addf %gather3A_437, %mul3A_445 : vector<16xf32>
      %mul3A_447 = arith.mulf %get3A_412, %add3A_446 : vector<16xf32>
      %add3A_448 = arith.addf %add3A_365, %mul3A_447 : vector<16xf32>
      %add3A_449 = arith.addf %get3A_317, %mul3A_408 : vector<16xf32>
      %convert_element_type3A_450 = arith.fptosi %add3A_449 : vector<16xf32> to vector<16xi32>
      %convert_element_type3A_451 = arith.sitofp %convert_element_type3A_450 : vector<16xi32> to vector<16xf32>
      %sub3A_452 = arith.subf %add3A_449, %convert_element_type3A_451 : vector<16xf32>
      %gather3A_453 = arith.constant 18432 : i32
      %gather3A_454 = tpu.memref_slice %arg14[%gather3A_453] : memref<32768xf32, #tpu.memory_space<vmem>> -> memref<2048xf32, #tpu.memory_space<vmem>>
      %gather3A_455 = tpu.vector_load_idx %gather3A_454[%convert_element_type3A_450] : memref<2048xf32, #tpu.memory_space<vmem>>[vector<16xi32>], vector<16xf32>,
      %add3A_456 = arith.constant 1 : i32
      %add3A_457 = vector.broadcast %add3A_456 : i32 to vector<16xi32>
      %add3A_458 = arith.addi %convert_element_type3A_450, %add3A_457 : vector<16xi32>
      %gather3A_459 = arith.constant 18432 : i32
      %gather3A_460 = tpu.memref_slice %arg14[%gather3A_459] : memref<32768xf32, #tpu.memory_space<vmem>> -> memref<2048xf32, #tpu.memory_space<vmem>>
      %gather3A_461 = tpu.vector_load_idx %gather3A_460[%add3A_458] : memref<2048xf32, #tpu.memory_space<vmem>>[vector<16xi32>], vector<16xf32>,
      %sub3A_462 = arith.subf %gather3A_461, %gather3A_455 : vector<16xf32>
      %mul3A_463 = arith.mulf %sub3A_452, %sub3A_462 : vector<16xf32>
      %add3A_464 = arith.addf %gather3A_455, %mul3A_463 : vector<16xf32>
      %mul3A_465 = arith.mulf %get3A_412, %add3A_464 : vector<16xf32>
      %add3A_466 = arith.addf %add3A_383, %mul3A_465 : vector<16xf32>
      %add3A_467 = arith.addf %get3A_321, %mul3A_408 : vector<16xf32>
      %convert_element_type3A_468 = arith.fptosi %add3A_467 : vector<16xf32> to vector<16xi32>
      %convert_element_type3A_469 = arith.sitofp %convert_element_type3A_468 : vector<16xi32> to vector<16xf32>
      %sub3A_470 = arith.subf %add3A_467, %convert_element_type3A_469 : vector<16xf32>
      %gather3A_471 = arith.constant 26624 : i32
      %gather3A_472 = tpu.memref_slice %arg14[%gather3A_471] : memref<32768xf32, #tpu.memory_space<vmem>> -> memref<2048xf32, #tpu.memory_space<vmem>>
      %gather3A_473 = tpu.vector_load_idx %gather3A_472[%convert_element_type3A_468] : memref<2048xf32, #tpu.memory_space<vmem>>[vector<16xi32>], vector<16xf32>,
      %add3A_474 = arith.constant 1 : i32
      %add3A_475 = vector.broadcast %add3A_474 : i32 to vector<16xi32>
      %add3A_476 = arith.addi %convert_element_type3A_468, %add3A_475 : vector<16xi32>
      %gather3A_477 = arith.constant 26624 : i32
      %gather3A_478 = tpu.memref_slice %arg14[%gather3A_477] : memref<32768xf32, #tpu.memory_space<vmem>> -> memref<2048xf32, #tpu.memory_space<vmem>>
      %gather3A_479 = tpu.vector_load_idx %gather3A_478[%add3A_476] : memref<2048xf32, #tpu.memory_space<vmem>>[vector<16xi32>], vector<16xf32>,
      %sub3A_480 = arith.subf %gather3A_479, %gather3A_473 : vector<16xf32>
      %mul3A_481 = arith.mulf %sub3A_470, %sub3A_480 : vector<16xf32>
      %add3A_482 = arith.addf %gather3A_473, %mul3A_481 : vector<16xf32>
      %mul3A_483 = arith.mulf %get3A_412, %add3A_482 : vector<16xf32>
      %add3A_484 = arith.addf %add3A_401, %mul3A_483 : vector<16xf32>
      %get3A_485 = arith.constant 2 : i32
      %get3A_486 = arith.index_cast %get3A_485 : i32 to index
      %get3A_487 = arith.index_cast %mul3A_289 : i32 to index
      %get3A_488 = tpu.vector_load %arg10[%get3A_486, %get3A_487] {strides = array<i32>} : memref<4x2048xf32, #tpu.memory_space<vmem>>, vector<16xf32>,
      %mul3A_489 = arith.constant 12987.0127 : f32
      %mul3A_490 = vector.broadcast %mul3A_489 : f32 to vector<16xf32>
      %mul3A_491 = arith.mulf %get3A_488, %mul3A_490 : vector<16xf32>
      %get3A_492 = arith.constant 2 : i32
      %get3A_493 = arith.index_cast %get3A_492 : i32 to index
      %get3A_494 = arith.index_cast %mul3A_289 : i32 to index
      %get3A_495 = tpu.vector_load %arg12[%get3A_493, %get3A_494] {strides = array<i32>} : memref<4x2048xf32, #tpu.memory_space<vmem>>, vector<16xf32>,
      %add3A_496 = arith.addf %get3A_309, %mul3A_491 : vector<16xf32>
      %convert_element_type3A_497 = arith.fptosi %add3A_496 : vector<16xf32> to vector<16xi32>
      %convert_element_type3A_498 = arith.sitofp %convert_element_type3A_497 : vector<16xi32> to vector<16xf32>
      %sub3A_499 = arith.subf %add3A_496, %convert_element_type3A_498 : vector<16xf32>
      %gather3A_500 = arith.constant 4096 : i32
      %gather3A_501 = tpu.memref_slice %arg14[%gather3A_500] : memref<32768xf32, #tpu.memory_space<vmem>> -> memref<2048xf32, #tpu.memory_space<vmem>>
      %gather3A_502 = tpu.vector_load_idx %gather3A_501[%convert_element_type3A_497] : memref<2048xf32, #tpu.memory_space<vmem>>[vector<16xi32>], vector<16xf32>,
      %add3A_503 = arith.constant 1 : i32
      %add3A_504 = vector.broadcast %add3A_503 : i32 to vector<16xi32>
      %add3A_505 = arith.addi %convert_element_type3A_497, %add3A_504 : vector<16xi32>
      %gather3A_506 = arith.constant 4096 : i32
      %gather3A_507 = tpu.memref_slice %arg14[%gather3A_506] : memref<32768xf32, #tpu.memory_space<vmem>> -> memref<2048xf32, #tpu.memory_space<vmem>>
      %gather3A_508 = tpu.vector_load_idx %gather3A_507[%add3A_505] : memref<2048xf32, #tpu.memory_space<vmem>>[vector<16xi32>], vector<16xf32>,
      %sub3A_509 = arith.subf %gather3A_508, %gather3A_502 : vector<16xf32>
      %mul3A_510 = arith.mulf %sub3A_499, %sub3A_509 : vector<16xf32>
      %add3A_511 = arith.addf %gather3A_502, %mul3A_510 : vector<16xf32>
      %mul3A_512 = arith.mulf %get3A_495, %add3A_511 : vector<16xf32>
      %add3A_513 = arith.addf %add3A_430, %mul3A_512 : vector<16xf32>
      %add3A_514 = arith.addf %get3A_313, %mul3A_491 : vector<16xf32>
      %convert_element_type3A_515 = arith.fptosi %add3A_514 : vector<16xf32> to vector<16xi32>
      %convert_element_type3A_516 = arith.sitofp %convert_element_type3A_515 : vector<16xi32> to vector<16xf32>
      %sub3A_517 = arith.subf %add3A_514, %convert_element_type3A_516 : vector<16xf32>
      %gather3A_518 = arith.constant 12288 : i32
      %gather3A_519 = tpu.memref_slice %arg14[%gather3A_518] : memref<32768xf32, #tpu.memory_space<vmem>> -> memref<2048xf32, #tpu.memory_space<vmem>>
      %gather3A_520 = tpu.vector_load_idx %gather3A_519[%convert_element_type3A_515] : memref<2048xf32, #tpu.memory_space<vmem>>[vector<16xi32>], vector<16xf32>,
      %add3A_521 = arith.constant 1 : i32
      %add3A_522 = vector.broadcast %add3A_521 : i32 to vector<16xi32>
      %add3A_523 = arith.addi %convert_element_type3A_515, %add3A_522 : vector<16xi32>
      %gather3A_524 = arith.constant 12288 : i32
      %gather3A_525 = tpu.memref_slice %arg14[%gather3A_524] : memref<32768xf32, #tpu.memory_space<vmem>> -> memref<2048xf32, #tpu.memory_space<vmem>>
      %gather3A_526 = tpu.vector_load_idx %gather3A_525[%add3A_523] : memref<2048xf32, #tpu.memory_space<vmem>>[vector<16xi32>], vector<16xf32>,
      %sub3A_527 = arith.subf %gather3A_526, %gather3A_520 : vector<16xf32>
      %mul3A_528 = arith.mulf %sub3A_517, %sub3A_527 : vector<16xf32>
      %add3A_529 = arith.addf %gather3A_520, %mul3A_528 : vector<16xf32>
      %mul3A_530 = arith.mulf %get3A_495, %add3A_529 : vector<16xf32>
      %add3A_531 = arith.addf %add3A_448, %mul3A_530 : vector<16xf32>
      %add3A_532 = arith.addf %get3A_317, %mul3A_491 : vector<16xf32>
      %convert_element_type3A_533 = arith.fptosi %add3A_532 : vector<16xf32> to vector<16xi32>
      %convert_element_type3A_534 = arith.sitofp %convert_element_type3A_533 : vector<16xi32> to vector<16xf32>
      %sub3A_535 = arith.subf %add3A_532, %convert_element_type3A_534 : vector<16xf32>
      %gather3A_536 = arith.constant 20480 : i32
      %gather3A_537 = tpu.memref_slice %arg14[%gather3A_536] : memref<32768xf32, #tpu.memory_space<vmem>> -> memref<2048xf32, #tpu.memory_space<vmem>>
      %gather3A_538 = tpu.vector_load_idx %gather3A_537[%convert_element_type3A_533] : memref<2048xf32, #tpu.memory_space<vmem>>[vector<16xi32>], vector<16xf32>,
      %add3A_539 = arith.constant 1 : i32
      %add3A_540 = vector.broadcast %add3A_539 : i32 to vector<16xi32>
      %add3A_541 = arith.addi %convert_element_type3A_533, %add3A_540 : vector<16xi32>
      %gather3A_542 = arith.constant 20480 : i32
      %gather3A_543 = tpu.memref_slice %arg14[%gather3A_542] : memref<32768xf32, #tpu.memory_space<vmem>> -> memref<2048xf32, #tpu.memory_space<vmem>>
      %gather3A_544 = tpu.vector_load_idx %gather3A_543[%add3A_541] : memref<2048xf32, #tpu.memory_space<vmem>>[vector<16xi32>], vector<16xf32>,
      %sub3A_545 = arith.subf %gather3A_544, %gather3A_538 : vector<16xf32>
      %mul3A_546 = arith.mulf %sub3A_535, %sub3A_545 : vector<16xf32>
      %add3A_547 = arith.addf %gather3A_538, %mul3A_546 : vector<16xf32>
      %mul3A_548 = arith.mulf %get3A_495, %add3A_547 : vector<16xf32>
      %add3A_549 = arith.addf %add3A_466, %mul3A_548 : vector<16xf32>
      %add3A_550 = arith.addf %get3A_321, %mul3A_491 : vector<16xf32>
      %convert_element_type3A_551 = arith.fptosi %add3A_550 : vector<16xf32> to vector<16xi32>
      %convert_element_type3A_552 = arith.sitofp %convert_element_type3A_551 : vector<16xi32> to vector<16xf32>
      %sub3A_553 = arith.subf %add3A_550, %convert_element_type3A_552 : vector<16xf32>
      %gather3A_554 = arith.constant 28672 : i32
      %gather3A_555 = tpu.memref_slice %arg14[%gather3A_554] : memref<32768xf32, #tpu.memory_space<vmem>> -> memref<2048xf32, #tpu.memory_space<vmem>>
      %gather3A_556 = tpu.vector_load_idx %gather3A_555[%convert_element_type3A_551] : memref<2048xf32, #tpu.memory_space<vmem>>[vector<16xi32>], vector<16xf32>,
      %add3A_557 = arith.constant 1 : i32
      %add3A_558 = vector.broadcast %add3A_557 : i32 to vector<16xi32>
      %add3A_559 = arith.addi %convert_element_type3A_551, %add3A_558 : vector<16xi32>
      %gather3A_560 = arith.constant 28672 : i32
      %gather3A_561 = tpu.memref_slice %arg14[%gather3A_560] : memref<32768xf32, #tpu.memory_space<vmem>> -> memref<2048xf32, #tpu.memory_space<vmem>>
      %gather3A_562 = tpu.vector_load_idx %gather3A_561[%add3A_559] : memref<2048xf32, #tpu.memory_space<vmem>>[vector<16xi32>], vector<16xf32>,
      %sub3A_563 = arith.subf %gather3A_562, %gather3A_556 : vector<16xf32>
      %mul3A_564 = arith.mulf %sub3A_553, %sub3A_563 : vector<16xf32>
      %add3A_565 = arith.addf %gather3A_556, %mul3A_564 : vector<16xf32>
      %mul3A_566 = arith.mulf %get3A_495, %add3A_565 : vector<16xf32>
      %add3A_567 = arith.addf %add3A_484, %mul3A_566 : vector<16xf32>
      %get3A_568 = arith.constant 3 : i32
      %get3A_569 = arith.index_cast %get3A_568 : i32 to index
      %get3A_570 = arith.index_cast %mul3A_289 : i32 to index
      %get3A_571 = tpu.vector_load %arg10[%get3A_569, %get3A_570] {strides = array<i32>} : memref<4x2048xf32, #tpu.memory_space<vmem>>, vector<16xf32>,
      %mul3A_572 = arith.constant 12987.0127 : f32
      %mul3A_573 = vector.broadcast %mul3A_572 : f32 to vector<16xf32>
      %mul3A_574 = arith.mulf %get3A_571, %mul3A_573 : vector<16xf32>
      %get3A_575 = arith.constant 3 : i32
      %get3A_576 = arith.index_cast %get3A_575 : i32 to index
      %get3A_577 = arith.index_cast %mul3A_289 : i32 to index
      %get3A_578 = tpu.vector_load %arg12[%get3A_576, %get3A_577] {strides = array<i32>} : memref<4x2048xf32, #tpu.memory_space<vmem>>, vector<16xf32>,
      %add3A_579 = arith.addf %get3A_309, %mul3A_574 : vector<16xf32>
      %convert_element_type3A_580 = arith.fptosi %add3A_579 : vector<16xf32> to vector<16xi32>
      %convert_element_type3A_581 = arith.sitofp %convert_element_type3A_580 : vector<16xi32> to vector<16xf32>
      %sub3A_582 = arith.subf %add3A_579, %convert_element_type3A_581 : vector<16xf32>
      %gather3A_583 = arith.constant 6144 : i32
      %gather3A_584 = tpu.memref_slice %arg14[%gather3A_583] : memref<32768xf32, #tpu.memory_space<vmem>> -> memref<2048xf32, #tpu.memory_space<vmem>>
      %gather3A_585 = tpu.vector_load_idx %gather3A_584[%convert_element_type3A_580] : memref<2048xf32, #tpu.memory_space<vmem>>[vector<16xi32>], vector<16xf32>,
      %add3A_586 = arith.constant 1 : i32
      %add3A_587 = vector.broadcast %add3A_586 : i32 to vector<16xi32>
      %add3A_588 = arith.addi %convert_element_type3A_580, %add3A_587 : vector<16xi32>
      %gather3A_589 = arith.constant 6144 : i32
      %gather3A_590 = tpu.memref_slice %arg14[%gather3A_589] : memref<32768xf32, #tpu.memory_space<vmem>> -> memref<2048xf32, #tpu.memory_space<vmem>>
      %gather3A_591 = tpu.vector_load_idx %gather3A_590[%add3A_588] : memref<2048xf32, #tpu.memory_space<vmem>>[vector<16xi32>], vector<16xf32>,
      %sub3A_592 = arith.subf %gather3A_591, %gather3A_585 : vector<16xf32>
      %mul3A_593 = arith.mulf %sub3A_582, %sub3A_592 : vector<16xf32>
      %add3A_594 = arith.addf %gather3A_585, %mul3A_593 : vector<16xf32>
      %mul3A_595 = arith.mulf %get3A_578, %add3A_594 : vector<16xf32>
      %add3A_596 = arith.addf %add3A_513, %mul3A_595 : vector<16xf32>
      %add3A_597 = arith.addf %get3A_313, %mul3A_574 : vector<16xf32>
      %convert_element_type3A_598 = arith.fptosi %add3A_597 : vector<16xf32> to vector<16xi32>
      %convert_element_type3A_599 = arith.sitofp %convert_element_type3A_598 : vector<16xi32> to vector<16xf32>
      %sub3A_600 = arith.subf %add3A_597, %convert_element_type3A_599 : vector<16xf32>
      %gather3A_601 = arith.constant 14336 : i32
      %gather3A_602 = tpu.memref_slice %arg14[%gather3A_601] : memref<32768xf32, #tpu.memory_space<vmem>> -> memref<2048xf32, #tpu.memory_space<vmem>>
      %gather3A_603 = tpu.vector_load_idx %gather3A_602[%convert_element_type3A_598] : memref<2048xf32, #tpu.memory_space<vmem>>[vector<16xi32>], vector<16xf32>,
      %add3A_604 = arith.constant 1 : i32
      %add3A_605 = vector.broadcast %add3A_604 : i32 to vector<16xi32>
      %add3A_606 = arith.addi %convert_element_type3A_598, %add3A_605 : vector<16xi32>
      %gather3A_607 = arith.constant 14336 : i32
      %gather3A_608 = tpu.memref_slice %arg14[%gather3A_607] : memref<32768xf32, #tpu.memory_space<vmem>> -> memref<2048xf32, #tpu.memory_space<vmem>>
      %gather3A_609 = tpu.vector_load_idx %gather3A_608[%add3A_606] : memref<2048xf32, #tpu.memory_space<vmem>>[vector<16xi32>], vector<16xf32>,
      %sub3A_610 = arith.subf %gather3A_609, %gather3A_603 : vector<16xf32>
      %mul3A_611 = arith.mulf %sub3A_600, %sub3A_610 : vector<16xf32>
      %add3A_612 = arith.addf %gather3A_603, %mul3A_611 : vector<16xf32>
      %mul3A_613 = arith.mulf %get3A_578, %add3A_612 : vector<16xf32>
      %add3A_614 = arith.addf %add3A_531, %mul3A_613 : vector<16xf32>
      %add3A_615 = arith.addf %get3A_317, %mul3A_574 : vector<16xf32>
      %convert_element_type3A_616 = arith.fptosi %add3A_615 : vector<16xf32> to vector<16xi32>
      %convert_element_type3A_617 = arith.sitofp %convert_element_type3A_616 : vector<16xi32> to vector<16xf32>
      %sub3A_618 = arith.subf %add3A_615, %convert_element_type3A_617 : vector<16xf32>
      %gather3A_619 = arith.constant 22528 : i32
      %gather3A_620 = tpu.memref_slice %arg14[%gather3A_619] : memref<32768xf32, #tpu.memory_space<vmem>> -> memref<2048xf32, #tpu.memory_space<vmem>>
      %gather3A_621 = tpu.vector_load_idx %gather3A_620[%convert_element_type3A_616] : memref<2048xf32, #tpu.memory_space<vmem>>[vector<16xi32>], vector<16xf32>,
      %add3A_622 = arith.constant 1 : i32
      %add3A_623 = vector.broadcast %add3A_622 : i32 to vector<16xi32>
      %add3A_624 = arith.addi %convert_element_type3A_616, %add3A_623 : vector<16xi32>
      %gather3A_625 = arith.constant 22528 : i32
      %gather3A_626 = tpu.memref_slice %arg14[%gather3A_625] : memref<32768xf32, #tpu.memory_space<vmem>> -> memref<2048xf32, #tpu.memory_space<vmem>>
      %gather3A_627 = tpu.vector_load_idx %gather3A_626[%add3A_624] : memref<2048xf32, #tpu.memory_space<vmem>>[vector<16xi32>], vector<16xf32>,
      %sub3A_628 = arith.subf %gather3A_627, %gather3A_621 : vector<16xf32>
      %mul3A_629 = arith.mulf %sub3A_618, %sub3A_628 : vector<16xf32>
      %add3A_630 = arith.addf %gather3A_621, %mul3A_629 : vector<16xf32>
      %mul3A_631 = arith.mulf %get3A_578, %add3A_630 : vector<16xf32>
      %add3A_632 = arith.addf %add3A_549, %mul3A_631 : vector<16xf32>
      %add3A_633 = arith.addf %get3A_321, %mul3A_574 : vector<16xf32>
      %convert_element_type3A_634 = arith.fptosi %add3A_633 : vector<16xf32> to vector<16xi32>
      %convert_element_type3A_635 = arith.sitofp %convert_element_type3A_634 : vector<16xi32> to vector<16xf32>
      %sub3A_636 = arith.subf %add3A_633, %convert_element_type3A_635 : vector<16xf32>
      %gather3A_637 = arith.constant 30720 : i32
      %gather3A_638 = tpu.memref_slice %arg14[%gather3A_637] : memref<32768xf32, #tpu.memory_space<vmem>> -> memref<2048xf32, #tpu.memory_space<vmem>>
      %gather3A_639 = tpu.vector_load_idx %gather3A_638[%convert_element_type3A_634] : memref<2048xf32, #tpu.memory_space<vmem>>[vector<16xi32>], vector<16xf32>,
      %add3A_640 = arith.constant 1 : i32
      %add3A_641 = vector.broadcast %add3A_640 : i32 to vector<16xi32>
      %add3A_642 = arith.addi %convert_element_type3A_634, %add3A_641 : vector<16xi32>
      %gather3A_643 = arith.constant 30720 : i32
      %gather3A_644 = tpu.memref_slice %arg14[%gather3A_643] : memref<32768xf32, #tpu.memory_space<vmem>> -> memref<2048xf32, #tpu.memory_space<vmem>>
      %gather3A_645 = tpu.vector_load_idx %gather3A_644[%add3A_642] : memref<2048xf32, #tpu.memory_space<vmem>>[vector<16xi32>], vector<16xf32>,
      %sub3A_646 = arith.subf %gather3A_645, %gather3A_639 : vector<16xf32>
      %mul3A_647 = arith.mulf %sub3A_636, %sub3A_646 : vector<16xf32>
      %add3A_648 = arith.addf %gather3A_639, %mul3A_647 : vector<16xf32>
      %mul3A_649 = arith.mulf %get3A_578, %add3A_648 : vector<16xf32>
      %add3A_650 = arith.addf %add3A_567, %mul3A_649 : vector<16xf32>
      %swap3A = arith.constant 0 : i32
      %swap3A_651 = arith.index_cast %swap3A : i32 to index
      %swap3A_652 = arith.index_cast %mul3A_289 : i32 to index
      %swap3A_653 = tpu.vector_load %arg9[%swap3A_651, %swap3A_652] {strides = array<i32>} : memref<4x2048xf32, #tpu.memory_space<vmem>>, vector<16xf32>,
      tpu.vector_store %arg9[%swap3A_651, %swap3A_652], %add3A_596 {strides = array<i32>} : memref<4x2048xf32, #tpu.memory_space<vmem>>, vector<16xf32>,
      %swap3A_654 = arith.constant 1 : i32
      %swap3A_655 = arith.index_cast %swap3A_654 : i32 to index
      %swap3A_656 = arith.index_cast %mul3A_289 : i32 to index
      %swap3A_657 = tpu.vector_load %arg9[%swap3A_655, %swap3A_656] {strides = array<i32>} : memref<4x2048xf32, #tpu.memory_space<vmem>>, vector<16xf32>,
      tpu.vector_store %arg9[%swap3A_655, %swap3A_656], %add3A_614 {strides = array<i32>} : memref<4x2048xf32, #tpu.memory_space<vmem>>, vector<16xf32>,
      %swap3A_658 = arith.constant 2 : i32
      %swap3A_659 = arith.index_cast %swap3A_658 : i32 to index
      %swap3A_660 = arith.index_cast %mul3A_289 : i32 to index
      %swap3A_661 = tpu.vector_load %arg9[%swap3A_659, %swap3A_660] {strides = array<i32>} : memref<4x2048xf32, #tpu.memory_space<vmem>>, vector<16xf32>,
      tpu.vector_store %arg9[%swap3A_659, %swap3A_660], %add3A_632 {strides = array<i32>} : memref<4x2048xf32, #tpu.memory_space<vmem>>, vector<16xf32>,
      %swap3A_662 = arith.constant 3 : i32
      %swap3A_663 = arith.index_cast %swap3A_662 : i32 to index
      %swap3A_664 = arith.index_cast %mul3A_289 : i32 to index
      %swap3A_665 = tpu.vector_load %arg9[%swap3A_663, %swap3A_664] {strides = array<i32>} : memref<4x2048xf32, #tpu.memory_space<vmem>>, vector<16xf32>,
      tpu.vector_store %arg9[%swap3A_663, %swap3A_664], %add3A_650 {strides = array<i32>} : memref<4x2048xf32, #tpu.memory_space<vmem>>, vector<16xf32>,
    }
    %scan3A_215 = arith.constant 128 : i32
    %add3A_216 = arith.constant 1 : i32
    %add3A_217 = arith.addi %mul3A_0, %add3A_216 : i32
    %add3A_218 = arith.constant 2 : i32
    %add3A_219 = arith.addi %mul3A_0, %add3A_218 : i32
    %add3A_220 = arith.constant 3 : i32
    %add3A_221 = arith.addi %mul3A_0, %add3A_220 : i32
    %dma_wait3A_222 = arith.constant 0 : i32
    %dma_wait3A_223 = tpu.memref_slice %arg3[%dma_wait3A_222, %mul3A_2] : memref<128x32768xf32, #tpu.memory_space<hbm>> -> memref<4x2048xf32, #tpu.memory_space<hbm>>
    %dma_wait3A_224 = arith.constant 0 : i32
    %dma_wait3A_225 = tpu.memref_slice %arg3[%dma_wait3A_224, %mul3A_2] : memref<128x32768xf32, #tpu.memory_space<hbm>> -> memref<4x2048xf32, #tpu.memory_space<hbm>>
    tpu.wait_dma2 semaphore(%arg18 : memref<!tpu.dma_semaphore, #tpu.memory_space<semaphore_mem>>) src(%dma_wait3A_225 : memref<4x2048xf32, #tpu.memory_space<hbm>>) dst(%arg11 : memref<4x2048xf32, #tpu.memory_space<vmem>>)
    %dma_wait3A_226 = arith.constant 0 : i32
    %dma_wait3A_227 = tpu.memref_slice %arg4[%dma_wait3A_226, %mul3A_2] : memref<128x32768xf32, #tpu.memory_space<hbm>> -> memref<4x2048xf32, #tpu.memory_space<hbm>>
    %dma_wait3A_228 = arith.constant 0 : i32
    %dma_wait3A_229 = tpu.memref_slice %arg4[%dma_wait3A_228, %mul3A_2] : memref<128x32768xf32, #tpu.memory_space<hbm>> -> memref<4x2048xf32, #tpu.memory_space<hbm>>
    tpu.wait_dma2 semaphore(%arg20 : memref<!tpu.dma_semaphore, #tpu.memory_space<semaphore_mem>>) src(%dma_wait3A_229 : memref<4x2048xf32, #tpu.memory_space<hbm>>) dst(%arg13 : memref<4x2048xf32, #tpu.memory_space<vmem>>)
    %dma_wait3A_230 = arith.constant 0 : i32
    %dma_wait3A_231 = tpu.memref_slice %arg15[%dma_wait3A_230] : memref<32768xf32, #tpu.memory_space<vmem>> -> memref<8192xf32, #tpu.memory_space<vmem>>
    %dma_wait3A_232 = arith.constant 0 : i32
    %dma_wait3A_233 = tpu.memref_slice %arg5[%mul3A_0, %dma_wait3A_232] : memref<8x262144xf32, #tpu.memory_space<hbm>> -> memref<1x8192xf32, #tpu.memory_space<hbm>>
    %dma_wait3A_234 = tpu.memref_squeeze %dma_wait3A_233 : memref<1x8192xf32, #tpu.memory_space<hbm>> -> memref<8192xf32, #tpu.memory_space<hbm>>
    %dma_wait3A_235 = arith.constant 0 : i32
    %dma_wait3A_236 = tpu.memref_slice %arg15[%dma_wait3A_235] : memref<32768xf32, #tpu.memory_space<vmem>> -> memref<8192xf32, #tpu.memory_space<vmem>>
    %dma_wait3A_237 = arith.constant 0 : i32
    %dma_wait3A_238 = tpu.memref_slice %arg5[%mul3A_0, %dma_wait3A_237] : memref<8x262144xf32, #tpu.memory_space<hbm>> -> memref<1x8192xf32, #tpu.memory_space<hbm>>
    %dma_wait3A_239 = tpu.memref_squeeze %dma_wait3A_238 : memref<1x8192xf32, #tpu.memory_space<hbm>> -> memref<8192xf32, #tpu.memory_space<hbm>>
    tpu.wait_dma2 semaphore(%arg22 : memref<!tpu.dma_semaphore, #tpu.memory_space<semaphore_mem>>) src(%dma_wait3A_239 : memref<8192xf32, #tpu.memory_space<hbm>>) dst(%dma_wait3A_236 : memref<8192xf32, #tpu.memory_space<vmem>>)
    %dma_wait3A_240 = arith.constant 8192 : i32
    %dma_wait3A_241 = tpu.memref_slice %arg15[%dma_wait3A_240] : memref<32768xf32, #tpu.memory_space<vmem>> -> memref<8192xf32, #tpu.memory_space<vmem>>
    %dma_wait3A_242 = arith.constant 0 : i32
    %dma_wait3A_243 = tpu.memref_slice %arg5[%add3A_217, %dma_wait3A_242] : memref<8x262144xf32, #tpu.memory_space<hbm>> -> memref<1x8192xf32, #tpu.memory_space<hbm>>
    %dma_wait3A_244 = tpu.memref_squeeze %dma_wait3A_243 : memref<1x8192xf32, #tpu.memory_space<hbm>> -> memref<8192xf32, #tpu.memory_space<hbm>>
    %dma_wait3A_245 = arith.constant 8192 : i32
    %dma_wait3A_246 = tpu.memref_slice %arg15[%dma_wait3A_245] : memref<32768xf32, #tpu.memory_space<vmem>> -> memref<8192xf32, #tpu.memory_space<vmem>>
    %dma_wait3A_247 = arith.constant 0 : i32
    %dma_wait3A_248 = tpu.memref_slice %arg5[%add3A_217, %dma_wait3A_247] : memref<8x262144xf32, #tpu.memory_space<hbm>> -> memref<1x8192xf32, #tpu.memory_space<hbm>>
    %dma_wait3A_249 = tpu.memref_squeeze %dma_wait3A_248 : memref<1x8192xf32, #tpu.memory_space<hbm>> -> memref<8192xf32, #tpu.memory_space<hbm>>
    tpu.wait_dma2 semaphore(%arg22 : memref<!tpu.dma_semaphore, #tpu.memory_space<semaphore_mem>>) src(%dma_wait3A_249 : memref<8192xf32, #tpu.memory_space<hbm>>) dst(%dma_wait3A_246 : memref<8192xf32, #tpu.memory_space<vmem>>)
    %dma_wait3A_250 = arith.constant 16384 : i32
    %dma_wait3A_251 = tpu.memref_slice %arg15[%dma_wait3A_250] : memref<32768xf32, #tpu.memory_space<vmem>> -> memref<8192xf32, #tpu.memory_space<vmem>>
    %dma_wait3A_252 = arith.constant 0 : i32
    %dma_wait3A_253 = tpu.memref_slice %arg5[%add3A_219, %dma_wait3A_252] : memref<8x262144xf32, #tpu.memory_space<hbm>> -> memref<1x8192xf32, #tpu.memory_space<hbm>>
    %dma_wait3A_254 = tpu.memref_squeeze %dma_wait3A_253 : memref<1x8192xf32, #tpu.memory_space<hbm>> -> memref<8192xf32, #tpu.memory_space<hbm>>
    %dma_wait3A_255 = arith.constant 16384 : i32
    %dma_wait3A_256 = tpu.memref_slice %arg15[%dma_wait3A_255] : memref<32768xf32, #tpu.memory_space<vmem>> -> memref<8192xf32, #tpu.memory_space<vmem>>
    %dma_wait3A_257 = arith.constant 0 : i32
    %dma_wait3A_258 = tpu.memref_slice %arg5[%add3A_219, %dma_wait3A_257] : memref<8x262144xf32, #tpu.memory_space<hbm>> -> memref<1x8192xf32, #tpu.memory_space<hbm>>
    %dma_wait3A_259 = tpu.memref_squeeze %dma_wait3A_258 : memref<1x8192xf32, #tpu.memory_space<hbm>> -> memref<8192xf32, #tpu.memory_space<hbm>>
    tpu.wait_dma2 semaphore(%arg22 : memref<!tpu.dma_semaphore, #tpu.memory_space<semaphore_mem>>) src(%dma_wait3A_259 : memref<8192xf32, #tpu.memory_space<hbm>>) dst(%dma_wait3A_256 : memref<8192xf32, #tpu.memory_space<vmem>>)
    %dma_wait3A_260 = arith.constant 24576 : i32
    %dma_wait3A_261 = tpu.memref_slice %arg15[%dma_wait3A_260] : memref<32768xf32, #tpu.memory_space<vmem>> -> memref<8192xf32, #tpu.memory_space<vmem>>
    %dma_wait3A_262 = arith.constant 0 : i32
    %dma_wait3A_263 = tpu.memref_slice %arg5[%add3A_221, %dma_wait3A_262] : memref<8x262144xf32, #tpu.memory_space<hbm>> -> memref<1x8192xf32, #tpu.memory_space<hbm>>
    %dma_wait3A_264 = tpu.memref_squeeze %dma_wait3A_263 : memref<1x8192xf32, #tpu.memory_space<hbm>> -> memref<8192xf32, #tpu.memory_space<hbm>>
    %dma_wait3A_265 = arith.constant 24576 : i32
    %dma_wait3A_266 = tpu.memref_slice %arg15[%dma_wait3A_265] : memref<32768xf32, #tpu.memory_space<vmem>> -> memref<8192xf32, #tpu.memory_space<vmem>>
    %dma_wait3A_267 = arith.constant 0 : i32
    %dma_wait3A_268 = tpu.memref_slice %arg5[%add3A_221, %dma_wait3A_267] : memref<8x262144xf32, #tpu.memory_space<hbm>> -> memref<1x8192xf32, #tpu.memory_space<hbm>>
    %dma_wait3A_269 = tpu.memref_squeeze %dma_wait3A_268 : memref<1x8192xf32, #tpu.memory_space<hbm>> -> memref<8192xf32, #tpu.memory_space<hbm>>
    tpu.wait_dma2 semaphore(%arg22 : memref<!tpu.dma_semaphore, #tpu.memory_space<semaphore_mem>>) src(%dma_wait3A_269 : memref<8192xf32, #tpu.memory_space<hbm>>) dst(%dma_wait3A_266 : memref<8192xf32, #tpu.memory_space<vmem>>)
    %scan3A_270 = arith.constant 0 : i32
    %scan3A_271 = arith.constant 0 : i32
    %scan3A_272 = arith.constant 128 : i32
    %scan3A_273 = arith.addi %scan3A_271, %scan3A_272 : i32
    %scan3A_274 = arith.constant 1 : i32
    scf.for %scan3A_287 = %scan3A_271 to %scan3A_273 step %scan3A_274  : i32 {
      %mul3A_288 = arith.constant 16 : i32
      %mul3A_289 = arith.muli %scan3A_287, %mul3A_288 : i32
      %get3A_290 = arith.constant 0 : i32
      %get3A_291 = arith.index_cast %get3A_290 : i32 to index
      %get3A_292 = arith.index_cast %mul3A_289 : i32 to index
      %get3A_293 = tpu.vector_load %arg9[%get3A_291, %get3A_292] {strides = array<i32>} : memref<4x2048xf32, #tpu.memory_space<vmem>>, vector<16xf32>,
      %get3A_294 = arith.constant 1 : i32
      %get3A_295 = arith.index_cast %get3A_294 : i32 to index
      %get3A_296 = arith.index_cast %mul3A_289 : i32 to index
      %get3A_297 = tpu.vector_load %arg9[%get3A_295, %get3A_296] {strides = array<i32>} : memref<4x2048xf32, #tpu.memory_space<vmem>>, vector<16xf32>,
      %get3A_298 = arith.constant 2 : i32
      %get3A_299 = arith.index_cast %get3A_298 : i32 to index
      %get3A_300 = arith.index_cast %mul3A_289 : i32 to index
      %get3A_301 = tpu.vector_load %arg9[%get3A_299, %get3A_300] {strides = array<i32>} : memref<4x2048xf32, #tpu.memory_space<vmem>>, vector<16xf32>,
      %get3A_302 = arith.constant 3 : i32
      %get3A_303 = arith.index_cast %get3A_302 : i32 to index
      %get3A_304 = arith.index_cast %mul3A_289 : i32 to index
      %get3A_305 = tpu.vector_load %arg9[%get3A_303, %get3A_304] {strides = array<i32>} : memref<4x2048xf32, #tpu.memory_space<vmem>>, vector<16xf32>,
      %get3A_306 = arith.constant 0 : i32
      %get3A_307 = arith.index_cast %get3A_306 : i32 to index
      %get3A_308 = arith.index_cast %mul3A_289 : i32 to index
      %get3A_309 = tpu.vector_load %arg8[%get3A_307, %get3A_308] {strides = array<i32>} : memref<4x2048xf32, #tpu.memory_space<vmem>>, vector<16xf32>,
      %get3A_310 = arith.constant 1 : i32
      %get3A_311 = arith.index_cast %get3A_310 : i32 to index
      %get3A_312 = arith.index_cast %mul3A_289 : i32 to index
      %get3A_313 = tpu.vector_load %arg8[%get3A_311, %get3A_312] {strides = array<i32>} : memref<4x2048xf32, #tpu.memory_space<vmem>>, vector<16xf32>,
      %get3A_314 = arith.constant 2 : i32
      %get3A_315 = arith.index_cast %get3A_314 : i32 to index
      %get3A_316 = arith.index_cast %mul3A_289 : i32 to index
      %get3A_317 = tpu.vector_load %arg8[%get3A_315, %get3A_316] {strides = array<i32>} : memref<4x2048xf32, #tpu.memory_space<vmem>>, vector<16xf32>,
      %get3A_318 = arith.constant 3 : i32
      %get3A_319 = arith.index_cast %get3A_318 : i32 to index
      %get3A_320 = arith.index_cast %mul3A_289 : i32 to index
      %get3A_321 = tpu.vector_load %arg8[%get3A_319, %get3A_320] {strides = array<i32>} : memref<4x2048xf32, #tpu.memory_space<vmem>>, vector<16xf32>,
      %get3A_322 = arith.constant 0 : i32
      %get3A_323 = arith.index_cast %get3A_322 : i32 to index
      %get3A_324 = arith.index_cast %mul3A_289 : i32 to index
      %get3A_325 = tpu.vector_load %arg11[%get3A_323, %get3A_324] {strides = array<i32>} : memref<4x2048xf32, #tpu.memory_space<vmem>>, vector<16xf32>,
      %mul3A_326 = arith.constant 12987.0127 : f32
      %mul3A_327 = vector.broadcast %mul3A_326 : f32 to vector<16xf32>
      %mul3A_328 = arith.mulf %get3A_325, %mul3A_327 : vector<16xf32>
      %get3A_329 = arith.constant 0 : i32
      %get3A_330 = arith.index_cast %get3A_329 : i32 to index
      %get3A_331 = arith.index_cast %mul3A_289 : i32 to index
      %get3A_332 = tpu.vector_load %arg13[%get3A_330, %get3A_331] {strides = array<i32>} : memref<4x2048xf32, #tpu.memory_space<vmem>>, vector<16xf32>,
      %add3A_333 = arith.addf %get3A_309, %mul3A_328 : vector<16xf32>
      %convert_element_type3A = arith.fptosi %add3A_333 : vector<16xf32> to vector<16xi32>
      %convert_element_type3A_334 = arith.sitofp %convert_element_type3A : vector<16xi32> to vector<16xf32>
      %sub3A = arith.subf %add3A_333, %convert_element_type3A_334 : vector<16xf32>
      %gather3A = arith.constant 0 : i32
      %gather3A_335 = tpu.memref_slice %arg15[%gather3A] : memref<32768xf32, #tpu.memory_space<vmem>> -> memref<2048xf32, #tpu.memory_space<vmem>>
      %gather3A_336 = tpu.vector_load_idx %gather3A_335[%convert_element_type3A] : memref<2048xf32, #tpu.memory_space<vmem>>[vector<16xi32>], vector<16xf32>,
      %add3A_337 = arith.constant 1 : i32
      %add3A_338 = vector.broadcast %add3A_337 : i32 to vector<16xi32>
      %add3A_339 = arith.addi %convert_element_type3A, %add3A_338 : vector<16xi32>
      %gather3A_340 = arith.constant 0 : i32
      %gather3A_341 = tpu.memref_slice %arg15[%gather3A_340] : memref<32768xf32, #tpu.memory_space<vmem>> -> memref<2048xf32, #tpu.memory_space<vmem>>
      %gather3A_342 = tpu.vector_load_idx %gather3A_341[%add3A_339] : memref<2048xf32, #tpu.memory_space<vmem>>[vector<16xi32>], vector<16xf32>,
      %sub3A_343 = arith.subf %gather3A_342, %gather3A_336 : vector<16xf32>
      %mul3A_344 = arith.mulf %sub3A, %sub3A_343 : vector<16xf32>
      %add3A_345 = arith.addf %gather3A_336, %mul3A_344 : vector<16xf32>
      %mul3A_346 = arith.mulf %get3A_332, %add3A_345 : vector<16xf32>
      %add3A_347 = arith.addf %get3A_293, %mul3A_346 : vector<16xf32>
      %add3A_348 = arith.addf %get3A_313, %mul3A_328 : vector<16xf32>
      %convert_element_type3A_349 = arith.fptosi %add3A_348 : vector<16xf32> to vector<16xi32>
      %convert_element_type3A_350 = arith.sitofp %convert_element_type3A_349 : vector<16xi32> to vector<16xf32>
      %sub3A_351 = arith.subf %add3A_348, %convert_element_type3A_350 : vector<16xf32>
      %gather3A_352 = arith.constant 8192 : i32
      %gather3A_353 = tpu.memref_slice %arg15[%gather3A_352] : memref<32768xf32, #tpu.memory_space<vmem>> -> memref<2048xf32, #tpu.memory_space<vmem>>
      %gather3A_354 = tpu.vector_load_idx %gather3A_353[%convert_element_type3A_349] : memref<2048xf32, #tpu.memory_space<vmem>>[vector<16xi32>], vector<16xf32>,
      %add3A_355 = arith.constant 1 : i32
      %add3A_356 = vector.broadcast %add3A_355 : i32 to vector<16xi32>
      %add3A_357 = arith.addi %convert_element_type3A_349, %add3A_356 : vector<16xi32>
      %gather3A_358 = arith.constant 8192 : i32
      %gather3A_359 = tpu.memref_slice %arg15[%gather3A_358] : memref<32768xf32, #tpu.memory_space<vmem>> -> memref<2048xf32, #tpu.memory_space<vmem>>
      %gather3A_360 = tpu.vector_load_idx %gather3A_359[%add3A_357] : memref<2048xf32, #tpu.memory_space<vmem>>[vector<16xi32>], vector<16xf32>,
      %sub3A_361 = arith.subf %gather3A_360, %gather3A_354 : vector<16xf32>
      %mul3A_362 = arith.mulf %sub3A_351, %sub3A_361 : vector<16xf32>
      %add3A_363 = arith.addf %gather3A_354, %mul3A_362 : vector<16xf32>
      %mul3A_364 = arith.mulf %get3A_332, %add3A_363 : vector<16xf32>
      %add3A_365 = arith.addf %get3A_297, %mul3A_364 : vector<16xf32>
      %add3A_366 = arith.addf %get3A_317, %mul3A_328 : vector<16xf32>
      %convert_element_type3A_367 = arith.fptosi %add3A_366 : vector<16xf32> to vector<16xi32>
      %convert_element_type3A_368 = arith.sitofp %convert_element_type3A_367 : vector<16xi32> to vector<16xf32>
      %sub3A_369 = arith.subf %add3A_366, %convert_element_type3A_368 : vector<16xf32>
      %gather3A_370 = arith.constant 16384 : i32
      %gather3A_371 = tpu.memref_slice %arg15[%gather3A_370] : memref<32768xf32, #tpu.memory_space<vmem>> -> memref<2048xf32, #tpu.memory_space<vmem>>
      %gather3A_372 = tpu.vector_load_idx %gather3A_371[%convert_element_type3A_367] : memref<2048xf32, #tpu.memory_space<vmem>>[vector<16xi32>], vector<16xf32>,
      %add3A_373 = arith.constant 1 : i32
      %add3A_374 = vector.broadcast %add3A_373 : i32 to vector<16xi32>
      %add3A_375 = arith.addi %convert_element_type3A_367, %add3A_374 : vector<16xi32>
      %gather3A_376 = arith.constant 16384 : i32
      %gather3A_377 = tpu.memref_slice %arg15[%gather3A_376] : memref<32768xf32, #tpu.memory_space<vmem>> -> memref<2048xf32, #tpu.memory_space<vmem>>
      %gather3A_378 = tpu.vector_load_idx %gather3A_377[%add3A_375] : memref<2048xf32, #tpu.memory_space<vmem>>[vector<16xi32>], vector<16xf32>,
      %sub3A_379 = arith.subf %gather3A_378, %gather3A_372 : vector<16xf32>
      %mul3A_380 = arith.mulf %sub3A_369, %sub3A_379 : vector<16xf32>
      %add3A_381 = arith.addf %gather3A_372, %mul3A_380 : vector<16xf32>
      %mul3A_382 = arith.mulf %get3A_332, %add3A_381 : vector<16xf32>
      %add3A_383 = arith.addf %get3A_301, %mul3A_382 : vector<16xf32>
      %add3A_384 = arith.addf %get3A_321, %mul3A_328 : vector<16xf32>
      %convert_element_type3A_385 = arith.fptosi %add3A_384 : vector<16xf32> to vector<16xi32>
      %convert_element_type3A_386 = arith.sitofp %convert_element_type3A_385 : vector<16xi32> to vector<16xf32>
      %sub3A_387 = arith.subf %add3A_384, %convert_element_type3A_386 : vector<16xf32>
      %gather3A_388 = arith.constant 24576 : i32
      %gather3A_389 = tpu.memref_slice %arg15[%gather3A_388] : memref<32768xf32, #tpu.memory_space<vmem>> -> memref<2048xf32, #tpu.memory_space<vmem>>
      %gather3A_390 = tpu.vector_load_idx %gather3A_389[%convert_element_type3A_385] : memref<2048xf32, #tpu.memory_space<vmem>>[vector<16xi32>], vector<16xf32>,
      %add3A_391 = arith.constant 1 : i32
      %add3A_392 = vector.broadcast %add3A_391 : i32 to vector<16xi32>
      %add3A_393 = arith.addi %convert_element_type3A_385, %add3A_392 : vector<16xi32>
      %gather3A_394 = arith.constant 24576 : i32
      %gather3A_395 = tpu.memref_slice %arg15[%gather3A_394] : memref<32768xf32, #tpu.memory_space<vmem>> -> memref<2048xf32, #tpu.memory_space<vmem>>
      %gather3A_396 = tpu.vector_load_idx %gather3A_395[%add3A_393] : memref<2048xf32, #tpu.memory_space<vmem>>[vector<16xi32>], vector<16xf32>,
      %sub3A_397 = arith.subf %gather3A_396, %gather3A_390 : vector<16xf32>
      %mul3A_398 = arith.mulf %sub3A_387, %sub3A_397 : vector<16xf32>
      %add3A_399 = arith.addf %gather3A_390, %mul3A_398 : vector<16xf32>
      %mul3A_400 = arith.mulf %get3A_332, %add3A_399 : vector<16xf32>
      %add3A_401 = arith.addf %get3A_305, %mul3A_400 : vector<16xf32>
      %get3A_402 = arith.constant 1 : i32
      %get3A_403 = arith.index_cast %get3A_402 : i32 to index
      %get3A_404 = arith.index_cast %mul3A_289 : i32 to index
      %get3A_405 = tpu.vector_load %arg11[%get3A_403, %get3A_404] {strides = array<i32>} : memref<4x2048xf32, #tpu.memory_space<vmem>>, vector<16xf32>,
      %mul3A_406 = arith.constant 12987.0127 : f32
      %mul3A_407 = vector.broadcast %mul3A_406 : f32 to vector<16xf32>
      %mul3A_408 = arith.mulf %get3A_405, %mul3A_407 : vector<16xf32>
      %get3A_409 = arith.constant 1 : i32
      %get3A_410 = arith.index_cast %get3A_409 : i32 to index
      %get3A_411 = arith.index_cast %mul3A_289 : i32 to index
      %get3A_412 = tpu.vector_load %arg13[%get3A_410, %get3A_411] {strides = array<i32>} : memref<4x2048xf32, #tpu.memory_space<vmem>>, vector<16xf32>,
      %add3A_413 = arith.addf %get3A_309, %mul3A_408 : vector<16xf32>
      %convert_element_type3A_414 = arith.fptosi %add3A_413 : vector<16xf32> to vector<16xi32>
      %convert_element_type3A_415 = arith.sitofp %convert_element_type3A_414 : vector<16xi32> to vector<16xf32>
      %sub3A_416 = arith.subf %add3A_413, %convert_element_type3A_415 : vector<16xf32>
      %gather3A_417 = arith.constant 2048 : i32
      %gather3A_418 = tpu.memref_slice %arg15[%gather3A_417] : memref<32768xf32, #tpu.memory_space<vmem>> -> memref<2048xf32, #tpu.memory_space<vmem>>
      %gather3A_419 = tpu.vector_load_idx %gather3A_418[%convert_element_type3A_414] : memref<2048xf32, #tpu.memory_space<vmem>>[vector<16xi32>], vector<16xf32>,
      %add3A_420 = arith.constant 1 : i32
      %add3A_421 = vector.broadcast %add3A_420 : i32 to vector<16xi32>
      %add3A_422 = arith.addi %convert_element_type3A_414, %add3A_421 : vector<16xi32>
      %gather3A_423 = arith.constant 2048 : i32
      %gather3A_424 = tpu.memref_slice %arg15[%gather3A_423] : memref<32768xf32, #tpu.memory_space<vmem>> -> memref<2048xf32, #tpu.memory_space<vmem>>
      %gather3A_425 = tpu.vector_load_idx %gather3A_424[%add3A_422] : memref<2048xf32, #tpu.memory_space<vmem>>[vector<16xi32>], vector<16xf32>,
      %sub3A_426 = arith.subf %gather3A_425, %gather3A_419 : vector<16xf32>
      %mul3A_427 = arith.mulf %sub3A_416, %sub3A_426 : vector<16xf32>
      %add3A_428 = arith.addf %gather3A_419, %mul3A_427 : vector<16xf32>
      %mul3A_429 = arith.mulf %get3A_412, %add3A_428 : vector<16xf32>
      %add3A_430 = arith.addf %add3A_347, %mul3A_429 : vector<16xf32>
      %add3A_431 = arith.addf %get3A_313, %mul3A_408 : vector<16xf32>
      %convert_element_type3A_432 = arith.fptosi %add3A_431 : vector<16xf32> to vector<16xi32>
      %convert_element_type3A_433 = arith.sitofp %convert_element_type3A_432 : vector<16xi32> to vector<16xf32>
      %sub3A_434 = arith.subf %add3A_431, %convert_element_type3A_433 : vector<16xf32>
      %gather3A_435 = arith.constant 10240 : i32
      %gather3A_436 = tpu.memref_slice %arg15[%gather3A_435] : memref<32768xf32, #tpu.memory_space<vmem>> -> memref<2048xf32, #tpu.memory_space<vmem>>
      %gather3A_437 = tpu.vector_load_idx %gather3A_436[%convert_element_type3A_432] : memref<2048xf32, #tpu.memory_space<vmem>>[vector<16xi32>], vector<16xf32>,
      %add3A_438 = arith.constant 1 : i32
      %add3A_439 = vector.broadcast %add3A_438 : i32 to vector<16xi32>
      %add3A_440 = arith.addi %convert_element_type3A_432, %add3A_439 : vector<16xi32>
      %gather3A_441 = arith.constant 10240 : i32
      %gather3A_442 = tpu.memref_slice %arg15[%gather3A_441] : memref<32768xf32, #tpu.memory_space<vmem>> -> memref<2048xf32, #tpu.memory_space<vmem>>
      %gather3A_443 = tpu.vector_load_idx %gather3A_442[%add3A_440] : memref<2048xf32, #tpu.memory_space<vmem>>[vector<16xi32>], vector<16xf32>,
      %sub3A_444 = arith.subf %gather3A_443, %gather3A_437 : vector<16xf32>
      %mul3A_445 = arith.mulf %sub3A_434, %sub3A_444 : vector<16xf32>
      %add3A_446 = arith.addf %gather3A_437, %mul3A_445 : vector<16xf32>
      %mul3A_447 = arith.mulf %get3A_412, %add3A_446 : vector<16xf32>
      %add3A_448 = arith.addf %add3A_365, %mul3A_447 : vector<16xf32>
      %add3A_449 = arith.addf %get3A_317, %mul3A_408 : vector<16xf32>
      %convert_element_type3A_450 = arith.fptosi %add3A_449 : vector<16xf32> to vector<16xi32>
      %convert_element_type3A_451 = arith.sitofp %convert_element_type3A_450 : vector<16xi32> to vector<16xf32>
      %sub3A_452 = arith.subf %add3A_449, %convert_element_type3A_451 : vector<16xf32>
      %gather3A_453 = arith.constant 18432 : i32
      %gather3A_454 = tpu.memref_slice %arg15[%gather3A_453] : memref<32768xf32, #tpu.memory_space<vmem>> -> memref<2048xf32, #tpu.memory_space<vmem>>
      %gather3A_455 = tpu.vector_load_idx %gather3A_454[%convert_element_type3A_450] : memref<2048xf32, #tpu.memory_space<vmem>>[vector<16xi32>], vector<16xf32>,
      %add3A_456 = arith.constant 1 : i32
      %add3A_457 = vector.broadcast %add3A_456 : i32 to vector<16xi32>
      %add3A_458 = arith.addi %convert_element_type3A_450, %add3A_457 : vector<16xi32>
      %gather3A_459 = arith.constant 18432 : i32
      %gather3A_460 = tpu.memref_slice %arg15[%gather3A_459] : memref<32768xf32, #tpu.memory_space<vmem>> -> memref<2048xf32, #tpu.memory_space<vmem>>
      %gather3A_461 = tpu.vector_load_idx %gather3A_460[%add3A_458] : memref<2048xf32, #tpu.memory_space<vmem>>[vector<16xi32>], vector<16xf32>,
      %sub3A_462 = arith.subf %gather3A_461, %gather3A_455 : vector<16xf32>
      %mul3A_463 = arith.mulf %sub3A_452, %sub3A_462 : vector<16xf32>
      %add3A_464 = arith.addf %gather3A_455, %mul3A_463 : vector<16xf32>
      %mul3A_465 = arith.mulf %get3A_412, %add3A_464 : vector<16xf32>
      %add3A_466 = arith.addf %add3A_383, %mul3A_465 : vector<16xf32>
      %add3A_467 = arith.addf %get3A_321, %mul3A_408 : vector<16xf32>
      %convert_element_type3A_468 = arith.fptosi %add3A_467 : vector<16xf32> to vector<16xi32>
      %convert_element_type3A_469 = arith.sitofp %convert_element_type3A_468 : vector<16xi32> to vector<16xf32>
      %sub3A_470 = arith.subf %add3A_467, %convert_element_type3A_469 : vector<16xf32>
      %gather3A_471 = arith.constant 26624 : i32
      %gather3A_472 = tpu.memref_slice %arg15[%gather3A_471] : memref<32768xf32, #tpu.memory_space<vmem>> -> memref<2048xf32, #tpu.memory_space<vmem>>
      %gather3A_473 = tpu.vector_load_idx %gather3A_472[%convert_element_type3A_468] : memref<2048xf32, #tpu.memory_space<vmem>>[vector<16xi32>], vector<16xf32>,
      %add3A_474 = arith.constant 1 : i32
      %add3A_475 = vector.broadcast %add3A_474 : i32 to vector<16xi32>
      %add3A_476 = arith.addi %convert_element_type3A_468, %add3A_475 : vector<16xi32>
      %gather3A_477 = arith.constant 26624 : i32
      %gather3A_478 = tpu.memref_slice %arg15[%gather3A_477] : memref<32768xf32, #tpu.memory_space<vmem>> -> memref<2048xf32, #tpu.memory_space<vmem>>
      %gather3A_479 = tpu.vector_load_idx %gather3A_478[%add3A_476] : memref<2048xf32, #tpu.memory_space<vmem>>[vector<16xi32>], vector<16xf32>,
      %sub3A_480 = arith.subf %gather3A_479, %gather3A_473 : vector<16xf32>
      %mul3A_481 = arith.mulf %sub3A_470, %sub3A_480 : vector<16xf32>
      %add3A_482 = arith.addf %gather3A_473, %mul3A_481 : vector<16xf32>
      %mul3A_483 = arith.mulf %get3A_412, %add3A_482 : vector<16xf32>
      %add3A_484 = arith.addf %add3A_401, %mul3A_483 : vector<16xf32>
      %get3A_485 = arith.constant 2 : i32
      %get3A_486 = arith.index_cast %get3A_485 : i32 to index
      %get3A_487 = arith.index_cast %mul3A_289 : i32 to index
      %get3A_488 = tpu.vector_load %arg11[%get3A_486, %get3A_487] {strides = array<i32>} : memref<4x2048xf32, #tpu.memory_space<vmem>>, vector<16xf32>,
      %mul3A_489 = arith.constant 12987.0127 : f32
      %mul3A_490 = vector.broadcast %mul3A_489 : f32 to vector<16xf32>
      %mul3A_491 = arith.mulf %get3A_488, %mul3A_490 : vector<16xf32>
      %get3A_492 = arith.constant 2 : i32
      %get3A_493 = arith.index_cast %get3A_492 : i32 to index
      %get3A_494 = arith.index_cast %mul3A_289 : i32 to index
      %get3A_495 = tpu.vector_load %arg13[%get3A_493, %get3A_494] {strides = array<i32>} : memref<4x2048xf32, #tpu.memory_space<vmem>>, vector<16xf32>,
      %add3A_496 = arith.addf %get3A_309, %mul3A_491 : vector<16xf32>
      %convert_element_type3A_497 = arith.fptosi %add3A_496 : vector<16xf32> to vector<16xi32>
      %convert_element_type3A_498 = arith.sitofp %convert_element_type3A_497 : vector<16xi32> to vector<16xf32>
      %sub3A_499 = arith.subf %add3A_496, %convert_element_type3A_498 : vector<16xf32>
      %gather3A_500 = arith.constant 4096 : i32
      %gather3A_501 = tpu.memref_slice %arg15[%gather3A_500] : memref<32768xf32, #tpu.memory_space<vmem>> -> memref<2048xf32, #tpu.memory_space<vmem>>
      %gather3A_502 = tpu.vector_load_idx %gather3A_501[%convert_element_type3A_497] : memref<2048xf32, #tpu.memory_space<vmem>>[vector<16xi32>], vector<16xf32>,
      %add3A_503 = arith.constant 1 : i32
      %add3A_504 = vector.broadcast %add3A_503 : i32 to vector<16xi32>
      %add3A_505 = arith.addi %convert_element_type3A_497, %add3A_504 : vector<16xi32>
      %gather3A_506 = arith.constant 4096 : i32
      %gather3A_507 = tpu.memref_slice %arg15[%gather3A_506] : memref<32768xf32, #tpu.memory_space<vmem>> -> memref<2048xf32, #tpu.memory_space<vmem>>
      %gather3A_508 = tpu.vector_load_idx %gather3A_507[%add3A_505] : memref<2048xf32, #tpu.memory_space<vmem>>[vector<16xi32>], vector<16xf32>,
      %sub3A_509 = arith.subf %gather3A_508, %gather3A_502 : vector<16xf32>
      %mul3A_510 = arith.mulf %sub3A_499, %sub3A_509 : vector<16xf32>
      %add3A_511 = arith.addf %gather3A_502, %mul3A_510 : vector<16xf32>
      %mul3A_512 = arith.mulf %get3A_495, %add3A_511 : vector<16xf32>
      %add3A_513 = arith.addf %add3A_430, %mul3A_512 : vector<16xf32>
      %add3A_514 = arith.addf %get3A_313, %mul3A_491 : vector<16xf32>
      %convert_element_type3A_515 = arith.fptosi %add3A_514 : vector<16xf32> to vector<16xi32>
      %convert_element_type3A_516 = arith.sitofp %convert_element_type3A_515 : vector<16xi32> to vector<16xf32>
      %sub3A_517 = arith.subf %add3A_514, %convert_element_type3A_516 : vector<16xf32>
      %gather3A_518 = arith.constant 12288 : i32
      %gather3A_519 = tpu.memref_slice %arg15[%gather3A_518] : memref<32768xf32, #tpu.memory_space<vmem>> -> memref<2048xf32, #tpu.memory_space<vmem>>
      %gather3A_520 = tpu.vector_load_idx %gather3A_519[%convert_element_type3A_515] : memref<2048xf32, #tpu.memory_space<vmem>>[vector<16xi32>], vector<16xf32>,
      %add3A_521 = arith.constant 1 : i32
      %add3A_522 = vector.broadcast %add3A_521 : i32 to vector<16xi32>
      %add3A_523 = arith.addi %convert_element_type3A_515, %add3A_522 : vector<16xi32>
      %gather3A_524 = arith.constant 12288 : i32
      %gather3A_525 = tpu.memref_slice %arg15[%gather3A_524] : memref<32768xf32, #tpu.memory_space<vmem>> -> memref<2048xf32, #tpu.memory_space<vmem>>
      %gather3A_526 = tpu.vector_load_idx %gather3A_525[%add3A_523] : memref<2048xf32, #tpu.memory_space<vmem>>[vector<16xi32>], vector<16xf32>,
      %sub3A_527 = arith.subf %gather3A_526, %gather3A_520 : vector<16xf32>
      %mul3A_528 = arith.mulf %sub3A_517, %sub3A_527 : vector<16xf32>
      %add3A_529 = arith.addf %gather3A_520, %mul3A_528 : vector<16xf32>
      %mul3A_530 = arith.mulf %get3A_495, %add3A_529 : vector<16xf32>
      %add3A_531 = arith.addf %add3A_448, %mul3A_530 : vector<16xf32>
      %add3A_532 = arith.addf %get3A_317, %mul3A_491 : vector<16xf32>
      %convert_element_type3A_533 = arith.fptosi %add3A_532 : vector<16xf32> to vector<16xi32>
      %convert_element_type3A_534 = arith.sitofp %convert_element_type3A_533 : vector<16xi32> to vector<16xf32>
      %sub3A_535 = arith.subf %add3A_532, %convert_element_type3A_534 : vector<16xf32>
      %gather3A_536 = arith.constant 20480 : i32
      %gather3A_537 = tpu.memref_slice %arg15[%gather3A_536] : memref<32768xf32, #tpu.memory_space<vmem>> -> memref<2048xf32, #tpu.memory_space<vmem>>
      %gather3A_538 = tpu.vector_load_idx %gather3A_537[%convert_element_type3A_533] : memref<2048xf32, #tpu.memory_space<vmem>>[vector<16xi32>], vector<16xf32>,
      %add3A_539 = arith.constant 1 : i32
      %add3A_540 = vector.broadcast %add3A_539 : i32 to vector<16xi32>
      %add3A_541 = arith.addi %convert_element_type3A_533, %add3A_540 : vector<16xi32>
      %gather3A_542 = arith.constant 20480 : i32
      %gather3A_543 = tpu.memref_slice %arg15[%gather3A_542] : memref<32768xf32, #tpu.memory_space<vmem>> -> memref<2048xf32, #tpu.memory_space<vmem>>
      %gather3A_544 = tpu.vector_load_idx %gather3A_543[%add3A_541] : memref<2048xf32, #tpu.memory_space<vmem>>[vector<16xi32>], vector<16xf32>,
      %sub3A_545 = arith.subf %gather3A_544, %gather3A_538 : vector<16xf32>
      %mul3A_546 = arith.mulf %sub3A_535, %sub3A_545 : vector<16xf32>
      %add3A_547 = arith.addf %gather3A_538, %mul3A_546 : vector<16xf32>
      %mul3A_548 = arith.mulf %get3A_495, %add3A_547 : vector<16xf32>
      %add3A_549 = arith.addf %add3A_466, %mul3A_548 : vector<16xf32>
      %add3A_550 = arith.addf %get3A_321, %mul3A_491 : vector<16xf32>
      %convert_element_type3A_551 = arith.fptosi %add3A_550 : vector<16xf32> to vector<16xi32>
      %convert_element_type3A_552 = arith.sitofp %convert_element_type3A_551 : vector<16xi32> to vector<16xf32>
      %sub3A_553 = arith.subf %add3A_550, %convert_element_type3A_552 : vector<16xf32>
      %gather3A_554 = arith.constant 28672 : i32
      %gather3A_555 = tpu.memref_slice %arg15[%gather3A_554] : memref<32768xf32, #tpu.memory_space<vmem>> -> memref<2048xf32, #tpu.memory_space<vmem>>
      %gather3A_556 = tpu.vector_load_idx %gather3A_555[%convert_element_type3A_551] : memref<2048xf32, #tpu.memory_space<vmem>>[vector<16xi32>], vector<16xf32>,
      %add3A_557 = arith.constant 1 : i32
      %add3A_558 = vector.broadcast %add3A_557 : i32 to vector<16xi32>
      %add3A_559 = arith.addi %convert_element_type3A_551, %add3A_558 : vector<16xi32>
      %gather3A_560 = arith.constant 28672 : i32
      %gather3A_561 = tpu.memref_slice %arg15[%gather3A_560] : memref<32768xf32, #tpu.memory_space<vmem>> -> memref<2048xf32, #tpu.memory_space<vmem>>
      %gather3A_562 = tpu.vector_load_idx %gather3A_561[%add3A_559] : memref<2048xf32, #tpu.memory_space<vmem>>[vector<16xi32>], vector<16xf32>,
      %sub3A_563 = arith.subf %gather3A_562, %gather3A_556 : vector<16xf32>
      %mul3A_564 = arith.mulf %sub3A_553, %sub3A_563 : vector<16xf32>
      %add3A_565 = arith.addf %gather3A_556, %mul3A_564 : vector<16xf32>
      %mul3A_566 = arith.mulf %get3A_495, %add3A_565 : vector<16xf32>
      %add3A_567 = arith.addf %add3A_484, %mul3A_566 : vector<16xf32>
      %get3A_568 = arith.constant 3 : i32
      %get3A_569 = arith.index_cast %get3A_568 : i32 to index
      %get3A_570 = arith.index_cast %mul3A_289 : i32 to index
      %get3A_571 = tpu.vector_load %arg11[%get3A_569, %get3A_570] {strides = array<i32>} : memref<4x2048xf32, #tpu.memory_space<vmem>>, vector<16xf32>,
      %mul3A_572 = arith.constant 12987.0127 : f32
      %mul3A_573 = vector.broadcast %mul3A_572 : f32 to vector<16xf32>
      %mul3A_574 = arith.mulf %get3A_571, %mul3A_573 : vector<16xf32>
      %get3A_575 = arith.constant 3 : i32
      %get3A_576 = arith.index_cast %get3A_575 : i32 to index
      %get3A_577 = arith.index_cast %mul3A_289 : i32 to index
      %get3A_578 = tpu.vector_load %arg13[%get3A_576, %get3A_577] {strides = array<i32>} : memref<4x2048xf32, #tpu.memory_space<vmem>>, vector<16xf32>,
      %add3A_579 = arith.addf %get3A_309, %mul3A_574 : vector<16xf32>
      %convert_element_type3A_580 = arith.fptosi %add3A_579 : vector<16xf32> to vector<16xi32>
      %convert_element_type3A_581 = arith.sitofp %convert_element_type3A_580 : vector<16xi32> to vector<16xf32>
      %sub3A_582 = arith.subf %add3A_579, %convert_element_type3A_581 : vector<16xf32>
      %gather3A_583 = arith.constant 6144 : i32
      %gather3A_584 = tpu.memref_slice %arg15[%gather3A_583] : memref<32768xf32, #tpu.memory_space<vmem>> -> memref<2048xf32, #tpu.memory_space<vmem>>
      %gather3A_585 = tpu.vector_load_idx %gather3A_584[%convert_element_type3A_580] : memref<2048xf32, #tpu.memory_space<vmem>>[vector<16xi32>], vector<16xf32>,
      %add3A_586 = arith.constant 1 : i32
      %add3A_587 = vector.broadcast %add3A_586 : i32 to vector<16xi32>
      %add3A_588 = arith.addi %convert_element_type3A_580, %add3A_587 : vector<16xi32>
      %gather3A_589 = arith.constant 6144 : i32
      %gather3A_590 = tpu.memref_slice %arg15[%gather3A_589] : memref<32768xf32, #tpu.memory_space<vmem>> -> memref<2048xf32, #tpu.memory_space<vmem>>
      %gather3A_591 = tpu.vector_load_idx %gather3A_590[%add3A_588] : memref<2048xf32, #tpu.memory_space<vmem>>[vector<16xi32>], vector<16xf32>,
      %sub3A_592 = arith.subf %gather3A_591, %gather3A_585 : vector<16xf32>
      %mul3A_593 = arith.mulf %sub3A_582, %sub3A_592 : vector<16xf32>
      %add3A_594 = arith.addf %gather3A_585, %mul3A_593 : vector<16xf32>
      %mul3A_595 = arith.mulf %get3A_578, %add3A_594 : vector<16xf32>
      %add3A_596 = arith.addf %add3A_513, %mul3A_595 : vector<16xf32>
      %add3A_597 = arith.addf %get3A_313, %mul3A_574 : vector<16xf32>
      %convert_element_type3A_598 = arith.fptosi %add3A_597 : vector<16xf32> to vector<16xi32>
      %convert_element_type3A_599 = arith.sitofp %convert_element_type3A_598 : vector<16xi32> to vector<16xf32>
      %sub3A_600 = arith.subf %add3A_597, %convert_element_type3A_599 : vector<16xf32>
      %gather3A_601 = arith.constant 14336 : i32
      %gather3A_602 = tpu.memref_slice %arg15[%gather3A_601] : memref<32768xf32, #tpu.memory_space<vmem>> -> memref<2048xf32, #tpu.memory_space<vmem>>
      %gather3A_603 = tpu.vector_load_idx %gather3A_602[%convert_element_type3A_598] : memref<2048xf32, #tpu.memory_space<vmem>>[vector<16xi32>], vector<16xf32>,
      %add3A_604 = arith.constant 1 : i32
      %add3A_605 = vector.broadcast %add3A_604 : i32 to vector<16xi32>
      %add3A_606 = arith.addi %convert_element_type3A_598, %add3A_605 : vector<16xi32>
      %gather3A_607 = arith.constant 14336 : i32
      %gather3A_608 = tpu.memref_slice %arg15[%gather3A_607] : memref<32768xf32, #tpu.memory_space<vmem>> -> memref<2048xf32, #tpu.memory_space<vmem>>
      %gather3A_609 = tpu.vector_load_idx %gather3A_608[%add3A_606] : memref<2048xf32, #tpu.memory_space<vmem>>[vector<16xi32>], vector<16xf32>,
      %sub3A_610 = arith.subf %gather3A_609, %gather3A_603 : vector<16xf32>
      %mul3A_611 = arith.mulf %sub3A_600, %sub3A_610 : vector<16xf32>
      %add3A_612 = arith.addf %gather3A_603, %mul3A_611 : vector<16xf32>
      %mul3A_613 = arith.mulf %get3A_578, %add3A_612 : vector<16xf32>
      %add3A_614 = arith.addf %add3A_531, %mul3A_613 : vector<16xf32>
      %add3A_615 = arith.addf %get3A_317, %mul3A_574 : vector<16xf32>
      %convert_element_type3A_616 = arith.fptosi %add3A_615 : vector<16xf32> to vector<16xi32>
      %convert_element_type3A_617 = arith.sitofp %convert_element_type3A_616 : vector<16xi32> to vector<16xf32>
      %sub3A_618 = arith.subf %add3A_615, %convert_element_type3A_617 : vector<16xf32>
      %gather3A_619 = arith.constant 22528 : i32
      %gather3A_620 = tpu.memref_slice %arg15[%gather3A_619] : memref<32768xf32, #tpu.memory_space<vmem>> -> memref<2048xf32, #tpu.memory_space<vmem>>
      %gather3A_621 = tpu.vector_load_idx %gather3A_620[%convert_element_type3A_616] : memref<2048xf32, #tpu.memory_space<vmem>>[vector<16xi32>], vector<16xf32>,
      %add3A_622 = arith.constant 1 : i32
      %add3A_623 = vector.broadcast %add3A_622 : i32 to vector<16xi32>
      %add3A_624 = arith.addi %convert_element_type3A_616, %add3A_623 : vector<16xi32>
      %gather3A_625 = arith.constant 22528 : i32
      %gather3A_626 = tpu.memref_slice %arg15[%gather3A_625] : memref<32768xf32, #tpu.memory_space<vmem>> -> memref<2048xf32, #tpu.memory_space<vmem>>
      %gather3A_627 = tpu.vector_load_idx %gather3A_626[%add3A_624] : memref<2048xf32, #tpu.memory_space<vmem>>[vector<16xi32>], vector<16xf32>,
      %sub3A_628 = arith.subf %gather3A_627, %gather3A_621 : vector<16xf32>
      %mul3A_629 = arith.mulf %sub3A_618, %sub3A_628 : vector<16xf32>
      %add3A_630 = arith.addf %gather3A_621, %mul3A_629 : vector<16xf32>
      %mul3A_631 = arith.mulf %get3A_578, %add3A_630 : vector<16xf32>
      %add3A_632 = arith.addf %add3A_549, %mul3A_631 : vector<16xf32>
      %add3A_633 = arith.addf %get3A_321, %mul3A_574 : vector<16xf32>
      %convert_element_type3A_634 = arith.fptosi %add3A_633 : vector<16xf32> to vector<16xi32>
      %convert_element_type3A_635 = arith.sitofp %convert_element_type3A_634 : vector<16xi32> to vector<16xf32>
      %sub3A_636 = arith.subf %add3A_633, %convert_element_type3A_635 : vector<16xf32>
      %gather3A_637 = arith.constant 30720 : i32
      %gather3A_638 = tpu.memref_slice %arg15[%gather3A_637] : memref<32768xf32, #tpu.memory_space<vmem>> -> memref<2048xf32, #tpu.memory_space<vmem>>
      %gather3A_639 = tpu.vector_load_idx %gather3A_638[%convert_element_type3A_634] : memref<2048xf32, #tpu.memory_space<vmem>>[vector<16xi32>], vector<16xf32>,
      %add3A_640 = arith.constant 1 : i32
      %add3A_641 = vector.broadcast %add3A_640 : i32 to vector<16xi32>
      %add3A_642 = arith.addi %convert_element_type3A_634, %add3A_641 : vector<16xi32>
      %gather3A_643 = arith.constant 30720 : i32
      %gather3A_644 = tpu.memref_slice %arg15[%gather3A_643] : memref<32768xf32, #tpu.memory_space<vmem>> -> memref<2048xf32, #tpu.memory_space<vmem>>
      %gather3A_645 = tpu.vector_load_idx %gather3A_644[%add3A_642] : memref<2048xf32, #tpu.memory_space<vmem>>[vector<16xi32>], vector<16xf32>,
      %sub3A_646 = arith.subf %gather3A_645, %gather3A_639 : vector<16xf32>
      %mul3A_647 = arith.mulf %sub3A_636, %sub3A_646 : vector<16xf32>
      %add3A_648 = arith.addf %gather3A_639, %mul3A_647 : vector<16xf32>
      %mul3A_649 = arith.mulf %get3A_578, %add3A_648 : vector<16xf32>
      %add3A_650 = arith.addf %add3A_567, %mul3A_649 : vector<16xf32>
      %swap3A = arith.constant 0 : i32
      %swap3A_651 = arith.index_cast %swap3A : i32 to index
      %swap3A_652 = arith.index_cast %mul3A_289 : i32 to index
      %swap3A_653 = tpu.vector_load %arg9[%swap3A_651, %swap3A_652] {strides = array<i32>} : memref<4x2048xf32, #tpu.memory_space<vmem>>, vector<16xf32>,
      tpu.vector_store %arg9[%swap3A_651, %swap3A_652], %add3A_596 {strides = array<i32>} : memref<4x2048xf32, #tpu.memory_space<vmem>>, vector<16xf32>,
      %swap3A_654 = arith.constant 1 : i32
      %swap3A_655 = arith.index_cast %swap3A_654 : i32 to index
      %swap3A_656 = arith.index_cast %mul3A_289 : i32 to index
      %swap3A_657 = tpu.vector_load %arg9[%swap3A_655, %swap3A_656] {strides = array<i32>} : memref<4x2048xf32, #tpu.memory_space<vmem>>, vector<16xf32>,
      tpu.vector_store %arg9[%swap3A_655, %swap3A_656], %add3A_614 {strides = array<i32>} : memref<4x2048xf32, #tpu.memory_space<vmem>>, vector<16xf32>,
      %swap3A_658 = arith.constant 2 : i32
      %swap3A_659 = arith.index_cast %swap3A_658 : i32 to index
      %swap3A_660 = arith.index_cast %mul3A_289 : i32 to index
      %swap3A_661 = tpu.vector_load %arg9[%swap3A_659, %swap3A_660] {strides = array<i32>} : memref<4x2048xf32, #tpu.memory_space<vmem>>, vector<16xf32>,
      tpu.vector_store %arg9[%swap3A_659, %swap3A_660], %add3A_632 {strides = array<i32>} : memref<4x2048xf32, #tpu.memory_space<vmem>>, vector<16xf32>,
      %swap3A_662 = arith.constant 3 : i32
      %swap3A_663 = arith.index_cast %swap3A_662 : i32 to index
      %swap3A_664 = arith.index_cast %mul3A_289 : i32 to index
      %swap3A_665 = tpu.vector_load %arg9[%swap3A_663, %swap3A_664] {strides = array<i32>} : memref<4x2048xf32, #tpu.memory_space<vmem>>, vector<16xf32>,
      tpu.vector_store %arg9[%swap3A_663, %swap3A_664], %add3A_650 {strides = array<i32>} : memref<4x2048xf32, #tpu.memory_space<vmem>>, vector<16xf32>,
    }
    %scan3A_275 = arith.constant 128 : i32
    %add3A_276 = arith.constant 0 : i32
    %add3A_277 = arith.addi %mul3A_0, %add3A_276 : i32
    %run_scoped3A = arith.constant 0 : i32
    "tpu.region"() ({
      %run_scoped3A_287 = tpu.sem_alloc : memref<!tpu.dma_semaphore, #tpu.memory_space<semaphore_mem>>
      %dma_start3A_288 = arith.constant 0 : i32
      %dma_start3A_289 = tpu.memref_slice %arg9[%run_scoped3A, %dma_start3A_288] : memref<4x2048xf32, #tpu.memory_space<vmem>> -> memref<1x2048xf32, #tpu.memory_space<vmem>>
      %dma_start3A_290 = tpu.memref_squeeze %dma_start3A_289 : memref<1x2048xf32, #tpu.memory_space<vmem>> -> memref<2048xf32, #tpu.memory_space<vmem>>
      %dma_start3A_291 = tpu.memref_slice %arg7[%add3A_277, %mul3A_2] : memref<8x32768xf32, #tpu.memory_space<hbm>> -> memref<1x2048xf32, #tpu.memory_space<hbm>>
      %dma_start3A_292 = tpu.memref_squeeze %dma_start3A_291 : memref<1x2048xf32, #tpu.memory_space<hbm>> -> memref<2048xf32, #tpu.memory_space<hbm>>
      %dma_start3A_293 = tpu.memref_slice %arg7[%add3A_277, %mul3A_2] : memref<8x32768xf32, #tpu.memory_space<hbm>> -> memref<1x2048xf32, #tpu.memory_space<hbm>>
      %dma_start3A_294 = tpu.memref_squeeze %dma_start3A_293 : memref<1x2048xf32, #tpu.memory_space<hbm>> -> memref<2048xf32, #tpu.memory_space<hbm>>
      %dma_start3A_295 = arith.constant 0 : i32
      %dma_start3A_296 = tpu.memref_slice %arg9[%run_scoped3A, %dma_start3A_295] : memref<4x2048xf32, #tpu.memory_space<vmem>> -> memref<1x2048xf32, #tpu.memory_space<vmem>>
      %dma_start3A_297 = tpu.memref_squeeze %dma_start3A_296 : memref<1x2048xf32, #tpu.memory_space<vmem>> -> memref<2048xf32, #tpu.memory_space<vmem>>
      tpu.enqueue_dma source(%dma_start3A_297 : memref<2048xf32, #tpu.memory_space<vmem>>) target(%dma_start3A_294 : memref<2048xf32, #tpu.memory_space<hbm>>) target_semaphore(%run_scoped3A_287 : memref<!tpu.dma_semaphore, #tpu.memory_space<semaphore_mem>>)
      %dma_wait3A_298 = arith.constant 0 : i32
      %dma_wait3A_299 = tpu.memref_slice %arg9[%run_scoped3A, %dma_wait3A_298] : memref<4x2048xf32, #tpu.memory_space<vmem>> -> memref<1x2048xf32, #tpu.memory_space<vmem>>
      %dma_wait3A_300 = tpu.memref_squeeze %dma_wait3A_299 : memref<1x2048xf32, #tpu.memory_space<vmem>> -> memref<2048xf32, #tpu.memory_space<vmem>>
      %dma_wait3A_301 = tpu.memref_slice %arg7[%add3A_277, %mul3A_2] : memref<8x32768xf32, #tpu.memory_space<hbm>> -> memref<1x2048xf32, #tpu.memory_space<hbm>>
      %dma_wait3A_302 = tpu.memref_squeeze %dma_wait3A_301 : memref<1x2048xf32, #tpu.memory_space<hbm>> -> memref<2048xf32, #tpu.memory_space<hbm>>
      %dma_wait3A_303 = tpu.memref_slice %arg7[%add3A_277, %mul3A_2] : memref<8x32768xf32, #tpu.memory_space<hbm>> -> memref<1x2048xf32, #tpu.memory_space<hbm>>
      %dma_wait3A_304 = tpu.memref_squeeze %dma_wait3A_303 : memref<1x2048xf32, #tpu.memory_space<hbm>> -> memref<2048xf32, #tpu.memory_space<hbm>>
      %dma_wait3A_305 = arith.constant 0 : i32
      %dma_wait3A_306 = tpu.memref_slice %arg9[%run_scoped3A, %dma_wait3A_305] : memref<4x2048xf32, #tpu.memory_space<vmem>> -> memref<1x2048xf32, #tpu.memory_space<vmem>>
      %dma_wait3A_307 = tpu.memref_squeeze %dma_wait3A_306 : memref<1x2048xf32, #tpu.memory_space<vmem>> -> memref<2048xf32, #tpu.memory_space<vmem>>
      tpu.wait_dma2 semaphore(%run_scoped3A_287 : memref<!tpu.dma_semaphore, #tpu.memory_space<semaphore_mem>>) src(%dma_wait3A_307 : memref<2048xf32, #tpu.memory_space<vmem>>) dst(%dma_wait3A_304 : memref<2048xf32, #tpu.memory_space<hbm>>)
      tpu.yield
    }) : () -> ()
    %add3A_278 = arith.constant 1 : i32
    %add3A_279 = arith.addi %mul3A_0, %add3A_278 : i32
    %run_scoped3A_280 = arith.constant 1 : i32
    "tpu.region"() ({
      %run_scoped3A_287 = tpu.sem_alloc : memref<!tpu.dma_semaphore, #tpu.memory_space<semaphore_mem>>
      %dma_start3A_288 = arith.constant 0 : i32
      %dma_start3A_289 = tpu.memref_slice %arg9[%run_scoped3A_280, %dma_start3A_288] : memref<4x2048xf32, #tpu.memory_space<vmem>> -> memref<1x2048xf32, #tpu.memory_space<vmem>>
      %dma_start3A_290 = tpu.memref_squeeze %dma_start3A_289 : memref<1x2048xf32, #tpu.memory_space<vmem>> -> memref<2048xf32, #tpu.memory_space<vmem>>
      %dma_start3A_291 = tpu.memref_slice %arg7[%add3A_279, %mul3A_2] : memref<8x32768xf32, #tpu.memory_space<hbm>> -> memref<1x2048xf32, #tpu.memory_space<hbm>>
      %dma_start3A_292 = tpu.memref_squeeze %dma_start3A_291 : memref<1x2048xf32, #tpu.memory_space<hbm>> -> memref<2048xf32, #tpu.memory_space<hbm>>
      %dma_start3A_293 = tpu.memref_slice %arg7[%add3A_279, %mul3A_2] : memref<8x32768xf32, #tpu.memory_space<hbm>> -> memref<1x2048xf32, #tpu.memory_space<hbm>>
      %dma_start3A_294 = tpu.memref_squeeze %dma_start3A_293 : memref<1x2048xf32, #tpu.memory_space<hbm>> -> memref<2048xf32, #tpu.memory_space<hbm>>
      %dma_start3A_295 = arith.constant 0 : i32
      %dma_start3A_296 = tpu.memref_slice %arg9[%run_scoped3A_280, %dma_start3A_295] : memref<4x2048xf32, #tpu.memory_space<vmem>> -> memref<1x2048xf32, #tpu.memory_space<vmem>>
      %dma_start3A_297 = tpu.memref_squeeze %dma_start3A_296 : memref<1x2048xf32, #tpu.memory_space<vmem>> -> memref<2048xf32, #tpu.memory_space<vmem>>
      tpu.enqueue_dma source(%dma_start3A_297 : memref<2048xf32, #tpu.memory_space<vmem>>) target(%dma_start3A_294 : memref<2048xf32, #tpu.memory_space<hbm>>) target_semaphore(%run_scoped3A_287 : memref<!tpu.dma_semaphore, #tpu.memory_space<semaphore_mem>>)
      %dma_wait3A_298 = arith.constant 0 : i32
      %dma_wait3A_299 = tpu.memref_slice %arg9[%run_scoped3A_280, %dma_wait3A_298] : memref<4x2048xf32, #tpu.memory_space<vmem>> -> memref<1x2048xf32, #tpu.memory_space<vmem>>
      %dma_wait3A_300 = tpu.memref_squeeze %dma_wait3A_299 : memref<1x2048xf32, #tpu.memory_space<vmem>> -> memref<2048xf32, #tpu.memory_space<vmem>>
      %dma_wait3A_301 = tpu.memref_slice %arg7[%add3A_279, %mul3A_2] : memref<8x32768xf32, #tpu.memory_space<hbm>> -> memref<1x2048xf32, #tpu.memory_space<hbm>>
      %dma_wait3A_302 = tpu.memref_squeeze %dma_wait3A_301 : memref<1x2048xf32, #tpu.memory_space<hbm>> -> memref<2048xf32, #tpu.memory_space<hbm>>
      %dma_wait3A_303 = tpu.memref_slice %arg7[%add3A_279, %mul3A_2] : memref<8x32768xf32, #tpu.memory_space<hbm>> -> memref<1x2048xf32, #tpu.memory_space<hbm>>
      %dma_wait3A_304 = tpu.memref_squeeze %dma_wait3A_303 : memref<1x2048xf32, #tpu.memory_space<hbm>> -> memref<2048xf32, #tpu.memory_space<hbm>>
      %dma_wait3A_305 = arith.constant 0 : i32
      %dma_wait3A_306 = tpu.memref_slice %arg9[%run_scoped3A_280, %dma_wait3A_305] : memref<4x2048xf32, #tpu.memory_space<vmem>> -> memref<1x2048xf32, #tpu.memory_space<vmem>>
      %dma_wait3A_307 = tpu.memref_squeeze %dma_wait3A_306 : memref<1x2048xf32, #tpu.memory_space<vmem>> -> memref<2048xf32, #tpu.memory_space<vmem>>
      tpu.wait_dma2 semaphore(%run_scoped3A_287 : memref<!tpu.dma_semaphore, #tpu.memory_space<semaphore_mem>>) src(%dma_wait3A_307 : memref<2048xf32, #tpu.memory_space<vmem>>) dst(%dma_wait3A_304 : memref<2048xf32, #tpu.memory_space<hbm>>)
      tpu.yield
    }) : () -> ()
    %add3A_281 = arith.constant 2 : i32
    %add3A_282 = arith.addi %mul3A_0, %add3A_281 : i32
    %run_scoped3A_283 = arith.constant 2 : i32
    "tpu.region"() ({
      %run_scoped3A_287 = tpu.sem_alloc : memref<!tpu.dma_semaphore, #tpu.memory_space<semaphore_mem>>
      %dma_start3A_288 = arith.constant 0 : i32
      %dma_start3A_289 = tpu.memref_slice %arg9[%run_scoped3A_283, %dma_start3A_288] : memref<4x2048xf32, #tpu.memory_space<vmem>> -> memref<1x2048xf32, #tpu.memory_space<vmem>>
      %dma_start3A_290 = tpu.memref_squeeze %dma_start3A_289 : memref<1x2048xf32, #tpu.memory_space<vmem>> -> memref<2048xf32, #tpu.memory_space<vmem>>
      %dma_start3A_291 = tpu.memref_slice %arg7[%add3A_282, %mul3A_2] : memref<8x32768xf32, #tpu.memory_space<hbm>> -> memref<1x2048xf32, #tpu.memory_space<hbm>>
      %dma_start3A_292 = tpu.memref_squeeze %dma_start3A_291 : memref<1x2048xf32, #tpu.memory_space<hbm>> -> memref<2048xf32, #tpu.memory_space<hbm>>
      %dma_start3A_293 = tpu.memref_slice %arg7[%add3A_282, %mul3A_2] : memref<8x32768xf32, #tpu.memory_space<hbm>> -> memref<1x2048xf32, #tpu.memory_space<hbm>>
      %dma_start3A_294 = tpu.memref_squeeze %dma_start3A_293 : memref<1x2048xf32, #tpu.memory_space<hbm>> -> memref<2048xf32, #tpu.memory_space<hbm>>
      %dma_start3A_295 = arith.constant 0 : i32
      %dma_start3A_296 = tpu.memref_slice %arg9[%run_scoped3A_283, %dma_start3A_295] : memref<4x2048xf32, #tpu.memory_space<vmem>> -> memref<1x2048xf32, #tpu.memory_space<vmem>>
      %dma_start3A_297 = tpu.memref_squeeze %dma_start3A_296 : memref<1x2048xf32, #tpu.memory_space<vmem>> -> memref<2048xf32, #tpu.memory_space<vmem>>
      tpu.enqueue_dma source(%dma_start3A_297 : memref<2048xf32, #tpu.memory_space<vmem>>) target(%dma_start3A_294 : memref<2048xf32, #tpu.memory_space<hbm>>) target_semaphore(%run_scoped3A_287 : memref<!tpu.dma_semaphore, #tpu.memory_space<semaphore_mem>>)
      %dma_wait3A_298 = arith.constant 0 : i32
      %dma_wait3A_299 = tpu.memref_slice %arg9[%run_scoped3A_283, %dma_wait3A_298] : memref<4x2048xf32, #tpu.memory_space<vmem>> -> memref<1x2048xf32, #tpu.memory_space<vmem>>
      %dma_wait3A_300 = tpu.memref_squeeze %dma_wait3A_299 : memref<1x2048xf32, #tpu.memory_space<vmem>> -> memref<2048xf32, #tpu.memory_space<vmem>>
      %dma_wait3A_301 = tpu.memref_slice %arg7[%add3A_282, %mul3A_2] : memref<8x32768xf32, #tpu.memory_space<hbm>> -> memref<1x2048xf32, #tpu.memory_space<hbm>>
      %dma_wait3A_302 = tpu.memref_squeeze %dma_wait3A_301 : memref<1x2048xf32, #tpu.memory_space<hbm>> -> memref<2048xf32, #tpu.memory_space<hbm>>
      %dma_wait3A_303 = tpu.memref_slice %arg7[%add3A_282, %mul3A_2] : memref<8x32768xf32, #tpu.memory_space<hbm>> -> memref<1x2048xf32, #tpu.memory_space<hbm>>
      %dma_wait3A_304 = tpu.memref_squeeze %dma_wait3A_303 : memref<1x2048xf32, #tpu.memory_space<hbm>> -> memref<2048xf32, #tpu.memory_space<hbm>>
      %dma_wait3A_305 = arith.constant 0 : i32
      %dma_wait3A_306 = tpu.memref_slice %arg9[%run_scoped3A_283, %dma_wait3A_305] : memref<4x2048xf32, #tpu.memory_space<vmem>> -> memref<1x2048xf32, #tpu.memory_space<vmem>>
      %dma_wait3A_307 = tpu.memref_squeeze %dma_wait3A_306 : memref<1x2048xf32, #tpu.memory_space<vmem>> -> memref<2048xf32, #tpu.memory_space<vmem>>
      tpu.wait_dma2 semaphore(%run_scoped3A_287 : memref<!tpu.dma_semaphore, #tpu.memory_space<semaphore_mem>>) src(%dma_wait3A_307 : memref<2048xf32, #tpu.memory_space<vmem>>) dst(%dma_wait3A_304 : memref<2048xf32, #tpu.memory_space<hbm>>)
      tpu.yield
    }) : () -> ()
    %add3A_284 = arith.constant 3 : i32
    %add3A_285 = arith.addi %mul3A_0, %add3A_284 : i32
    %run_scoped3A_286 = arith.constant 3 : i32
    "tpu.region"() ({
      %run_scoped3A_287 = tpu.sem_alloc : memref<!tpu.dma_semaphore, #tpu.memory_space<semaphore_mem>>
      %dma_start3A_288 = arith.constant 0 : i32
      %dma_start3A_289 = tpu.memref_slice %arg9[%run_scoped3A_286, %dma_start3A_288] : memref<4x2048xf32, #tpu.memory_space<vmem>> -> memref<1x2048xf32, #tpu.memory_space<vmem>>
      %dma_start3A_290 = tpu.memref_squeeze %dma_start3A_289 : memref<1x2048xf32, #tpu.memory_space<vmem>> -> memref<2048xf32, #tpu.memory_space<vmem>>
      %dma_start3A_291 = tpu.memref_slice %arg7[%add3A_285, %mul3A_2] : memref<8x32768xf32, #tpu.memory_space<hbm>> -> memref<1x2048xf32, #tpu.memory_space<hbm>>
      %dma_start3A_292 = tpu.memref_squeeze %dma_start3A_291 : memref<1x2048xf32, #tpu.memory_space<hbm>> -> memref<2048xf32, #tpu.memory_space<hbm>>
      %dma_start3A_293 = tpu.memref_slice %arg7[%add3A_285, %mul3A_2] : memref<8x32768xf32, #tpu.memory_space<hbm>> -> memref<1x2048xf32, #tpu.memory_space<hbm>>
      %dma_start3A_294 = tpu.memref_squeeze %dma_start3A_293 : memref<1x2048xf32, #tpu.memory_space<hbm>> -> memref<2048xf32, #tpu.memory_space<hbm>>
      %dma_start3A_295 = arith.constant 0 : i32
      %dma_start3A_296 = tpu.memref_slice %arg9[%run_scoped3A_286, %dma_start3A_295] : memref<4x2048xf32, #tpu.memory_space<vmem>> -> memref<1x2048xf32, #tpu.memory_space<vmem>>
      %dma_start3A_297 = tpu.memref_squeeze %dma_start3A_296 : memref<1x2048xf32, #tpu.memory_space<vmem>> -> memref<2048xf32, #tpu.memory_space<vmem>>
      tpu.enqueue_dma source(%dma_start3A_297 : memref<2048xf32, #tpu.memory_space<vmem>>) target(%dma_start3A_294 : memref<2048xf32, #tpu.memory_space<hbm>>) target_semaphore(%run_scoped3A_287 : memref<!tpu.dma_semaphore, #tpu.memory_space<semaphore_mem>>)
      %dma_wait3A_298 = arith.constant 0 : i32
      %dma_wait3A_299 = tpu.memref_slice %arg9[%run_scoped3A_286, %dma_wait3A_298] : memref<4x2048xf32, #tpu.memory_space<vmem>> -> memref<1x2048xf32, #tpu.memory_space<vmem>>
      %dma_wait3A_300 = tpu.memref_squeeze %dma_wait3A_299 : memref<1x2048xf32, #tpu.memory_space<vmem>> -> memref<2048xf32, #tpu.memory_space<vmem>>
      %dma_wait3A_301 = tpu.memref_slice %arg7[%add3A_285, %mul3A_2] : memref<8x32768xf32, #tpu.memory_space<hbm>> -> memref<1x2048xf32, #tpu.memory_space<hbm>>
      %dma_wait3A_302 = tpu.memref_squeeze %dma_wait3A_301 : memref<1x2048xf32, #tpu.memory_space<hbm>> -> memref<2048xf32, #tpu.memory_space<hbm>>
      %dma_wait3A_303 = tpu.memref_slice %arg7[%add3A_285, %mul3A_2] : memref<8x32768xf32, #tpu.memory_space<hbm>> -> memref<1x2048xf32, #tpu.memory_space<hbm>>
      %dma_wait3A_304 = tpu.memref_squeeze %dma_wait3A_303 : memref<1x2048xf32, #tpu.memory_space<hbm>> -> memref<2048xf32, #tpu.memory_space<hbm>>
      %dma_wait3A_305 = arith.constant 0 : i32
      %dma_wait3A_306 = tpu.memref_slice %arg9[%run_scoped3A_286, %dma_wait3A_305] : memref<4x2048xf32, #tpu.memory_space<vmem>> -> memref<1x2048xf32, #tpu.memory_space<vmem>>
      %dma_wait3A_307 = tpu.memref_squeeze %dma_wait3A_306 : memref<1x2048xf32, #tpu.memory_space<vmem>> -> memref<2048xf32, #tpu.memory_space<vmem>>
      tpu.wait_dma2 semaphore(%run_scoped3A_287 : memref<!tpu.dma_semaphore, #tpu.memory_space<semaphore_mem>>) src(%dma_wait3A_307 : memref<2048xf32, #tpu.memory_space<vmem>>) dst(%dma_wait3A_304 : memref<2048xf32, #tpu.memory_space<hbm>>)
      tpu.yield
    }) : () -> ()
    return
  }
}

</mosaic_0001>

<sc_bundles>
// kernel: kernel.3.cloned.1.call-start
scs
__scs_entry_jumppad:
0x0: {  	(pc) =	sbr.rel $0x88, $3  }
0x1: {  	(tag) =	ssettag $0x0;
	lr =	simm.s32 $0x1  }
0x2: {  	[smem:$0x3F9C] =	sst lr;
	_ =	strace $0xD0000000  }
0x3: {  	_ = 	snop  }
0x4: {  	_ = 	snop  }
0x5: {  	_ = 	snop  }
0x6: {  	_ = 	snop  }
0x7: {  	_ = 	snop  }
__scs_overlays_trampoline_lowered:
0x8: {  	[smem:$0x3FAB] =	sst s0  }
0x9: {  	[smem:$0x3FAC] =	sst s1  }
0xa: {  	[smem:$0x3FAD] =	sst s2  }
0xb: {  	[smem:$0x3FAE] =	sst s3  }
0xc: {  	[smem:$0x3FAF] =	sst s4  }
0xd: {  	[smem:$0x3FB0] =	sst s5  }
0xe: {  	[smem:$0x3FB1] =	sst s6  }
0xf: {  	[smem:$0x3FB2] =	sst s7  }
0x10: {  	[smem:$0x3FB3] =	sst s8  }
0x11: {  	[smem:$0x3FB4] =	sst s9;
	s0 =	simm.s32 @!p0 $0x0  }
0x12: {  	s1 =	sld [smem:$0x3F9A];
	s0 =	simm.s32 @p0 $0x1  }
0x13: {  	[smem:$0x3FB5] =	sst s0;
	s0 =	simm.s32 @!p1 $0x0  }
0x14: {  	s2 =	sld [smem:$0x3F99];
	s0 =	simm.s32 @p1 $0x1  }
0x15: {  	[smem:$0x3FB6] =	sst s0;
	s0 =	simm.s32 @!p2 $0x0  }
0x16: {  	s3 =	sld [smem:$0x3FDB];
	s0 =	simm.s32 @p2 $0x1  }
0x17: {  	s4 =	simm.s32 $0x1BF5;
	[smem:$0x3FB8] =	sst s0  }
0x18: {  	s0 =	sld [smem:$0x3F9B];
	_ =	swait.ge [sflag:s4], $0x0  }
0x19: {  	s7 =	sld [smem:$0x3F9C]  }
0x1a: {  	s8 =	sadd.s32 $0xFFFFE003, lr  }
0x1b: {  	s9 =	sadd.s32 $0xFFFFFEF7, lr;
	s5 =	simm.s32 $0xFFFFFFFF;
	p2 =	slt.u32 s8, $0xFFFFF086  }
0x1c: {  	p1 =	slt.u32 s9, $0xF7A;
	s5 =	simm.s32 @!p2 $0x0  }
0x1d: {  	s5 =	simm.s32 @p1 $0x1;
	p0 =	seq.s32 s7, s2  }
0x1e: {  	s7 =	smul.u32 @!p0 $0xF7A, s2;
	p2 =	seq.s32 @!p0 s5, $0x0  }
0x1f: {  	s9 =	smul.u32 $0xF7A, s1;
	s8 =	simm.s32 @!p0 $0x1BF5;
	p2 =	por !p2, p0  }
0x20: {  	[sflag:s8] =	ssyncset.s32 @!p0 $0xFFFFF086;
	s6 =	sadd.s32 @!p0 s3, s7;
	s7 =	simm.s32 @!p0 $0x108  }
0x21: {  	s3 =	sadd.s32 s3, s9;
	s6 =	sadd.s32 @!p0 $0x88, s6;
	s7 =	simm.s32 @p2 $0x1082  }
0x22: {  	[simem:s7], [sflag:s8] =	dma.local @!p0 [hbm:s6], $0xF7A  }
0x23: {  	s9 =	sor.u32 $0xD0000000, s2;
	s6 =	simm.s32 $0x108;
	_ =	swait.ge @!p0 [sflag:s8], $0x0  }
0x24: {  	s3 =	sadd.s32 $0x88, s3;
	s6 =	simm.s32 @!p1 $0x1082;
	[sflag:s4] =	ssyncset.s32 $0xFFFFF086  }
0x25: {  	[simem:s6], [sflag:s4] =	dma.local [hbm:s3], $0xF7A  }
0x26: {  	[smem:$0x3F9C] =	sst s1;
	(tag) =	ssettag s2;
	_ =	strace s9  }
0x27: {  	s1 =	sld [smem:$0x3FAC]  }
0x28: {  	s2 =	sld [smem:$0x3FAD]  }
0x29: {  	s4 =	sld [smem:$0x3FAF]  }
0x2a: {  	p0 =	seq.s32 s5, $0x0;
	s5 =	sld [smem:$0x3FB0]  }
0x2b: {  	s6 =	sld [smem:$0x3FB1]  }
0x2c: {  	s7 =	sld [smem:$0x3FB2]  }
0x2d: {  	s3 =	simm.s32 $0x108;
	s8 =	sld [smem:$0x3FB3]  }
0x2e: {  	s3 =	simm.s32 @!p0 $0x1082;
	s9 =	sld [smem:$0x3FB4]  }
0x2f: {  	lr =	sadd.s32 s0, s3;
	s0 =	sld [smem:$0x3FAB]  }
0x30: {  	s3 =	sld [smem:$0x3FAE]  }
0x31: {  	[smem:$0x3FB7] =	sst s10  }
0x32: {  	s10 =	sld [smem:$0x3FB5];
	_ =	sdelay $0x3  }
0x33: {  	p0 =	seq.s32 s10, $0x1;
	s10 =	sld [smem:$0x3FB7];
	_ =	sdelay $0x3  }
0x34: {  	[smem:$0x3FB7] =	sst s10  }
0x35: {  	s10 =	sld [smem:$0x3FB6];
	_ =	sdelay $0x3  }
0x36: {  	p1 =	seq.s32 s10, $0x1;
	s10 =	sld [smem:$0x3FB7];
	_ =	sdelay $0x3  }
0x37: {  	[smem:$0x3FB7] =	sst s10  }
0x38: {  	s10 =	sld [smem:$0x3FB8]  }
0x39: {  	_ = 	snop;
	(pc) =	sbr.ind lr, $3  }
0x3a: {  	_ = 	snop  }
0x3b: {  	_ = 	snop  }
0x3c: {  	p2 =	seq.s32 s10, $0x1;
	s10 =	sld [smem:$0x3FB7]  }
0x3d: {  	_ =	shalt  }
0x3e: {  	_ =	shalt  }
0x3f: {  	_ =	shalt  }
0x40: {  	_ =	shalt  }
0x41: {  	_ =	shalt  }
0x42: {  	_ =	shalt  }
0x43: {  	_ =	shalt  }
0x44: {  	_ =	shalt  }
0x45: {  	_ =	shalt  }
0x46: {  	_ =	shalt  }
0x47: {  	_ =	shalt  }
0x48: {  	_ =	shalt  }
0x49: {  	_ =	shalt  }
0x4a: {  	_ =	shalt  }
0x4b: {  	_ =	shalt  }
0x4c: {  	_ =	shalt  }
0x4d: {  	_ =	shalt  }
0x4e: {  	_ =	shalt  }
0x4f: {  	_ =	shalt  }
0x50: {  	_ =	shalt  }
0x51: {  	_ =	shalt  }
0x52: {  	_ =	shalt  }
0x53: {  	_ =	shalt  }
0x54: {  	_ =	shalt  }
0x55: {  	_ =	shalt  }
0x56: {  	_ =	shalt  }
0x57: {  	_ =	shalt  }
0x58: {  	_ =	shalt  }
0x59: {  	_ =	shalt  }
0x5a: {  	_ =	shalt  }
0x5b: {  	_ =	shalt  }
0x5c: {  	_ =	shalt  }
0x5d: {  	_ =	shalt  }
0x5e: {  	_ =	shalt  }
0x5f: {  	_ =	shalt  }
0x60: {  	_ =	shalt  }
0x61: {  	_ =	shalt  }
0x62: {  	_ =	shalt  }
0x63: {  	_ =	shalt  }
0x64: {  	_ =	shalt  }
0x65: {  	_ =	shalt  }
0x66: {  	_ =	shalt  }
0x67: {  	_ =	shalt  }
0x68: {  	_ =	shalt  }
0x69: {  	_ =	shalt  }
0x6a: {  	_ =	shalt  }
0x6b: {  	_ =	shalt  }
0x6c: {  	_ =	shalt  }
0x6d: {  	_ =	shalt  }
0x6e: {  	_ =	shalt  }
0x6f: {  	_ =	shalt  }
0x70: {  	_ =	shalt  }
0x71: {  	_ =	shalt  }
0x72: {  	_ =	shalt  }
0x73: {  	_ =	shalt  }
0x74: {  	_ =	shalt  }
0x75: {  	_ =	shalt  }
0x76: {  	_ =	shalt  }
0x77: {  	_ =	shalt  }
0x78: {  	_ =	shalt  }
0x79: {  	_ =	shalt  }
0x7a: {  	_ =	shalt  }
0x7b: {  	_ =	shalt  }
0x7c: {  	_ =	shalt  }
0x7d: {  	_ =	shalt  }
0x7e: {  	_ =	shalt  }
0x7f: {  	_ =	shalt  }
0x80: {  	_ =	shalt  }
0x81: {  	_ =	shalt  }
0x82: {  	_ =	shalt  }
0x83: {  	_ =	shalt  }
0x84: {  	_ =	shalt  }
0x85: {  	_ =	shalt  }
0x86: {  	_ =	shalt  }
0x87: {  	_ =	shalt  }
.Lfunc_end0:
.L_simem_size_0:
called_computation_lowered:
.L_overlay_start_0:
0x88: {  	s2 =	sld [smem:$0x3FD9]  }
0x89: {  	s3 =	sld [smem:$0x3FFE];
	_ =	sdelay $0x1  }
0x8a: {  	s1 =	srdreg.scid  }
0x8b: {  	s0 =	sand.u32 $0x1, s1  }
0x8c: {  	s17 =	sshll.u32 s0, $0xA;
	s2 =	sadd.s32 s3, s2  }
0x8d: {  	s2 =	sadd.s32 s2, s17  }
0x8e: {  	[smem:$0x3FC3] =	sst s2  }
0x8f: {  	_ = 	snop  }
0x90: {  	s2 =	sld [smem:$0x3FC9]  }
0x91: {  	s18 =	sld [smem:$0x3FC8]  }
0x92: {  	s4 =	sld [smem:$0x3FC7]  }
0x93: {  	s5 =	sld [smem:$0x3FD0];
	(tm) =	ssettm $0x1  }
0x94: {  	s6 =	sld [smem:$0x3FFB];
	_ =	sdelay $0x3  }
0x95: {  	_ =	strace s6  }
0x96: {  	s6 =	sld [smem:$0x3FFC];
	_ =	sdelay $0x3  }
0x97: {  	_ =	strace s6  }
0x98: {  	s6 =	sld [smem:$0x3FFD];
	_ =	sdelay $0x3  }
0x99: {  	_ =	strace s6  }
0x9a: {  	_ =	strace $0x8FFFFFFF  }
0x9b: {  	s19 =	sld [smem:$0x3FDB];
	_ =	sdelay $0x1  }
0x9c: {  	s7 =	simm.s32 $_scs_section_size  }
0x9d: {  	s8 =	simm.s32 $_size__tile_overlayer_lowered;
	s9 =	simm.s32 $_tile_overlayer_lowered  }
0x9e: {  	s22 =	simm.s32 $0x1BFF;
	s21 =	sshll.u32 s9, $0x1;
	s6 =	sadd.s32 s7, s19  }
0x9f: {  	s10 =	simm.s32 $0x0;
	s20 =	sshll.u32 s8, $0x1;
	s8 =	sadd.s32 s21, s6  }
0xa0: {  	[timem:s10], [sflag:s22] =	dma.local [hbm:s8], s20  }
0xa1: {  	_ =	swait.ge [sflag:s22], s20  }
0xa2: {  	s7 =	ssub.s32 $0x0, s20;
	[sflag:s22] =	ssyncset.done $0x0  }
0xa3: {  	[sflag:s22] =	ssyncadd.s32 s7;
	_ =	sdelay $0x1  }
0xa4: {  	s23 =	simm.s32 $0x1B8B  }
0xa5: {  	_ =	swait.ge [sflag:s23], $0x1  }
0xa6: {  	[sflag:s23] =	ssyncset.done $0x0  }
0xa7: {  	s25 =	simm.s32 $0x1B8E;
	s24 =	sld [smem:$0x3FFE];
	[sflag:s23] =	ssyncadd.s32 $0xFFFFFFFF  }
0xa8: {  	s26 =	simm.s32 $execute0_lowered;
	[smem:$0x3FD2] =	sst s25  }
0xa9: {  	s8 =	sshll.u32 s26, $0x1;
	_ =	strace $0x80000046;
	[dreg:$0x1] =	wrdreg $0xFFFFFFFF  }
0xaa: {  	s28 =	simm.s32 $_size_execute0_lowered;
	s6 =	sadd.s32 s6, s8;
	[dreg:$0x0] =	wrdreg $0x0  }
0xab: {  	s8 =	sshll.u32 s28, $0x1;
	[dreg:$0x2] =	wrdreg s6  }
0xac: {  	[dreg:$0x3] =	wrdreg s8  }
0xad: {  	[dreg:$0x4] =	wrdreg $0xC0  }
0xae: {  	_ =	task [dreg:s10], $0x5FFFF  }
0xaf: {  	[dreg:$0x1] =	wrdreg $0xFFFFFFFF  }
0xb0: {  	[dreg:$0x0] =	wrdreg $0x60  }
0xb1: {  	[dreg:$0x2] =	wrdreg s2  }
0xb2: {  	[dreg:$0x3] =	wrdreg s18  }
0xb3: {  	[dreg:$0x4] =	wrdreg s4  }
0xb4: {  	[dreg:$0x5] =	wrdreg s24  }
0xb5: {  	[dreg:$0x6] =	wrdreg s5  }
0xb6: {  	[dreg:$0x7] =	wrdreg $0x9  }
0xb7: {  	_ =	task.clear_ibuf [dreg:s10], $0x8FFFF;
	_ =	strace $0x90000046  }
0xb8: {  	s29 =	simm.s32 $0x9;
	_ =	strace $0x80000048  }
0xb9: {  	_ =	swait.ge [sflag:s29], $0x1  }
0xba: {  	[sflag:s29] =	ssyncadd.s32 $0xFFFFFFFF  }
0xbb: {  	_ =	strace $0x90000048  }
0xbc: {  	_ =	sfence  }
0xbd: {  	s30 =	sld [smem:$0x0];
	_ =	sdelay $0x2  }
0xbe: {  	s31 =	sshll.u32 s1, $0xD;
	s1 =	sshrl.u32 s1, $0x2  }
0xbf: {  	s3 =	sand.u32 $0x4000, s31;
	s1 =	sadd.s32 s1, s30  }
0xc0: {  	s0 =	sor.u32 s3, s0;
	s1 =	sshll.u32 s1, $0x11  }
0xc1: {  	s0 =	sor.u32 s1, s0  }
0xc2: {  	s0 =	sadd.s32 $0x8F2B, s0  }
0xc3: {  	[sflag:s0] =	ssyncadd.remote.s32 $0x1  }
0xc4: {  	_ =	sfence.sel $0xFFFF  }
0xc5: {  	[dreg:$0x0] =	wrdreg $0xFFFFFFFF;
	(pc) =	sbr.abs _section_cstart, $3  }
0xc6: {  	[dreg:$0x1] =	wrdreg $0xFFFFFFFF  }
0xc7: {  	_ =	task.clear_ibuf [dreg:s10], $0x2FFFF;
	_ =	strace $0x9FFFFFFF  }
0xc8: {  	(tm) =	ssettm $0x7FFFFFFF  }
0xc9: {  	_ =	shalt  }
tec
execute0_lowered:
.L_overlay_start_1:
0x0: {  	(tag) =	ssettag $0x1  }
0x1: {  	s0 =	rddreg [dreg:$0x0]  }
0x2: {  	s14 =	rddreg [dreg:$0x1]  }
0x3: {  	s15 =	rddreg [dreg:$0x2]  }
0x4: {  	s1 =	rddreg [dreg:$0x3]  }
0x5: {  	s2 =	rddreg [dreg:$0x4]  }
0x6: {  	s3 =	simm.s32 $0x0;
	s17 =	srdreg.scid;
	s16 =	stileid.u32  }
0x7: {  	s30 =	simm.s32 $0x12000;
	s29 =	simm.s32 $0x1A000;
	s31 =	simm.s32 $0xE800  }
0x8: {  	[smem:$0x7FF] =	sst s3;
	s3 =	sand.u32 $0x1, s17;
	s17 =	sadd.s32 $0x600, s1  }
0x9: {  	s13 =	sshll.u32 s16, $0xB;
	s5 =	sadd.s32 $0x400, s1;
	s1 =	sadd.s32 $0x8200, s1  }
0xa: {  	_ =	strace $0x80000047;
	s4 =	sshll.u32 s3, $0x11;
	[dreg:$0x8] =	wrdreg s5  }
0xb: {  	s18 =	ssub.s32 $0x2, s3;
	s8 =	sshll.u32 s3, $0x2;
	[dreg:$0x7] =	wrdreg s13  }
0xc: {  	s21 =	sshllo.u32 s3, $0x2;
	[dreg:$0x6] =	wrdreg s17;
	s6 =	sor.u32 s13, s4  }
0xd: {  	s7 =	sshrl.u32 s18, $0x1;
	s19 =	sor.u32 $0x1, s8;
	s20 =	sor.u32 $0x2, s8  }
0xe: {  	s10 =	sadd.s32 s17, s4;
	s11 =	sshll.u32 s21, $0xF;
	s28 =	sadd.s32 s4, s1  }
0xf: {  	s8 =	simm.s32 $0x11000;
	s6 =	sshrl.u32 s6, $0x3;
	s5 =	ssub.s32 s18, s7  }
0x10: {  	s9 =	sshll.u32 s19, $0xF;
	[dreg:$0xa] =	wrdreg s10;
	s23 =	sshll.u32 s20, $0xF  }
0x11: {  	[dreg:$0x11] =	wrdreg s28;
	s10 =	sshll.u32 s3, $0x14;
	s18 =	sshll.u32 s20, $0x6  }
0x12: {  	s7 =	simm.s32 $0xD000;
	s0 =	sadd.s32 s0, s6;
	s22 =	sadd.s32 s17, s9  }
0x13: {  	s6 =	sadd.s32 s2, s6;
	s24 =	sor.u32 s13, s9;
	[dreg:$0x16] =	wrdreg s10  }
0x14: {  	s12 =	sor.u32 s13, s23;
	s13 =	sor.u32 s13, s11;
	[dreg:$0x9] =	wrdreg s0  }
0x15: {  	s26 =	sadd.s32 s17, s23;
	s4 =	sadd.s32 s9, s1;
	[dreg:$0xb] =	wrdreg s22  }
0x16: {  	s9 =	sadd.s32 s17, s11;
	s17 =	sshll.u32 s20, $0x12;
	[dreg:$0xc] =	wrdreg s6  }
0x17: {  	s20 =	sshll.u32 s21, $0x6;
	s10 =	simm.s32 $0x1B000;
	[dreg:$0x10] =	wrdreg s26  }
0x18: {  	s6 =	sshrl.u32 s24, $0x3;
	s12 =	sshrl.u32 s12, $0x3;
	[dreg:$0x12] =	wrdreg s4  }
0x19: {  	s13 =	sshrl.u32 s13, $0x3;
	[dreg:$0x15] =	wrdreg s9;
	s0 =	sshll.u32 s19, $0x6  }
0x1a: {  	[dreg:$0x18] =	wrdreg s17;
	s26 =	sshrl.u32 s18, $0x2;
	s28 =	sshrl.u32 s20, $0x2  }
0x1b: {  	s20 =	simm.s32 $0xF800;
	s17 =	simm.s32 $0x14800;
	s9 =	simm.s32 $0x19000  }
0x1c: {  	s18 =	simm.s32 $0x15800;
	s6 =	sadd.s32 s2, s6;
	[smem:$0x7FC] =	sst s26  }
0x1d: {  	s25 =	sadd.s32 s2, s12;
	s2 =	sadd.s32 s2, s13;
	[smem:$0x7FD] =	sst s28  }
0x1e: {  	s13 =	simm.s32 $0x0;
	s12 =	sshll.u32 s19, $0x12;
	[dreg:$0xd] =	wrdreg s6  }
0x1f: {  	s19 =	sshll.u32 s21, $0x12;
	s21 =	sshll.u32 s16, $0x8;
	[dreg:$0xe] =	wrdreg s25  }
0x20: {  	s0 =	sshrl.u32 s0, $0x2;
	s16 =	simm.s32 $0x17800;
	[dreg:$0xf] =	wrdreg s2  }
0x21: {  	s6 =	sadd.s32 s23, s1;
	s1 =	sadd.s32 s11, s1;
	[dreg:$0x17] =	wrdreg s12  }
0x22: {  	s11 =	sshll.u32 s3, $0x8;
	[dreg:$0x19] =	wrdreg s19;
	s22 =	sadd.s32 s14, s21  }
0x23: {  	s23 =	sadd.s32 s15, s21;
	s4 =	sor.u32 $0x7C000, s21;
	[smem:$0x7FB] =	sst s0  }
0x24: {  	s25 =	smax.u32 s5, $0x1;
	s0 =	simm.s32 $0x10800;
	[dreg:$0x13] =	wrdreg s6  }
0x25: {  	s3 =	simm.s32 $0x12800;
	s19 =	simm.s32 $0xD800;
	[dreg:$0x14] =	wrdreg s1  }
0x26: {  	s2 =	simm.s32 $0x13800;
	s21 =	simm.s32 $0x18800;
	[dreg:$0x1a] =	wrdreg s22  }
0x27: {  	s5 =	simm.s32 $0x19800;
	s12 =	simm.s32 $0x1B800;
	[dreg:$0x1b] =	wrdreg s23  }
0x28: {  	s24 =	sadd.s32 s14, s4;
	s4 =	sadd.s32 s15, s4;
	[dreg:$0x1e] =	wrdreg s25  }
0x29: {  	s1 =	sshrl.u32 s11, $0x2;
	s11 =	simm.s32 $0x13000;
	[dreg:$0x1c] =	wrdreg s24  }
0x2a: {  	s6 =	simm.s32 $0x16800;
	s22 =	simm.s32 $0x1A800;
	[dreg:$0x1d] =	wrdreg s4  }
0x2b: {  	s23 =	simm.s32 $0x15000;
	s25 =	simm.s32 $0x0;
	[dreg:$0x1f] =	wrdreg s1  }
0x2c: {  	v0 =	vimm.f32 $0.0e+00;
	s4 =	simm.s32 $0xF000;
	s1 =	simm.s32 $0x11800;
	s24 =	simm.s32 $0x17000  }
.LBB2_1:
0x2d: {  	s14 =	rddreg [dreg:$0x8];
	s15 =	simm.s32 $0x1C000  }
0x2e: {  	[tilespmem:s15], [sflag:$0x7] =	stream.linear.gather [hbm4b:s14+s13], $0x80, $0x38;
	[tilespmem:$0x1C080] =	vst v63  }
0x2f: {  	s15 =	simm.s32 $0x7  }
0x30: {  	_ =	swait.ge [sflag:s15], $0x80  }
0x31: {  	s28 =	simm.s32 $0x800;
	[sflag:s15] =	ssyncset.done $0x0  }
0x32: {  	s26 =	simm.s32 $0x8000;
	s14 =	rddreg [dreg:$0x9];
	[sflag:s15] =	ssyncadd.s32 $0xFFFFFF80  }
0x33: {  	[tilespmem:s13], [sflag:$0x7] =	stream.strided.gather [hbm4b:s14+s28], $0x2000, s26, s28, $0x38;
	[tilespmem:$0x1C080] =	vst v63  }
0x34: {  	_ =	swait.ge [sflag:s15], $0x2000  }
0x35: {  	[sflag:s15] =	ssyncset.done $0x0  }
0x36: {  	s14 =	rddreg [dreg:$0x1a];
	[sflag:s15] =	ssyncadd.s32 $0xFFFFE000;
	s15 =	simm.s32 $0x4000  }
0x37: {  	[tilespmem:s15], [sflag:$0x1] =	stream.strided.gather [hbm4b:s14+s28], $0x2000, s26, s28, $0x38;
	[tilespmem:$0x1C080] =	vst v63  }
0x38: {  	s15 =	simm.s32 $0x800;
	s14 =	simm.s32 $0x8000;
	s28 =	rddreg [dreg:$0x1b]  }
0x39: {  	[tilespmem:s14], [sflag:$0x3] =	stream.strided.gather [hbm4b:s28+s15], $0x2000, s14, s15, $0x38;
	[tilespmem:$0x1C080] =	vst v63  }
0x3a: {  	s26 =	rddreg [dreg:$0xa];
	s28 =	simm.s32 $0xC000  }
0x3b: {  	[tilespmem:s28], [sflag:$0x5] =	stream.linear.gather [hbm4b:s26+s13], $0x2000, $0x38;
	[tilespmem:$0x1C080] =	vst v63  }
0x3c: {  	s26 =	rddreg [dreg:$0xb];
	s28 =	simm.s32 $0xE000  }
0x3d: {  	[tilespmem:s28], [sflag:$0x5] =	stream.linear.gather [hbm4b:s26+s13], $0x2000, $0x38;
	[tilespmem:$0x1C080] =	vst v63  }
0x3e: {  	s15 =	rddreg [dreg:$0x10];
	s26 =	simm.s32 $0x10000  }
0x3f: {  	[tilespmem:s26], [sflag:$0x5] =	stream.linear.gather [hbm4b:s15+s13], $0x2000, $0x38;
	[tilespmem:$0x1C080] =	vst v63  }
0x40: {  	s28 =	rddreg [dreg:$0x15]  }
0x41: {  	[tilespmem:s30], [sflag:$0x5] =	stream.linear.gather [hbm4b:s28+s13], $0x2000, $0x38;
	[tilespmem:$0x1C080] =	vst v63  }
0x42: {  	s30 =	rddreg [dreg:$0x1f]  }
0x43: {  	s14 =	simm.s32 $0x40;
	s13 =	simm.s32 $0x0;
	v1 =	vld [tilespmem:s30+$0x1C000]  }
.LBB2_2:
0x44: {  	p0 =	sne.s32 s14, $0x1FC0;
	v2 =	vld [tilespmem:s13+$0x0];
	[tilespmem:s13+$0x2000] =	vst v0;
	_ =	sdelay $0x4  }
.Ltmp0:
0x45: {  	v2 =	vmul.f32 $1.298701270e+04, v2;
	(pc) =	sbr.rel @p0 .LBB2_2-.Ltmp0, $3  }
0x46: {  	_ = 	snop  }
0x47: {  	v2 =	vadd.f32 v2, v1;
	_ =	sdelay $0x1  }
0x48: {  	[tilespmem:s13+$0x0] =	vst v2;
	s13 =	sshra.s32 s14, $0x2;
	s14 =	sadd.s32 $0x40, s14  }
0x49: {  	v2 =	vld [tilespmem:s13+$0x0];
	_ =	sdelay $0x4  }
0x4a: {  	v2 =	vmul.f32 $1.298701270e+04, v2;
	_ =	sdelay $0x1  }
0x4b: {  	s30 =	sld [smem:$0x7FB];
	v1 =	vadd.f32 v2, v1  }
0x4c: {  	[tilespmem:s13+$0x2000] =	vst v0  }
0x4d: {  	[tilespmem:s13+$0x0] =	vst v1  }
0x4e: {  	s14 =	simm.s32 $0x40;
	s13 =	simm.s32 $0x0;
	v1 =	vld [tilespmem:s30+$0x1C000]  }
.LBB2_4:
0x4f: {  	p0 =	sne.s32 s14, $0x1FC0;
	v2 =	vld [tilespmem:s13+$0x800];
	[tilespmem:s13+$0x2800] =	vst v0;
	_ =	sdelay $0x4  }
.Ltmp1:
0x50: {  	v2 =	vmul.f32 $1.298701270e+04, v2;
	(pc) =	sbr.rel @p0 .LBB2_4-.Ltmp1, $3  }
0x51: {  	_ = 	snop  }
0x52: {  	v2 =	vadd.f32 v2, v1;
	_ =	sdelay $0x1  }
0x53: {  	[tilespmem:s13+$0x800] =	vst v2;
	s13 =	sshra.s32 s14, $0x2;
	s14 =	sadd.s32 $0x40, s14  }
0x54: {  	v2 =	vld [tilespmem:s13+$0x800];
	_ =	sdelay $0x4  }
0x55: {  	v2 =	vmul.f32 $1.298701270e+04, v2;
	_ =	sdelay $0x1  }
0x56: {  	s30 =	sld [smem:$0x7FC];
	v1 =	vadd.f32 v2, v1  }
0x57: {  	[tilespmem:s13+$0x2800] =	vst v0  }
0x58: {  	[tilespmem:s13+$0x800] =	vst v1  }
0x59: {  	[smem:$0x7FA] =	sst s25;
	s14 =	simm.s32 $0x40;
	s13 =	simm.s32 $0x0;
	v1 =	vld [tilespmem:s30+$0x1C000]  }
.LBB2_6:
0x5a: {  	p0 =	sne.s32 s14, $0x1FC0;
	v2 =	vld [tilespmem:s13+$0x1000];
	[tilespmem:s13+$0x3000] =	vst v0;
	_ =	sdelay $0x4  }
.Ltmp2:
0x5b: {  	v2 =	vmul.f32 $1.298701270e+04, v2;
	(pc) =	sbr.rel @p0 .LBB2_6-.Ltmp2, $3  }
0x5c: {  	_ = 	snop  }
0x5d: {  	v2 =	vadd.f32 v2, v1;
	_ =	sdelay $0x1  }
0x5e: {  	[tilespmem:s13+$0x1000] =	vst v2;
	s13 =	sshra.s32 s14, $0x2;
	s14 =	sadd.s32 $0x40, s14  }
0x5f: {  	v2 =	vld [tilespmem:s13+$0x1000];
	_ =	sdelay $0x4  }
0x60: {  	v2 =	vmul.f32 $1.298701270e+04, v2;
	_ =	sdelay $0x1  }
0x61: {  	s30 =	sld [smem:$0x7FD];
	v1 =	vadd.f32 v2, v1  }
0x62: {  	[tilespmem:s13+$0x3000] =	vst v0  }
0x63: {  	[tilespmem:s13+$0x1000] =	vst v1  }
0x64: {  	s14 =	simm.s32 $0x40;
	s13 =	simm.s32 $0x0;
	v1 =	vld [tilespmem:s30+$0x1C000]  }
.LBB2_8:
0x65: {  	p0 =	sne.s32 s14, $0x1FC0;
	v2 =	vld [tilespmem:s13+$0x1800];
	[tilespmem:s13+$0x3800] =	vst v0;
	_ =	sdelay $0x4  }
.Ltmp3:
0x66: {  	v2 =	vmul.f32 $1.298701270e+04, v2;
	(pc) =	sbr.rel @p0 .LBB2_8-.Ltmp3, $3  }
0x67: {  	_ = 	snop  }
0x68: {  	v2 =	vadd.f32 v2, v1;
	_ =	sdelay $0x1  }
0x69: {  	[tilespmem:s13+$0x1800] =	vst v2;
	s13 =	sshra.s32 s14, $0x2;
	s14 =	sadd.s32 $0x40, s14  }
0x6a: {  	v2 =	vld [tilespmem:s13+$0x1800];
	_ =	sdelay $0x4  }
0x6b: {  	v2 =	vmul.f32 $1.298701270e+04, v2;
	_ =	sdelay $0x1  }
0x6c: {  	v1 =	vadd.f32 v2, v1  }
0x6d: {  	[tilespmem:s13+$0x3800] =	vst v0  }
0x6e: {  	s26 =	simm.s32 $0x14000;
	s14 =	simm.s32 $0x0;
	[tilespmem:s13+$0x1800] =	vst v1  }
.LBB2_10:
0x6f: {  	[smem:$0x7F8] =	sst s14;
	s13 =	simm.s32 $0x1  }
0x70: {  	_ =	swait.ge [sflag:s13], $0x2000  }
0x71: {  	[sflag:s13] =	ssyncset.done $0x0  }
0x72: {  	s15 =	simm.s32 $0x3;
	[sflag:s13] =	ssyncadd.s32 $0xFFFFE000  }
0x73: {  	_ =	swait.ge [sflag:s15], $0x2000  }
0x74: {  	[sflag:s15] =	ssyncset.done $0x0  }
0x75: {  	s30 =	simm.s32 $0x5;
	[sflag:s15] =	ssyncadd.s32 $0xFFFFE000  }
0x76: {  	_ =	swait.ge [sflag:s30], $0x2000  }
0x77: {  	[sflag:s30] =	ssyncset.done $0x0  }
0x78: {  	[sflag:s30] =	ssyncadd.s32 $0xFFFFE000  }
0x79: {  	_ =	swait.ge [sflag:s30], $0x2000  }
0x7a: {  	[sflag:s30] =	ssyncset.done $0x0  }
0x7b: {  	[sflag:s30] =	ssyncadd.s32 $0xFFFFE000  }
0x7c: {  	_ =	swait.ge [sflag:s30], $0x2000  }
0x7d: {  	[sflag:s30] =	ssyncset.done $0x0  }
0x7e: {  	[sflag:s30] =	ssyncadd.s32 $0xFFFFE000  }
0x7f: {  	s13 =	sshllo.u32 s14, $0x1;
	_ =	swait.ge [sflag:s30], $0x2000  }
0x80: {  	s14 =	sshll.u32 s13, $0x11;
	s15 =	rddreg [dreg:$0x7];
	[sflag:s30] =	ssyncset.done $0x0  }
0x81: {  	s14 =	sor.u32 s15, s14;
	[sflag:s30] =	ssyncadd.s32 $0xFFFFE000  }
0x82: {  	s28 =	simm.s32 $0x800;
	s14 =	sshrl.u32 s14, $0x3;
	s25 =	rddreg [dreg:$0x1]  }
0x83: {  	s30 =	simm.s32 $0x6000;
	s15 =	sadd.s32 s25, s14;
	s25 =	simm.s32 $0x8000  }
0x84: {  	[tilespmem:s30], [sflag:$0x2] =	stream.strided.gather [hbm4b:s15+s28], $0x2000, s25, s28, $0x38;
	[tilespmem:$0x1C080] =	vst v63  }
0x85: {  	s25 =	simm.s32 $0x8000;
	s15 =	rddreg [dreg:$0x2]  }
0x86: {  	s28 =	simm.s32 $0x800;
	s14 =	sadd.s32 s15, s14;
	s15 =	simm.s32 $0xA000  }
0x87: {  	[tilespmem:s15], [sflag:$0x4] =	stream.strided.gather [hbm4b:s14+s28], $0x2000, s25, s28, $0x38;
	[tilespmem:$0x1C080] =	vst v63  }
0x88: {  	s13 =	sshll.u32 s13, $0xD;
	s15 =	rddreg [dreg:$0x16]  }
0x89: {  	s14 =	sor.u32 s15, s13  }
0x8a: {  	s15 =	rddreg [dreg:$0x6];
	s14 =	sshrl.u32 s14, $0x3  }
0x8b: {  	s30 =	simm.s32 $0x0;
	s25 =	rddreg [dreg:$0x17];
	s14 =	sadd.s32 s15, s14  }
0x8c: {  	[tilespmem:s26], [sflag:$0x6] =	stream.linear.gather [hbm4b:s14+s30], $0x2000, $0x38;
	[tilespmem:$0x1C080] =	vst v63  }
0x8d: {  	s14 =	sor.u32 s25, s13  }
0x8e: {  	s14 =	sshrl.u32 s14, $0x3  }
0x8f: {  	s26 =	simm.s32 $0x16000;
	s25 =	rddreg [dreg:$0x18];
	s14 =	sadd.s32 s15, s14  }
0x90: {  	[tilespmem:s26], [sflag:$0x6] =	stream.linear.gather [hbm4b:s14+s30], $0x2000, $0x38;
	[tilespmem:$0x1C080] =	vst v63  }
0x91: {  	s14 =	sor.u32 s25, s13  }
0x92: {  	s14 =	sshrl.u32 s14, $0x3  }
0x93: {  	s26 =	simm.s32 $0x18000;
	s14 =	sadd.s32 s15, s14  }
0x94: {  	[tilespmem:s26], [sflag:$0x6] =	stream.linear.gather [hbm4b:s14+s30], $0x2000, $0x38;
	[tilespmem:$0x1C080] =	vst v63  }
0x95: {  	s26 =	rddreg [dreg:$0x19]  }
0x96: {  	s13 =	sor.u32 s26, s13  }
0x97: {  	s13 =	sshrl.u32 s13, $0x3  }
0x98: {  	s13 =	sadd.s32 s15, s13  }
0x99: {  	[tilespmem:s29], [sflag:$0x6] =	stream.linear.gather [hbm4b:s13+s30], $0x2000, $0x38;
	[tilespmem:$0x1C080] =	vst v63  }
0x9a: {  	s13 =	simm.s32 $0x0  }
0x9b: {  	v1 =	vld [tilespmem:s13+$0x4000]  }
0x9c: {  	v2 =	vld [tilespmem:s13+$0x4800]  }
0x9d: {  	v3 =	vld [tilespmem:s13+$0x1800]  }
0x9e: {  	v5 =	vld [tilespmem:s13+$0x5000]  }
0x9f: {  	v4 =	vld [tilespmem:s13+$0x0]  }
0xa0: {  	v8 =	vld [tilespmem:s13+$0x1000]  }
0xa1: {  	v7 =	vmul.f32 $1.298701270e+04, v1  }
0xa2: {  	v6 =	vld [tilespmem:s13+$0x800];
	v2 =	vmul.f32 $1.298701270e+04, v2  }
0xa3: {  	v12 =	vmul.f32 $1.298701270e+04, v5;
	v9 =	vadd.f32 v7, v3  }
0xa4: {  	v10 =	vadd.f32 v7, v4;
	v11 =	vadd.f32 v2, v4  }
0xa5: {  	v13 =	vadd.f32 v2, v3;
	v17 =	vadd.f32 v12, v8  }
0xa6: {  	v1 =	vld [tilespmem:s13+$0x5800];
	v18 =	vadd.f32 v7, v8;
	v19 =	vadd.f32 v12, v3  }
0xa7: {  	v23 =	vadd.f32 v12, v6;
	v7 =	vadd.f32 v7, v6;
	v5 =	vtrunc.f32 v9  }
0xa8: {  	v12 =	vadd.f32 v12, v4;
	v16 =	vtrunc.f32 v10;
	v22 =	vtrunc.f32 v13  }
0xa9: {  	v24 =	vtrunc.f32 v11;
	v34 =	vtrunc.f32 v7  }
0xaa: {  	v47 =	vtrunc.f32 v12;
	v14 =	vcvt.f32.s32 v5  }
0xab: {  	v20 =	vmul.f32 $1.298701270e+04, v1;
	v1 =	vtrunc.f32 v17  }
0xac: {  	v34 =	vcvt.f32.s32 v34;
	v16 =	vcvt.f32.s32 v16  }
0xad: {  	v15 =	vadd.f32 v2, v6;
	v26 =	vcvt.f32.s32 v1;
	v1 =	vtrunc.f32 v19  }
0xae: {  	v36 =	vadd.f32 v2, v8;
	v24 =	vcvt.f32.s32 v24;
	v29 =	vcvt.f32.s32 v1  }
0xaf: {  	v51 =	vld [tilespmem:s13+$0x2800];
	v21 =	vadd.s32 $0x1, v14;
	v25 =	vadd.f32 v20, v8;
	v30 =	vcvt.s32.f32 v14  }
0xb0: {  	s15 =	simm.s32 $0x12000;
	v2 =	vld [tilespmem:s13+$0x9000];
	v5 =	vadd.f32 v20, v6;
	v8 =	vcvt.f32.s32 v22;
	v6 =	vcvt.s32.f32 v29  }
0xb1: {  	v27 =	vadd.f32 v20, v3;
	v3 =	vtrunc.f32 v18;
	v39 =	vcvt.s32.f32 v34;
	v14 =	vld.idx.msk [tilespmem:v14+s15+$0x0], $0xffff  }
0xb2: {  	s26 =	simm.s32 $0xE000;
	v40 =	vadd.s32 $0x1, v34;
	v54 =	vcvt.s32.f32 v8;
	v19 =	vsub.f32 v19, v6;
	v6 =	vld [tilespmem:s13+$0x8000]  }
0xb3: {  	s29 =	simm.s32 $0xC800;
	v60 =	vcvt.f32.s32 v47;
	v35 =	vcvt.f32.s32 v3;
	v34 =	vld.idx.msk [tilespmem:v34+s26+$0x0], $0xffff  }
0xb4: {  	v33 =	vadd.s32 $0x1, v29;
	v39 =	vsub.f32 v7, v39;
	v7 =	vsub.f32 v13, v54;
	v54 =	vld.idx.msk [tilespmem:v24+s29+$0x0], $0xffff  }
0xb5: {  	v22 =	vtrunc.f32 v23;
	v41 =	vadd.s32 $0x1, v16;
	v42 =	vcvt.s32.f32 v24;
	v21 =	vld.idx.msk [tilespmem:v21+s15+$0x0], $0xffff  }
0xb6: {  	v28 =	vcvt.s32.f32 v26;
	v32 =	vadd.s32 $0x1, v26;
	v55 =	vadd.s32 $0x1, v35;
	v26 =	vld.idx.msk [tilespmem:v26+s8+$0x0], $0xffff  }
0xb7: {  	v43 =	vadd.s32 $0x1, v24;
	v46 =	vcvt.s32.f32 v16;
	v53 =	vcvt.s32.f32 v60;
	v40 =	vld.idx.msk [tilespmem:v40+s26+$0x0], $0xffff  }
0xb8: {  	v63 =	vadd.s32 $0x1, v60;
	v22 =	vcvt.f32.s32 v22;
	v31 =	vtrunc.f32 v25;
	v29 =	vld.idx.msk [tilespmem:v29+s11+$0x0], $0xffff  }
0xb9: {  	s25 =	simm.s32 $0x10000;
	v37 =	vtrunc.f32 v27;
	v9 =	vsub.f32 v9, v30;
	v38 =	vadd.s32 $0x1, v8;
	v33 =	vld.idx.msk [tilespmem:v33+s11+$0x0], $0xffff  }
0xba: {  	s28 =	simm.s32 $0x10000;
	v42 =	vsub.f32 v11, v42;
	v59 =	vtrunc.f32 v5;
	v37 =	vcvt.f32.s32 v37;
	v44 =	vld.idx.msk [tilespmem:v35+s25+$0x0], $0xffff  }
0xbb: {  	v31 =	vcvt.f32.s32 v31;
	v17 =	vsub.f32 v17, v28;
	v30 =	vld.idx.msk [tilespmem:v55+s28+$0x0], $0xffff;
	v21 =	vsub.f32 v21, v14  }
0xbc: {  	v48 =	vcvt.s32.f32 v22;
	v56 =	vadd.s32 $0x1, v37;
	v13 =	vld.idx.msk [tilespmem:v32+s8+$0x0], $0xffff;
	v35 =	vcvt.s32.f32 v35  }
0xbd: {  	v49 =	vadd.s32 $0x1, v22;
	v24 =	vcvt.f32.s32 v59;
	v8 =	vld.idx.msk [tilespmem:v8+s3+$0x0], $0xffff;
	v9 =	vmul.f32 v21, v9  }
0xbe: {  	v45 =	vcvt.s32.f32 v37;
	v38 =	vld.idx.msk [tilespmem:v38+s3+$0x0], $0xffff;
	v18 =	vsub.f32 v18, v35;
	v33 =	vsub.f32 v33, v29  }
0xbf: {  	v50 =	vsub.f32 v40, v34;
	v21 =	vld [tilespmem:s13+$0x3800];
	v9 =	vadd.f32 v9, v14;
	v14 =	vtrunc.f32 v15  }
0xc0: {  	v1 =	vld [tilespmem:s13+$0x9800];
	v30 =	vsub.f32 v30, v44;
	v19 =	vmul.f32 v33, v19;
	v11 =	vcvt.f32.s32 v14  }
0xc1: {  	v32 =	vld.idx.msk [tilespmem:v56+s2+$0x0], $0xffff;
	v14 =	vsub.f32 v27, v45;
	v27 =	vadd.f32 v20, v4;
	v4 =	vadd.s32 $0x1, v31  }
0xc2: {  	v13 =	vsub.f32 v13, v26;
	v20 =	vld.idx.msk [tilespmem:v37+s2+$0x0], $0xffff;
	v37 =	vsub.f32 v10, v46;
	v9 =	vmul.f32 v9, v6  }
0xc3: {  	v3 =	vld [tilespmem:s13+$0x8800];
	s25 =	simm.s32 $0xC000;
	v10 =	vtrunc.f32 v36;
	v18 =	vmul.f32 v30, v18;
	v19 =	vadd.f32 v19, v29  }
0xc4: {  	v16 =	vld.idx.msk [tilespmem:v16+s25+$0x0], $0xffff;
	v10 =	vcvt.f32.s32 v10;
	v21 =	vadd.f32 v9, v21;
	v9 =	vsub.f32 v38, v8  }
0xc5: {  	v46 =	vld.idx.msk [tilespmem:v31+s1+$0x0], $0xffff;
	v57 =	vadd.s32 $0x1, v11;
	v61 =	vcvt.s32.f32 v11;
	v62 =	vtrunc.f32 v27  }
0xc6: {  	v18 =	vadd.f32 v18, v44;
	v58 =	vadd.s32 $0x1, v10;
	v4 =	vld.idx.msk [tilespmem:v4+s1+$0x0], $0xffff;
	v9 =	vmul.f32 v9, v7  }
0xc7: {  	v19 =	vmul.f32 v19, v2;
	v52 =	vcvt.s32.f32 v10;
	v47 =	vld.idx.msk [tilespmem:v11+s31+$0x0], $0xffff;
	v11 =	vsub.f32 v32, v20  }
0xc8: {  	v41 =	vld.idx.msk [tilespmem:v41+s25+$0x0], $0xffff;
	v7 =	vsub.f32 v23, v48;
	v23 =	vcvt.s32.f32 v31;
	v9 =	vadd.f32 v9, v8  }
0xc9: {  	v15 =	vsub.f32 v15, v61;
	v36 =	vsub.f32 v36, v52;
	v8 =	vld.idx.msk [tilespmem:v22+s4+$0x0], $0xffff;
	v11 =	vmul.f32 v11, v14  }
0xca: {  	v23 =	vsub.f32 v25, v23;
	v25 =	vcvt.f32.s32 v62;
	v14 =	vld.idx.msk [tilespmem:v57+s31+$0x0], $0xffff;
	v22 =	vmul.f32 v9, v3  }
0xcb: {  	v10 =	vld.idx.msk [tilespmem:v10+s0+$0x0], $0xffff;
	v9 =	vsub.f32 v12, v53;
	v20 =	vadd.f32 v11, v20;
	v11 =	vmul.f32 v50, v39  }
0xcc: {  	v12 =	vmul.f32 v13, v17;
	v13 =	vld.idx.msk [tilespmem:v43+s29+$0x0], $0xffff;
	v59 =	vadd.s32 $0x1, v25;
	v4 =	vsub.f32 v4, v46  }
0xcd: {  	v17 =	vadd.f32 v22, v21;
	v21 =	vld.idx.msk [tilespmem:v58+s0+$0x0], $0xffff;
	v22 =	vadd.s32 $0x1, v24;
	v11 =	vadd.f32 v11, v34  }
0xce: {  	v55 =	vld.idx.msk [tilespmem:v49+s4+$0x0], $0xffff;
	v26 =	vadd.f32 v12, v26;
	v56 =	vmul.f32 v4, v23;
	v4 =	vsub.f32 v41, v16  }
0xcf: {  	v61 =	vld [tilespmem:s13+$0x2000];
	v58 =	vcvt.s32.f32 v24;
	v23 =	vsub.f32 v14, v47;
	v12 =	vmul.f32 v11, v6  }
0xd0: {  	v17 =	vadd.f32 v19, v17;
	v4 =	vmul.f32 v37, v4;
	v11 =	vld.idx.msk [tilespmem:v60+s7+$0x0], $0xffff;
	v60 =	vmul.f32 v20, v1  }
0xd1: {  	v57 =	vld.idx.msk [tilespmem:v63+s7+$0x0], $0xffff;
	v13 =	vsub.f32 v13, v54;
	v19 =	vmul.f32 v23, v15;
	v14 =	vadd.f32 v12, v51  }
0xd2: {  	v12 =	vcvt.s32.f32 v25;
	v16 =	vadd.f32 v4, v16;
	v4 =	vld [tilespmem:s13+$0x3000];
	v62 =	vsub.f32 v21, v10  }
0xd3: {  	s15 =	sld [smem:$0x7F8];
	v20 =	vmul.f32 v18, v6;
	v18 =	vld.idx.msk [tilespmem:v22+s20+$0x0], $0xffff;
	v23 =	vadd.f32 v19, v47;
	v19 =	vsub.f32 v5, v58  }
0xd4: {  	v5 =	vadd.f32 v60, v17;
	v15 =	vsub.f32 v27, v12;
	v12 =	vld.idx.msk [tilespmem:v24+s20+$0x0], $0xffff  }
0xd5: {  	v22 =	vld.idx.msk [tilespmem:v59+s19+$0x0], $0xffff;
	v27 =	vmul.f32 v42, v13;
	v24 =	vsub.f32 v55, v8;
	v63 =	vmul.f32 v16, v6  }
0xd6: {  	s30 =	simm.s32 $0x12000;
	s14 =	sshll.u32 s15, $0x1;
	v13 =	vld.idx.msk [tilespmem:v25+s19+$0x0], $0xffff;
	v6 =	vmul.f32 v26, v2;
	v16 =	vadd.f32 v56, v46;
	v21 =	vsub.f32 v57, v11  }
0xd7: {  	s26 =	simm.s32 $0xE000;
	[smem:$0x7F9] =	sst s14;
	s14 =	simm.s32 $0x40;
	v26 =	vmul.f32 v62, v36;
	v17 =	vadd.f32 v63, v61;
	v25 =	vadd.f32 v27, v54  }
.LBB2_11:
0xd8: {  	s15 =	sshra.s32 s14, $0x2;
	p0 =	sne.s32 s14, $0x1FC0;
	s14 =	sadd.s32 $0x40, s14;
	v4 =	vadd.f32 v20, v4;
	v20 =	vmul.f32 v23, v3;
	v23 =	vmul.f32 v24, v7  }
0xd9: {  	v18 =	vsub.f32 v18, v12;
	v24 =	vld [tilespmem:s15+$0x800];
	v25 =	vmul.f32 v25, v3;
	v10 =	vadd.f32 v26, v10  }
0xda: {  	v9 =	vmul.f32 v9, v21;
	v7 =	vld [tilespmem:s15+$0x0];
	v14 =	vadd.f32 v20, v14;
	v8 =	vadd.f32 v23, v8  }
0xdb: {  	v18 =	vmul.f32 v18, v19;
	v20 =	vld [tilespmem:s15+$0x5800];
	v3 =	vmul.f32 v10, v3;
	v10 =	vsub.f32 v22, v13  }
0xdc: {  	v9 =	vadd.f32 v9, v11;
	v19 =	vld [tilespmem:s15+$0x4000];
	v8 =	vmul.f32 v8, v2  }
0xdd: {  	v11 =	vld [tilespmem:s15+$0x4800];
	v3 =	vadd.f32 v3, v4;
	v4 =	vmul.f32 v15, v10;
	v10 =	vmul.f32 v16, v1  }
0xde: {  	v2 =	vmul.f32 v9, v2;
	v9 =	vadd.f32 v18, v12;
	v16 =	vadd.f32 v25, v17;
	v15 =	vld [tilespmem:s15+$0x1800]  }
0xdf: {  	v8 =	vadd.f32 v8, v14;
	v12 =	vld [tilespmem:s15+$0x5000];
	v3 =	vadd.f32 v6, v3  }
0xe0: {  	v2 =	vadd.f32 v2, v16;
	v4 =	vadd.f32 v4, v13;
	v6 =	vmul.f32 v9, v1  }
0xe1: {  	v13 =	vld [tilespmem:s15+$0x1000];
	v14 =	vmul.f32 $1.298701270e+04, v19;
	v3 =	vadd.f32 v10, v3  }
0xe2: {  	v1 =	vmul.f32 v4, v1;
	v4 =	vadd.f32 v6, v8;
	v16 =	vmul.f32 $1.298701270e+04, v11  }
0xe3: {  	v17 =	vadd.f32 v14, v7;
	v18 =	vadd.f32 v14, v15  }
0xe4: {  	v19 =	vadd.f32 v16, v7;
	v21 =	vadd.f32 v16, v15;
	v6 =	vmul.f32 $1.298701270e+04, v12;
	[tilespmem:s13+$0x3000] =	vst v3  }
0xe5: {  	v1 =	vadd.f32 v1, v2;
	v12 =	vtrunc.f32 v17;
	v3 =	vtrunc.f32 v18;
	[tilespmem:s13+$0x3800] =	vst v5  }
0xe6: {  	v8 =	vadd.f32 v16, v24;
	v2 =	vcvt.f32.s32 v3;
	v22 =	vadd.f32 v6, v13;
	[tilespmem:s13+$0x2800] =	vst v4  }
0xe7: {  	v20 =	vmul.f32 $1.298701270e+04, v20;
	v23 =	vadd.f32 v14, v13;
	v25 =	vadd.f32 v6, v15;
	[tilespmem:s13+$0x2000] =	vst v1;
	s13 =	smov.u32 s15  }
0xe8: {  	v26 =	vtrunc.f32 v21;
	v11 =	vadd.f32 v6, v24;
	v3 =	vadd.s32 $0x1, v2  }
0xe9: {  	v27 =	vtrunc.f32 v19;
	v10 =	vadd.f32 v20, v13;
	v1 =	vtrunc.f32 v22  }
0xea: {  	v5 =	vadd.f32 v20, v24;
	v15 =	vadd.f32 v20, v15;
	v28 =	vcvt.f32.s32 v1  }
0xeb: {  	v9 =	vadd.f32 v6, v7;
	v6 =	vtrunc.f32 v25;
	v1 =	vld [tilespmem:s13+$0x9800]  }
0xec: {  	v31 =	vcvt.f32.s32 v6;
	v29 =	vcvt.s32.f32 v28;
	v30 =	vadd.s32 $0x1, v28;
	v4 =	vld [tilespmem:s13+$0x3000]  }
0xed: {  	v14 =	vadd.f32 v14, v24;
	v24 =	vcvt.s32.f32 v2;
	v33 =	vtrunc.f32 v10;
	v32 =	vld.idx.msk [tilespmem:v2+s30+$0x0], $0xffff  }
0xee: {  	v6 =	vcvt.s32.f32 v31;
	v35 =	vadd.s32 $0x1, v31;
	v2 =	vtrunc.f32 v23;
	v34 =	vld.idx.msk [tilespmem:v3+s30+$0x0], $0xffff  }
0xef: {  	v13 =	vadd.f32 v16, v13;
	v36 =	vtrunc.f32 v14;
	v37 =	vcvt.f32.s32 v2;
	v3 =	vld [tilespmem:s13+$0x8800]  }
0xf0: {  	v16 =	vcvt.f32.s32 v26;
	v26 =	vtrunc.f32 v11;
	v25 =	vsub.f32 v25, v6;
	v2 =	vld [tilespmem:s13+$0x9000]  }
0xf1: {  	v36 =	vcvt.f32.s32 v36;
	v18 =	vsub.f32 v18, v24;
	v24 =	vtrunc.f32 v15;
	v6 =	vld [tilespmem:s13+$0x8000]  }
0xf2: {  	v38 =	vcvt.f32.s32 v12;
	v39 =	vcvt.s32.f32 v16;
	v40 =	vadd.s32 $0x1, v16;
	v12 =	vld.idx.msk [tilespmem:v28+s8+$0x0], $0xffff  }
0xf3: {  	v33 =	vcvt.f32.s32 v33;
	v41 =	vadd.s32 $0x1, v36;
	v28 =	vcvt.s32.f32 v36;
	v31 =	vld.idx.msk [tilespmem:v31+s11+$0x0], $0xffff  }
0xf4: {  	v42 =	vadd.s32 $0x1, v38;
	v24 =	vcvt.f32.s32 v24;
	v34 =	vsub.f32 v34, v32;
	v35 =	vld.idx.msk [tilespmem:v35+s11+$0x0], $0xffff  }
0xf5: {  	v27 =	vcvt.f32.s32 v27;
	v21 =	vsub.f32 v21, v39;
	v14 =	vsub.f32 v14, v28;
	v28 =	vld.idx.msk [tilespmem:v30+s8+$0x0], $0xffff  }
0xf6: {  	v39 =	vadd.s32 $0x1, v37;
	v18 =	vmul.f32 v34, v18;
	v34 =	vadd.s32 $0x1, v24;
	v30 =	vld [tilespmem:s13+$0x3800]  }
0xf7: {  	v44 =	vcvt.s32.f32 v27;
	v45 =	vadd.s32 $0x1, v27;
	v46 =	vcvt.s32.f32 v24;
	v43 =	vld.idx.msk [tilespmem:v37+s28+$0x0], $0xffff  }
0xf8: {  	v47 =	vcvt.s32.f32 v38;
	v18 =	vadd.f32 v18, v32;
	v32 =	vtrunc.f32 v8;
	v40 =	vld.idx.msk [tilespmem:v40+s3+$0x0], $0xffff  }
0xf9: {  	v19 =	vsub.f32 v19, v44;
	v15 =	vsub.f32 v15, v46;
	v32 =	vcvt.f32.s32 v32;
	v16 =	vld.idx.msk [tilespmem:v16+s3+$0x0], $0xffff  }
0xfa: {  	v44 =	vadd.f32 v20, v7;
	v7 =	vadd.s32 $0x1, v33;
	v18 =	vmul.f32 v18, v6;
	v20 =	vld.idx.msk [tilespmem:v24+s2+$0x0], $0xffff  }
0xfb: {  	v17 =	vsub.f32 v17, v47;
	v46 =	vtrunc.f32 v13;
	v24 =	vadd.s32 $0x1, v32;
	v34 =	vld.idx.msk [tilespmem:v34+s2+$0x0], $0xffff  }
0xfc: {  	v26 =	vcvt.f32.s32 v26;
	v46 =	vcvt.f32.s32 v46;
	v35 =	vsub.f32 v35, v31;
	v47 =	vld.idx.msk [tilespmem:v33+s1+$0x0], $0xffff  }
0xfd: {  	v48 =	vtrunc.f32 v9;
	v22 =	vsub.f32 v22, v29;
	v37 =	vcvt.s32.f32 v37;
	v36 =	vld.idx.msk [tilespmem:v36+s26+$0x0], $0xffff  }
0xfe: {  	v49 =	vcvt.s32.f32 v26;
	v25 =	vmul.f32 v35, v25;
	v29 =	vld.idx.msk [tilespmem:v41+s26+$0x0], $0xffff;
	v41 =	vadd.s32 $0x1, v46  }
0xff: {  	v18 =	vadd.f32 v18, v30;
	v35 =	vtrunc.f32 v5;
	v30 =	vsub.f32 v40, v16;
	v40 =	vld.idx.msk [tilespmem:v7+s1+$0x0], $0xffff  }
0x100: {  	v23 =	vsub.f32 v23, v37;
	v37 =	vcvt.f32.s32 v48;
	v7 =	vadd.f32 v25, v31;
	v38 =	vld.idx.msk [tilespmem:v38+s25+$0x0], $0xffff  }
0x101: {  	v25 =	vcvt.s32.f32 v32;
	v34 =	vsub.f32 v34, v20;
	v31 =	vld.idx.msk [tilespmem:v32+s31+$0x0], $0xffff;
	v32 =	vtrunc.f32 v44  }
0x102: {  	v50 =	vadd.s32 $0x1, v26;
	v48 =	vadd.s32 $0x1, v37;
	v51 =	vmul.f32 v7, v2;
	v42 =	vld.idx.msk [tilespmem:v42+s25+$0x0], $0xffff  }
0x103: {  	v28 =	vsub.f32 v28, v12;
	v21 =	vmul.f32 v30, v21;
	v15 =	vmul.f32 v34, v15;
	v39 =	vld.idx.msk [tilespmem:v39+s28+$0x0], $0xffff  }
0x104: {  	v25 =	vsub.f32 v8, v25;
	v7 =	vsub.f32 v11, v49;
	v11 =	vcvt.s32.f32 v33;
	v24 =	vld.idx.msk [tilespmem:v24+s31+$0x0], $0xffff  }
0x105: {  	v33 =	vcvt.s32.f32 v46;
	v16 =	vadd.f32 v21, v16;
	v29 =	vsub.f32 v29, v36;
	v30 =	vld [tilespmem:s13+$0x2800]  }
0x106: {  	v21 =	vcvt.s32.f32 v37;
	v15 =	vadd.f32 v15, v20;
	v8 =	vld.idx.msk [tilespmem:v26+s4+$0x0], $0xffff;
	v26 =	vsub.f32 v40, v47  }
0x107: {  	v11 =	vsub.f32 v10, v11;
	v16 =	vmul.f32 v16, v3;
	v14 =	vmul.f32 v29, v14;
	v27 =	vld.idx.msk [tilespmem:v27+s29+$0x0], $0xffff  }
0x108: {  	v20 =	vcvt.f32.s32 v35;
	v29 =	vsub.f32 v13, v33;
	v13 =	vcvt.f32.s32 v32;
	v10 =	vld.idx.msk [tilespmem:v46+s0+$0x0], $0xffff  }
0x109: {  	v9 =	vsub.f32 v9, v21;
	v32 =	vsub.f32 v39, v43;
	v26 =	vmul.f32 v26, v11;
	v21 =	vld.idx.msk [tilespmem:v50+s4+$0x0], $0xffff  }
0x10a: {  	v16 =	vadd.f32 v16, v18;
	v18 =	vmul.f32 v28, v22;
	v11 =	vsub.f32 v42, v38;
	v33 =	vld.idx.msk [tilespmem:v45+s29+$0x0], $0xffff  }
0x10b: {  	v28 =	vadd.s32 $0x1, v20;
	v14 =	vadd.f32 v14, v36;
	v22 =	vmul.f32 v32, v23;
	v23 =	vld.idx.msk [tilespmem:v41+s0+$0x0], $0xffff  }
0x10c: {  	v35 =	vcvt.s32.f32 v20;
	v34 =	vadd.f32 v18, v12;
	v17 =	vmul.f32 v17, v11;
	v32 =	vld.idx.msk [tilespmem:v48+s7+$0x0], $0xffff  }
0x10d: {  	v36 =	vadd.f32 v51, v16;
	v12 =	vmul.f32 v14, v6;
	v18 =	vsub.f32 v24, v31;
	v11 =	vld.idx.msk [tilespmem:v37+s7+$0x0], $0xffff  }
0x10e: {  	v39 =	vmul.f32 v15, v1;
	v16 =	vadd.f32 v22, v43;
	v22 =	vadd.s32 $0x1, v13;
	v37 =	vld [tilespmem:s13+$0x2000]  }
0x10f: {  	v15 =	vcvt.s32.f32 v13;
	v14 =	vadd.f32 v12, v30;
	v24 =	vmul.f32 v18, v25;
	v12 =	vld.idx.msk [tilespmem:v20+s20+$0x0], $0xffff  }
0x110: {  	v17 =	vadd.f32 v17, v38;
	v25 =	vsub.f32 v33, v27;
	v18 =	vld.idx.msk [tilespmem:v28+s20+$0x0], $0xffff  }
.Ltmp4:
0x111: {  	v15 =	vsub.f32 v44, v15;
	v20 =	vmul.f32 v16, v6;
	v28 =	vsub.f32 v23, v10;
	v13 =	vld.idx.msk [tilespmem:v13+s19+$0x0], $0xffff;
	(pc) =	sbr.rel @p0 .LBB2_11-.Ltmp4, $4  }
0x112: {  	v23 =	vadd.f32 v24, v31;
	v24 =	vsub.f32 v21, v8;
	v25 =	vmul.f32 v19, v25  }
0x113: {  	v17 =	vmul.f32 v17, v6;
	v19 =	vsub.f32 v5, v35;
	v21 =	vsub.f32 v32, v11;
	v22 =	vld.idx.msk [tilespmem:v22+s19+$0x0], $0xffff  }
0x114: {  	v6 =	vmul.f32 v34, v2;
	v16 =	vadd.f32 v26, v47;
	v5 =	vadd.f32 v39, v36  }
0x115: {  	v26 =	vmul.f32 v28, v29;
	v17 =	vadd.f32 v17, v37;
	v25 =	vadd.f32 v25, v27  }
0x116: {  	_ = 	snop  }
0x117: {  	v10 =	vadd.f32 v26, v10  }
0x118: {  	v4 =	vadd.f32 v20, v4;
	v20 =	vmul.f32 v23, v3;
	v7 =	vmul.f32 v24, v7  }
0x119: {  	v18 =	vsub.f32 v18, v12;
	v23 =	vmul.f32 v25, v3;
	v3 =	vmul.f32 v10, v3  }
0x11a: {  	v9 =	vmul.f32 v9, v21;
	v7 =	vadd.f32 v7, v8;
	v8 =	vsub.f32 v22, v13  }
0x11b: {  	v10 =	vadd.f32 v20, v14;
	v14 =	vmul.f32 v18, v19;
	v3 =	vadd.f32 v3, v4  }
0x11c: {  	v7 =	vmul.f32 v7, v2;
	v8 =	vmul.f32 v15, v8;
	v4 =	vadd.f32 v9, v11  }
0x11d: {  	v9 =	vmul.f32 v16, v1;
	v11 =	vadd.f32 v14, v12;
	v3 =	vadd.f32 v6, v3  }
0x11e: {  	v6 =	vadd.f32 v23, v17;
	v2 =	vmul.f32 v4, v2;
	v4 =	vadd.f32 v8, v13  }
0x11f: {  	v7 =	vadd.f32 v7, v10;
	v8 =	vmul.f32 v11, v1  }
0x120: {  	v3 =	vadd.f32 v9, v3;
	v2 =	vadd.f32 v2, v6;
	v1 =	vmul.f32 v4, v1  }
0x121: {  	[tilespmem:s13+$0x3800] =	vst v5;
	v4 =	vadd.f32 v8, v7  }
0x122: {  	[tilespmem:s13+$0x3000] =	vst v3;
	v1 =	vadd.f32 v1, v2  }
0x123: {  	[tilespmem:s13+$0x2800] =	vst v4  }
0x124: {  	s14 =	simm.s32 $0x2;
	[tilespmem:s13+$0x2000] =	vst v1  }
0x125: {  	_ =	swait.ge [sflag:s14], $0x2000  }
0x126: {  	[sflag:s14] =	ssyncset.done $0x0  }
0x127: {  	s15 =	simm.s32 $0x4;
	[sflag:s14] =	ssyncadd.s32 $0xFFFFE000  }
0x128: {  	_ =	swait.ge [sflag:s15], $0x2000  }
0x129: {  	[sflag:s15] =	ssyncset.done $0x0  }
0x12a: {  	s13 =	simm.s32 $0x6;
	[sflag:s15] =	ssyncadd.s32 $0xFFFFE000  }
0x12b: {  	_ =	swait.ge [sflag:s13], $0x2000  }
0x12c: {  	[sflag:s13] =	ssyncset.done $0x0  }
0x12d: {  	[sflag:s13] =	ssyncadd.s32 $0xFFFFE000  }
0x12e: {  	_ =	swait.ge [sflag:s13], $0x2000  }
0x12f: {  	[sflag:s13] =	ssyncset.done $0x0  }
0x130: {  	[sflag:s13] =	ssyncadd.s32 $0xFFFFE000  }
0x131: {  	_ =	swait.ge [sflag:s13], $0x2000  }
0x132: {  	s14 =	sld [smem:$0x7F9];
	_ =	sdelay $0x2  }
0x133: {  	[sflag:s13] =	ssyncset.done $0x0;
	s14 =	sadd.s32 $0x2, s14  }
0x134: {  	[sflag:s13] =	ssyncadd.s32 $0xFFFFE000;
	[smem:$0x7F7] =	sst s14  }
0x135: {  	_ =	swait.ge [sflag:s13], $0x2000  }
0x136: {  	s14 =	sshll.u32 s14, $0x11;
	s15 =	rddreg [dreg:$0x7];
	[sflag:s13] =	ssyncset.done $0x0  }
0x137: {  	s14 =	sor.u32 s15, s14;
	[sflag:s13] =	ssyncadd.s32 $0xFFFFE000  }
0x138: {  	s14 =	sshrl.u32 s14, $0x3;
	s13 =	rddreg [dreg:$0x1]  }
0x139: {  	s29 =	simm.s32 $0x800;
	[smem:$0x7F6] =	sst s14  }
0x13a: {  	s15 =	sadd.s32 s13, s14;
	s13 =	simm.s32 $0x4000;
	s14 =	simm.s32 $0x8000  }
0x13b: {  	[tilespmem:s13], [sflag:$0x1] =	stream.strided.gather [hbm4b:s15+s29], $0x2000, s14, s29, $0x38;
	[tilespmem:$0x1C080] =	vst v63  }
0x13c: {  	s14 =	sld [smem:$0x7F6];
	_ =	sdelay $0x1  }
0x13d: {  	s15 =	rddreg [dreg:$0x2]  }
0x13e: {  	s29 =	simm.s32 $0x8000;
	s13 =	simm.s32 $0x800;
	s14 =	sadd.s32 s15, s14  }
0x13f: {  	[tilespmem:s29], [sflag:$0x3] =	stream.strided.gather [hbm4b:s14+s13], $0x2000, s29, s13, $0x38;
	[tilespmem:$0x1C080] =	vst v63  }
0x140: {  	s14 =	sld [smem:$0x7F7];
	_ =	sdelay $0x2  }
0x141: {  	s15 =	rddreg [dreg:$0x16];
	s13 =	sshll.u32 s14, $0xD  }
0x142: {  	s14 =	sor.u32 s15, s13  }
0x143: {  	s15 =	rddreg [dreg:$0x6];
	s14 =	sshrl.u32 s14, $0x3  }
0x144: {  	s29 =	simm.s32 $0x0;
	s14 =	sadd.s32 s15, s14  }
0x145: {  	[tilespmem:s25], [sflag:$0x5] =	stream.linear.gather [hbm4b:s14+s29], $0x2000, $0x38;
	[tilespmem:$0x1C080] =	vst v63  }
0x146: {  	s25 =	rddreg [dreg:$0x17]  }
0x147: {  	s14 =	sadd.s32 s25, s13  }
0x148: {  	s14 =	sshrl.u32 s14, $0x3  }
0x149: {  	s14 =	sadd.s32 s15, s14  }
0x14a: {  	[tilespmem:s26], [sflag:$0x5] =	stream.linear.gather [hbm4b:s14+s29], $0x2000, $0x38;
	[tilespmem:$0x1C080] =	vst v63  }
0x14b: {  	s26 =	rddreg [dreg:$0x18]  }
0x14c: {  	s14 =	sor.u32 s26, s13  }
0x14d: {  	s14 =	sshrl.u32 s14, $0x3  }
0x14e: {  	s14 =	sadd.s32 s15, s14  }
0x14f: {  	[tilespmem:s28], [sflag:$0x5] =	stream.linear.gather [hbm4b:s14+s29], $0x2000, $0x38;
	[tilespmem:$0x1C080] =	vst v63  }
0x150: {  	s28 =	rddreg [dreg:$0x19]  }
0x151: {  	s13 =	sadd.s32 s28, s13  }
0x152: {  	s13 =	sshrl.u32 s13, $0x3  }
0x153: {  	s13 =	sadd.s32 s15, s13  }
0x154: {  	[tilespmem:s30], [sflag:$0x5] =	stream.linear.gather [hbm4b:s13+s29], $0x2000, $0x38;
	[tilespmem:$0x1C080] =	vst v63  }
0x155: {  	s13 =	simm.s32 $0x0  }
0x156: {  	v1 =	vld [tilespmem:s13+$0x6000]  }
0x157: {  	v2 =	vld [tilespmem:s13+$0x6800]  }
0x158: {  	v3 =	vld [tilespmem:s13+$0x1800]  }
0x159: {  	v5 =	vld [tilespmem:s13+$0x7000]  }
0x15a: {  	v4 =	vld [tilespmem:s13+$0x0]  }
0x15b: {  	v8 =	vld [tilespmem:s13+$0x1000]  }
0x15c: {  	v7 =	vmul.f32 $1.298701270e+04, v1  }
0x15d: {  	v6 =	vld [tilespmem:s13+$0x800];
	v2 =	vmul.f32 $1.298701270e+04, v2  }
0x15e: {  	v12 =	vmul.f32 $1.298701270e+04, v5;
	v9 =	vadd.f32 v7, v3  }
0x15f: {  	v10 =	vadd.f32 v7, v4;
	v11 =	vadd.f32 v2, v4  }
0x160: {  	v13 =	vadd.f32 v2, v3;
	v17 =	vadd.f32 v12, v8  }
0x161: {  	v1 =	vld [tilespmem:s13+$0x7800];
	v18 =	vadd.f32 v7, v8;
	v19 =	vadd.f32 v12, v3  }
0x162: {  	v23 =	vadd.f32 v12, v6;
	v7 =	vadd.f32 v7, v6;
	v5 =	vtrunc.f32 v9  }
0x163: {  	v12 =	vadd.f32 v12, v4;
	v16 =	vtrunc.f32 v10;
	v22 =	vtrunc.f32 v13  }
0x164: {  	v24 =	vtrunc.f32 v11;
	v34 =	vtrunc.f32 v7  }
0x165: {  	v47 =	vtrunc.f32 v12;
	v14 =	vcvt.f32.s32 v5  }
0x166: {  	v20 =	vmul.f32 $1.298701270e+04, v1;
	v1 =	vtrunc.f32 v17  }
0x167: {  	v34 =	vcvt.f32.s32 v34;
	v16 =	vcvt.f32.s32 v16  }
0x168: {  	v15 =	vadd.f32 v2, v6;
	v26 =	vcvt.f32.s32 v1;
	v1 =	vtrunc.f32 v19  }
0x169: {  	v36 =	vadd.f32 v2, v8;
	v24 =	vcvt.f32.s32 v24;
	v29 =	vcvt.f32.s32 v1  }
0x16a: {  	v51 =	vld [tilespmem:s13+$0x2800];
	v21 =	vadd.s32 $0x1, v14;
	v25 =	vadd.f32 v20, v8;
	v30 =	vcvt.s32.f32 v14  }
0x16b: {  	s29 =	simm.s32 $0x1A000;
	v2 =	vld [tilespmem:s13+$0xB000];
	v5 =	vadd.f32 v20, v6;
	v8 =	vcvt.f32.s32 v22;
	v6 =	vcvt.s32.f32 v29  }
0x16c: {  	v27 =	vadd.f32 v20, v3;
	v3 =	vtrunc.f32 v18;
	v39 =	vcvt.s32.f32 v34;
	v14 =	vld.idx.msk [tilespmem:v14+s29+$0x0], $0xffff  }
0x16d: {  	s26 =	simm.s32 $0x16000;
	v40 =	vadd.s32 $0x1, v34;
	v54 =	vcvt.s32.f32 v8;
	v19 =	vsub.f32 v19, v6;
	v6 =	vld [tilespmem:s13+$0xA000]  }
0x16e: {  	v60 =	vcvt.f32.s32 v47;
	v35 =	vcvt.f32.s32 v3;
	v34 =	vld.idx.msk [tilespmem:v34+s26+$0x0], $0xffff  }
0x16f: {  	v33 =	vadd.s32 $0x1, v29;
	v39 =	vsub.f32 v7, v39;
	v7 =	vsub.f32 v13, v54;
	v54 =	vld.idx.msk [tilespmem:v24+s17+$0x0], $0xffff  }
0x170: {  	v22 =	vtrunc.f32 v23;
	v41 =	vadd.s32 $0x1, v16;
	v42 =	vcvt.s32.f32 v24;
	v21 =	vld.idx.msk [tilespmem:v21+s29+$0x0], $0xffff  }
0x171: {  	v28 =	vcvt.s32.f32 v26;
	v32 =	vadd.s32 $0x1, v26;
	v55 =	vadd.s32 $0x1, v35;
	v26 =	vld.idx.msk [tilespmem:v26+s9+$0x0], $0xffff  }
0x172: {  	v43 =	vadd.s32 $0x1, v24;
	v46 =	vcvt.s32.f32 v16;
	v53 =	vcvt.s32.f32 v60;
	v40 =	vld.idx.msk [tilespmem:v40+s26+$0x0], $0xffff  }
0x173: {  	v63 =	vadd.s32 $0x1, v60;
	v22 =	vcvt.f32.s32 v22;
	v31 =	vtrunc.f32 v25;
	v29 =	vld.idx.msk [tilespmem:v29+s10+$0x0], $0xffff  }
0x174: {  	s25 =	simm.s32 $0x18000;
	v37 =	vtrunc.f32 v27;
	v9 =	vsub.f32 v9, v30;
	v38 =	vadd.s32 $0x1, v8;
	v33 =	vld.idx.msk [tilespmem:v33+s10+$0x0], $0xffff  }
0x175: {  	v42 =	vsub.f32 v11, v42;
	v59 =	vtrunc.f32 v5;
	v37 =	vcvt.f32.s32 v37;
	v44 =	vld.idx.msk [tilespmem:v35+s25+$0x0], $0xffff  }
0x176: {  	v31 =	vcvt.f32.s32 v31;
	v17 =	vsub.f32 v17, v28;
	v30 =	vld.idx.msk [tilespmem:v55+s25+$0x0], $0xffff;
	v21 =	vsub.f32 v21, v14  }
0x177: {  	v48 =	vcvt.s32.f32 v22;
	v56 =	vadd.s32 $0x1, v37;
	v13 =	vld.idx.msk [tilespmem:v32+s9+$0x0], $0xffff;
	v35 =	vcvt.s32.f32 v35  }
0x178: {  	v49 =	vadd.s32 $0x1, v22;
	v24 =	vcvt.f32.s32 v59;
	v8 =	vld.idx.msk [tilespmem:v8+s22+$0x0], $0xffff;
	v9 =	vmul.f32 v21, v9  }
0x179: {  	v45 =	vcvt.s32.f32 v37;
	v38 =	vld.idx.msk [tilespmem:v38+s22+$0x0], $0xffff;
	v18 =	vsub.f32 v18, v35;
	v33 =	vsub.f32 v33, v29  }
0x17a: {  	v50 =	vsub.f32 v40, v34;
	v21 =	vld [tilespmem:s13+$0x3800];
	v9 =	vadd.f32 v9, v14;
	v14 =	vtrunc.f32 v15  }
0x17b: {  	v1 =	vld [tilespmem:s13+$0xB800];
	v30 =	vsub.f32 v30, v44;
	v19 =	vmul.f32 v33, v19;
	v11 =	vcvt.f32.s32 v14  }
0x17c: {  	v32 =	vld.idx.msk [tilespmem:v56+s12+$0x0], $0xffff;
	v14 =	vsub.f32 v27, v45;
	v27 =	vadd.f32 v20, v4;
	v4 =	vadd.s32 $0x1, v31  }
0x17d: {  	v13 =	vsub.f32 v13, v26;
	v20 =	vld.idx.msk [tilespmem:v37+s12+$0x0], $0xffff;
	v37 =	vsub.f32 v10, v46;
	v9 =	vmul.f32 v9, v6  }
0x17e: {  	s30 =	simm.s32 $0x14000;
	v3 =	vld [tilespmem:s13+$0xA800];
	v10 =	vtrunc.f32 v36;
	v18 =	vmul.f32 v30, v18;
	v19 =	vadd.f32 v19, v29  }
0x17f: {  	v16 =	vld.idx.msk [tilespmem:v16+s30+$0x0], $0xffff;
	v10 =	vcvt.f32.s32 v10;
	v21 =	vadd.f32 v9, v21;
	v9 =	vsub.f32 v38, v8  }
0x180: {  	v46 =	vld.idx.msk [tilespmem:v31+s5+$0x0], $0xffff;
	v57 =	vadd.s32 $0x1, v11;
	v61 =	vcvt.s32.f32 v11;
	v62 =	vtrunc.f32 v27  }
0x181: {  	v18 =	vadd.f32 v18, v44;
	v58 =	vadd.s32 $0x1, v10;
	v4 =	vld.idx.msk [tilespmem:v4+s5+$0x0], $0xffff;
	v9 =	vmul.f32 v9, v7  }
0x182: {  	v19 =	vmul.f32 v19, v2;
	v52 =	vcvt.s32.f32 v10;
	v47 =	vld.idx.msk [tilespmem:v11+s6+$0x0], $0xffff;
	v11 =	vsub.f32 v32, v20  }
0x183: {  	v41 =	vld.idx.msk [tilespmem:v41+s30+$0x0], $0xffff;
	v7 =	vsub.f32 v23, v48;
	v23 =	vcvt.s32.f32 v31;
	v9 =	vadd.f32 v9, v8  }
0x184: {  	v15 =	vsub.f32 v15, v61;
	v36 =	vsub.f32 v36, v52;
	v8 =	vld.idx.msk [tilespmem:v22+s24+$0x0], $0xffff;
	v11 =	vmul.f32 v11, v14  }
0x185: {  	v23 =	vsub.f32 v25, v23;
	v25 =	vcvt.f32.s32 v62;
	v14 =	vld.idx.msk [tilespmem:v57+s6+$0x0], $0xffff;
	v22 =	vmul.f32 v9, v3  }
0x186: {  	v10 =	vld.idx.msk [tilespmem:v10+s21+$0x0], $0xffff;
	v9 =	vsub.f32 v12, v53;
	v20 =	vadd.f32 v11, v20;
	v11 =	vmul.f32 v50, v39  }
0x187: {  	v12 =	vmul.f32 v13, v17;
	v13 =	vld.idx.msk [tilespmem:v43+s17+$0x0], $0xffff;
	v59 =	vadd.s32 $0x1, v25;
	v4 =	vsub.f32 v4, v46  }
0x188: {  	v17 =	vadd.f32 v22, v21;
	v21 =	vld.idx.msk [tilespmem:v58+s21+$0x0], $0xffff;
	v22 =	vadd.s32 $0x1, v24;
	v11 =	vadd.f32 v11, v34  }
0x189: {  	v55 =	vld.idx.msk [tilespmem:v49+s24+$0x0], $0xffff;
	v26 =	vadd.f32 v12, v26;
	v56 =	vmul.f32 v4, v23;
	v4 =	vsub.f32 v41, v16  }
0x18a: {  	v61 =	vld [tilespmem:s13+$0x2000];
	v58 =	vcvt.s32.f32 v24;
	v23 =	vsub.f32 v14, v47;
	v12 =	vmul.f32 v11, v6  }
0x18b: {  	v17 =	vadd.f32 v19, v17;
	v4 =	vmul.f32 v37, v4;
	v11 =	vld.idx.msk [tilespmem:v60+s23+$0x0], $0xffff;
	v60 =	vmul.f32 v20, v1  }
0x18c: {  	v57 =	vld.idx.msk [tilespmem:v63+s23+$0x0], $0xffff;
	v13 =	vsub.f32 v13, v54;
	v19 =	vmul.f32 v23, v15;
	v14 =	vadd.f32 v12, v51  }
0x18d: {  	v12 =	vcvt.s32.f32 v25;
	v16 =	vadd.f32 v4, v16;
	v4 =	vld [tilespmem:s13+$0x3000];
	v62 =	vsub.f32 v21, v10  }
0x18e: {  	v20 =	vmul.f32 v18, v6;
	v18 =	vld.idx.msk [tilespmem:v22+s16+$0x0], $0xffff;
	v23 =	vadd.f32 v19, v47;
	v19 =	vsub.f32 v5, v58  }
0x18f: {  	v5 =	vadd.f32 v60, v17;
	v15 =	vsub.f32 v27, v12;
	v12 =	vld.idx.msk [tilespmem:v24+s16+$0x0], $0xffff  }
0x190: {  	v22 =	vld.idx.msk [tilespmem:v59+s18+$0x0], $0xffff;
	v27 =	vmul.f32 v42, v13;
	v24 =	vsub.f32 v55, v8;
	v63 =	vmul.f32 v16, v6  }
0x191: {  	v13 =	vld.idx.msk [tilespmem:v25+s18+$0x0], $0xffff;
	v6 =	vmul.f32 v26, v2;
	v16 =	vadd.f32 v56, v46;
	v21 =	vsub.f32 v57, v11  }
0x192: {  	s14 =	simm.s32 $0x40;
	v26 =	vmul.f32 v62, v36;
	v17 =	vadd.f32 v63, v61;
	v25 =	vadd.f32 v27, v54  }
.LBB2_13:
0x193: {  	s15 =	sshra.s32 s14, $0x2;
	p0 =	sne.s32 s14, $0x1FC0;
	s14 =	sadd.s32 $0x40, s14;
	v4 =	vadd.f32 v20, v4;
	v20 =	vmul.f32 v23, v3;
	v23 =	vmul.f32 v24, v7  }
0x194: {  	v18 =	vsub.f32 v18, v12;
	v24 =	vld [tilespmem:s15+$0x800];
	v25 =	vmul.f32 v25, v3;
	v10 =	vadd.f32 v26, v10  }
0x195: {  	v9 =	vmul.f32 v9, v21;
	v7 =	vld [tilespmem:s15+$0x0];
	v14 =	vadd.f32 v20, v14;
	v8 =	vadd.f32 v23, v8  }
0x196: {  	v18 =	vmul.f32 v18, v19;
	v20 =	vld [tilespmem:s15+$0x7800];
	v3 =	vmul.f32 v10, v3;
	v10 =	vsub.f32 v22, v13  }
0x197: {  	v9 =	vadd.f32 v9, v11;
	v19 =	vld [tilespmem:s15+$0x6000];
	v8 =	vmul.f32 v8, v2  }
0x198: {  	v11 =	vld [tilespmem:s15+$0x6800];
	v3 =	vadd.f32 v3, v4;
	v4 =	vmul.f32 v15, v10;
	v10 =	vmul.f32 v16, v1  }
0x199: {  	v2 =	vmul.f32 v9, v2;
	v9 =	vadd.f32 v18, v12;
	v16 =	vadd.f32 v25, v17;
	v15 =	vld [tilespmem:s15+$0x1800]  }
0x19a: {  	v8 =	vadd.f32 v8, v14;
	v12 =	vld [tilespmem:s15+$0x7000];
	v3 =	vadd.f32 v6, v3  }
0x19b: {  	v2 =	vadd.f32 v2, v16;
	v4 =	vadd.f32 v4, v13;
	v6 =	vmul.f32 v9, v1  }
0x19c: {  	v13 =	vld [tilespmem:s15+$0x1000];
	v14 =	vmul.f32 $1.298701270e+04, v19;
	v3 =	vadd.f32 v10, v3  }
0x19d: {  	v1 =	vmul.f32 v4, v1;
	v4 =	vadd.f32 v6, v8;
	v16 =	vmul.f32 $1.298701270e+04, v11  }
0x19e: {  	v17 =	vadd.f32 v14, v7;
	v18 =	vadd.f32 v14, v15  }
0x19f: {  	v19 =	vadd.f32 v16, v7;
	v21 =	vadd.f32 v16, v15;
	v6 =	vmul.f32 $1.298701270e+04, v12;
	[tilespmem:s13+$0x3000] =	vst v3  }
0x1a0: {  	v1 =	vadd.f32 v1, v2;
	v12 =	vtrunc.f32 v17;
	v3 =	vtrunc.f32 v18;
	[tilespmem:s13+$0x3800] =	vst v5  }
0x1a1: {  	v8 =	vadd.f32 v16, v24;
	v2 =	vcvt.f32.s32 v3;
	v22 =	vadd.f32 v6, v13;
	[tilespmem:s13+$0x2800] =	vst v4  }
0x1a2: {  	v20 =	vmul.f32 $1.298701270e+04, v20;
	v23 =	vadd.f32 v14, v13;
	v25 =	vadd.f32 v6, v15;
	[tilespmem:s13+$0x2000] =	vst v1;
	s13 =	smov.u32 s15  }
0x1a3: {  	v26 =	vtrunc.f32 v21;
	v11 =	vadd.f32 v6, v24;
	v3 =	vadd.s32 $0x1, v2  }
0x1a4: {  	v27 =	vtrunc.f32 v19;
	v10 =	vadd.f32 v20, v13;
	v1 =	vtrunc.f32 v22  }
0x1a5: {  	v5 =	vadd.f32 v20, v24;
	v15 =	vadd.f32 v20, v15;
	v28 =	vcvt.f32.s32 v1  }
0x1a6: {  	v9 =	vadd.f32 v6, v7;
	v6 =	vtrunc.f32 v25;
	v1 =	vld [tilespmem:s13+$0xB800]  }
0x1a7: {  	v31 =	vcvt.f32.s32 v6;
	v29 =	vcvt.s32.f32 v28;
	v30 =	vadd.s32 $0x1, v28;
	v4 =	vld [tilespmem:s13+$0x3000]  }
0x1a8: {  	v14 =	vadd.f32 v14, v24;
	v24 =	vcvt.s32.f32 v2;
	v33 =	vtrunc.f32 v10;
	v32 =	vld.idx.msk [tilespmem:v2+s29+$0x0], $0xffff  }
0x1a9: {  	v6 =	vcvt.s32.f32 v31;
	v35 =	vadd.s32 $0x1, v31;
	v2 =	vtrunc.f32 v23;
	v34 =	vld.idx.msk [tilespmem:v3+s29+$0x0], $0xffff  }
0x1aa: {  	v13 =	vadd.f32 v16, v13;
	v36 =	vtrunc.f32 v14;
	v37 =	vcvt.f32.s32 v2;
	v3 =	vld [tilespmem:s13+$0xA800]  }
0x1ab: {  	v16 =	vcvt.f32.s32 v26;
	v26 =	vtrunc.f32 v11;
	v25 =	vsub.f32 v25, v6;
	v2 =	vld [tilespmem:s13+$0xB000]  }
0x1ac: {  	v36 =	vcvt.f32.s32 v36;
	v18 =	vsub.f32 v18, v24;
	v24 =	vtrunc.f32 v15;
	v6 =	vld [tilespmem:s13+$0xA000]  }
0x1ad: {  	v38 =	vcvt.f32.s32 v12;
	v39 =	vcvt.s32.f32 v16;
	v40 =	vadd.s32 $0x1, v16;
	v12 =	vld.idx.msk [tilespmem:v28+s9+$0x0], $0xffff  }
0x1ae: {  	v33 =	vcvt.f32.s32 v33;
	v41 =	vadd.s32 $0x1, v36;
	v28 =	vcvt.s32.f32 v36;
	v31 =	vld.idx.msk [tilespmem:v31+s10+$0x0], $0xffff  }
0x1af: {  	v42 =	vadd.s32 $0x1, v38;
	v24 =	vcvt.f32.s32 v24;
	v34 =	vsub.f32 v34, v32;
	v35 =	vld.idx.msk [tilespmem:v35+s10+$0x0], $0xffff  }
0x1b0: {  	v27 =	vcvt.f32.s32 v27;
	v21 =	vsub.f32 v21, v39;
	v14 =	vsub.f32 v14, v28;
	v28 =	vld.idx.msk [tilespmem:v30+s9+$0x0], $0xffff  }
0x1b1: {  	v39 =	vadd.s32 $0x1, v37;
	v18 =	vmul.f32 v34, v18;
	v34 =	vadd.s32 $0x1, v24;
	v30 =	vld [tilespmem:s13+$0x3800]  }
0x1b2: {  	v44 =	vcvt.s32.f32 v27;
	v45 =	vadd.s32 $0x1, v27;
	v46 =	vcvt.s32.f32 v24;
	v43 =	vld.idx.msk [tilespmem:v37+s25+$0x0], $0xffff  }
0x1b3: {  	v47 =	vcvt.s32.f32 v38;
	v18 =	vadd.f32 v18, v32;
	v32 =	vtrunc.f32 v8;
	v40 =	vld.idx.msk [tilespmem:v40+s22+$0x0], $0xffff  }
0x1b4: {  	v19 =	vsub.f32 v19, v44;
	v15 =	vsub.f32 v15, v46;
	v32 =	vcvt.f32.s32 v32;
	v16 =	vld.idx.msk [tilespmem:v16+s22+$0x0], $0xffff  }
0x1b5: {  	v44 =	vadd.f32 v20, v7;
	v7 =	vadd.s32 $0x1, v33;
	v18 =	vmul.f32 v18, v6;
	v20 =	vld.idx.msk [tilespmem:v24+s12+$0x0], $0xffff  }
0x1b6: {  	v17 =	vsub.f32 v17, v47;
	v46 =	vtrunc.f32 v13;
	v24 =	vadd.s32 $0x1, v32;
	v34 =	vld.idx.msk [tilespmem:v34+s12+$0x0], $0xffff  }
0x1b7: {  	v26 =	vcvt.f32.s32 v26;
	v46 =	vcvt.f32.s32 v46;
	v35 =	vsub.f32 v35, v31;
	v47 =	vld.idx.msk [tilespmem:v33+s5+$0x0], $0xffff  }
0x1b8: {  	v48 =	vtrunc.f32 v9;
	v22 =	vsub.f32 v22, v29;
	v37 =	vcvt.s32.f32 v37;
	v36 =	vld.idx.msk [tilespmem:v36+s26+$0x0], $0xffff  }
0x1b9: {  	v49 =	vcvt.s32.f32 v26;
	v25 =	vmul.f32 v35, v25;
	v29 =	vld.idx.msk [tilespmem:v41+s26+$0x0], $0xffff;
	v41 =	vadd.s32 $0x1, v46  }
0x1ba: {  	v18 =	vadd.f32 v18, v30;
	v35 =	vtrunc.f32 v5;
	v30 =	vsub.f32 v40, v16;
	v40 =	vld.idx.msk [tilespmem:v7+s5+$0x0], $0xffff  }
0x1bb: {  	v23 =	vsub.f32 v23, v37;
	v37 =	vcvt.f32.s32 v48;
	v7 =	vadd.f32 v25, v31;
	v38 =	vld.idx.msk [tilespmem:v38+s30+$0x0], $0xffff  }
0x1bc: {  	v25 =	vcvt.s32.f32 v32;
	v34 =	vsub.f32 v34, v20;
	v31 =	vld.idx.msk [tilespmem:v32+s6+$0x0], $0xffff;
	v32 =	vtrunc.f32 v44  }
0x1bd: {  	v50 =	vadd.s32 $0x1, v26;
	v48 =	vadd.s32 $0x1, v37;
	v51 =	vmul.f32 v7, v2;
	v42 =	vld.idx.msk [tilespmem:v42+s30+$0x0], $0xffff  }
0x1be: {  	v28 =	vsub.f32 v28, v12;
	v21 =	vmul.f32 v30, v21;
	v15 =	vmul.f32 v34, v15;
	v39 =	vld.idx.msk [tilespmem:v39+s25+$0x0], $0xffff  }
0x1bf: {  	v25 =	vsub.f32 v8, v25;
	v7 =	vsub.f32 v11, v49;
	v11 =	vcvt.s32.f32 v33;
	v24 =	vld.idx.msk [tilespmem:v24+s6+$0x0], $0xffff  }
0x1c0: {  	v33 =	vcvt.s32.f32 v46;
	v16 =	vadd.f32 v21, v16;
	v29 =	vsub.f32 v29, v36;
	v30 =	vld [tilespmem:s13+$0x2800]  }
0x1c1: {  	v21 =	vcvt.s32.f32 v37;
	v15 =	vadd.f32 v15, v20;
	v8 =	vld.idx.msk [tilespmem:v26+s24+$0x0], $0xffff;
	v26 =	vsub.f32 v40, v47  }
0x1c2: {  	v11 =	vsub.f32 v10, v11;
	v16 =	vmul.f32 v16, v3;
	v14 =	vmul.f32 v29, v14;
	v27 =	vld.idx.msk [tilespmem:v27+s17+$0x0], $0xffff  }
0x1c3: {  	v20 =	vcvt.f32.s32 v35;
	v29 =	vsub.f32 v13, v33;
	v13 =	vcvt.f32.s32 v32;
	v10 =	vld.idx.msk [tilespmem:v46+s21+$0x0], $0xffff  }
0x1c4: {  	v9 =	vsub.f32 v9, v21;
	v32 =	vsub.f32 v39, v43;
	v26 =	vmul.f32 v26, v11;
	v21 =	vld.idx.msk [tilespmem:v50+s24+$0x0], $0xffff  }
0x1c5: {  	v16 =	vadd.f32 v16, v18;
	v18 =	vmul.f32 v28, v22;
	v11 =	vsub.f32 v42, v38;
	v33 =	vld.idx.msk [tilespmem:v45+s17+$0x0], $0xffff  }
0x1c6: {  	v28 =	vadd.s32 $0x1, v20;
	v14 =	vadd.f32 v14, v36;
	v22 =	vmul.f32 v32, v23;
	v23 =	vld.idx.msk [tilespmem:v41+s21+$0x0], $0xffff  }
0x1c7: {  	v35 =	vcvt.s32.f32 v20;
	v34 =	vadd.f32 v18, v12;
	v17 =	vmul.f32 v17, v11;
	v32 =	vld.idx.msk [tilespmem:v48+s23+$0x0], $0xffff  }
0x1c8: {  	v36 =	vadd.f32 v51, v16;
	v12 =	vmul.f32 v14, v6;
	v18 =	vsub.f32 v24, v31;
	v11 =	vld.idx.msk [tilespmem:v37+s23+$0x0], $0xffff  }
0x1c9: {  	v39 =	vmul.f32 v15, v1;
	v16 =	vadd.f32 v22, v43;
	v22 =	vadd.s32 $0x1, v13;
	v37 =	vld [tilespmem:s13+$0x2000]  }
0x1ca: {  	v15 =	vcvt.s32.f32 v13;
	v14 =	vadd.f32 v12, v30;
	v24 =	vmul.f32 v18, v25;
	v12 =	vld.idx.msk [tilespmem:v20+s16+$0x0], $0xffff  }
0x1cb: {  	v17 =	vadd.f32 v17, v38;
	v25 =	vsub.f32 v33, v27;
	v18 =	vld.idx.msk [tilespmem:v28+s16+$0x0], $0xffff  }
.Ltmp5:
0x1cc: {  	v15 =	vsub.f32 v44, v15;
	v20 =	vmul.f32 v16, v6;
	v28 =	vsub.f32 v23, v10;
	v13 =	vld.idx.msk [tilespmem:v13+s18+$0x0], $0xffff;
	(pc) =	sbr.rel @p0 .LBB2_13-.Ltmp5, $4  }
0x1cd: {  	v23 =	vadd.f32 v24, v31;
	v24 =	vsub.f32 v21, v8;
	v25 =	vmul.f32 v19, v25  }
0x1ce: {  	v17 =	vmul.f32 v17, v6;
	v19 =	vsub.f32 v5, v35;
	v21 =	vsub.f32 v32, v11;
	v22 =	vld.idx.msk [tilespmem:v22+s18+$0x0], $0xffff  }
0x1cf: {  	v6 =	vmul.f32 v34, v2;
	v16 =	vadd.f32 v26, v47;
	v5 =	vadd.f32 v39, v36  }
0x1d0: {  	v26 =	vmul.f32 v28, v29;
	v17 =	vadd.f32 v17, v37;
	v25 =	vadd.f32 v25, v27  }
0x1d1: {  	v4 =	vadd.f32 v20, v4  }
0x1d2: {  	v52 =	vmul.f32 v23, v3;
	v7 =	vmul.f32 v24, v7;
	v18 =	vsub.f32 v18, v12  }
0x1d3: {  	v9 =	vmul.f32 v9, v21;
	v10 =	vadd.f32 v26, v10;
	v53 =	vmul.f32 v25, v3  }
0x1d4: {  	v7 =	vadd.f32 v7, v8;
	v54 =	vsub.f32 v22, v13;
	v56 =	vmul.f32 v18, v19  }
0x1d5: {  	s14 =	sld [smem:$0x7F8];
	v55 =	vadd.f32 v52, v14;
	v57 =	vadd.f32 v9, v11;
	v3 =	vmul.f32 v10, v3  }
0x1d6: {  	v7 =	vmul.f32 v7, v2;
	v8 =	vmul.f32 v15, v54;
	v59 =	vadd.f32 v56, v12  }
0x1d7: {  	v60 =	vadd.f32 v53, v17;
	v2 =	vmul.f32 v57, v2;
	v3 =	vadd.f32 v3, v4  }
0x1d8: {  	s14 =	sadd.s32 $0x1, s14;
	v61 =	vadd.f32 v8, v13;
	v7 =	vadd.f32 v7, v55;
	v62 =	vmul.f32 v59, v1  }
0x1d9: {  	v58 =	vmul.f32 v16, v1;
	p0 =	sne.s32 s14, $0xF;
	v3 =	vadd.f32 v6, v3  }
.Ltmp6:
0x1da: {  	v2 =	vadd.f32 v2, v60;
	v1 =	vmul.f32 v61, v1;
	v63 =	vadd.f32 v62, v7;
	(pc) =	sbr.rel @p0 .LBB2_10-.Ltmp6, $4  }
0x1db: {  	[tilespmem:s13+$0x3800] =	vst v5;
	v3 =	vadd.f32 v58, v3  }
0x1dc: {  	v1 =	vadd.f32 v1, v2;
	[tilespmem:s13+$0x2800] =	vst v63  }
0x1dd: {  	[tilespmem:s13+$0x3000] =	vst v3  }
0x1de: {  	s26 =	simm.s32 $0x14000;
	[tilespmem:s13+$0x2000] =	vst v1  }
0x1df: {  	s13 =	simm.s32 $0x1  }
0x1e0: {  	_ =	swait.ge [sflag:s13], $0x2000  }
0x1e1: {  	[sflag:s13] =	ssyncset.done $0x0  }
0x1e2: {  	s14 =	simm.s32 $0x3;
	[sflag:s13] =	ssyncadd.s32 $0xFFFFE000  }
0x1e3: {  	_ =	swait.ge [sflag:s14], $0x2000  }
0x1e4: {  	[sflag:s14] =	ssyncset.done $0x0  }
0x1e5: {  	s15 =	simm.s32 $0x5;
	[sflag:s14] =	ssyncadd.s32 $0xFFFFE000  }
0x1e6: {  	_ =	swait.ge [sflag:s15], $0x2000  }
0x1e7: {  	[sflag:s15] =	ssyncset.done $0x0  }
0x1e8: {  	[sflag:s15] =	ssyncadd.s32 $0xFFFFE000  }
0x1e9: {  	_ =	swait.ge [sflag:s15], $0x2000  }
0x1ea: {  	[sflag:s15] =	ssyncset.done $0x0  }
0x1eb: {  	[sflag:s15] =	ssyncadd.s32 $0xFFFFE000  }
0x1ec: {  	_ =	swait.ge [sflag:s15], $0x2000  }
0x1ed: {  	[sflag:s15] =	ssyncset.done $0x0  }
0x1ee: {  	[sflag:s15] =	ssyncadd.s32 $0xFFFFE000  }
0x1ef: {  	_ =	swait.ge [sflag:s15], $0x2000  }
0x1f0: {  	s30 =	simm.s32 $0x6000;
	s14 =	simm.s32 $0x800;
	[sflag:s15] =	ssyncset.done $0x0  }
0x1f1: {  	s25 =	rddreg [dreg:$0x1c];
	[sflag:s15] =	ssyncadd.s32 $0xFFFFE000;
	s15 =	simm.s32 $0x8000  }
0x1f2: {  	[tilespmem:s30], [sflag:$0x2] =	stream.strided.gather [hbm4b:s25+s14], $0x2000, s15, s14, $0x38;
	[tilespmem:$0x1C080] =	vst v63  }
0x1f3: {  	s25 =	rddreg [dreg:$0x1d];
	s30 =	simm.s32 $0xA000  }
0x1f4: {  	[tilespmem:s30], [sflag:$0x4] =	stream.strided.gather [hbm4b:s25+s14], $0x2000, s15, s14, $0x38;
	[tilespmem:$0x1C080] =	vst v63  }
0x1f5: {  	s13 =	simm.s32 $0x0;
	s15 =	rddreg [dreg:$0x11]  }
0x1f6: {  	[tilespmem:s26], [sflag:$0x6] =	stream.linear.gather [hbm4b:s15+s13], $0x2000, $0x38;
	[tilespmem:$0x1C080] =	vst v63  }
0x1f7: {  	s25 =	rddreg [dreg:$0x12];
	s26 =	simm.s32 $0x16000  }
0x1f8: {  	[tilespmem:s26], [sflag:$0x6] =	stream.linear.gather [hbm4b:s25+s13], $0x2000, $0x38;
	[tilespmem:$0x1C080] =	vst v63  }
0x1f9: {  	s15 =	rddreg [dreg:$0x13];
	s25 =	simm.s32 $0x18000  }
0x1fa: {  	[tilespmem:s25], [sflag:$0x6] =	stream.linear.gather [hbm4b:s15+s13], $0x2000, $0x38;
	[tilespmem:$0x1C080] =	vst v63  }
0x1fb: {  	s26 =	rddreg [dreg:$0x14]  }
0x1fc: {  	[tilespmem:s29], [sflag:$0x6] =	stream.linear.gather [hbm4b:s26+s13], $0x2000, $0x38;
	[tilespmem:$0x1C080] =	vst v63  }
0x1fd: {  	s13 =	simm.s32 $0x0  }
0x1fe: {  	v1 =	vld [tilespmem:s13+$0x4000]  }
0x1ff: {  	v2 =	vld [tilespmem:s13+$0x4800]  }
0x200: {  	v3 =	vld [tilespmem:s13+$0x1800]  }
0x201: {  	v5 =	vld [tilespmem:s13+$0x5000]  }
0x202: {  	v4 =	vld [tilespmem:s13+$0x0]  }
0x203: {  	v8 =	vld [tilespmem:s13+$0x1000]  }
0x204: {  	v7 =	vmul.f32 $1.298701270e+04, v1  }
0x205: {  	v6 =	vld [tilespmem:s13+$0x800];
	v2 =	vmul.f32 $1.298701270e+04, v2  }
0x206: {  	v12 =	vmul.f32 $1.298701270e+04, v5;
	v9 =	vadd.f32 v7, v3  }
0x207: {  	v10 =	vadd.f32 v7, v4;
	v11 =	vadd.f32 v2, v4  }
0x208: {  	v13 =	vadd.f32 v2, v3;
	v17 =	vadd.f32 v12, v8  }
0x209: {  	v1 =	vld [tilespmem:s13+$0x5800];
	v18 =	vadd.f32 v7, v8;
	v19 =	vadd.f32 v12, v3  }
0x20a: {  	v23 =	vadd.f32 v12, v6;
	v12 =	vadd.f32 v12, v4  }
0x20b: {  	v7 =	vadd.f32 v7, v6;
	v5 =	vtrunc.f32 v9;
	v16 =	vtrunc.f32 v10  }
0x20c: {  	v22 =	vtrunc.f32 v13;
	v24 =	vtrunc.f32 v11  }
0x20d: {  	v34 =	vtrunc.f32 v7;
	v47 =	vtrunc.f32 v12  }
0x20e: {  	v14 =	vcvt.f32.s32 v5;
	v20 =	vmul.f32 $1.298701270e+04, v1  }
0x20f: {  	v1 =	vtrunc.f32 v17;
	v34 =	vcvt.f32.s32 v34  }
0x210: {  	v15 =	vadd.f32 v2, v6;
	v26 =	vcvt.f32.s32 v1;
	v1 =	vtrunc.f32 v19  }
0x211: {  	v36 =	vadd.f32 v2, v8;
	v16 =	vcvt.f32.s32 v16;
	v29 =	vcvt.f32.s32 v1  }
0x212: {  	v51 =	vld [tilespmem:s13+$0x2800];
	v24 =	vcvt.f32.s32 v24;
	v60 =	vcvt.f32.s32 v47;
	v21 =	vadd.s32 $0x1, v14  }
0x213: {  	s15 =	simm.s32 $0x12000;
	v2 =	vld [tilespmem:s13+$0x9000];
	v25 =	vadd.f32 v20, v8;
	v5 =	vadd.f32 v20, v6;
	v6 =	vcvt.s32.f32 v29  }
0x214: {  	v27 =	vadd.f32 v20, v3;
	v30 =	vcvt.s32.f32 v14;
	v40 =	vadd.s32 $0x1, v34;
	v14 =	vld.idx.msk [tilespmem:v14+s15+$0x0], $0xffff  }
0x215: {  	s26 =	simm.s32 $0xE000;
	v3 =	vtrunc.f32 v18;
	v8 =	vcvt.f32.s32 v22;
	v19 =	vsub.f32 v19, v6;
	v6 =	vld [tilespmem:s13+$0x8000]  }
0x216: {  	v22 =	vtrunc.f32 v23;
	v39 =	vcvt.s32.f32 v34;
	v32 =	vadd.s32 $0x1, v26;
	v34 =	vld.idx.msk [tilespmem:v34+s26+$0x0], $0xffff  }
0x217: {  	v41 =	vadd.s32 $0x1, v16;
	v35 =	vcvt.f32.s32 v3;
	v33 =	vadd.s32 $0x1, v29;
	v21 =	vld.idx.msk [tilespmem:v21+s15+$0x0], $0xffff  }
0x218: {  	v42 =	vcvt.s32.f32 v24;
	v43 =	vadd.s32 $0x1, v24;
	v28 =	vcvt.s32.f32 v26;
	v26 =	vld.idx.msk [tilespmem:v26+s8+$0x0], $0xffff  }
0x219: {  	v46 =	vcvt.s32.f32 v16;
	v54 =	vcvt.s32.f32 v8;
	v55 =	vadd.s32 $0x1, v35;
	v40 =	vld.idx.msk [tilespmem:v40+s26+$0x0], $0xffff  }
0x21a: {  	v63 =	vadd.s32 $0x1, v60;
	v53 =	vcvt.s32.f32 v60;
	v22 =	vcvt.f32.s32 v22;
	v29 =	vld.idx.msk [tilespmem:v29+s11+$0x0], $0xffff  }
0x21b: {  	v31 =	vtrunc.f32 v25;
	v39 =	vsub.f32 v7, v39;
	v7 =	vsub.f32 v13, v54;
	v13 =	vld.idx.msk [tilespmem:v32+s8+$0x0], $0xffff  }
0x21c: {  	s25 =	simm.s32 $0x10000;
	v37 =	vtrunc.f32 v27;
	v9 =	vsub.f32 v9, v30;
	v38 =	vadd.s32 $0x1, v8;
	v33 =	vld.idx.msk [tilespmem:v33+s11+$0x0], $0xffff  }
0x21d: {  	s28 =	simm.s32 $0x10000;
	v42 =	vsub.f32 v11, v42;
	v59 =	vtrunc.f32 v5;
	v37 =	vcvt.f32.s32 v37;
	v44 =	vld.idx.msk [tilespmem:v35+s25+$0x0], $0xffff  }
0x21e: {  	v31 =	vcvt.f32.s32 v31;
	v17 =	vsub.f32 v17, v28;
	v30 =	vld.idx.msk [tilespmem:v55+s28+$0x0], $0xffff;
	v21 =	vsub.f32 v21, v14  }
0x21f: {  	v48 =	vcvt.s32.f32 v22;
	v56 =	vadd.s32 $0x1, v37;
	s15 =	simm.s32 $0xC800;
	v8 =	vld.idx.msk [tilespmem:v8+s3+$0x0], $0xffff;
	v35 =	vcvt.s32.f32 v35  }
0x220: {  	v49 =	vadd.s32 $0x1, v22;
	v45 =	vcvt.s32.f32 v37;
	v54 =	vld.idx.msk [tilespmem:v24+s15+$0x0], $0xffff;
	v9 =	vmul.f32 v21, v9  }
0x221: {  	v24 =	vcvt.f32.s32 v59;
	v38 =	vld.idx.msk [tilespmem:v38+s3+$0x0], $0xffff;
	v18 =	vsub.f32 v18, v35;
	v33 =	vsub.f32 v33, v29  }
0x222: {  	v50 =	vsub.f32 v40, v34;
	v21 =	vld [tilespmem:s13+$0x3800];
	v9 =	vadd.f32 v9, v14;
	v14 =	vtrunc.f32 v15  }
0x223: {  	v1 =	vld [tilespmem:s13+$0x9800];
	v30 =	vsub.f32 v30, v44;
	v19 =	vmul.f32 v33, v19;
	v11 =	vcvt.f32.s32 v14  }
0x224: {  	v32 =	vld.idx.msk [tilespmem:v56+s2+$0x0], $0xffff;
	v14 =	vsub.f32 v27, v45;
	v27 =	vadd.f32 v20, v4;
	v4 =	vadd.s32 $0x1, v31  }
0x225: {  	v13 =	vsub.f32 v13, v26;
	v20 =	vld.idx.msk [tilespmem:v37+s2+$0x0], $0xffff;
	v37 =	vsub.f32 v10, v46;
	v9 =	vmul.f32 v9, v6  }
0x226: {  	v3 =	vld [tilespmem:s13+$0x8800];
	s25 =	simm.s32 $0xC000;
	v10 =	vtrunc.f32 v36;
	v18 =	vmul.f32 v30, v18;
	v19 =	vadd.f32 v19, v29  }
0x227: {  	v16 =	vld.idx.msk [tilespmem:v16+s25+$0x0], $0xffff;
	v10 =	vcvt.f32.s32 v10;
	v21 =	vadd.f32 v9, v21;
	v9 =	vsub.f32 v38, v8  }
0x228: {  	v46 =	vld.idx.msk [tilespmem:v31+s1+$0x0], $0xffff;
	v57 =	vadd.s32 $0x1, v11;
	v61 =	vcvt.s32.f32 v11;
	v62 =	vtrunc.f32 v27  }
0x229: {  	v18 =	vadd.f32 v18, v44;
	v58 =	vadd.s32 $0x1, v10;
	v4 =	vld.idx.msk [tilespmem:v4+s1+$0x0], $0xffff;
	v9 =	vmul.f32 v9, v7  }
0x22a: {  	v19 =	vmul.f32 v19, v2;
	v52 =	vcvt.s32.f32 v10;
	v47 =	vld.idx.msk [tilespmem:v11+s31+$0x0], $0xffff;
	v11 =	vsub.f32 v32, v20  }
0x22b: {  	v41 =	vld.idx.msk [tilespmem:v41+s25+$0x0], $0xffff;
	v7 =	vsub.f32 v23, v48;
	v23 =	vcvt.s32.f32 v31;
	v9 =	vadd.f32 v9, v8  }
0x22c: {  	v15 =	vsub.f32 v15, v61;
	v36 =	vsub.f32 v36, v52;
	v8 =	vld.idx.msk [tilespmem:v22+s4+$0x0], $0xffff;
	v11 =	vmul.f32 v11, v14  }
0x22d: {  	v23 =	vsub.f32 v25, v23;
	v25 =	vcvt.f32.s32 v62;
	v14 =	vld.idx.msk [tilespmem:v57+s31+$0x0], $0xffff;
	v22 =	vmul.f32 v9, v3  }
0x22e: {  	v10 =	vld.idx.msk [tilespmem:v10+s0+$0x0], $0xffff;
	v9 =	vsub.f32 v12, v53;
	v20 =	vadd.f32 v11, v20;
	v11 =	vmul.f32 v50, v39  }
0x22f: {  	v12 =	vmul.f32 v13, v17;
	v13 =	vld.idx.msk [tilespmem:v43+s15+$0x0], $0xffff;
	v59 =	vadd.s32 $0x1, v25;
	v4 =	vsub.f32 v4, v46  }
0x230: {  	v17 =	vadd.f32 v22, v21;
	v21 =	vld.idx.msk [tilespmem:v58+s0+$0x0], $0xffff;
	v22 =	vadd.s32 $0x1, v24;
	v11 =	vadd.f32 v11, v34  }
0x231: {  	v55 =	vld.idx.msk [tilespmem:v49+s4+$0x0], $0xffff;
	v26 =	vadd.f32 v12, v26;
	v56 =	vmul.f32 v4, v23;
	v4 =	vsub.f32 v41, v16  }
0x232: {  	v61 =	vld [tilespmem:s13+$0x2000];
	v58 =	vcvt.s32.f32 v24;
	v23 =	vsub.f32 v14, v47;
	v12 =	vmul.f32 v11, v6  }
0x233: {  	v17 =	vadd.f32 v19, v17;
	v4 =	vmul.f32 v37, v4;
	v11 =	vld.idx.msk [tilespmem:v60+s7+$0x0], $0xffff;
	v60 =	vmul.f32 v20, v1  }
0x234: {  	v57 =	vld.idx.msk [tilespmem:v63+s7+$0x0], $0xffff;
	v13 =	vsub.f32 v13, v54;
	v19 =	vmul.f32 v23, v15;
	v14 =	vadd.f32 v12, v51  }
0x235: {  	v12 =	vcvt.s32.f32 v25;
	v16 =	vadd.f32 v4, v16;
	v4 =	vld [tilespmem:s13+$0x3000];
	v62 =	vsub.f32 v21, v10  }
0x236: {  	v20 =	vmul.f32 v18, v6;
	v18 =	vld.idx.msk [tilespmem:v22+s20+$0x0], $0xffff;
	v23 =	vadd.f32 v19, v47;
	v19 =	vsub.f32 v5, v58  }
0x237: {  	v5 =	vadd.f32 v60, v17;
	v15 =	vsub.f32 v27, v12;
	v12 =	vld.idx.msk [tilespmem:v24+s20+$0x0], $0xffff  }
0x238: {  	v22 =	vld.idx.msk [tilespmem:v59+s19+$0x0], $0xffff;
	v27 =	vmul.f32 v42, v13;
	v24 =	vsub.f32 v55, v8;
	v63 =	vmul.f32 v16, v6  }
0x239: {  	v13 =	vld.idx.msk [tilespmem:v25+s19+$0x0], $0xffff;
	v6 =	vmul.f32 v26, v2;
	v16 =	vadd.f32 v56, v46;
	v21 =	vsub.f32 v57, v11  }
0x23a: {  	s30 =	simm.s32 $0x12000;
	s14 =	simm.s32 $0x40;
	s26 =	simm.s32 $0xE000;
	v26 =	vmul.f32 v62, v36;
	v17 =	vadd.f32 v63, v61;
	v25 =	vadd.f32 v27, v54  }
.LBB2_16:
0x23b: {  	s15 =	sshra.s32 s14, $0x2;
	p0 =	sne.s32 s14, $0x1FC0;
	s14 =	sadd.s32 $0x40, s14;
	v4 =	vadd.f32 v20, v4;
	v20 =	vmul.f32 v23, v3;
	v23 =	vmul.f32 v24, v7  }
0x23c: {  	v18 =	vsub.f32 v18, v12;
	v24 =	vld [tilespmem:s15+$0x800];
	v25 =	vmul.f32 v25, v3;
	v10 =	vadd.f32 v26, v10  }
0x23d: {  	v9 =	vmul.f32 v9, v21;
	v7 =	vld [tilespmem:s15+$0x0];
	v14 =	vadd.f32 v20, v14;
	v8 =	vadd.f32 v23, v8  }
0x23e: {  	v18 =	vmul.f32 v18, v19;
	v20 =	vld [tilespmem:s15+$0x5800];
	v3 =	vmul.f32 v10, v3;
	v10 =	vsub.f32 v22, v13  }
0x23f: {  	v9 =	vadd.f32 v9, v11;
	v19 =	vld [tilespmem:s15+$0x4000];
	v8 =	vmul.f32 v8, v2  }
0x240: {  	v11 =	vld [tilespmem:s15+$0x4800];
	v3 =	vadd.f32 v3, v4;
	v4 =	vmul.f32 v15, v10;
	v10 =	vmul.f32 v16, v1  }
0x241: {  	v2 =	vmul.f32 v9, v2;
	v9 =	vadd.f32 v18, v12;
	v16 =	vadd.f32 v25, v17;
	v15 =	vld [tilespmem:s15+$0x1800]  }
0x242: {  	v8 =	vadd.f32 v8, v14;
	v12 =	vld [tilespmem:s15+$0x5000];
	v3 =	vadd.f32 v6, v3  }
0x243: {  	v2 =	vadd.f32 v2, v16;
	v4 =	vadd.f32 v4, v13;
	v6 =	vmul.f32 v9, v1  }
0x244: {  	v13 =	vld [tilespmem:s15+$0x1000];
	v14 =	vmul.f32 $1.298701270e+04, v19;
	v3 =	vadd.f32 v10, v3  }
0x245: {  	v1 =	vmul.f32 v4, v1;
	v4 =	vadd.f32 v6, v8;
	v16 =	vmul.f32 $1.298701270e+04, v11  }
0x246: {  	v17 =	vadd.f32 v14, v7;
	v18 =	vadd.f32 v14, v15  }
0x247: {  	v19 =	vadd.f32 v16, v7;
	v21 =	vadd.f32 v16, v15;
	v6 =	vmul.f32 $1.298701270e+04, v12;
	[tilespmem:s13+$0x3000] =	vst v3  }
0x248: {  	v1 =	vadd.f32 v1, v2;
	v12 =	vtrunc.f32 v17;
	v3 =	vtrunc.f32 v18;
	[tilespmem:s13+$0x3800] =	vst v5  }
0x249: {  	v8 =	vadd.f32 v16, v24;
	v2 =	vcvt.f32.s32 v3;
	v22 =	vadd.f32 v6, v13;
	[tilespmem:s13+$0x2800] =	vst v4  }
0x24a: {  	v20 =	vmul.f32 $1.298701270e+04, v20;
	v23 =	vadd.f32 v14, v13;
	v25 =	vadd.f32 v6, v15;
	[tilespmem:s13+$0x2000] =	vst v1;
	s13 =	smov.u32 s15;
	s15 =	simm.s32 $0xC800  }
0x24b: {  	v26 =	vtrunc.f32 v21;
	v11 =	vadd.f32 v6, v24;
	v3 =	vadd.s32 $0x1, v2  }
0x24c: {  	v27 =	vtrunc.f32 v19;
	v10 =	vadd.f32 v20, v13;
	v1 =	vtrunc.f32 v22  }
0x24d: {  	v5 =	vadd.f32 v20, v24;
	v15 =	vadd.f32 v20, v15;
	v28 =	vcvt.f32.s32 v1  }
0x24e: {  	v9 =	vadd.f32 v6, v7;
	v6 =	vtrunc.f32 v25;
	v1 =	vld [tilespmem:s13+$0x9800]  }
0x24f: {  	v31 =	vcvt.f32.s32 v6;
	v29 =	vcvt.s32.f32 v28;
	v30 =	vadd.s32 $0x1, v28;
	v4 =	vld [tilespmem:s13+$0x3000]  }
0x250: {  	v14 =	vadd.f32 v14, v24;
	v24 =	vcvt.s32.f32 v2;
	v33 =	vtrunc.f32 v10;
	v32 =	vld.idx.msk [tilespmem:v2+s30+$0x0], $0xffff  }
0x251: {  	v6 =	vcvt.s32.f32 v31;
	v35 =	vadd.s32 $0x1, v31;
	v2 =	vtrunc.f32 v23;
	v34 =	vld.idx.msk [tilespmem:v3+s30+$0x0], $0xffff  }
0x252: {  	v13 =	vadd.f32 v16, v13;
	v36 =	vtrunc.f32 v14;
	v37 =	vcvt.f32.s32 v2;
	v3 =	vld [tilespmem:s13+$0x8800]  }
0x253: {  	v16 =	vcvt.f32.s32 v26;
	v26 =	vtrunc.f32 v11;
	v25 =	vsub.f32 v25, v6;
	v2 =	vld [tilespmem:s13+$0x9000]  }
0x254: {  	v36 =	vcvt.f32.s32 v36;
	v18 =	vsub.f32 v18, v24;
	v24 =	vtrunc.f32 v15;
	v6 =	vld [tilespmem:s13+$0x8000]  }
0x255: {  	v38 =	vcvt.f32.s32 v12;
	v39 =	vcvt.s32.f32 v16;
	v40 =	vadd.s32 $0x1, v16;
	v12 =	vld.idx.msk [tilespmem:v28+s8+$0x0], $0xffff  }
0x256: {  	v33 =	vcvt.f32.s32 v33;
	v41 =	vadd.s32 $0x1, v36;
	v28 =	vcvt.s32.f32 v36;
	v31 =	vld.idx.msk [tilespmem:v31+s11+$0x0], $0xffff  }
0x257: {  	v42 =	vadd.s32 $0x1, v38;
	v24 =	vcvt.f32.s32 v24;
	v34 =	vsub.f32 v34, v32;
	v35 =	vld.idx.msk [tilespmem:v35+s11+$0x0], $0xffff  }
0x258: {  	v27 =	vcvt.f32.s32 v27;
	v21 =	vsub.f32 v21, v39;
	v14 =	vsub.f32 v14, v28;
	v28 =	vld.idx.msk [tilespmem:v30+s8+$0x0], $0xffff  }
0x259: {  	v39 =	vadd.s32 $0x1, v37;
	v18 =	vmul.f32 v34, v18;
	v34 =	vadd.s32 $0x1, v24;
	v30 =	vld [tilespmem:s13+$0x3800]  }
0x25a: {  	v44 =	vcvt.s32.f32 v27;
	v45 =	vadd.s32 $0x1, v27;
	v46 =	vcvt.s32.f32 v24;
	v43 =	vld.idx.msk [tilespmem:v37+s28+$0x0], $0xffff  }
0x25b: {  	v47 =	vcvt.s32.f32 v38;
	v18 =	vadd.f32 v18, v32;
	v32 =	vtrunc.f32 v8;
	v40 =	vld.idx.msk [tilespmem:v40+s3+$0x0], $0xffff  }
0x25c: {  	v19 =	vsub.f32 v19, v44;
	v15 =	vsub.f32 v15, v46;
	v32 =	vcvt.f32.s32 v32;
	v16 =	vld.idx.msk [tilespmem:v16+s3+$0x0], $0xffff  }
0x25d: {  	v44 =	vadd.f32 v20, v7;
	v7 =	vadd.s32 $0x1, v33;
	v18 =	vmul.f32 v18, v6;
	v20 =	vld.idx.msk [tilespmem:v24+s2+$0x0], $0xffff  }
0x25e: {  	v17 =	vsub.f32 v17, v47;
	v46 =	vtrunc.f32 v13;
	v24 =	vadd.s32 $0x1, v32;
	v34 =	vld.idx.msk [tilespmem:v34+s2+$0x0], $0xffff  }
0x25f: {  	v26 =	vcvt.f32.s32 v26;
	v46 =	vcvt.f32.s32 v46;
	v35 =	vsub.f32 v35, v31;
	v47 =	vld.idx.msk [tilespmem:v33+s1+$0x0], $0xffff  }
0x260: {  	v48 =	vtrunc.f32 v9;
	v22 =	vsub.f32 v22, v29;
	v37 =	vcvt.s32.f32 v37;
	v36 =	vld.idx.msk [tilespmem:v36+s26+$0x0], $0xffff  }
0x261: {  	v49 =	vcvt.s32.f32 v26;
	v25 =	vmul.f32 v35, v25;
	v29 =	vld.idx.msk [tilespmem:v41+s26+$0x0], $0xffff;
	v41 =	vadd.s32 $0x1, v46  }
0x262: {  	v18 =	vadd.f32 v18, v30;
	v35 =	vtrunc.f32 v5;
	v30 =	vsub.f32 v40, v16;
	v40 =	vld.idx.msk [tilespmem:v7+s1+$0x0], $0xffff  }
0x263: {  	v23 =	vsub.f32 v23, v37;
	v37 =	vcvt.f32.s32 v48;
	v7 =	vadd.f32 v25, v31;
	v38 =	vld.idx.msk [tilespmem:v38+s25+$0x0], $0xffff  }
0x264: {  	v25 =	vcvt.s32.f32 v32;
	v34 =	vsub.f32 v34, v20;
	v31 =	vld.idx.msk [tilespmem:v32+s31+$0x0], $0xffff;
	v32 =	vtrunc.f32 v44  }
0x265: {  	v50 =	vadd.s32 $0x1, v26;
	v48 =	vadd.s32 $0x1, v37;
	v51 =	vmul.f32 v7, v2;
	v42 =	vld.idx.msk [tilespmem:v42+s25+$0x0], $0xffff  }
0x266: {  	v28 =	vsub.f32 v28, v12;
	v21 =	vmul.f32 v30, v21;
	v15 =	vmul.f32 v34, v15;
	v39 =	vld.idx.msk [tilespmem:v39+s28+$0x0], $0xffff  }
0x267: {  	v25 =	vsub.f32 v8, v25;
	v7 =	vsub.f32 v11, v49;
	v11 =	vcvt.s32.f32 v33;
	v24 =	vld.idx.msk [tilespmem:v24+s31+$0x0], $0xffff  }
0x268: {  	v33 =	vcvt.s32.f32 v46;
	v16 =	vadd.f32 v21, v16;
	v29 =	vsub.f32 v29, v36;
	v30 =	vld [tilespmem:s13+$0x2800]  }
0x269: {  	v21 =	vcvt.s32.f32 v37;
	v15 =	vadd.f32 v15, v20;
	v8 =	vld.idx.msk [tilespmem:v26+s4+$0x0], $0xffff;
	v26 =	vsub.f32 v40, v47  }
0x26a: {  	v11 =	vsub.f32 v10, v11;
	v16 =	vmul.f32 v16, v3;
	v14 =	vmul.f32 v29, v14;
	v27 =	vld.idx.msk [tilespmem:v27+s15+$0x0], $0xffff  }
0x26b: {  	v20 =	vcvt.f32.s32 v35;
	v29 =	vsub.f32 v13, v33;
	v13 =	vcvt.f32.s32 v32;
	v10 =	vld.idx.msk [tilespmem:v46+s0+$0x0], $0xffff  }
0x26c: {  	v9 =	vsub.f32 v9, v21;
	v32 =	vsub.f32 v39, v43;
	v26 =	vmul.f32 v26, v11;
	v21 =	vld.idx.msk [tilespmem:v50+s4+$0x0], $0xffff  }
0x26d: {  	v16 =	vadd.f32 v16, v18;
	v18 =	vmul.f32 v28, v22;
	v11 =	vsub.f32 v42, v38;
	v33 =	vld.idx.msk [tilespmem:v45+s15+$0x0], $0xffff  }
0x26e: {  	v28 =	vadd.s32 $0x1, v20;
	v14 =	vadd.f32 v14, v36;
	v22 =	vmul.f32 v32, v23;
	v23 =	vld.idx.msk [tilespmem:v41+s0+$0x0], $0xffff  }
0x26f: {  	v35 =	vcvt.s32.f32 v20;
	v34 =	vadd.f32 v18, v12;
	v17 =	vmul.f32 v17, v11;
	v32 =	vld.idx.msk [tilespmem:v48+s7+$0x0], $0xffff  }
0x270: {  	v36 =	vadd.f32 v51, v16;
	v12 =	vmul.f32 v14, v6;
	v18 =	vsub.f32 v24, v31;
	v11 =	vld.idx.msk [tilespmem:v37+s7+$0x0], $0xffff  }
0x271: {  	v39 =	vmul.f32 v15, v1;
	v16 =	vadd.f32 v22, v43;
	v22 =	vadd.s32 $0x1, v13;
	v37 =	vld [tilespmem:s13+$0x2000]  }
0x272: {  	v15 =	vcvt.s32.f32 v13;
	v14 =	vadd.f32 v12, v30;
	v24 =	vmul.f32 v18, v25;
	v12 =	vld.idx.msk [tilespmem:v20+s20+$0x0], $0xffff  }
0x273: {  	v17 =	vadd.f32 v17, v38;
	v25 =	vsub.f32 v33, v27;
	v18 =	vld.idx.msk [tilespmem:v28+s20+$0x0], $0xffff  }
.Ltmp7:
0x274: {  	v15 =	vsub.f32 v44, v15;
	v20 =	vmul.f32 v16, v6;
	v28 =	vsub.f32 v23, v10;
	v13 =	vld.idx.msk [tilespmem:v13+s19+$0x0], $0xffff;
	(pc) =	sbr.rel @p0 .LBB2_16-.Ltmp7, $4  }
0x275: {  	v23 =	vadd.f32 v24, v31;
	v24 =	vsub.f32 v21, v8;
	v25 =	vmul.f32 v19, v25  }
0x276: {  	v17 =	vmul.f32 v17, v6;
	v19 =	vsub.f32 v5, v35;
	v21 =	vsub.f32 v32, v11;
	v22 =	vld.idx.msk [tilespmem:v22+s19+$0x0], $0xffff  }
0x277: {  	v6 =	vmul.f32 v34, v2;
	v16 =	vadd.f32 v26, v47;
	v5 =	vadd.f32 v39, v36  }
0x278: {  	v26 =	vmul.f32 v28, v29;
	v17 =	vadd.f32 v17, v37;
	v25 =	vadd.f32 v25, v27  }
0x279: {  	_ = 	snop  }
0x27a: {  	v10 =	vadd.f32 v26, v10  }
0x27b: {  	v4 =	vadd.f32 v20, v4;
	v20 =	vmul.f32 v23, v3;
	v7 =	vmul.f32 v24, v7  }
0x27c: {  	v18 =	vsub.f32 v18, v12;
	v23 =	vmul.f32 v25, v3;
	v3 =	vmul.f32 v10, v3  }
0x27d: {  	v9 =	vmul.f32 v9, v21;
	v7 =	vadd.f32 v7, v8;
	v8 =	vsub.f32 v22, v13  }
0x27e: {  	v10 =	vadd.f32 v20, v14;
	v14 =	vmul.f32 v18, v19;
	v3 =	vadd.f32 v3, v4  }
0x27f: {  	v7 =	vmul.f32 v7, v2;
	v8 =	vmul.f32 v15, v8;
	v4 =	vadd.f32 v9, v11  }
0x280: {  	v9 =	vmul.f32 v16, v1;
	v11 =	vadd.f32 v14, v12;
	v3 =	vadd.f32 v6, v3  }
0x281: {  	v6 =	vadd.f32 v23, v17;
	v2 =	vmul.f32 v4, v2;
	v4 =	vadd.f32 v8, v13  }
0x282: {  	v7 =	vadd.f32 v7, v10;
	v8 =	vmul.f32 v11, v1  }
0x283: {  	v3 =	vadd.f32 v9, v3;
	v2 =	vadd.f32 v2, v6;
	v1 =	vmul.f32 v4, v1  }
0x284: {  	[tilespmem:s13+$0x3800] =	vst v5;
	v4 =	vadd.f32 v8, v7  }
0x285: {  	[tilespmem:s13+$0x3000] =	vst v3;
	v1 =	vadd.f32 v1, v2  }
0x286: {  	[tilespmem:s13+$0x2800] =	vst v4  }
0x287: {  	s25 =	simm.s32 $0x2;
	[tilespmem:s13+$0x2000] =	vst v1  }
0x288: {  	_ =	swait.ge [sflag:s25], $0x2000  }
0x289: {  	[sflag:s25] =	ssyncset.done $0x0  }
0x28a: {  	s26 =	simm.s32 $0x4;
	[sflag:s25] =	ssyncadd.s32 $0xFFFFE000  }
0x28b: {  	_ =	swait.ge [sflag:s26], $0x2000  }
0x28c: {  	[sflag:s26] =	ssyncset.done $0x0  }
0x28d: {  	s30 =	simm.s32 $0x6;
	[sflag:s26] =	ssyncadd.s32 $0xFFFFE000  }
0x28e: {  	_ =	swait.ge [sflag:s30], $0x2000  }
0x28f: {  	[sflag:s30] =	ssyncset.done $0x0  }
0x290: {  	[sflag:s30] =	ssyncadd.s32 $0xFFFFE000  }
0x291: {  	_ =	swait.ge [sflag:s30], $0x2000  }
0x292: {  	[sflag:s30] =	ssyncset.done $0x0  }
0x293: {  	[sflag:s30] =	ssyncadd.s32 $0xFFFFE000  }
0x294: {  	_ =	swait.ge [sflag:s30], $0x2000  }
0x295: {  	[sflag:s30] =	ssyncset.done $0x0  }
0x296: {  	[sflag:s30] =	ssyncadd.s32 $0xFFFFE000  }
0x297: {  	_ =	swait.ge [sflag:s30], $0x2000  }
0x298: {  	[sflag:s30] =	ssyncset.done $0x0  }
0x299: {  	s13 =	simm.s32 $0x0;
	[sflag:s30] =	ssyncadd.s32 $0xFFFFE000  }
0x29a: {  	v1 =	vld [tilespmem:s13+$0x6000]  }
0x29b: {  	v2 =	vld [tilespmem:s13+$0x6800]  }
0x29c: {  	v3 =	vld [tilespmem:s13+$0x1800]  }
0x29d: {  	v5 =	vld [tilespmem:s13+$0x7000]  }
0x29e: {  	v4 =	vld [tilespmem:s13+$0x0]  }
0x29f: {  	v8 =	vld [tilespmem:s13+$0x1000]  }
0x2a0: {  	v7 =	vmul.f32 $1.298701270e+04, v1  }
0x2a1: {  	v6 =	vld [tilespmem:s13+$0x800];
	v2 =	vmul.f32 $1.298701270e+04, v2  }
0x2a2: {  	v12 =	vmul.f32 $1.298701270e+04, v5;
	v9 =	vadd.f32 v7, v3  }
0x2a3: {  	v10 =	vadd.f32 v7, v4;
	v11 =	vadd.f32 v2, v4  }
0x2a4: {  	v13 =	vadd.f32 v2, v3;
	v17 =	vadd.f32 v12, v8  }
0x2a5: {  	v1 =	vld [tilespmem:s13+$0x7800];
	v18 =	vadd.f32 v7, v8;
	v19 =	vadd.f32 v12, v3  }
0x2a6: {  	v23 =	vadd.f32 v12, v6;
	v7 =	vadd.f32 v7, v6;
	v5 =	vtrunc.f32 v9  }
0x2a7: {  	v12 =	vadd.f32 v12, v4;
	v16 =	vtrunc.f32 v10;
	v22 =	vtrunc.f32 v13  }
0x2a8: {  	v24 =	vtrunc.f32 v11;
	v34 =	vtrunc.f32 v7  }
0x2a9: {  	v47 =	vtrunc.f32 v12;
	v14 =	vcvt.f32.s32 v5  }
0x2aa: {  	v20 =	vmul.f32 $1.298701270e+04, v1;
	v1 =	vtrunc.f32 v17  }
0x2ab: {  	v34 =	vcvt.f32.s32 v34;
	v16 =	vcvt.f32.s32 v16  }
0x2ac: {  	v15 =	vadd.f32 v2, v6;
	v26 =	vcvt.f32.s32 v1;
	v1 =	vtrunc.f32 v19  }
0x2ad: {  	v36 =	vadd.f32 v2, v8;
	v24 =	vcvt.f32.s32 v24;
	v29 =	vcvt.f32.s32 v1  }
0x2ae: {  	v51 =	vld [tilespmem:s13+$0x2800];
	v21 =	vadd.s32 $0x1, v14;
	v25 =	vadd.f32 v20, v8;
	v30 =	vcvt.s32.f32 v14  }
0x2af: {  	v2 =	vld [tilespmem:s13+$0xB000];
	v5 =	vadd.f32 v20, v6;
	v8 =	vcvt.f32.s32 v22;
	v6 =	vcvt.s32.f32 v29  }
0x2b0: {  	v27 =	vadd.f32 v20, v3;
	v3 =	vtrunc.f32 v18;
	v39 =	vcvt.s32.f32 v34;
	v14 =	vld.idx.msk [tilespmem:v14+s29+$0x0], $0xffff  }
0x2b1: {  	s26 =	simm.s32 $0x16000;
	v40 =	vadd.s32 $0x1, v34;
	v54 =	vcvt.s32.f32 v8;
	v19 =	vsub.f32 v19, v6;
	v6 =	vld [tilespmem:s13+$0xA000]  }
0x2b2: {  	v60 =	vcvt.f32.s32 v47;
	v35 =	vcvt.f32.s32 v3;
	v34 =	vld.idx.msk [tilespmem:v34+s26+$0x0], $0xffff  }
0x2b3: {  	v33 =	vadd.s32 $0x1, v29;
	v39 =	vsub.f32 v7, v39;
	v7 =	vsub.f32 v13, v54;
	v54 =	vld.idx.msk [tilespmem:v24+s17+$0x0], $0xffff  }
0x2b4: {  	v22 =	vtrunc.f32 v23;
	v41 =	vadd.s32 $0x1, v16;
	v42 =	vcvt.s32.f32 v24;
	v21 =	vld.idx.msk [tilespmem:v21+s29+$0x0], $0xffff  }
0x2b5: {  	v28 =	vcvt.s32.f32 v26;
	v32 =	vadd.s32 $0x1, v26;
	v55 =	vadd.s32 $0x1, v35;
	v26 =	vld.idx.msk [tilespmem:v26+s9+$0x0], $0xffff  }
0x2b6: {  	v43 =	vadd.s32 $0x1, v24;
	v46 =	vcvt.s32.f32 v16;
	v53 =	vcvt.s32.f32 v60;
	v40 =	vld.idx.msk [tilespmem:v40+s26+$0x0], $0xffff  }
0x2b7: {  	v63 =	vadd.s32 $0x1, v60;
	v22 =	vcvt.f32.s32 v22;
	v31 =	vtrunc.f32 v25;
	v29 =	vld.idx.msk [tilespmem:v29+s10+$0x0], $0xffff  }
0x2b8: {  	s28 =	simm.s32 $0x18000;
	v37 =	vtrunc.f32 v27;
	v9 =	vsub.f32 v9, v30;
	v38 =	vadd.s32 $0x1, v8;
	v33 =	vld.idx.msk [tilespmem:v33+s10+$0x0], $0xffff  }
0x2b9: {  	v42 =	vsub.f32 v11, v42;
	v59 =	vtrunc.f32 v5;
	v37 =	vcvt.f32.s32 v37;
	v44 =	vld.idx.msk [tilespmem:v35+s28+$0x0], $0xffff  }
0x2ba: {  	v31 =	vcvt.f32.s32 v31;
	v17 =	vsub.f32 v17, v28;
	v30 =	vld.idx.msk [tilespmem:v55+s28+$0x0], $0xffff;
	v21 =	vsub.f32 v21, v14  }
0x2bb: {  	v48 =	vcvt.s32.f32 v22;
	v56 =	vadd.s32 $0x1, v37;
	v13 =	vld.idx.msk [tilespmem:v32+s9+$0x0], $0xffff;
	v35 =	vcvt.s32.f32 v35  }
0x2bc: {  	v49 =	vadd.s32 $0x1, v22;
	v24 =	vcvt.f32.s32 v59;
	v8 =	vld.idx.msk [tilespmem:v8+s22+$0x0], $0xffff;
	v9 =	vmul.f32 v21, v9  }
0x2bd: {  	v45 =	vcvt.s32.f32 v37;
	v38 =	vld.idx.msk [tilespmem:v38+s22+$0x0], $0xffff;
	v18 =	vsub.f32 v18, v35;
	v33 =	vsub.f32 v33, v29  }
0x2be: {  	v50 =	vsub.f32 v40, v34;
	v21 =	vld [tilespmem:s13+$0x3800];
	v9 =	vadd.f32 v9, v14;
	v14 =	vtrunc.f32 v15  }
0x2bf: {  	v1 =	vld [tilespmem:s13+$0xB800];
	v30 =	vsub.f32 v30, v44;
	v19 =	vmul.f32 v33, v19;
	v11 =	vcvt.f32.s32 v14  }
0x2c0: {  	v32 =	vld.idx.msk [tilespmem:v56+s12+$0x0], $0xffff;
	v14 =	vsub.f32 v27, v45;
	v27 =	vadd.f32 v20, v4;
	v4 =	vadd.s32 $0x1, v31  }
0x2c1: {  	v13 =	vsub.f32 v13, v26;
	v20 =	vld.idx.msk [tilespmem:v37+s12+$0x0], $0xffff;
	v37 =	vsub.f32 v10, v46;
	v9 =	vmul.f32 v9, v6  }
0x2c2: {  	s25 =	simm.s32 $0x14000;
	v3 =	vld [tilespmem:s13+$0xA800];
	v10 =	vtrunc.f32 v36;
	v18 =	vmul.f32 v30, v18;
	v19 =	vadd.f32 v19, v29  }
0x2c3: {  	v16 =	vld.idx.msk [tilespmem:v16+s25+$0x0], $0xffff;
	v10 =	vcvt.f32.s32 v10;
	v21 =	vadd.f32 v9, v21;
	v9 =	vsub.f32 v38, v8  }
0x2c4: {  	v46 =	vld.idx.msk [tilespmem:v31+s5+$0x0], $0xffff;
	v57 =	vadd.s32 $0x1, v11;
	v61 =	vcvt.s32.f32 v11;
	v62 =	vtrunc.f32 v27  }
0x2c5: {  	v18 =	vadd.f32 v18, v44;
	v58 =	vadd.s32 $0x1, v10;
	v4 =	vld.idx.msk [tilespmem:v4+s5+$0x0], $0xffff;
	v9 =	vmul.f32 v9, v7  }
0x2c6: {  	v19 =	vmul.f32 v19, v2;
	v52 =	vcvt.s32.f32 v10;
	v47 =	vld.idx.msk [tilespmem:v11+s6+$0x0], $0xffff;
	v11 =	vsub.f32 v32, v20  }
0x2c7: {  	v41 =	vld.idx.msk [tilespmem:v41+s25+$0x0], $0xffff;
	v7 =	vsub.f32 v23, v48;
	v23 =	vcvt.s32.f32 v31;
	v9 =	vadd.f32 v9, v8  }
0x2c8: {  	v15 =	vsub.f32 v15, v61;
	v36 =	vsub.f32 v36, v52;
	v8 =	vld.idx.msk [tilespmem:v22+s24+$0x0], $0xffff;
	v11 =	vmul.f32 v11, v14  }
0x2c9: {  	v23 =	vsub.f32 v25, v23;
	v25 =	vcvt.f32.s32 v62;
	v14 =	vld.idx.msk [tilespmem:v57+s6+$0x0], $0xffff;
	v22 =	vmul.f32 v9, v3  }
0x2ca: {  	v10 =	vld.idx.msk [tilespmem:v10+s21+$0x0], $0xffff;
	v9 =	vsub.f32 v12, v53;
	v20 =	vadd.f32 v11, v20;
	v11 =	vmul.f32 v50, v39  }
0x2cb: {  	v12 =	vmul.f32 v13, v17;
	v13 =	vld.idx.msk [tilespmem:v43+s17+$0x0], $0xffff;
	v59 =	vadd.s32 $0x1, v25;
	v4 =	vsub.f32 v4, v46  }
0x2cc: {  	v17 =	vadd.f32 v22, v21;
	v21 =	vld.idx.msk [tilespmem:v58+s21+$0x0], $0xffff;
	v22 =	vadd.s32 $0x1, v24;
	v11 =	vadd.f32 v11, v34  }
0x2cd: {  	v55 =	vld.idx.msk [tilespmem:v49+s24+$0x0], $0xffff;
	v26 =	vadd.f32 v12, v26;
	v56 =	vmul.f32 v4, v23;
	v4 =	vsub.f32 v41, v16  }
0x2ce: {  	v61 =	vld [tilespmem:s13+$0x2000];
	v58 =	vcvt.s32.f32 v24;
	v23 =	vsub.f32 v14, v47;
	v12 =	vmul.f32 v11, v6  }
0x2cf: {  	v17 =	vadd.f32 v19, v17;
	v4 =	vmul.f32 v37, v4;
	v11 =	vld.idx.msk [tilespmem:v60+s23+$0x0], $0xffff;
	v60 =	vmul.f32 v20, v1  }
0x2d0: {  	v57 =	vld.idx.msk [tilespmem:v63+s23+$0x0], $0xffff;
	v13 =	vsub.f32 v13, v54;
	v19 =	vmul.f32 v23, v15;
	v14 =	vadd.f32 v12, v51  }
0x2d1: {  	v12 =	vcvt.s32.f32 v25;
	v16 =	vadd.f32 v4, v16;
	v4 =	vld [tilespmem:s13+$0x3000];
	v62 =	vsub.f32 v21, v10  }
0x2d2: {  	v20 =	vmul.f32 v18, v6;
	v18 =	vld.idx.msk [tilespmem:v22+s16+$0x0], $0xffff;
	v23 =	vadd.f32 v19, v47;
	v19 =	vsub.f32 v5, v58  }
0x2d3: {  	v5 =	vadd.f32 v60, v17;
	v15 =	vsub.f32 v27, v12;
	v12 =	vld.idx.msk [tilespmem:v24+s16+$0x0], $0xffff  }
0x2d4: {  	v22 =	vld.idx.msk [tilespmem:v59+s18+$0x0], $0xffff;
	v27 =	vmul.f32 v42, v13;
	v24 =	vsub.f32 v55, v8;
	v63 =	vmul.f32 v16, v6  }
0x2d5: {  	v13 =	vld.idx.msk [tilespmem:v25+s18+$0x0], $0xffff;
	v6 =	vmul.f32 v26, v2;
	v16 =	vadd.f32 v56, v46;
	v21 =	vsub.f32 v57, v11  }
0x2d6: {  	s14 =	simm.s32 $0x40;
	v26 =	vmul.f32 v62, v36;
	v17 =	vadd.f32 v63, v61;
	v25 =	vadd.f32 v27, v54  }
.LBB2_18:
0x2d7: {  	s15 =	sshra.s32 s14, $0x2;
	p0 =	sne.s32 s14, $0x1FC0;
	s14 =	sadd.s32 $0x40, s14;
	v4 =	vadd.f32 v20, v4;
	v20 =	vmul.f32 v23, v3;
	v23 =	vmul.f32 v24, v7  }
0x2d8: {  	v18 =	vsub.f32 v18, v12;
	v24 =	vld [tilespmem:s15+$0x800];
	v25 =	vmul.f32 v25, v3;
	v10 =	vadd.f32 v26, v10  }
0x2d9: {  	v9 =	vmul.f32 v9, v21;
	v7 =	vld [tilespmem:s15+$0x0];
	v14 =	vadd.f32 v20, v14;
	v8 =	vadd.f32 v23, v8  }
0x2da: {  	v18 =	vmul.f32 v18, v19;
	v20 =	vld [tilespmem:s15+$0x7800];
	v3 =	vmul.f32 v10, v3;
	v10 =	vsub.f32 v22, v13  }
0x2db: {  	v9 =	vadd.f32 v9, v11;
	v19 =	vld [tilespmem:s15+$0x6000];
	v8 =	vmul.f32 v8, v2  }
0x2dc: {  	v11 =	vld [tilespmem:s15+$0x6800];
	v3 =	vadd.f32 v3, v4;
	v4 =	vmul.f32 v15, v10;
	v10 =	vmul.f32 v16, v1  }
0x2dd: {  	v2 =	vmul.f32 v9, v2;
	v9 =	vadd.f32 v18, v12;
	v16 =	vadd.f32 v25, v17;
	v15 =	vld [tilespmem:s15+$0x1800]  }
0x2de: {  	v8 =	vadd.f32 v8, v14;
	v12 =	vld [tilespmem:s15+$0x7000];
	v3 =	vadd.f32 v6, v3  }
0x2df: {  	v2 =	vadd.f32 v2, v16;
	v4 =	vadd.f32 v4, v13;
	v6 =	vmul.f32 v9, v1  }
0x2e0: {  	v13 =	vld [tilespmem:s15+$0x1000];
	v14 =	vmul.f32 $1.298701270e+04, v19;
	v3 =	vadd.f32 v10, v3  }
0x2e1: {  	v1 =	vmul.f32 v4, v1;
	v4 =	vadd.f32 v6, v8;
	v16 =	vmul.f32 $1.298701270e+04, v11  }
0x2e2: {  	v17 =	vadd.f32 v14, v7;
	v18 =	vadd.f32 v14, v15  }
0x2e3: {  	v19 =	vadd.f32 v16, v7;
	v21 =	vadd.f32 v16, v15;
	v6 =	vmul.f32 $1.298701270e+04, v12;
	[tilespmem:s13+$0x3000] =	vst v3  }
0x2e4: {  	v1 =	vadd.f32 v1, v2;
	v12 =	vtrunc.f32 v17;
	v3 =	vtrunc.f32 v18;
	[tilespmem:s13+$0x3800] =	vst v5  }
0x2e5: {  	v8 =	vadd.f32 v16, v24;
	v2 =	vcvt.f32.s32 v3;
	v22 =	vadd.f32 v6, v13;
	[tilespmem:s13+$0x2800] =	vst v4  }
0x2e6: {  	v20 =	vmul.f32 $1.298701270e+04, v20;
	v23 =	vadd.f32 v14, v13;
	v25 =	vadd.f32 v6, v15;
	[tilespmem:s13+$0x2000] =	vst v1;
	s13 =	smov.u32 s15  }
0x2e7: {  	v26 =	vtrunc.f32 v21;
	v11 =	vadd.f32 v6, v24;
	v3 =	vadd.s32 $0x1, v2  }
0x2e8: {  	v27 =	vtrunc.f32 v19;
	v10 =	vadd.f32 v20, v13;
	v1 =	vtrunc.f32 v22  }
0x2e9: {  	v5 =	vadd.f32 v20, v24;
	v15 =	vadd.f32 v20, v15;
	v28 =	vcvt.f32.s32 v1  }
0x2ea: {  	v9 =	vadd.f32 v6, v7;
	v6 =	vtrunc.f32 v25;
	v1 =	vld [tilespmem:s13+$0xB800]  }
0x2eb: {  	v31 =	vcvt.f32.s32 v6;
	v29 =	vcvt.s32.f32 v28;
	v30 =	vadd.s32 $0x1, v28;
	v4 =	vld [tilespmem:s13+$0x3000]  }
0x2ec: {  	v14 =	vadd.f32 v14, v24;
	v24 =	vcvt.s32.f32 v2;
	v33 =	vtrunc.f32 v10;
	v32 =	vld.idx.msk [tilespmem:v2+s29+$0x0], $0xffff  }
0x2ed: {  	v6 =	vcvt.s32.f32 v31;
	v35 =	vadd.s32 $0x1, v31;
	v2 =	vtrunc.f32 v23;
	v34 =	vld.idx.msk [tilespmem:v3+s29+$0x0], $0xffff  }
0x2ee: {  	v13 =	vadd.f32 v16, v13;
	v36 =	vtrunc.f32 v14;
	v37 =	vcvt.f32.s32 v2;
	v3 =	vld [tilespmem:s13+$0xA800]  }
0x2ef: {  	v16 =	vcvt.f32.s32 v26;
	v26 =	vtrunc.f32 v11;
	v25 =	vsub.f32 v25, v6;
	v2 =	vld [tilespmem:s13+$0xB000]  }
0x2f0: {  	v36 =	vcvt.f32.s32 v36;
	v18 =	vsub.f32 v18, v24;
	v24 =	vtrunc.f32 v15;
	v6 =	vld [tilespmem:s13+$0xA000]  }
0x2f1: {  	v38 =	vcvt.f32.s32 v12;
	v39 =	vcvt.s32.f32 v16;
	v40 =	vadd.s32 $0x1, v16;
	v12 =	vld.idx.msk [tilespmem:v28+s9+$0x0], $0xffff  }
0x2f2: {  	v33 =	vcvt.f32.s32 v33;
	v41 =	vadd.s32 $0x1, v36;
	v28 =	vcvt.s32.f32 v36;
	v31 =	vld.idx.msk [tilespmem:v31+s10+$0x0], $0xffff  }
0x2f3: {  	v42 =	vadd.s32 $0x1, v38;
	v24 =	vcvt.f32.s32 v24;
	v34 =	vsub.f32 v34, v32;
	v35 =	vld.idx.msk [tilespmem:v35+s10+$0x0], $0xffff  }
0x2f4: {  	v27 =	vcvt.f32.s32 v27;
	v21 =	vsub.f32 v21, v39;
	v14 =	vsub.f32 v14, v28;
	v28 =	vld.idx.msk [tilespmem:v30+s9+$0x0], $0xffff  }
0x2f5: {  	v39 =	vadd.s32 $0x1, v37;
	v18 =	vmul.f32 v34, v18;
	v34 =	vadd.s32 $0x1, v24;
	v30 =	vld [tilespmem:s13+$0x3800]  }
0x2f6: {  	v44 =	vcvt.s32.f32 v27;
	v45 =	vadd.s32 $0x1, v27;
	v46 =	vcvt.s32.f32 v24;
	v43 =	vld.idx.msk [tilespmem:v37+s28+$0x0], $0xffff  }
0x2f7: {  	v47 =	vcvt.s32.f32 v38;
	v18 =	vadd.f32 v18, v32;
	v32 =	vtrunc.f32 v8;
	v40 =	vld.idx.msk [tilespmem:v40+s22+$0x0], $0xffff  }
0x2f8: {  	v19 =	vsub.f32 v19, v44;
	v15 =	vsub.f32 v15, v46;
	v32 =	vcvt.f32.s32 v32;
	v16 =	vld.idx.msk [tilespmem:v16+s22+$0x0], $0xffff  }
0x2f9: {  	v44 =	vadd.f32 v20, v7;
	v7 =	vadd.s32 $0x1, v33;
	v18 =	vmul.f32 v18, v6;
	v20 =	vld.idx.msk [tilespmem:v24+s12+$0x0], $0xffff  }
0x2fa: {  	v17 =	vsub.f32 v17, v47;
	v46 =	vtrunc.f32 v13;
	v24 =	vadd.s32 $0x1, v32;
	v34 =	vld.idx.msk [tilespmem:v34+s12+$0x0], $0xffff  }
0x2fb: {  	v26 =	vcvt.f32.s32 v26;
	v46 =	vcvt.f32.s32 v46;
	v35 =	vsub.f32 v35, v31;
	v47 =	vld.idx.msk [tilespmem:v33+s5+$0x0], $0xffff  }
0x2fc: {  	v48 =	vtrunc.f32 v9;
	v22 =	vsub.f32 v22, v29;
	v37 =	vcvt.s32.f32 v37;
	v36 =	vld.idx.msk [tilespmem:v36+s26+$0x0], $0xffff  }
0x2fd: {  	v49 =	vcvt.s32.f32 v26;
	v25 =	vmul.f32 v35, v25;
	v29 =	vld.idx.msk [tilespmem:v41+s26+$0x0], $0xffff;
	v41 =	vadd.s32 $0x1, v46  }
0x2fe: {  	v18 =	vadd.f32 v18, v30;
	v35 =	vtrunc.f32 v5;
	v30 =	vsub.f32 v40, v16;
	v40 =	vld.idx.msk [tilespmem:v7+s5+$0x0], $0xffff  }
0x2ff: {  	v23 =	vsub.f32 v23, v37;
	v37 =	vcvt.f32.s32 v48;
	v7 =	vadd.f32 v25, v31;
	v38 =	vld.idx.msk [tilespmem:v38+s25+$0x0], $0xffff  }
0x300: {  	v25 =	vcvt.s32.f32 v32;
	v34 =	vsub.f32 v34, v20;
	v31 =	vld.idx.msk [tilespmem:v32+s6+$0x0], $0xffff;
	v32 =	vtrunc.f32 v44  }
0x301: {  	v50 =	vadd.s32 $0x1, v26;
	v48 =	vadd.s32 $0x1, v37;
	v51 =	vmul.f32 v7, v2;
	v42 =	vld.idx.msk [tilespmem:v42+s25+$0x0], $0xffff  }
0x302: {  	v28 =	vsub.f32 v28, v12;
	v21 =	vmul.f32 v30, v21;
	v15 =	vmul.f32 v34, v15;
	v39 =	vld.idx.msk [tilespmem:v39+s28+$0x0], $0xffff  }
0x303: {  	v25 =	vsub.f32 v8, v25;
	v7 =	vsub.f32 v11, v49;
	v11 =	vcvt.s32.f32 v33;
	v24 =	vld.idx.msk [tilespmem:v24+s6+$0x0], $0xffff  }
0x304: {  	v33 =	vcvt.s32.f32 v46;
	v16 =	vadd.f32 v21, v16;
	v29 =	vsub.f32 v29, v36;
	v30 =	vld [tilespmem:s13+$0x2800]  }
0x305: {  	v21 =	vcvt.s32.f32 v37;
	v15 =	vadd.f32 v15, v20;
	v8 =	vld.idx.msk [tilespmem:v26+s24+$0x0], $0xffff;
	v26 =	vsub.f32 v40, v47  }
0x306: {  	v11 =	vsub.f32 v10, v11;
	v16 =	vmul.f32 v16, v3;
	v14 =	vmul.f32 v29, v14;
	v27 =	vld.idx.msk [tilespmem:v27+s17+$0x0], $0xffff  }
0x307: {  	v20 =	vcvt.f32.s32 v35;
	v29 =	vsub.f32 v13, v33;
	v13 =	vcvt.f32.s32 v32;
	v10 =	vld.idx.msk [tilespmem:v46+s21+$0x0], $0xffff  }
0x308: {  	v9 =	vsub.f32 v9, v21;
	v32 =	vsub.f32 v39, v43;
	v26 =	vmul.f32 v26, v11;
	v21 =	vld.idx.msk [tilespmem:v50+s24+$0x0], $0xffff  }
0x309: {  	v16 =	vadd.f32 v16, v18;
	v18 =	vmul.f32 v28, v22;
	v11 =	vsub.f32 v42, v38;
	v33 =	vld.idx.msk [tilespmem:v45+s17+$0x0], $0xffff  }
0x30a: {  	v28 =	vadd.s32 $0x1, v20;
	v14 =	vadd.f32 v14, v36;
	v22 =	vmul.f32 v32, v23;
	v23 =	vld.idx.msk [tilespmem:v41+s21+$0x0], $0xffff  }
0x30b: {  	v35 =	vcvt.s32.f32 v20;
	v34 =	vadd.f32 v18, v12;
	v17 =	vmul.f32 v17, v11;
	v32 =	vld.idx.msk [tilespmem:v48+s23+$0x0], $0xffff  }
0x30c: {  	v36 =	vadd.f32 v51, v16;
	v12 =	vmul.f32 v14, v6;
	v18 =	vsub.f32 v24, v31;
	v11 =	vld.idx.msk [tilespmem:v37+s23+$0x0], $0xffff  }
0x30d: {  	v39 =	vmul.f32 v15, v1;
	v16 =	vadd.f32 v22, v43;
	v22 =	vadd.s32 $0x1, v13;
	v37 =	vld [tilespmem:s13+$0x2000]  }
0x30e: {  	v15 =	vcvt.s32.f32 v13;
	v14 =	vadd.f32 v12, v30;
	v24 =	vmul.f32 v18, v25;
	v12 =	vld.idx.msk [tilespmem:v20+s16+$0x0], $0xffff  }
0x30f: {  	v17 =	vadd.f32 v17, v38;
	v25 =	vsub.f32 v33, v27;
	v18 =	vld.idx.msk [tilespmem:v28+s16+$0x0], $0xffff  }
.Ltmp8:
0x310: {  	v15 =	vsub.f32 v44, v15;
	v20 =	vmul.f32 v16, v6;
	v28 =	vsub.f32 v23, v10;
	v13 =	vld.idx.msk [tilespmem:v13+s18+$0x0], $0xffff;
	(pc) =	sbr.rel @p0 .LBB2_18-.Ltmp8, $4  }
0x311: {  	v23 =	vadd.f32 v24, v31;
	v24 =	vsub.f32 v21, v8;
	v25 =	vmul.f32 v19, v25  }
0x312: {  	v17 =	vmul.f32 v17, v6;
	v19 =	vsub.f32 v5, v35;
	v21 =	vsub.f32 v32, v11;
	v22 =	vld.idx.msk [tilespmem:v22+s18+$0x0], $0xffff  }
0x313: {  	v6 =	vmul.f32 v34, v2;
	v16 =	vadd.f32 v26, v47;
	v5 =	vadd.f32 v39, v36  }
0x314: {  	v26 =	vmul.f32 v28, v29;
	v17 =	vadd.f32 v17, v37;
	v25 =	vadd.f32 v25, v27  }
0x315: {  	v4 =	vadd.f32 v20, v4  }
0x316: {  	v52 =	vmul.f32 v23, v3;
	v7 =	vmul.f32 v24, v7;
	v18 =	vsub.f32 v18, v12  }
0x317: {  	v9 =	vmul.f32 v9, v21;
	v10 =	vadd.f32 v26, v10;
	v53 =	vmul.f32 v25, v3  }
0x318: {  	v7 =	vadd.f32 v7, v8;
	v54 =	vsub.f32 v22, v13;
	v56 =	vmul.f32 v18, v19  }
0x319: {  	v55 =	vadd.f32 v52, v14;
	v57 =	vadd.f32 v9, v11;
	v3 =	vmul.f32 v10, v3  }
0x31a: {  	v7 =	vmul.f32 v7, v2;
	v8 =	vmul.f32 v15, v54;
	v59 =	vadd.f32 v56, v12  }
0x31b: {  	v60 =	vadd.f32 v53, v17;
	v2 =	vmul.f32 v57, v2;
	v3 =	vadd.f32 v3, v4  }
0x31c: {  	v61 =	vadd.f32 v8, v13;
	v7 =	vadd.f32 v7, v55;
	v62 =	vmul.f32 v59, v1  }
0x31d: {  	v58 =	vmul.f32 v16, v1;
	v3 =	vadd.f32 v6, v3  }
0x31e: {  	v2 =	vadd.f32 v2, v60;
	v1 =	vmul.f32 v61, v1;
	v63 =	vadd.f32 v62, v7  }
0x31f: {  	[tilespmem:s13+$0x3800] =	vst v5;
	v3 =	vadd.f32 v58, v3  }
0x320: {  	v1 =	vadd.f32 v1, v2;
	[tilespmem:s13+$0x2800] =	vst v63  }
0x321: {  	[tilespmem:s13+$0x3000] =	vst v3  }
0x322: {  	s14 =	rddreg [dreg:$0xc];
	s15 =	simm.s32 $0x2000;
	[tilespmem:s13+$0x2000] =	vst v1;
	s13 =	simm.s32 $0x0  }
0x323: {  	[hbm4b:s14+s13] =	stream.linear.scatter [tilespmem:s15], [sflag:$0x7], $0x800, $0x38;
	[tilespmem:$0x1C080] =	vst v63  }
0x324: {  	s15 =	simm.s32 $0x7  }
0x325: {  	_ =	swait.ge [sflag:s15], $0x800  }
0x326: {  	[sflag:s15] =	ssyncset.done $0x0  }
0x327: {  	s25 =	simm.s32 $0x2800;
	s28 =	rddreg [dreg:$0xd];
	[sflag:s15] =	ssyncadd.s32 $0xFFFFF800  }
0x328: {  	[hbm4b:s28+s13] =	stream.linear.scatter [tilespmem:s25], [sflag:$0x7], $0x800, $0x38;
	[tilespmem:$0x1C080] =	vst v63  }
0x329: {  	_ =	swait.ge [sflag:s15], $0x800  }
0x32a: {  	[sflag:s15] =	ssyncset.done $0x0  }
0x32b: {  	s28 =	simm.s32 $0x3000;
	s26 =	rddreg [dreg:$0xe];
	[sflag:s15] =	ssyncadd.s32 $0xFFFFF800  }
0x32c: {  	[hbm4b:s26+s13] =	stream.linear.scatter [tilespmem:s28], [sflag:$0x7], $0x800, $0x38;
	[tilespmem:$0x1C080] =	vst v63  }
0x32d: {  	_ =	swait.ge [sflag:s15], $0x800  }
0x32e: {  	[sflag:s15] =	ssyncset.done $0x0  }
0x32f: {  	s28 =	simm.s32 $0x3800;
	s26 =	rddreg [dreg:$0xf];
	[sflag:s15] =	ssyncadd.s32 $0xFFFFF800  }
0x330: {  	[hbm4b:s26+s13] =	stream.linear.scatter [tilespmem:s28], [sflag:$0x7], $0x800, $0x38;
	[tilespmem:$0x1C080] =	vst v63  }
0x331: {  	_ =	swait.ge [sflag:s15], $0x800  }
0x332: {  	s26 =	sld [smem:$0x7FA];
	_ =	sdelay $0x2  }
0x333: {  	s28 =	rddreg [dreg:$0x1e];
	s25 =	sadd.s32 $0x1, s26  }
0x334: {  	p0 =	sne.s32 s25, s28  }
.Ltmp9:
0x335: {  	_ = 	snop;
	(pc) =	sbr.rel @p0 .LBB2_1-.Ltmp9, $3  }
0x336: {  	_ =	sdelay $0x1  }
0x337: {  	[sflag:s15] =	ssyncset.done $0x0  }
0x338: {  	s30 =	simm.s32 $0x12000;
	[sflag:s15] =	ssyncadd.s32 $0xFFFFF800  }
0x339: {  	_ =	sfence.sel $0x180000  }
0x33a: {  	[bflag:$0x0] =	sbarrier.arrive $0xFFFF  }
0x33b: {  	_ =	strace $0x90000047  }
0x33c: {  	s0 =	stileid.u32;
	[bflag:$0x2] =	sbarrier.arrive $0xFFFF  }
0x33d: {  	p0 =	sne.s32 s0, $0x0;
	s0 =	rddreg [dreg:$0x5]  }
0x33e: {  	s0 =	sadd.s32 @!p0 $0x100000, s0  }
0x33f: {  	[sflag:s0] =	ssyncadd.tile.s32 @!p0 $0x1;
	_ =	shalt  }
.Lfunc_end2:
_tile_overlayer_lowered:
.L_overlay_start_2:
0x340: {  	(tag) =	ssettag $0x2  }
0x341: {  	s0 =	rddreg [dreg:$0x0];
	s2 =	stileid.u32  }
0x342: {  	s1 =	rddreg [dreg:$0x1];
	p0 =	sne.s32 s2, $0x0  }
0x343: {  	s3 =	rddreg [dreg:$0x2];
	[bflag:$0x3] =	sbarrier.arrive $0xFFFF;
	s2 =	simm.s32 @!p0 $0x1C07  }
0x344: {  	[timem:s3], [sflag:s2] =	dma.local @!p0 [hbm:s0], s1  }
0x345: {  	s0 =	simm.s32 @!p0 $0x7  }
0x346: {  	_ =	swait.ge @!p0 [sflag:s0], s1  }
0x347: {  	s1 =	ssub.s32 @!p0 $0x0, s1;
	[sflag:s0] =	ssyncset.done @!p0 $0x0  }
0x348: {  	[sflag:s0] =	ssyncadd.s32 @!p0 s1  }
0x349: {  	[bflag:$0x3] =	sbarrier.arrive $0xFFFF  }
0x34a: {  	_ =	shalt  }

</sc_bundles>
